<compile_context>
chip_gen: v7x
topology: tpu7x:2x2x1
jax: 0.10.2.dev20260603
libtpu: 0.0.44.dev20260713+nightly
codegen_flags: <defaults>
</compile_context>

<pallas_src>
import functools

import jax
import jax.numpy as jnp
from jax import lax
from jax.experimental import pallas as pl
from jax.experimental.pallas import tpu as pltpu
from jax.experimental.pallas import tpu_sc as plsc

NC = 2
NS = 16
L = 16
NQ = 4
DQ = 64
NP = 10240


def _sc_mesh():
    return plsc.VectorSubcoreMesh(core_axis_name="c", subcore_axis_name="s")


def _newton_rsqrt(d):
    i = plsc.bitcast(d, jnp.int32)
    i = 0x5F3759DF - lax.shift_right_logical(i, 1)
    y = plsc.bitcast(i, jnp.float32)
    for _ in range(3):
        y = y * (1.5 - 0.5 * d * y * y)
    return y


@functools.lru_cache(maxsize=None)
def _make_pre_kernel(R, K):
    RT = R // NS
    NT = NP // NS
    PC = 128
    DB = 64
    HR = NP // DQ
    assert HR == 2 * K

    @functools.partial(
        pl.kernel,
        out_type=[
            jax.ShapeDtypeStruct((NQ, NP, DQ), jnp.float32),
            jax.ShapeDtypeStruct((NP, L), jnp.float32),
            jax.ShapeDtypeStruct((R, K), jnp.int32),
        ],
        mesh=_sc_mesh(),
        compiler_params=pltpu.CompilerParams(use_tc_tiling_on_sc=False,
                                             needs_layout_passes=False),
        scratch_types=[
            pltpu.VMEM((RT, K), jnp.int32),
            pltpu.VMEM((RT, K), jnp.int32),
            pltpu.VMEM((HR, DQ), jnp.float32),
            pltpu.VMEM((NT + L,), jnp.float32),
            pltpu.VMEM((DB, L), jnp.float32),
            pltpu.VMEM((PC, 2 * DQ), jnp.float32),
            pltpu.VMEM((PC, DQ), jnp.float32),
            pltpu.VMEM((PC, DQ), jnp.float32),
            pltpu.VMEM((2, K), jnp.int32),
            pltpu.VMEM_SHARED((HR, DQ), jnp.float32),
        ],
    )
    def pre_kernel(x_hbm, h_hbm, src_hbm, dst_hbm,
                   tilde_hbm, dis_hbm, pair_hbm,
                   src_v, dst_v, hist_v, disf_v, disb_v,
                   feat_v, qa_v, qb_v, iota_v, deg_sh):
        c = lax.axis_index("c")
        s = lax.axis_index("s")

        pltpu.sync_copy(src_hbm.at[pl.ds(s * RT, RT)], src_v)
        pltpu.sync_copy(dst_hbm.at[pl.ds(s * RT, RT)], dst_v)

        @pl.loop(0, HR)
        def _(r):
            for m in range(DQ // L):
                hist_v[r, pl.ds(m * L, L)] = jnp.zeros((L,), jnp.float32)

        @pl.loop(0, HR // K)
        def _(j):
            for m in range(K // L):
                iota_v[j, pl.ds(m * L, L)] = (
                    lax.iota(jnp.int32, L) + j * K + m * L)

        hrt = HR // NS

        @pl.loop(0, hrt)
        def _(r):
            for m in range(DQ // L):
                qa_v[r, pl.ds(m * L, L)] = jnp.zeros((L,), jnp.float32)

        pltpu.sync_copy(qa_v.at[pl.ds(0, hrt)],
                        deg_sh.at[pl.ds(s * hrt, hrt)])

        ones = jnp.full((L,), 1.0, jnp.float32)

        @pl.loop(0, RT)
        def _(r):
            for m in range(K // L):
                dst = dst_v[r, pl.ds(m * L, L)]
                row = lax.shift_right_logical(dst, 6)
                col = lax.bitwise_and(dst, 63)
                plsc.addupdate_scatter(hist_v, [row, col], ones)
                src = src_v[r, pl.ds(m * L, L)]
                dst_v[r, pl.ds(m * L, L)] = (
                    lax.shift_left(src, 16) | dst)

        pltpu.sync_copy(dst_v, pair_hbm.at[pl.ds(s * RT, RT)])

        plsc.subcore_barrier()

        for j in range(HR // K):
            pltpu.sync_copy(hist_v.at[pl.ds(j * K, K)],
                            deg_sh.at[iota_v.at[j]], add=True)

        plsc.subcore_barrier()

        pltpu.sync_copy(deg_sh.at[pl.ds(s * hrt, hrt)],
                        hist_v.at[pl.ds(0, hrt)])

        @pl.loop(0, NT // L)
        def _(j):
            r = lax.shift_right_logical(j, 2)
            m = lax.bitwise_and(j, 3)
            d = hist_v[r, pl.ds(m * L, L)] + 1.0
            disf_v[pl.ds(j * L, L)] = _newton_rsqrt(d)

        @pl.loop(0, NT // DB)
        def _(kk):
            @pl.loop(0, DB)
            def _(r):
                v = disf_v[pl.ds(kk * DB + r, L)]
                disb_v[r, :] = jnp.full((L,), 1.0, jnp.float32) * v[0]

            pltpu.sync_copy(disb_v,
                            dis_hbm.at[pl.ds(s * NT + kk * DB, DB)])

        @pl.loop(0, NT // PC)
        def _(kk):
            base = s * NT + kk * PC

            @pl.when(c == 0)
            def _():
                pltpu.sync_copy(x_hbm.at[pl.ds(base, PC)], feat_v)

            @pl.when(c != 0)
            def _():
                pltpu.sync_copy(h_hbm.at[pl.ds(base, PC)], feat_v)

            @pl.loop(0, PC)
            def _(rr):
                dsc = disf_v[pl.ds(kk * PC + rr, L)][0]
                for v in range(DQ // L):
                    qa_v[rr, pl.ds(v * L, L)] = (
                        feat_v[rr, pl.ds(v * L, L)] * dsc)
                    qb_v[rr, pl.ds(v * L, L)] = (
                        feat_v[rr, pl.ds(DQ + v * L, L)] * dsc)

            pltpu.sync_copy(qa_v, tilde_hbm.at[2 * c].at[pl.ds(base, PC)])
            pltpu.sync_copy(qb_v, tilde_hbm.at[2 * c + 1].at[pl.ds(base, PC)])

    return pre_kernel


@functools.lru_cache(maxsize=None)
def _make_main_kernel(R, K):
    RT = R // NS
    NT = NP // NS
    CB = 128
    NB = 5
    NG = (RT // NB) & ~1
    REM = RT - NG * NB
    assert NG >= 4

    @functools.partial(
        pl.kernel,
        out_type=jax.ShapeDtypeStruct((NQ, NP, DQ), jnp.float32),
        mesh=_sc_mesh(),
        compiler_params=pltpu.CompilerParams(use_tc_tiling_on_sc=False,
                                             needs_layout_passes=False),
        scratch_types=[
            pltpu.VMEM((RT, K), jnp.int32),
            pltpu.VMEM((2 * NB, K), jnp.int32),
            pltpu.VMEM((2 * NB, K), jnp.int32),
            pltpu.VMEM((2 * NB, K, DQ), jnp.float32),
            pltpu.VMEM((CB, DQ), jnp.float32),
            pltpu.VMEM_SHARED((NP, DQ), jnp.float32),
            pltpu.SemaphoreType.DMA,
            pltpu.SemaphoreType.DMA,
            pltpu.SemaphoreType.DMA,
            pltpu.SemaphoreType.DMA,
        ],
    )
    def main_kernel(tilde_hbm, pair_hbm, yt_hbm,
                    pair_v, srcs_v, dsts_v, rows_v, bounce_v, acc_sh,
                    gsem0, gsem1, ssem0, ssem1):
        c = lax.axis_index("c")
        s = lax.axis_index("s")
        gsems = (gsem0, gsem1)
        ssems = (ssem0, ssem1)

        pltpu.sync_copy(pair_hbm.at[pl.ds(s * RT, RT)], pair_v)

        def unpack(j, slot):
            for m in range(K // L):
                pair = pair_v[j, pl.ds(m * L, L)]
                srcs_v[slot, pl.ds(m * L, L)] = (
                    lax.shift_right_logical(pair, 16))
                dsts_v[slot, pl.ds(m * L, L)] = (
                    lax.bitwise_and(pair, 0xFFFF))

        @pl.loop(0, NQ // NC)
        def _(qq):
            q = c * (NQ // NC) + qq

            pltpu.sync_copy(tilde_hbm.at[q].at[pl.ds(s * NT, NT)],
                            acc_sh.at[pl.ds(s * NT, NT)])

            plsc.subcore_barrier()

            def fire_gathers(g, half):
                for b in range(NB):
                    slot = half * NB + b
                    unpack(g * NB + b, slot)
                    pltpu.async_copy(tilde_hbm.at[q].at[srcs_v.at[slot]],
                                     rows_v.at[slot], gsems[half])

            def wait_gathers(g, half):
                for b in range(NB):
                    slot = half * NB + b
                    pltpu.make_async_copy(
                        tilde_hbm.at[q].at[srcs_v.at[slot]],
                        rows_v.at[slot], gsems[half]).wait()

            def fire_scatters(g, half):
                for b in range(NB):
                    slot = half * NB + b
                    pltpu.async_copy(rows_v.at[slot],
                                     acc_sh.at[dsts_v.at[slot]],
                                     ssems[half], add=True)

            def wait_scatters(g, half):
                for b in range(NB):
                    slot = half * NB + b
                    pltpu.make_async_copy(
                        rows_v.at[slot],
                        acc_sh.at[dsts_v.at[slot]], ssems[half]).wait()

            def step(g, half, prefetch):
                wait_gathers(g, half)
                fire_scatters(g, half)
                if prefetch is not None:
                    fire_gathers(prefetch, 1 - half)
                wait_scatters(g, half)

            for r in range(REM):
                jr = NG * NB + r
                unpack(jr, 0)
                pltpu.sync_copy(tilde_hbm.at[q].at[srcs_v.at[0]],
                                rows_v.at[0])
                pltpu.sync_copy(rows_v.at[0], acc_sh.at[dsts_v.at[0]],
                                add=True)

            fire_gathers(0, 0)

            @pl.loop(0, NG // 2 - 1)
            def _(gp):
                g0 = gp * 2
                step(g0, 0, g0 + 1)
                step(g0 + 1, 1, g0 + 2)

            step(NG - 2, 0, NG - 1)
            step(NG - 1, 1, None)

            plsc.subcore_barrier()

            pltpu.sync_copy(acc_sh.at[pl.ds(s * NT, NT)],
                            yt_hbm.at[q].at[pl.ds(s * NT, NT)])

    return main_kernel


def _tc_final(yt, dis, c_cur, W, b2):
    N, DH = c_cur.shape
    DC, G = W.shape
    BM = 1000

    def body(yt_ref, dis_ref, c_ref, w_ref, b_ref, h_ref, cn_ref):
        dis_col = dis_ref[:, 0:1]
        y = jnp.concatenate(
            [yt_ref[0], yt_ref[1], yt_ref[2], yt_ref[3]], axis=1)
        z = jnp.dot(y, w_ref[...], preferred_element_type=jnp.float32)
        pre = z * dis_col + b_ref[...]
        f = jax.nn.sigmoid(pre[:, 0:DH])
        i = jax.nn.sigmoid(pre[:, DH:2 * DH])
        o = jax.nn.sigmoid(pre[:, 2 * DH:3 * DH])
        g = jnp.tanh(pre[:, 3 * DH:4 * DH])
        cn = f * c_ref[...] + i * g
        h_ref[...] = o * jnp.tanh(cn)
        cn_ref[...] = cn

    return pl.pallas_call(
        body,
        grid=(N // BM,),
        in_specs=[
            pl.BlockSpec((NQ, BM, DQ), lambda i: (0, i, 0)),
            pl.BlockSpec((BM, L), lambda i: (i, 0)),
            pl.BlockSpec((BM, DH), lambda i: (i, 0)),
            pl.BlockSpec((DC, G), lambda i: (0, 0)),
            pl.BlockSpec((1, G), lambda i: (0, 0)),
        ],
        out_specs=[
            pl.BlockSpec((BM, DH), lambda i: (i, 0)),
            pl.BlockSpec((BM, DH), lambda i: (i, 0)),
        ],
        out_shape=[
            jax.ShapeDtypeStruct((N, DH), jnp.float32),
            jax.ShapeDtypeStruct((N, DH), jnp.float32),
        ],
    )(yt, dis, c_cur, W, b2)


def kernel(x, edge_index, h_cur, c_cur, W, b):
    N, DI = x.shape
    E = edge_index.shape[1]
    K = 80
    R = E // K

    src = edge_index[0].reshape(R, K)
    dst = edge_index[1].reshape(R, K)
    xp = jnp.pad(x, ((0, NP - N), (0, 0)))
    hp = jnp.pad(h_cur, ((0, NP - N), (0, 0)))

    tilde, dis, pair = _make_pre_kernel(R, K)(xp, hp, src, dst)
    yt = _make_main_kernel(R, K)(tilde, pair)
    h_next, c_next = _tc_final(yt, dis, c_cur, W, b.reshape(1, -1))
    return (h_next, c_next)

# --- scband reference (transcript-rebuilt; emitter-appended) ---
"""Pipeline reference for scband-gconv-lstmcell-56349970923723 (READ-ONLY COPY).

The authoritative reference and input builder live on the scoring server;
editing this copy changes nothing except your own understanding.
"""

import jax, jax.numpy as jnp
import numpy as np

N = 10000
E = 320000
D_IN = 128
D_H = 128


def setup_inputs(seed: int = 0) -> dict:
    key = jax.random.key(seed)
    k1, k2, k3, k4, k5 = jax.random.split(key, 5)
    x = jax.random.normal(k1, (N, D_IN), dtype=jnp.float32)
    edge_index = jax.random.randint(k2, (2, E), 0, N, dtype=jnp.int32)
    h_cur = jax.random.normal(k3, (N, D_H), dtype=jnp.float32)
    c_cur = jax.random.normal(k4, (N, D_H), dtype=jnp.float32)
    W = jax.random.normal(k5, (D_IN + D_H, 4 * D_H), dtype=jnp.float32) * 0.05
    b = jnp.zeros((4 * D_H,), dtype=jnp.float32)
    return {"x": x, "edge_index": edge_index, "h_cur": h_cur, "c_cur": c_cur, "W": W, "b": b}


def _gcn_conv(feat, edge_index, W, b):
    # PyG-style GCNConv: linear transform, add self-loops, symmetric normalization, scatter-add
    n = feat.shape[0]
    src = edge_index[0]
    dst = edge_index[1]
    loop = jnp.arange(n, dtype=src.dtype)
    src = jnp.concatenate([src, loop])
    dst = jnp.concatenate([dst, loop])
    w = jnp.ones(src.shape[0], dtype=feat.dtype)
    deg = jax.ops.segment_sum(w, dst, num_segments=n)
    deg_inv_sqrt = jnp.where(deg > 0, 1.0 / jnp.sqrt(deg), 0.0)
    norm = deg_inv_sqrt[src] * w * deg_inv_sqrt[dst]
    xw = feat @ W
    msgs = xw[src] * norm[:, None]
    out = jax.ops.segment_sum(msgs, dst, num_segments=n) + b
    return out


def reference(x, edge_index, h_cur, c_cur, W, b):
    combined = jnp.concatenate([x, h_cur], axis=1)
    combined_conv = _gcn_conv(combined, edge_index, W, b)
    cc_f, cc_i, cc_o, cc_g = jnp.split(combined_conv, 4, axis=1)
    f = jax.nn.sigmoid(cc_f)
    i = jax.nn.sigmoid(cc_i)
    o = jax.nn.sigmoid(cc_o)
    g = jnp.tanh(cc_g)
    c_next = f * c_cur + i * g
    h_next = o * jnp.tanh(c_next)
    return (h_next, c_next)

if __name__ == "__main__":
    import jax
    _d = setup_inputs()
    print(jax.jit(kernel)(*tuple(_d.values())))

</pallas_src>

<mosaic_0001>
#map = affine_map<(d0, d1) -> (0, 0, 0)>
#map1 = affine_map<(d0, d1) -> (0, 0)>
module attributes {stable_mosaic.version = 14 : i64} {
  func.func @main_kernel(%arg0: i32, %arg1: i32, %arg2: memref<4x10240x64xf32, #tpu.memory_space<hbm>>, %arg3: memref<4000x80xi32, #tpu.memory_space<hbm>>, %arg4: memref<4x10240x64xf32, #tpu.memory_space<hbm>>, %arg5: memref<250x80xi32, #tpu.memory_space<vmem>>, %arg6: memref<10x80xi32, #tpu.memory_space<vmem>>, %arg7: memref<10x80xi32, #tpu.memory_space<vmem>>, %arg8: memref<10x80x64xf32, #tpu.memory_space<vmem>>, %arg9: memref<128x64xf32, #tpu.memory_space<vmem>>, %arg10: memref<10240x64xf32, #tpu.memory_space<vmem_shared>>, %arg11: memref<!tpu.dma_semaphore, #tpu.memory_space<semaphore_mem>>, %arg12: memref<!tpu.dma_semaphore, #tpu.memory_space<semaphore_mem>>, %arg13: memref<!tpu.dma_semaphore, #tpu.memory_space<semaphore_mem>>, %arg14: memref<!tpu.dma_semaphore, #tpu.memory_space<semaphore_mem>>) attributes {dimension_semantics = [#tpu.dimension_semantics<core_parallel>, #tpu.dimension_semantics<subcore_parallel>], iteration_bounds = array<i64: 2, 16>, scalar_prefetch = 0 : i64, scratch_operands = 10 : i64, tpu.core_type = #tpu.core_type<sc_vector_subcore>, window_params = [{transform_indices = #map}, {transform_indices = #map1}, {transform_indices = #map}]} {
    %mul3A = arith.constant 250 : i32
    %mul3A_0 = arith.muli %arg1, %mul3A : i32
    "tpu.region"() ({
      %run_scoped3A = tpu.sem_alloc : memref<!tpu.dma_semaphore, #tpu.memory_space<semaphore_mem>>
      %dma_start3A = arith.constant 0 : i32
      %dma_start3A_5 = tpu.memref_slice %arg3[%mul3A_0, %dma_start3A] : memref<4000x80xi32, #tpu.memory_space<hbm>> -> memref<250x80xi32, #tpu.memory_space<hbm>>
      %dma_start3A_6 = arith.constant 0 : i32
      %dma_start3A_7 = tpu.memref_slice %arg3[%mul3A_0, %dma_start3A_6] : memref<4000x80xi32, #tpu.memory_space<hbm>> -> memref<250x80xi32, #tpu.memory_space<hbm>>
      tpu.enqueue_dma source(%dma_start3A_7 : memref<250x80xi32, #tpu.memory_space<hbm>>) target(%arg5 : memref<250x80xi32, #tpu.memory_space<vmem>>) target_semaphore(%run_scoped3A : memref<!tpu.dma_semaphore, #tpu.memory_space<semaphore_mem>>)
      %dma_wait3A = arith.constant 0 : i32
      %dma_wait3A_8 = tpu.memref_slice %arg3[%mul3A_0, %dma_wait3A] : memref<4000x80xi32, #tpu.memory_space<hbm>> -> memref<250x80xi32, #tpu.memory_space<hbm>>
      %dma_wait3A_9 = arith.constant 0 : i32
      %dma_wait3A_10 = tpu.memref_slice %arg3[%mul3A_0, %dma_wait3A_9] : memref<4000x80xi32, #tpu.memory_space<hbm>> -> memref<250x80xi32, #tpu.memory_space<hbm>>
      tpu.wait_dma2 semaphore(%run_scoped3A : memref<!tpu.dma_semaphore, #tpu.memory_space<semaphore_mem>>) src(%dma_wait3A_10 : memref<250x80xi32, #tpu.memory_space<hbm>>) dst(%arg5 : memref<250x80xi32, #tpu.memory_space<vmem>>)
      tpu.yield
    }) : () -> ()
    %scan3A = arith.constant 0 : i32
    %scan3A_1 = arith.constant 2 : i32
    %scan3A_2 = arith.addi %scan3A, %scan3A_1 : i32
    %scan3A_3 = arith.constant 1 : i32
    scf.for %scan3A_5 = %scan3A to %scan3A_2 step %scan3A_3  : i32 {
      %mul3A_6 = arith.constant 1 : i32
      %mul3A_7 = arith.muli %scan3A_5, %mul3A_6 : i32
      %add3A = arith.constant 0 : i32
      %add3A_8 = arith.addi %add3A, %mul3A_7 : i32
      %mul3A_9 = arith.constant 2 : i32
      %mul3A_10 = arith.muli %arg0, %mul3A_9 : i32
      %add3A_11 = arith.addi %mul3A_10, %add3A_8 : i32
      %mul3A_12 = arith.constant 640 : i32
      %mul3A_13 = arith.muli %arg1, %mul3A_12 : i32
      %mul3A_14 = arith.constant 640 : i32
      %mul3A_15 = arith.muli %arg1, %mul3A_14 : i32
      "tpu.region"() ({
        %run_scoped3A = tpu.sem_alloc : memref<!tpu.dma_semaphore, #tpu.memory_space<semaphore_mem>>
        %dma_start3A_1480 = arith.constant 0 : i32
        %dma_start3A_1481 = tpu.memref_slice %arg10[%mul3A_15, %dma_start3A_1480] : memref<10240x64xf32, #tpu.memory_space<vmem_shared>> -> memref<640x64xf32, #tpu.memory_space<vmem_shared>>
        %dma_start3A_1482 = arith.constant 0 : i32
        %dma_start3A_1483 = arith.constant 0 : i32
        %dma_start3A_1484 = tpu.memref_slice %arg2[%add3A_11, %dma_start3A_1482, %dma_start3A_1483] : memref<4x10240x64xf32, #tpu.memory_space<hbm>> -> memref<1x10240x64xf32, #tpu.memory_space<hbm>>
        %dma_start3A_1485 = tpu.memref_squeeze %dma_start3A_1484 : memref<1x10240x64xf32, #tpu.memory_space<hbm>> -> memref<10240x64xf32, #tpu.memory_space<hbm>>
        %dma_start3A_1486 = arith.constant 0 : i32
        %dma_start3A_1487 = tpu.memref_slice %dma_start3A_1485[%mul3A_13, %dma_start3A_1486] : memref<10240x64xf32, #tpu.memory_space<hbm>> -> memref<640x64xf32, #tpu.memory_space<hbm>>
        tpu.enqueue_dma source(%dma_start3A_1487 : memref<640x64xf32, #tpu.memory_space<hbm>>) target(%dma_start3A_1481 : memref<640x64xf32, #tpu.memory_space<vmem_shared>>) target_semaphore(%run_scoped3A : memref<!tpu.dma_semaphore, #tpu.memory_space<semaphore_mem>>)
        %dma_wait3A_1488 = arith.constant 0 : i32
        %dma_wait3A_1489 = tpu.memref_slice %arg10[%mul3A_15, %dma_wait3A_1488] : memref<10240x64xf32, #tpu.memory_space<vmem_shared>> -> memref<640x64xf32, #tpu.memory_space<vmem_shared>>
        %dma_wait3A_1490 = arith.constant 0 : i32
        %dma_wait3A_1491 = arith.constant 0 : i32
        %dma_wait3A_1492 = tpu.memref_slice %arg2[%add3A_11, %dma_wait3A_1490, %dma_wait3A_1491] : memref<4x10240x64xf32, #tpu.memory_space<hbm>> -> memref<1x10240x64xf32, #tpu.memory_space<hbm>>
        %dma_wait3A_1493 = tpu.memref_squeeze %dma_wait3A_1492 : memref<1x10240x64xf32, #tpu.memory_space<hbm>> -> memref<10240x64xf32, #tpu.memory_space<hbm>>
        %dma_wait3A_1494 = arith.constant 0 : i32
        %dma_wait3A_1495 = tpu.memref_slice %dma_wait3A_1493[%mul3A_13, %dma_wait3A_1494] : memref<10240x64xf32, #tpu.memory_space<hbm>> -> memref<640x64xf32, #tpu.memory_space<hbm>>
        tpu.wait_dma2 semaphore(%run_scoped3A : memref<!tpu.dma_semaphore, #tpu.memory_space<semaphore_mem>>) src(%dma_wait3A_1495 : memref<640x64xf32, #tpu.memory_space<hbm>>) dst(%dma_wait3A_1489 : memref<640x64xf32, #tpu.memory_space<vmem_shared>>)
        tpu.yield
      }) : () -> ()
      %barrier3A = arith.constant 0 : index
      tpu.barrier barrier_id(%barrier3A)
      %get3A = arith.constant 0 : i32
      %get3A_16 = arith.index_cast %get3A : i32 to index
      %get3A_17 = arith.constant 0 : index
      %get3A_18 = tpu.vector_load %arg5[%get3A_16, %get3A_17] {strides = array<i32>} : memref<250x80xi32, #tpu.memory_space<vmem>>, vector<16xi32>,
      %shift_right_logical3A = arith.constant 16 : i32
      %shift_right_logical3A_19 = vector.broadcast %shift_right_logical3A : i32 to vector<16xi32>
      %shift_right_logical3A_20 = arith.shrui %get3A_18, %shift_right_logical3A_19 : vector<16xi32>
      %swap3A = arith.constant 0 : i32
      %swap3A_21 = arith.index_cast %swap3A : i32 to index
      %swap3A_22 = arith.constant 0 : index
      %swap3A_23 = tpu.vector_load %arg6[%swap3A_21, %swap3A_22] {strides = array<i32>} : memref<10x80xi32, #tpu.memory_space<vmem>>, vector<16xi32>,
      tpu.vector_store %arg6[%swap3A_21, %swap3A_22], %shift_right_logical3A_20 {strides = array<i32>} : memref<10x80xi32, #tpu.memory_space<vmem>>, vector<16xi32>,
      %and3A = arith.constant 65535 : i32
      %and3A_24 = vector.broadcast %and3A : i32 to vector<16xi32>
      %and3A_25 = arith.andi %get3A_18, %and3A_24 : vector<16xi32>
      %swap3A_26 = arith.constant 0 : i32
      %swap3A_27 = arith.index_cast %swap3A_26 : i32 to index
      %swap3A_28 = arith.constant 0 : index
      %swap3A_29 = tpu.vector_load %arg7[%swap3A_27, %swap3A_28] {strides = array<i32>} : memref<10x80xi32, #tpu.memory_space<vmem>>, vector<16xi32>,
      tpu.vector_store %arg7[%swap3A_27, %swap3A_28], %and3A_25 {strides = array<i32>} : memref<10x80xi32, #tpu.memory_space<vmem>>, vector<16xi32>,
      %get3A_30 = arith.constant 0 : i32
      %get3A_31 = arith.index_cast %get3A_30 : i32 to index
      %get3A_32 = arith.constant 16 : index
      %get3A_33 = tpu.vector_load %arg5[%get3A_31, %get3A_32] {strides = array<i32>} : memref<250x80xi32, #tpu.memory_space<vmem>>, vector<16xi32>,
      %shift_right_logical3A_34 = arith.constant 16 : i32
      %shift_right_logical3A_35 = vector.broadcast %shift_right_logical3A_34 : i32 to vector<16xi32>
      %shift_right_logical3A_36 = arith.shrui %get3A_33, %shift_right_logical3A_35 : vector<16xi32>
      %swap3A_37 = arith.constant 0 : i32
      %swap3A_38 = arith.index_cast %swap3A_37 : i32 to index
      %swap3A_39 = arith.constant 16 : index
      %swap3A_40 = tpu.vector_load %arg6[%swap3A_38, %swap3A_39] {strides = array<i32>} : memref<10x80xi32, #tpu.memory_space<vmem>>, vector<16xi32>,
      tpu.vector_store %arg6[%swap3A_38, %swap3A_39], %shift_right_logical3A_36 {strides = array<i32>} : memref<10x80xi32, #tpu.memory_space<vmem>>, vector<16xi32>,
      %and3A_41 = arith.constant 65535 : i32
      %and3A_42 = vector.broadcast %and3A_41 : i32 to vector<16xi32>
      %and3A_43 = arith.andi %get3A_33, %and3A_42 : vector<16xi32>
      %swap3A_44 = arith.constant 0 : i32
      %swap3A_45 = arith.index_cast %swap3A_44 : i32 to index
      %swap3A_46 = arith.constant 16 : index
      %swap3A_47 = tpu.vector_load %arg7[%swap3A_45, %swap3A_46] {strides = array<i32>} : memref<10x80xi32, #tpu.memory_space<vmem>>, vector<16xi32>,
      tpu.vector_store %arg7[%swap3A_45, %swap3A_46], %and3A_43 {strides = array<i32>} : memref<10x80xi32, #tpu.memory_space<vmem>>, vector<16xi32>,
      %get3A_48 = arith.constant 0 : i32
      %get3A_49 = arith.index_cast %get3A_48 : i32 to index
      %get3A_50 = arith.constant 32 : index
      %get3A_51 = tpu.vector_load %arg5[%get3A_49, %get3A_50] {strides = array<i32>} : memref<250x80xi32, #tpu.memory_space<vmem>>, vector<16xi32>,
      %shift_right_logical3A_52 = arith.constant 16 : i32
      %shift_right_logical3A_53 = vector.broadcast %shift_right_logical3A_52 : i32 to vector<16xi32>
      %shift_right_logical3A_54 = arith.shrui %get3A_51, %shift_right_logical3A_53 : vector<16xi32>
      %swap3A_55 = arith.constant 0 : i32
      %swap3A_56 = arith.index_cast %swap3A_55 : i32 to index
      %swap3A_57 = arith.constant 32 : index
      %swap3A_58 = tpu.vector_load %arg6[%swap3A_56, %swap3A_57] {strides = array<i32>} : memref<10x80xi32, #tpu.memory_space<vmem>>, vector<16xi32>,
      tpu.vector_store %arg6[%swap3A_56, %swap3A_57], %shift_right_logical3A_54 {strides = array<i32>} : memref<10x80xi32, #tpu.memory_space<vmem>>, vector<16xi32>,
      %and3A_59 = arith.constant 65535 : i32
      %and3A_60 = vector.broadcast %and3A_59 : i32 to vector<16xi32>
      %and3A_61 = arith.andi %get3A_51, %and3A_60 : vector<16xi32>
      %swap3A_62 = arith.constant 0 : i32
      %swap3A_63 = arith.index_cast %swap3A_62 : i32 to index
      %swap3A_64 = arith.constant 32 : index
      %swap3A_65 = tpu.vector_load %arg7[%swap3A_63, %swap3A_64] {strides = array<i32>} : memref<10x80xi32, #tpu.memory_space<vmem>>, vector<16xi32>,
      tpu.vector_store %arg7[%swap3A_63, %swap3A_64], %and3A_61 {strides = array<i32>} : memref<10x80xi32, #tpu.memory_space<vmem>>, vector<16xi32>,
      %get3A_66 = arith.constant 0 : i32
      %get3A_67 = arith.index_cast %get3A_66 : i32 to index
      %get3A_68 = arith.constant 48 : index
      %get3A_69 = tpu.vector_load %arg5[%get3A_67, %get3A_68] {strides = array<i32>} : memref<250x80xi32, #tpu.memory_space<vmem>>, vector<16xi32>,
      %shift_right_logical3A_70 = arith.constant 16 : i32
      %shift_right_logical3A_71 = vector.broadcast %shift_right_logical3A_70 : i32 to vector<16xi32>
      %shift_right_logical3A_72 = arith.shrui %get3A_69, %shift_right_logical3A_71 : vector<16xi32>
      %swap3A_73 = arith.constant 0 : i32
      %swap3A_74 = arith.index_cast %swap3A_73 : i32 to index
      %swap3A_75 = arith.constant 48 : index
      %swap3A_76 = tpu.vector_load %arg6[%swap3A_74, %swap3A_75] {strides = array<i32>} : memref<10x80xi32, #tpu.memory_space<vmem>>, vector<16xi32>,
      tpu.vector_store %arg6[%swap3A_74, %swap3A_75], %shift_right_logical3A_72 {strides = array<i32>} : memref<10x80xi32, #tpu.memory_space<vmem>>, vector<16xi32>,
      %and3A_77 = arith.constant 65535 : i32
      %and3A_78 = vector.broadcast %and3A_77 : i32 to vector<16xi32>
      %and3A_79 = arith.andi %get3A_69, %and3A_78 : vector<16xi32>
      %swap3A_80 = arith.constant 0 : i32
      %swap3A_81 = arith.index_cast %swap3A_80 : i32 to index
      %swap3A_82 = arith.constant 48 : index
      %swap3A_83 = tpu.vector_load %arg7[%swap3A_81, %swap3A_82] {strides = array<i32>} : memref<10x80xi32, #tpu.memory_space<vmem>>, vector<16xi32>,
      tpu.vector_store %arg7[%swap3A_81, %swap3A_82], %and3A_79 {strides = array<i32>} : memref<10x80xi32, #tpu.memory_space<vmem>>, vector<16xi32>,
      %get3A_84 = arith.constant 0 : i32
      %get3A_85 = arith.index_cast %get3A_84 : i32 to index
      %get3A_86 = arith.constant 64 : index
      %get3A_87 = tpu.vector_load %arg5[%get3A_85, %get3A_86] {strides = array<i32>} : memref<250x80xi32, #tpu.memory_space<vmem>>, vector<16xi32>,
      %shift_right_logical3A_88 = arith.constant 16 : i32
      %shift_right_logical3A_89 = vector.broadcast %shift_right_logical3A_88 : i32 to vector<16xi32>
      %shift_right_logical3A_90 = arith.shrui %get3A_87, %shift_right_logical3A_89 : vector<16xi32>
      %swap3A_91 = arith.constant 0 : i32
      %swap3A_92 = arith.index_cast %swap3A_91 : i32 to index
      %swap3A_93 = arith.constant 64 : index
      %swap3A_94 = tpu.vector_load %arg6[%swap3A_92, %swap3A_93] {strides = array<i32>} : memref<10x80xi32, #tpu.memory_space<vmem>>, vector<16xi32>,
      tpu.vector_store %arg6[%swap3A_92, %swap3A_93], %shift_right_logical3A_90 {strides = array<i32>} : memref<10x80xi32, #tpu.memory_space<vmem>>, vector<16xi32>,
      %and3A_95 = arith.constant 65535 : i32
      %and3A_96 = vector.broadcast %and3A_95 : i32 to vector<16xi32>
      %and3A_97 = arith.andi %get3A_87, %and3A_96 : vector<16xi32>
      %swap3A_98 = arith.constant 0 : i32
      %swap3A_99 = arith.index_cast %swap3A_98 : i32 to index
      %swap3A_100 = arith.constant 64 : index
      %swap3A_101 = tpu.vector_load %arg7[%swap3A_99, %swap3A_100] {strides = array<i32>} : memref<10x80xi32, #tpu.memory_space<vmem>>, vector<16xi32>,
      tpu.vector_store %arg7[%swap3A_99, %swap3A_100], %and3A_97 {strides = array<i32>} : memref<10x80xi32, #tpu.memory_space<vmem>>, vector<16xi32>,
      %dma_start3A = arith.constant 0 : i32
      %dma_start3A_102 = arith.constant 0 : i32
      %dma_start3A_103 = arith.constant 0 : i32
      %dma_start3A_104 = arith.constant 0 : i32
      %dma_start3A_105 = tpu.memref_slice %arg8[%dma_start3A_102, %dma_start3A_103, %dma_start3A_104] : memref<10x80x64xf32, #tpu.memory_space<vmem>> -> memref<1x80x64xf32, #tpu.memory_space<vmem>>
      %dma_start3A_106 = tpu.memref_squeeze %dma_start3A_105 : memref<1x80x64xf32, #tpu.memory_space<vmem>> -> memref<80x64xf32, #tpu.memory_space<vmem>>
      %dma_start3A_107 = arith.constant 0 : i32
      %dma_start3A_108 = tpu.memref_slice %arg6[%dma_start3A, %dma_start3A_107] : memref<10x80xi32, #tpu.memory_space<vmem>> -> memref<1x80xi32, #tpu.memory_space<vmem>>
      %dma_start3A_109 = tpu.memref_squeeze %dma_start3A_108 : memref<1x80xi32, #tpu.memory_space<vmem>> -> memref<80xi32, #tpu.memory_space<vmem>>
      %dma_start3A_110 = arith.constant 0 : i32
      %dma_start3A_111 = arith.constant 0 : i32
      %dma_start3A_112 = tpu.memref_slice %arg2[%add3A_11, %dma_start3A_110, %dma_start3A_111] : memref<4x10240x64xf32, #tpu.memory_space<hbm>> -> memref<1x10240x64xf32, #tpu.memory_space<hbm>>
      %dma_start3A_113 = tpu.memref_squeeze %dma_start3A_112 : memref<1x10240x64xf32, #tpu.memory_space<hbm>> -> memref<10240x64xf32, #tpu.memory_space<hbm>>
      %dma_start3A_114 = arith.constant 0 : i32
      %dma_start3A_115 = arith.constant 0 : i32
      %dma_start3A_116 = tpu.memref_slice %dma_start3A_113[%dma_start3A_114, %dma_start3A_115] : memref<10240x64xf32, #tpu.memory_space<hbm>> -> memref<10240x64xf32, #tpu.memory_space<hbm>>
      tpu.enqueue_indirect_dma source(%dma_start3A_116 : memref<10240x64xf32, #tpu.memory_space<hbm>>) target(%dma_start3A_106 : memref<80x64xf32, #tpu.memory_space<vmem>>) offsets(%dma_start3A_109 : memref<80xi32, #tpu.memory_space<vmem>>) semaphore(%arg11 : memref<!tpu.dma_semaphore, #tpu.memory_space<semaphore_mem>>)
      %get3A_117 = arith.constant 1 : i32
      %get3A_118 = arith.index_cast %get3A_117 : i32 to index
      %get3A_119 = arith.constant 0 : index
      %get3A_120 = tpu.vector_load %arg5[%get3A_118, %get3A_119] {strides = array<i32>} : memref<250x80xi32, #tpu.memory_space<vmem>>, vector<16xi32>,
      %shift_right_logical3A_121 = arith.constant 16 : i32
      %shift_right_logical3A_122 = vector.broadcast %shift_right_logical3A_121 : i32 to vector<16xi32>
      %shift_right_logical3A_123 = arith.shrui %get3A_120, %shift_right_logical3A_122 : vector<16xi32>
      %swap3A_124 = arith.constant 1 : i32
      %swap3A_125 = arith.index_cast %swap3A_124 : i32 to index
      %swap3A_126 = arith.constant 0 : index
      %swap3A_127 = tpu.vector_load %arg6[%swap3A_125, %swap3A_126] {strides = array<i32>} : memref<10x80xi32, #tpu.memory_space<vmem>>, vector<16xi32>,
      tpu.vector_store %arg6[%swap3A_125, %swap3A_126], %shift_right_logical3A_123 {strides = array<i32>} : memref<10x80xi32, #tpu.memory_space<vmem>>, vector<16xi32>,
      %and3A_128 = arith.constant 65535 : i32
      %and3A_129 = vector.broadcast %and3A_128 : i32 to vector<16xi32>
      %and3A_130 = arith.andi %get3A_120, %and3A_129 : vector<16xi32>
      %swap3A_131 = arith.constant 1 : i32
      %swap3A_132 = arith.index_cast %swap3A_131 : i32 to index
      %swap3A_133 = arith.constant 0 : index
      %swap3A_134 = tpu.vector_load %arg7[%swap3A_132, %swap3A_133] {strides = array<i32>} : memref<10x80xi32, #tpu.memory_space<vmem>>, vector<16xi32>,
      tpu.vector_store %arg7[%swap3A_132, %swap3A_133], %and3A_130 {strides = array<i32>} : memref<10x80xi32, #tpu.memory_space<vmem>>, vector<16xi32>,
      %get3A_135 = arith.constant 1 : i32
      %get3A_136 = arith.index_cast %get3A_135 : i32 to index
      %get3A_137 = arith.constant 16 : index
      %get3A_138 = tpu.vector_load %arg5[%get3A_136, %get3A_137] {strides = array<i32>} : memref<250x80xi32, #tpu.memory_space<vmem>>, vector<16xi32>,
      %shift_right_logical3A_139 = arith.constant 16 : i32
      %shift_right_logical3A_140 = vector.broadcast %shift_right_logical3A_139 : i32 to vector<16xi32>
      %shift_right_logical3A_141 = arith.shrui %get3A_138, %shift_right_logical3A_140 : vector<16xi32>
      %swap3A_142 = arith.constant 1 : i32
      %swap3A_143 = arith.index_cast %swap3A_142 : i32 to index
      %swap3A_144 = arith.constant 16 : index
      %swap3A_145 = tpu.vector_load %arg6[%swap3A_143, %swap3A_144] {strides = array<i32>} : memref<10x80xi32, #tpu.memory_space<vmem>>, vector<16xi32>,
      tpu.vector_store %arg6[%swap3A_143, %swap3A_144], %shift_right_logical3A_141 {strides = array<i32>} : memref<10x80xi32, #tpu.memory_space<vmem>>, vector<16xi32>,
      %and3A_146 = arith.constant 65535 : i32
      %and3A_147 = vector.broadcast %and3A_146 : i32 to vector<16xi32>
      %and3A_148 = arith.andi %get3A_138, %and3A_147 : vector<16xi32>
      %swap3A_149 = arith.constant 1 : i32
      %swap3A_150 = arith.index_cast %swap3A_149 : i32 to index
      %swap3A_151 = arith.constant 16 : index
      %swap3A_152 = tpu.vector_load %arg7[%swap3A_150, %swap3A_151] {strides = array<i32>} : memref<10x80xi32, #tpu.memory_space<vmem>>, vector<16xi32>,
      tpu.vector_store %arg7[%swap3A_150, %swap3A_151], %and3A_148 {strides = array<i32>} : memref<10x80xi32, #tpu.memory_space<vmem>>, vector<16xi32>,
      %get3A_153 = arith.constant 1 : i32
      %get3A_154 = arith.index_cast %get3A_153 : i32 to index
      %get3A_155 = arith.constant 32 : index
      %get3A_156 = tpu.vector_load %arg5[%get3A_154, %get3A_155] {strides = array<i32>} : memref<250x80xi32, #tpu.memory_space<vmem>>, vector<16xi32>,
      %shift_right_logical3A_157 = arith.constant 16 : i32
      %shift_right_logical3A_158 = vector.broadcast %shift_right_logical3A_157 : i32 to vector<16xi32>
      %shift_right_logical3A_159 = arith.shrui %get3A_156, %shift_right_logical3A_158 : vector<16xi32>
      %swap3A_160 = arith.constant 1 : i32
      %swap3A_161 = arith.index_cast %swap3A_160 : i32 to index
      %swap3A_162 = arith.constant 32 : index
      %swap3A_163 = tpu.vector_load %arg6[%swap3A_161, %swap3A_162] {strides = array<i32>} : memref<10x80xi32, #tpu.memory_space<vmem>>, vector<16xi32>,
      tpu.vector_store %arg6[%swap3A_161, %swap3A_162], %shift_right_logical3A_159 {strides = array<i32>} : memref<10x80xi32, #tpu.memory_space<vmem>>, vector<16xi32>,
      %and3A_164 = arith.constant 65535 : i32
      %and3A_165 = vector.broadcast %and3A_164 : i32 to vector<16xi32>
      %and3A_166 = arith.andi %get3A_156, %and3A_165 : vector<16xi32>
      %swap3A_167 = arith.constant 1 : i32
      %swap3A_168 = arith.index_cast %swap3A_167 : i32 to index
      %swap3A_169 = arith.constant 32 : index
      %swap3A_170 = tpu.vector_load %arg7[%swap3A_168, %swap3A_169] {strides = array<i32>} : memref<10x80xi32, #tpu.memory_space<vmem>>, vector<16xi32>,
      tpu.vector_store %arg7[%swap3A_168, %swap3A_169], %and3A_166 {strides = array<i32>} : memref<10x80xi32, #tpu.memory_space<vmem>>, vector<16xi32>,
      %get3A_171 = arith.constant 1 : i32
      %get3A_172 = arith.index_cast %get3A_171 : i32 to index
      %get3A_173 = arith.constant 48 : index
      %get3A_174 = tpu.vector_load %arg5[%get3A_172, %get3A_173] {strides = array<i32>} : memref<250x80xi32, #tpu.memory_space<vmem>>, vector<16xi32>,
      %shift_right_logical3A_175 = arith.constant 16 : i32
      %shift_right_logical3A_176 = vector.broadcast %shift_right_logical3A_175 : i32 to vector<16xi32>
      %shift_right_logical3A_177 = arith.shrui %get3A_174, %shift_right_logical3A_176 : vector<16xi32>
      %swap3A_178 = arith.constant 1 : i32
      %swap3A_179 = arith.index_cast %swap3A_178 : i32 to index
      %swap3A_180 = arith.constant 48 : index
      %swap3A_181 = tpu.vector_load %arg6[%swap3A_179, %swap3A_180] {strides = array<i32>} : memref<10x80xi32, #tpu.memory_space<vmem>>, vector<16xi32>,
      tpu.vector_store %arg6[%swap3A_179, %swap3A_180], %shift_right_logical3A_177 {strides = array<i32>} : memref<10x80xi32, #tpu.memory_space<vmem>>, vector<16xi32>,
      %and3A_182 = arith.constant 65535 : i32
      %and3A_183 = vector.broadcast %and3A_182 : i32 to vector<16xi32>
      %and3A_184 = arith.andi %get3A_174, %and3A_183 : vector<16xi32>
      %swap3A_185 = arith.constant 1 : i32
      %swap3A_186 = arith.index_cast %swap3A_185 : i32 to index
      %swap3A_187 = arith.constant 48 : index
      %swap3A_188 = tpu.vector_load %arg7[%swap3A_186, %swap3A_187] {strides = array<i32>} : memref<10x80xi32, #tpu.memory_space<vmem>>, vector<16xi32>,
      tpu.vector_store %arg7[%swap3A_186, %swap3A_187], %and3A_184 {strides = array<i32>} : memref<10x80xi32, #tpu.memory_space<vmem>>, vector<16xi32>,
      %get3A_189 = arith.constant 1 : i32
      %get3A_190 = arith.index_cast %get3A_189 : i32 to index
      %get3A_191 = arith.constant 64 : index
      %get3A_192 = tpu.vector_load %arg5[%get3A_190, %get3A_191] {strides = array<i32>} : memref<250x80xi32, #tpu.memory_space<vmem>>, vector<16xi32>,
      %shift_right_logical3A_193 = arith.constant 16 : i32
      %shift_right_logical3A_194 = vector.broadcast %shift_right_logical3A_193 : i32 to vector<16xi32>
      %shift_right_logical3A_195 = arith.shrui %get3A_192, %shift_right_logical3A_194 : vector<16xi32>
      %swap3A_196 = arith.constant 1 : i32
      %swap3A_197 = arith.index_cast %swap3A_196 : i32 to index
      %swap3A_198 = arith.constant 64 : index
      %swap3A_199 = tpu.vector_load %arg6[%swap3A_197, %swap3A_198] {strides = array<i32>} : memref<10x80xi32, #tpu.memory_space<vmem>>, vector<16xi32>,
      tpu.vector_store %arg6[%swap3A_197, %swap3A_198], %shift_right_logical3A_195 {strides = array<i32>} : memref<10x80xi32, #tpu.memory_space<vmem>>, vector<16xi32>,
      %and3A_200 = arith.constant 65535 : i32
      %and3A_201 = vector.broadcast %and3A_200 : i32 to vector<16xi32>
      %and3A_202 = arith.andi %get3A_192, %and3A_201 : vector<16xi32>
      %swap3A_203 = arith.constant 1 : i32
      %swap3A_204 = arith.index_cast %swap3A_203 : i32 to index
      %swap3A_205 = arith.constant 64 : index
      %swap3A_206 = tpu.vector_load %arg7[%swap3A_204, %swap3A_205] {strides = array<i32>} : memref<10x80xi32, #tpu.memory_space<vmem>>, vector<16xi32>,
      tpu.vector_store %arg7[%swap3A_204, %swap3A_205], %and3A_202 {strides = array<i32>} : memref<10x80xi32, #tpu.memory_space<vmem>>, vector<16xi32>,
      %dma_start3A_207 = arith.constant 1 : i32
      %dma_start3A_208 = arith.constant 1 : i32
      %dma_start3A_209 = arith.constant 0 : i32
      %dma_start3A_210 = arith.constant 0 : i32
      %dma_start3A_211 = tpu.memref_slice %arg8[%dma_start3A_208, %dma_start3A_209, %dma_start3A_210] : memref<10x80x64xf32, #tpu.memory_space<vmem>> -> memref<1x80x64xf32, #tpu.memory_space<vmem>>
      %dma_start3A_212 = tpu.memref_squeeze %dma_start3A_211 : memref<1x80x64xf32, #tpu.memory_space<vmem>> -> memref<80x64xf32, #tpu.memory_space<vmem>>
      %dma_start3A_213 = arith.constant 0 : i32
      %dma_start3A_214 = tpu.memref_slice %arg6[%dma_start3A_207, %dma_start3A_213] : memref<10x80xi32, #tpu.memory_space<vmem>> -> memref<1x80xi32, #tpu.memory_space<vmem>>
      %dma_start3A_215 = tpu.memref_squeeze %dma_start3A_214 : memref<1x80xi32, #tpu.memory_space<vmem>> -> memref<80xi32, #tpu.memory_space<vmem>>
      %dma_start3A_216 = arith.constant 0 : i32
      %dma_start3A_217 = arith.constant 0 : i32
      %dma_start3A_218 = tpu.memref_slice %arg2[%add3A_11, %dma_start3A_216, %dma_start3A_217] : memref<4x10240x64xf32, #tpu.memory_space<hbm>> -> memref<1x10240x64xf32, #tpu.memory_space<hbm>>
      %dma_start3A_219 = tpu.memref_squeeze %dma_start3A_218 : memref<1x10240x64xf32, #tpu.memory_space<hbm>> -> memref<10240x64xf32, #tpu.memory_space<hbm>>
      %dma_start3A_220 = arith.constant 0 : i32
      %dma_start3A_221 = arith.constant 0 : i32
      %dma_start3A_222 = tpu.memref_slice %dma_start3A_219[%dma_start3A_220, %dma_start3A_221] : memref<10240x64xf32, #tpu.memory_space<hbm>> -> memref<10240x64xf32, #tpu.memory_space<hbm>>
      tpu.enqueue_indirect_dma source(%dma_start3A_222 : memref<10240x64xf32, #tpu.memory_space<hbm>>) target(%dma_start3A_212 : memref<80x64xf32, #tpu.memory_space<vmem>>) offsets(%dma_start3A_215 : memref<80xi32, #tpu.memory_space<vmem>>) semaphore(%arg11 : memref<!tpu.dma_semaphore, #tpu.memory_space<semaphore_mem>>)
      %get3A_223 = arith.constant 2 : i32
      %get3A_224 = arith.index_cast %get3A_223 : i32 to index
      %get3A_225 = arith.constant 0 : index
      %get3A_226 = tpu.vector_load %arg5[%get3A_224, %get3A_225] {strides = array<i32>} : memref<250x80xi32, #tpu.memory_space<vmem>>, vector<16xi32>,
      %shift_right_logical3A_227 = arith.constant 16 : i32
      %shift_right_logical3A_228 = vector.broadcast %shift_right_logical3A_227 : i32 to vector<16xi32>
      %shift_right_logical3A_229 = arith.shrui %get3A_226, %shift_right_logical3A_228 : vector<16xi32>
      %swap3A_230 = arith.constant 2 : i32
      %swap3A_231 = arith.index_cast %swap3A_230 : i32 to index
      %swap3A_232 = arith.constant 0 : index
      %swap3A_233 = tpu.vector_load %arg6[%swap3A_231, %swap3A_232] {strides = array<i32>} : memref<10x80xi32, #tpu.memory_space<vmem>>, vector<16xi32>,
      tpu.vector_store %arg6[%swap3A_231, %swap3A_232], %shift_right_logical3A_229 {strides = array<i32>} : memref<10x80xi32, #tpu.memory_space<vmem>>, vector<16xi32>,
      %and3A_234 = arith.constant 65535 : i32
      %and3A_235 = vector.broadcast %and3A_234 : i32 to vector<16xi32>
      %and3A_236 = arith.andi %get3A_226, %and3A_235 : vector<16xi32>
      %swap3A_237 = arith.constant 2 : i32
      %swap3A_238 = arith.index_cast %swap3A_237 : i32 to index
      %swap3A_239 = arith.constant 0 : index
      %swap3A_240 = tpu.vector_load %arg7[%swap3A_238, %swap3A_239] {strides = array<i32>} : memref<10x80xi32, #tpu.memory_space<vmem>>, vector<16xi32>,
      tpu.vector_store %arg7[%swap3A_238, %swap3A_239], %and3A_236 {strides = array<i32>} : memref<10x80xi32, #tpu.memory_space<vmem>>, vector<16xi32>,
      %get3A_241 = arith.constant 2 : i32
      %get3A_242 = arith.index_cast %get3A_241 : i32 to index
      %get3A_243 = arith.constant 16 : index
      %get3A_244 = tpu.vector_load %arg5[%get3A_242, %get3A_243] {strides = array<i32>} : memref<250x80xi32, #tpu.memory_space<vmem>>, vector<16xi32>,
      %shift_right_logical3A_245 = arith.constant 16 : i32
      %shift_right_logical3A_246 = vector.broadcast %shift_right_logical3A_245 : i32 to vector<16xi32>
      %shift_right_logical3A_247 = arith.shrui %get3A_244, %shift_right_logical3A_246 : vector<16xi32>
      %swap3A_248 = arith.constant 2 : i32
      %swap3A_249 = arith.index_cast %swap3A_248 : i32 to index
      %swap3A_250 = arith.constant 16 : index
      %swap3A_251 = tpu.vector_load %arg6[%swap3A_249, %swap3A_250] {strides = array<i32>} : memref<10x80xi32, #tpu.memory_space<vmem>>, vector<16xi32>,
      tpu.vector_store %arg6[%swap3A_249, %swap3A_250], %shift_right_logical3A_247 {strides = array<i32>} : memref<10x80xi32, #tpu.memory_space<vmem>>, vector<16xi32>,
      %and3A_252 = arith.constant 65535 : i32
      %and3A_253 = vector.broadcast %and3A_252 : i32 to vector<16xi32>
      %and3A_254 = arith.andi %get3A_244, %and3A_253 : vector<16xi32>
      %swap3A_255 = arith.constant 2 : i32
      %swap3A_256 = arith.index_cast %swap3A_255 : i32 to index
      %swap3A_257 = arith.constant 16 : index
      %swap3A_258 = tpu.vector_load %arg7[%swap3A_256, %swap3A_257] {strides = array<i32>} : memref<10x80xi32, #tpu.memory_space<vmem>>, vector<16xi32>,
      tpu.vector_store %arg7[%swap3A_256, %swap3A_257], %and3A_254 {strides = array<i32>} : memref<10x80xi32, #tpu.memory_space<vmem>>, vector<16xi32>,
      %get3A_259 = arith.constant 2 : i32
      %get3A_260 = arith.index_cast %get3A_259 : i32 to index
      %get3A_261 = arith.constant 32 : index
      %get3A_262 = tpu.vector_load %arg5[%get3A_260, %get3A_261] {strides = array<i32>} : memref<250x80xi32, #tpu.memory_space<vmem>>, vector<16xi32>,
      %shift_right_logical3A_263 = arith.constant 16 : i32
      %shift_right_logical3A_264 = vector.broadcast %shift_right_logical3A_263 : i32 to vector<16xi32>
      %shift_right_logical3A_265 = arith.shrui %get3A_262, %shift_right_logical3A_264 : vector<16xi32>
      %swap3A_266 = arith.constant 2 : i32
      %swap3A_267 = arith.index_cast %swap3A_266 : i32 to index
      %swap3A_268 = arith.constant 32 : index
      %swap3A_269 = tpu.vector_load %arg6[%swap3A_267, %swap3A_268] {strides = array<i32>} : memref<10x80xi32, #tpu.memory_space<vmem>>, vector<16xi32>,
      tpu.vector_store %arg6[%swap3A_267, %swap3A_268], %shift_right_logical3A_265 {strides = array<i32>} : memref<10x80xi32, #tpu.memory_space<vmem>>, vector<16xi32>,
      %and3A_270 = arith.constant 65535 : i32
      %and3A_271 = vector.broadcast %and3A_270 : i32 to vector<16xi32>
      %and3A_272 = arith.andi %get3A_262, %and3A_271 : vector<16xi32>
      %swap3A_273 = arith.constant 2 : i32
      %swap3A_274 = arith.index_cast %swap3A_273 : i32 to index
      %swap3A_275 = arith.constant 32 : index
      %swap3A_276 = tpu.vector_load %arg7[%swap3A_274, %swap3A_275] {strides = array<i32>} : memref<10x80xi32, #tpu.memory_space<vmem>>, vector<16xi32>,
      tpu.vector_store %arg7[%swap3A_274, %swap3A_275], %and3A_272 {strides = array<i32>} : memref<10x80xi32, #tpu.memory_space<vmem>>, vector<16xi32>,
      %get3A_277 = arith.constant 2 : i32
      %get3A_278 = arith.index_cast %get3A_277 : i32 to index
      %get3A_279 = arith.constant 48 : index
      %get3A_280 = tpu.vector_load %arg5[%get3A_278, %get3A_279] {strides = array<i32>} : memref<250x80xi32, #tpu.memory_space<vmem>>, vector<16xi32>,
      %shift_right_logical3A_281 = arith.constant 16 : i32
      %shift_right_logical3A_282 = vector.broadcast %shift_right_logical3A_281 : i32 to vector<16xi32>
      %shift_right_logical3A_283 = arith.shrui %get3A_280, %shift_right_logical3A_282 : vector<16xi32>
      %swap3A_284 = arith.constant 2 : i32
      %swap3A_285 = arith.index_cast %swap3A_284 : i32 to index
      %swap3A_286 = arith.constant 48 : index
      %swap3A_287 = tpu.vector_load %arg6[%swap3A_285, %swap3A_286] {strides = array<i32>} : memref<10x80xi32, #tpu.memory_space<vmem>>, vector<16xi32>,
      tpu.vector_store %arg6[%swap3A_285, %swap3A_286], %shift_right_logical3A_283 {strides = array<i32>} : memref<10x80xi32, #tpu.memory_space<vmem>>, vector<16xi32>,
      %and3A_288 = arith.constant 65535 : i32
      %and3A_289 = vector.broadcast %and3A_288 : i32 to vector<16xi32>
      %and3A_290 = arith.andi %get3A_280, %and3A_289 : vector<16xi32>
      %swap3A_291 = arith.constant 2 : i32
      %swap3A_292 = arith.index_cast %swap3A_291 : i32 to index
      %swap3A_293 = arith.constant 48 : index
      %swap3A_294 = tpu.vector_load %arg7[%swap3A_292, %swap3A_293] {strides = array<i32>} : memref<10x80xi32, #tpu.memory_space<vmem>>, vector<16xi32>,
      tpu.vector_store %arg7[%swap3A_292, %swap3A_293], %and3A_290 {strides = array<i32>} : memref<10x80xi32, #tpu.memory_space<vmem>>, vector<16xi32>,
      %get3A_295 = arith.constant 2 : i32
      %get3A_296 = arith.index_cast %get3A_295 : i32 to index
      %get3A_297 = arith.constant 64 : index
      %get3A_298 = tpu.vector_load %arg5[%get3A_296, %get3A_297] {strides = array<i32>} : memref<250x80xi32, #tpu.memory_space<vmem>>, vector<16xi32>,
      %shift_right_logical3A_299 = arith.constant 16 : i32
      %shift_right_logical3A_300 = vector.broadcast %shift_right_logical3A_299 : i32 to vector<16xi32>
      %shift_right_logical3A_301 = arith.shrui %get3A_298, %shift_right_logical3A_300 : vector<16xi32>
      %swap3A_302 = arith.constant 2 : i32
      %swap3A_303 = arith.index_cast %swap3A_302 : i32 to index
      %swap3A_304 = arith.constant 64 : index
      %swap3A_305 = tpu.vector_load %arg6[%swap3A_303, %swap3A_304] {strides = array<i32>} : memref<10x80xi32, #tpu.memory_space<vmem>>, vector<16xi32>,
      tpu.vector_store %arg6[%swap3A_303, %swap3A_304], %shift_right_logical3A_301 {strides = array<i32>} : memref<10x80xi32, #tpu.memory_space<vmem>>, vector<16xi32>,
      %and3A_306 = arith.constant 65535 : i32
      %and3A_307 = vector.broadcast %and3A_306 : i32 to vector<16xi32>
      %and3A_308 = arith.andi %get3A_298, %and3A_307 : vector<16xi32>
      %swap3A_309 = arith.constant 2 : i32
      %swap3A_310 = arith.index_cast %swap3A_309 : i32 to index
      %swap3A_311 = arith.constant 64 : index
      %swap3A_312 = tpu.vector_load %arg7[%swap3A_310, %swap3A_311] {strides = array<i32>} : memref<10x80xi32, #tpu.memory_space<vmem>>, vector<16xi32>,
      tpu.vector_store %arg7[%swap3A_310, %swap3A_311], %and3A_308 {strides = array<i32>} : memref<10x80xi32, #tpu.memory_space<vmem>>, vector<16xi32>,
      %dma_start3A_313 = arith.constant 2 : i32
      %dma_start3A_314 = arith.constant 2 : i32
      %dma_start3A_315 = arith.constant 0 : i32
      %dma_start3A_316 = arith.constant 0 : i32
      %dma_start3A_317 = tpu.memref_slice %arg8[%dma_start3A_314, %dma_start3A_315, %dma_start3A_316] : memref<10x80x64xf32, #tpu.memory_space<vmem>> -> memref<1x80x64xf32, #tpu.memory_space<vmem>>
      %dma_start3A_318 = tpu.memref_squeeze %dma_start3A_317 : memref<1x80x64xf32, #tpu.memory_space<vmem>> -> memref<80x64xf32, #tpu.memory_space<vmem>>
      %dma_start3A_319 = arith.constant 0 : i32
      %dma_start3A_320 = tpu.memref_slice %arg6[%dma_start3A_313, %dma_start3A_319] : memref<10x80xi32, #tpu.memory_space<vmem>> -> memref<1x80xi32, #tpu.memory_space<vmem>>
      %dma_start3A_321 = tpu.memref_squeeze %dma_start3A_320 : memref<1x80xi32, #tpu.memory_space<vmem>> -> memref<80xi32, #tpu.memory_space<vmem>>
      %dma_start3A_322 = arith.constant 0 : i32
      %dma_start3A_323 = arith.constant 0 : i32
      %dma_start3A_324 = tpu.memref_slice %arg2[%add3A_11, %dma_start3A_322, %dma_start3A_323] : memref<4x10240x64xf32, #tpu.memory_space<hbm>> -> memref<1x10240x64xf32, #tpu.memory_space<hbm>>
      %dma_start3A_325 = tpu.memref_squeeze %dma_start3A_324 : memref<1x10240x64xf32, #tpu.memory_space<hbm>> -> memref<10240x64xf32, #tpu.memory_space<hbm>>
      %dma_start3A_326 = arith.constant 0 : i32
      %dma_start3A_327 = arith.constant 0 : i32
      %dma_start3A_328 = tpu.memref_slice %dma_start3A_325[%dma_start3A_326, %dma_start3A_327] : memref<10240x64xf32, #tpu.memory_space<hbm>> -> memref<10240x64xf32, #tpu.memory_space<hbm>>
      tpu.enqueue_indirect_dma source(%dma_start3A_328 : memref<10240x64xf32, #tpu.memory_space<hbm>>) target(%dma_start3A_318 : memref<80x64xf32, #tpu.memory_space<vmem>>) offsets(%dma_start3A_321 : memref<80xi32, #tpu.memory_space<vmem>>) semaphore(%arg11 : memref<!tpu.dma_semaphore, #tpu.memory_space<semaphore_mem>>)
      %get3A_329 = arith.constant 3 : i32
      %get3A_330 = arith.index_cast %get3A_329 : i32 to index
      %get3A_331 = arith.constant 0 : index
      %get3A_332 = tpu.vector_load %arg5[%get3A_330, %get3A_331] {strides = array<i32>} : memref<250x80xi32, #tpu.memory_space<vmem>>, vector<16xi32>,
      %shift_right_logical3A_333 = arith.constant 16 : i32
      %shift_right_logical3A_334 = vector.broadcast %shift_right_logical3A_333 : i32 to vector<16xi32>
      %shift_right_logical3A_335 = arith.shrui %get3A_332, %shift_right_logical3A_334 : vector<16xi32>
      %swap3A_336 = arith.constant 3 : i32
      %swap3A_337 = arith.index_cast %swap3A_336 : i32 to index
      %swap3A_338 = arith.constant 0 : index
      %swap3A_339 = tpu.vector_load %arg6[%swap3A_337, %swap3A_338] {strides = array<i32>} : memref<10x80xi32, #tpu.memory_space<vmem>>, vector<16xi32>,
      tpu.vector_store %arg6[%swap3A_337, %swap3A_338], %shift_right_logical3A_335 {strides = array<i32>} : memref<10x80xi32, #tpu.memory_space<vmem>>, vector<16xi32>,
      %and3A_340 = arith.constant 65535 : i32
      %and3A_341 = vector.broadcast %and3A_340 : i32 to vector<16xi32>
      %and3A_342 = arith.andi %get3A_332, %and3A_341 : vector<16xi32>
      %swap3A_343 = arith.constant 3 : i32
      %swap3A_344 = arith.index_cast %swap3A_343 : i32 to index
      %swap3A_345 = arith.constant 0 : index
      %swap3A_346 = tpu.vector_load %arg7[%swap3A_344, %swap3A_345] {strides = array<i32>} : memref<10x80xi32, #tpu.memory_space<vmem>>, vector<16xi32>,
      tpu.vector_store %arg7[%swap3A_344, %swap3A_345], %and3A_342 {strides = array<i32>} : memref<10x80xi32, #tpu.memory_space<vmem>>, vector<16xi32>,
      %get3A_347 = arith.constant 3 : i32
      %get3A_348 = arith.index_cast %get3A_347 : i32 to index
      %get3A_349 = arith.constant 16 : index
      %get3A_350 = tpu.vector_load %arg5[%get3A_348, %get3A_349] {strides = array<i32>} : memref<250x80xi32, #tpu.memory_space<vmem>>, vector<16xi32>,
      %shift_right_logical3A_351 = arith.constant 16 : i32
      %shift_right_logical3A_352 = vector.broadcast %shift_right_logical3A_351 : i32 to vector<16xi32>
      %shift_right_logical3A_353 = arith.shrui %get3A_350, %shift_right_logical3A_352 : vector<16xi32>
      %swap3A_354 = arith.constant 3 : i32
      %swap3A_355 = arith.index_cast %swap3A_354 : i32 to index
      %swap3A_356 = arith.constant 16 : index
      %swap3A_357 = tpu.vector_load %arg6[%swap3A_355, %swap3A_356] {strides = array<i32>} : memref<10x80xi32, #tpu.memory_space<vmem>>, vector<16xi32>,
      tpu.vector_store %arg6[%swap3A_355, %swap3A_356], %shift_right_logical3A_353 {strides = array<i32>} : memref<10x80xi32, #tpu.memory_space<vmem>>, vector<16xi32>,
      %and3A_358 = arith.constant 65535 : i32
      %and3A_359 = vector.broadcast %and3A_358 : i32 to vector<16xi32>
      %and3A_360 = arith.andi %get3A_350, %and3A_359 : vector<16xi32>
      %swap3A_361 = arith.constant 3 : i32
      %swap3A_362 = arith.index_cast %swap3A_361 : i32 to index
      %swap3A_363 = arith.constant 16 : index
      %swap3A_364 = tpu.vector_load %arg7[%swap3A_362, %swap3A_363] {strides = array<i32>} : memref<10x80xi32, #tpu.memory_space<vmem>>, vector<16xi32>,
      tpu.vector_store %arg7[%swap3A_362, %swap3A_363], %and3A_360 {strides = array<i32>} : memref<10x80xi32, #tpu.memory_space<vmem>>, vector<16xi32>,
      %get3A_365 = arith.constant 3 : i32
      %get3A_366 = arith.index_cast %get3A_365 : i32 to index
      %get3A_367 = arith.constant 32 : index
      %get3A_368 = tpu.vector_load %arg5[%get3A_366, %get3A_367] {strides = array<i32>} : memref<250x80xi32, #tpu.memory_space<vmem>>, vector<16xi32>,
      %shift_right_logical3A_369 = arith.constant 16 : i32
      %shift_right_logical3A_370 = vector.broadcast %shift_right_logical3A_369 : i32 to vector<16xi32>
      %shift_right_logical3A_371 = arith.shrui %get3A_368, %shift_right_logical3A_370 : vector<16xi32>
      %swap3A_372 = arith.constant 3 : i32
      %swap3A_373 = arith.index_cast %swap3A_372 : i32 to index
      %swap3A_374 = arith.constant 32 : index
      %swap3A_375 = tpu.vector_load %arg6[%swap3A_373, %swap3A_374] {strides = array<i32>} : memref<10x80xi32, #tpu.memory_space<vmem>>, vector<16xi32>,
      tpu.vector_store %arg6[%swap3A_373, %swap3A_374], %shift_right_logical3A_371 {strides = array<i32>} : memref<10x80xi32, #tpu.memory_space<vmem>>, vector<16xi32>,
      %and3A_376 = arith.constant 65535 : i32
      %and3A_377 = vector.broadcast %and3A_376 : i32 to vector<16xi32>
      %and3A_378 = arith.andi %get3A_368, %and3A_377 : vector<16xi32>
      %swap3A_379 = arith.constant 3 : i32
      %swap3A_380 = arith.index_cast %swap3A_379 : i32 to index
      %swap3A_381 = arith.constant 32 : index
      %swap3A_382 = tpu.vector_load %arg7[%swap3A_380, %swap3A_381] {strides = array<i32>} : memref<10x80xi32, #tpu.memory_space<vmem>>, vector<16xi32>,
      tpu.vector_store %arg7[%swap3A_380, %swap3A_381], %and3A_378 {strides = array<i32>} : memref<10x80xi32, #tpu.memory_space<vmem>>, vector<16xi32>,
      %get3A_383 = arith.constant 3 : i32
      %get3A_384 = arith.index_cast %get3A_383 : i32 to index
      %get3A_385 = arith.constant 48 : index
      %get3A_386 = tpu.vector_load %arg5[%get3A_384, %get3A_385] {strides = array<i32>} : memref<250x80xi32, #tpu.memory_space<vmem>>, vector<16xi32>,
      %shift_right_logical3A_387 = arith.constant 16 : i32
      %shift_right_logical3A_388 = vector.broadcast %shift_right_logical3A_387 : i32 to vector<16xi32>
      %shift_right_logical3A_389 = arith.shrui %get3A_386, %shift_right_logical3A_388 : vector<16xi32>
      %swap3A_390 = arith.constant 3 : i32
      %swap3A_391 = arith.index_cast %swap3A_390 : i32 to index
      %swap3A_392 = arith.constant 48 : index
      %swap3A_393 = tpu.vector_load %arg6[%swap3A_391, %swap3A_392] {strides = array<i32>} : memref<10x80xi32, #tpu.memory_space<vmem>>, vector<16xi32>,
      tpu.vector_store %arg6[%swap3A_391, %swap3A_392], %shift_right_logical3A_389 {strides = array<i32>} : memref<10x80xi32, #tpu.memory_space<vmem>>, vector<16xi32>,
      %and3A_394 = arith.constant 65535 : i32
      %and3A_395 = vector.broadcast %and3A_394 : i32 to vector<16xi32>
      %and3A_396 = arith.andi %get3A_386, %and3A_395 : vector<16xi32>
      %swap3A_397 = arith.constant 3 : i32
      %swap3A_398 = arith.index_cast %swap3A_397 : i32 to index
      %swap3A_399 = arith.constant 48 : index
      %swap3A_400 = tpu.vector_load %arg7[%swap3A_398, %swap3A_399] {strides = array<i32>} : memref<10x80xi32, #tpu.memory_space<vmem>>, vector<16xi32>,
      tpu.vector_store %arg7[%swap3A_398, %swap3A_399], %and3A_396 {strides = array<i32>} : memref<10x80xi32, #tpu.memory_space<vmem>>, vector<16xi32>,
      %get3A_401 = arith.constant 3 : i32
      %get3A_402 = arith.index_cast %get3A_401 : i32 to index
      %get3A_403 = arith.constant 64 : index
      %get3A_404 = tpu.vector_load %arg5[%get3A_402, %get3A_403] {strides = array<i32>} : memref<250x80xi32, #tpu.memory_space<vmem>>, vector<16xi32>,
      %shift_right_logical3A_405 = arith.constant 16 : i32
      %shift_right_logical3A_406 = vector.broadcast %shift_right_logical3A_405 : i32 to vector<16xi32>
      %shift_right_logical3A_407 = arith.shrui %get3A_404, %shift_right_logical3A_406 : vector<16xi32>
      %swap3A_408 = arith.constant 3 : i32
      %swap3A_409 = arith.index_cast %swap3A_408 : i32 to index
      %swap3A_410 = arith.constant 64 : index
      %swap3A_411 = tpu.vector_load %arg6[%swap3A_409, %swap3A_410] {strides = array<i32>} : memref<10x80xi32, #tpu.memory_space<vmem>>, vector<16xi32>,
      tpu.vector_store %arg6[%swap3A_409, %swap3A_410], %shift_right_logical3A_407 {strides = array<i32>} : memref<10x80xi32, #tpu.memory_space<vmem>>, vector<16xi32>,
      %and3A_412 = arith.constant 65535 : i32
      %and3A_413 = vector.broadcast %and3A_412 : i32 to vector<16xi32>
      %and3A_414 = arith.andi %get3A_404, %and3A_413 : vector<16xi32>
      %swap3A_415 = arith.constant 3 : i32
      %swap3A_416 = arith.index_cast %swap3A_415 : i32 to index
      %swap3A_417 = arith.constant 64 : index
      %swap3A_418 = tpu.vector_load %arg7[%swap3A_416, %swap3A_417] {strides = array<i32>} : memref<10x80xi32, #tpu.memory_space<vmem>>, vector<16xi32>,
      tpu.vector_store %arg7[%swap3A_416, %swap3A_417], %and3A_414 {strides = array<i32>} : memref<10x80xi32, #tpu.memory_space<vmem>>, vector<16xi32>,
      %dma_start3A_419 = arith.constant 3 : i32
      %dma_start3A_420 = arith.constant 3 : i32
      %dma_start3A_421 = arith.constant 0 : i32
      %dma_start3A_422 = arith.constant 0 : i32
      %dma_start3A_423 = tpu.memref_slice %arg8[%dma_start3A_420, %dma_start3A_421, %dma_start3A_422] : memref<10x80x64xf32, #tpu.memory_space<vmem>> -> memref<1x80x64xf32, #tpu.memory_space<vmem>>
      %dma_start3A_424 = tpu.memref_squeeze %dma_start3A_423 : memref<1x80x64xf32, #tpu.memory_space<vmem>> -> memref<80x64xf32, #tpu.memory_space<vmem>>
      %dma_start3A_425 = arith.constant 0 : i32
      %dma_start3A_426 = tpu.memref_slice %arg6[%dma_start3A_419, %dma_start3A_425] : memref<10x80xi32, #tpu.memory_space<vmem>> -> memref<1x80xi32, #tpu.memory_space<vmem>>
      %dma_start3A_427 = tpu.memref_squeeze %dma_start3A_426 : memref<1x80xi32, #tpu.memory_space<vmem>> -> memref<80xi32, #tpu.memory_space<vmem>>
      %dma_start3A_428 = arith.constant 0 : i32
      %dma_start3A_429 = arith.constant 0 : i32
      %dma_start3A_430 = tpu.memref_slice %arg2[%add3A_11, %dma_start3A_428, %dma_start3A_429] : memref<4x10240x64xf32, #tpu.memory_space<hbm>> -> memref<1x10240x64xf32, #tpu.memory_space<hbm>>
      %dma_start3A_431 = tpu.memref_squeeze %dma_start3A_430 : memref<1x10240x64xf32, #tpu.memory_space<hbm>> -> memref<10240x64xf32, #tpu.memory_space<hbm>>
      %dma_start3A_432 = arith.constant 0 : i32
      %dma_start3A_433 = arith.constant 0 : i32
      %dma_start3A_434 = tpu.memref_slice %dma_start3A_431[%dma_start3A_432, %dma_start3A_433] : memref<10240x64xf32, #tpu.memory_space<hbm>> -> memref<10240x64xf32, #tpu.memory_space<hbm>>
      tpu.enqueue_indirect_dma source(%dma_start3A_434 : memref<10240x64xf32, #tpu.memory_space<hbm>>) target(%dma_start3A_424 : memref<80x64xf32, #tpu.memory_space<vmem>>) offsets(%dma_start3A_427 : memref<80xi32, #tpu.memory_space<vmem>>) semaphore(%arg11 : memref<!tpu.dma_semaphore, #tpu.memory_space<semaphore_mem>>)
      %get3A_435 = arith.constant 4 : i32
      %get3A_436 = arith.index_cast %get3A_435 : i32 to index
      %get3A_437 = arith.constant 0 : index
      %get3A_438 = tpu.vector_load %arg5[%get3A_436, %get3A_437] {strides = array<i32>} : memref<250x80xi32, #tpu.memory_space<vmem>>, vector<16xi32>,
      %shift_right_logical3A_439 = arith.constant 16 : i32
      %shift_right_logical3A_440 = vector.broadcast %shift_right_logical3A_439 : i32 to vector<16xi32>
      %shift_right_logical3A_441 = arith.shrui %get3A_438, %shift_right_logical3A_440 : vector<16xi32>
      %swap3A_442 = arith.constant 4 : i32
      %swap3A_443 = arith.index_cast %swap3A_442 : i32 to index
      %swap3A_444 = arith.constant 0 : index
      %swap3A_445 = tpu.vector_load %arg6[%swap3A_443, %swap3A_444] {strides = array<i32>} : memref<10x80xi32, #tpu.memory_space<vmem>>, vector<16xi32>,
      tpu.vector_store %arg6[%swap3A_443, %swap3A_444], %shift_right_logical3A_441 {strides = array<i32>} : memref<10x80xi32, #tpu.memory_space<vmem>>, vector<16xi32>,
      %and3A_446 = arith.constant 65535 : i32
      %and3A_447 = vector.broadcast %and3A_446 : i32 to vector<16xi32>
      %and3A_448 = arith.andi %get3A_438, %and3A_447 : vector<16xi32>
      %swap3A_449 = arith.constant 4 : i32
      %swap3A_450 = arith.index_cast %swap3A_449 : i32 to index
      %swap3A_451 = arith.constant 0 : index
      %swap3A_452 = tpu.vector_load %arg7[%swap3A_450, %swap3A_451] {strides = array<i32>} : memref<10x80xi32, #tpu.memory_space<vmem>>, vector<16xi32>,
      tpu.vector_store %arg7[%swap3A_450, %swap3A_451], %and3A_448 {strides = array<i32>} : memref<10x80xi32, #tpu.memory_space<vmem>>, vector<16xi32>,
      %get3A_453 = arith.constant 4 : i32
      %get3A_454 = arith.index_cast %get3A_453 : i32 to index
      %get3A_455 = arith.constant 16 : index
      %get3A_456 = tpu.vector_load %arg5[%get3A_454, %get3A_455] {strides = array<i32>} : memref<250x80xi32, #tpu.memory_space<vmem>>, vector<16xi32>,
      %shift_right_logical3A_457 = arith.constant 16 : i32
      %shift_right_logical3A_458 = vector.broadcast %shift_right_logical3A_457 : i32 to vector<16xi32>
      %shift_right_logical3A_459 = arith.shrui %get3A_456, %shift_right_logical3A_458 : vector<16xi32>
      %swap3A_460 = arith.constant 4 : i32
      %swap3A_461 = arith.index_cast %swap3A_460 : i32 to index
      %swap3A_462 = arith.constant 16 : index
      %swap3A_463 = tpu.vector_load %arg6[%swap3A_461, %swap3A_462] {strides = array<i32>} : memref<10x80xi32, #tpu.memory_space<vmem>>, vector<16xi32>,
      tpu.vector_store %arg6[%swap3A_461, %swap3A_462], %shift_right_logical3A_459 {strides = array<i32>} : memref<10x80xi32, #tpu.memory_space<vmem>>, vector<16xi32>,
      %and3A_464 = arith.constant 65535 : i32
      %and3A_465 = vector.broadcast %and3A_464 : i32 to vector<16xi32>
      %and3A_466 = arith.andi %get3A_456, %and3A_465 : vector<16xi32>
      %swap3A_467 = arith.constant 4 : i32
      %swap3A_468 = arith.index_cast %swap3A_467 : i32 to index
      %swap3A_469 = arith.constant 16 : index
      %swap3A_470 = tpu.vector_load %arg7[%swap3A_468, %swap3A_469] {strides = array<i32>} : memref<10x80xi32, #tpu.memory_space<vmem>>, vector<16xi32>,
      tpu.vector_store %arg7[%swap3A_468, %swap3A_469], %and3A_466 {strides = array<i32>} : memref<10x80xi32, #tpu.memory_space<vmem>>, vector<16xi32>,
      %get3A_471 = arith.constant 4 : i32
      %get3A_472 = arith.index_cast %get3A_471 : i32 to index
      %get3A_473 = arith.constant 32 : index
      %get3A_474 = tpu.vector_load %arg5[%get3A_472, %get3A_473] {strides = array<i32>} : memref<250x80xi32, #tpu.memory_space<vmem>>, vector<16xi32>,
      %shift_right_logical3A_475 = arith.constant 16 : i32
      %shift_right_logical3A_476 = vector.broadcast %shift_right_logical3A_475 : i32 to vector<16xi32>
      %shift_right_logical3A_477 = arith.shrui %get3A_474, %shift_right_logical3A_476 : vector<16xi32>
      %swap3A_478 = arith.constant 4 : i32
      %swap3A_479 = arith.index_cast %swap3A_478 : i32 to index
      %swap3A_480 = arith.constant 32 : index
      %swap3A_481 = tpu.vector_load %arg6[%swap3A_479, %swap3A_480] {strides = array<i32>} : memref<10x80xi32, #tpu.memory_space<vmem>>, vector<16xi32>,
      tpu.vector_store %arg6[%swap3A_479, %swap3A_480], %shift_right_logical3A_477 {strides = array<i32>} : memref<10x80xi32, #tpu.memory_space<vmem>>, vector<16xi32>,
      %and3A_482 = arith.constant 65535 : i32
      %and3A_483 = vector.broadcast %and3A_482 : i32 to vector<16xi32>
      %and3A_484 = arith.andi %get3A_474, %and3A_483 : vector<16xi32>
      %swap3A_485 = arith.constant 4 : i32
      %swap3A_486 = arith.index_cast %swap3A_485 : i32 to index
      %swap3A_487 = arith.constant 32 : index
      %swap3A_488 = tpu.vector_load %arg7[%swap3A_486, %swap3A_487] {strides = array<i32>} : memref<10x80xi32, #tpu.memory_space<vmem>>, vector<16xi32>,
      tpu.vector_store %arg7[%swap3A_486, %swap3A_487], %and3A_484 {strides = array<i32>} : memref<10x80xi32, #tpu.memory_space<vmem>>, vector<16xi32>,
      %get3A_489 = arith.constant 4 : i32
      %get3A_490 = arith.index_cast %get3A_489 : i32 to index
      %get3A_491 = arith.constant 48 : index
      %get3A_492 = tpu.vector_load %arg5[%get3A_490, %get3A_491] {strides = array<i32>} : memref<250x80xi32, #tpu.memory_space<vmem>>, vector<16xi32>,
      %shift_right_logical3A_493 = arith.constant 16 : i32
      %shift_right_logical3A_494 = vector.broadcast %shift_right_logical3A_493 : i32 to vector<16xi32>
      %shift_right_logical3A_495 = arith.shrui %get3A_492, %shift_right_logical3A_494 : vector<16xi32>
      %swap3A_496 = arith.constant 4 : i32
      %swap3A_497 = arith.index_cast %swap3A_496 : i32 to index
      %swap3A_498 = arith.constant 48 : index
      %swap3A_499 = tpu.vector_load %arg6[%swap3A_497, %swap3A_498] {strides = array<i32>} : memref<10x80xi32, #tpu.memory_space<vmem>>, vector<16xi32>,
      tpu.vector_store %arg6[%swap3A_497, %swap3A_498], %shift_right_logical3A_495 {strides = array<i32>} : memref<10x80xi32, #tpu.memory_space<vmem>>, vector<16xi32>,
      %and3A_500 = arith.constant 65535 : i32
      %and3A_501 = vector.broadcast %and3A_500 : i32 to vector<16xi32>
      %and3A_502 = arith.andi %get3A_492, %and3A_501 : vector<16xi32>
      %swap3A_503 = arith.constant 4 : i32
      %swap3A_504 = arith.index_cast %swap3A_503 : i32 to index
      %swap3A_505 = arith.constant 48 : index
      %swap3A_506 = tpu.vector_load %arg7[%swap3A_504, %swap3A_505] {strides = array<i32>} : memref<10x80xi32, #tpu.memory_space<vmem>>, vector<16xi32>,
      tpu.vector_store %arg7[%swap3A_504, %swap3A_505], %and3A_502 {strides = array<i32>} : memref<10x80xi32, #tpu.memory_space<vmem>>, vector<16xi32>,
      %get3A_507 = arith.constant 4 : i32
      %get3A_508 = arith.index_cast %get3A_507 : i32 to index
      %get3A_509 = arith.constant 64 : index
      %get3A_510 = tpu.vector_load %arg5[%get3A_508, %get3A_509] {strides = array<i32>} : memref<250x80xi32, #tpu.memory_space<vmem>>, vector<16xi32>,
      %shift_right_logical3A_511 = arith.constant 16 : i32
      %shift_right_logical3A_512 = vector.broadcast %shift_right_logical3A_511 : i32 to vector<16xi32>
      %shift_right_logical3A_513 = arith.shrui %get3A_510, %shift_right_logical3A_512 : vector<16xi32>
      %swap3A_514 = arith.constant 4 : i32
      %swap3A_515 = arith.index_cast %swap3A_514 : i32 to index
      %swap3A_516 = arith.constant 64 : index
      %swap3A_517 = tpu.vector_load %arg6[%swap3A_515, %swap3A_516] {strides = array<i32>} : memref<10x80xi32, #tpu.memory_space<vmem>>, vector<16xi32>,
      tpu.vector_store %arg6[%swap3A_515, %swap3A_516], %shift_right_logical3A_513 {strides = array<i32>} : memref<10x80xi32, #tpu.memory_space<vmem>>, vector<16xi32>,
      %and3A_518 = arith.constant 65535 : i32
      %and3A_519 = vector.broadcast %and3A_518 : i32 to vector<16xi32>
      %and3A_520 = arith.andi %get3A_510, %and3A_519 : vector<16xi32>
      %swap3A_521 = arith.constant 4 : i32
      %swap3A_522 = arith.index_cast %swap3A_521 : i32 to index
      %swap3A_523 = arith.constant 64 : index
      %swap3A_524 = tpu.vector_load %arg7[%swap3A_522, %swap3A_523] {strides = array<i32>} : memref<10x80xi32, #tpu.memory_space<vmem>>, vector<16xi32>,
      tpu.vector_store %arg7[%swap3A_522, %swap3A_523], %and3A_520 {strides = array<i32>} : memref<10x80xi32, #tpu.memory_space<vmem>>, vector<16xi32>,
      %dma_start3A_525 = arith.constant 4 : i32
      %dma_start3A_526 = arith.constant 4 : i32
      %dma_start3A_527 = arith.constant 0 : i32
      %dma_start3A_528 = arith.constant 0 : i32
      %dma_start3A_529 = tpu.memref_slice %arg8[%dma_start3A_526, %dma_start3A_527, %dma_start3A_528] : memref<10x80x64xf32, #tpu.memory_space<vmem>> -> memref<1x80x64xf32, #tpu.memory_space<vmem>>
      %dma_start3A_530 = tpu.memref_squeeze %dma_start3A_529 : memref<1x80x64xf32, #tpu.memory_space<vmem>> -> memref<80x64xf32, #tpu.memory_space<vmem>>
      %dma_start3A_531 = arith.constant 0 : i32
      %dma_start3A_532 = tpu.memref_slice %arg6[%dma_start3A_525, %dma_start3A_531] : memref<10x80xi32, #tpu.memory_space<vmem>> -> memref<1x80xi32, #tpu.memory_space<vmem>>
      %dma_start3A_533 = tpu.memref_squeeze %dma_start3A_532 : memref<1x80xi32, #tpu.memory_space<vmem>> -> memref<80xi32, #tpu.memory_space<vmem>>
      %dma_start3A_534 = arith.constant 0 : i32
      %dma_start3A_535 = arith.constant 0 : i32
      %dma_start3A_536 = tpu.memref_slice %arg2[%add3A_11, %dma_start3A_534, %dma_start3A_535] : memref<4x10240x64xf32, #tpu.memory_space<hbm>> -> memref<1x10240x64xf32, #tpu.memory_space<hbm>>
      %dma_start3A_537 = tpu.memref_squeeze %dma_start3A_536 : memref<1x10240x64xf32, #tpu.memory_space<hbm>> -> memref<10240x64xf32, #tpu.memory_space<hbm>>
      %dma_start3A_538 = arith.constant 0 : i32
      %dma_start3A_539 = arith.constant 0 : i32
      %dma_start3A_540 = tpu.memref_slice %dma_start3A_537[%dma_start3A_538, %dma_start3A_539] : memref<10240x64xf32, #tpu.memory_space<hbm>> -> memref<10240x64xf32, #tpu.memory_space<hbm>>
      tpu.enqueue_indirect_dma source(%dma_start3A_540 : memref<10240x64xf32, #tpu.memory_space<hbm>>) target(%dma_start3A_530 : memref<80x64xf32, #tpu.memory_space<vmem>>) offsets(%dma_start3A_533 : memref<80xi32, #tpu.memory_space<vmem>>) semaphore(%arg11 : memref<!tpu.dma_semaphore, #tpu.memory_space<semaphore_mem>>)
      %scan3A_541 = arith.constant 0 : i32
      %scan3A_542 = arith.constant 24 : i32
      %scan3A_543 = arith.addi %scan3A_541, %scan3A_542 : i32
      %scan3A_544 = arith.constant 1 : i32
      scf.for %scan3A_1480 = %scan3A_541 to %scan3A_543 step %scan3A_544  : i32 {
        %mul3A_1481 = arith.constant 1 : i32
        %mul3A_1482 = arith.muli %scan3A_1480, %mul3A_1481 : i32
        %add3A_1483 = arith.constant 0 : i32
        %add3A_1484 = arith.addi %add3A_1483, %mul3A_1482 : i32
        %mul3A_1485 = arith.constant 2 : i32
        %mul3A_1486 = arith.muli %add3A_1484, %mul3A_1485 : i32
        %add3A_1487 = arith.constant 1 : i32
        %add3A_1488 = arith.addi %mul3A_1486, %add3A_1487 : i32
        %dma_wait3A_1489 = arith.constant 0 : i32
        %dma_wait3A_1490 = arith.constant 0 : i32
        %dma_wait3A_1491 = arith.constant 0 : i32
        %dma_wait3A_1492 = arith.constant 0 : i32
        %dma_wait3A_1493 = tpu.memref_slice %arg8[%dma_wait3A_1490, %dma_wait3A_1491, %dma_wait3A_1492] : memref<10x80x64xf32, #tpu.memory_space<vmem>> -> memref<1x80x64xf32, #tpu.memory_space<vmem>>
        %dma_wait3A_1494 = tpu.memref_squeeze %dma_wait3A_1493 : memref<1x80x64xf32, #tpu.memory_space<vmem>> -> memref<80x64xf32, #tpu.memory_space<vmem>>
        %dma_wait3A_1495 = arith.constant 0 : i32
        %dma_wait3A_1496 = tpu.memref_slice %arg6[%dma_wait3A_1489, %dma_wait3A_1495] : memref<10x80xi32, #tpu.memory_space<vmem>> -> memref<1x80xi32, #tpu.memory_space<vmem>>
        %dma_wait3A_1497 = tpu.memref_squeeze %dma_wait3A_1496 : memref<1x80xi32, #tpu.memory_space<vmem>> -> memref<80xi32, #tpu.memory_space<vmem>>
        %dma_wait3A_1498 = arith.constant 0 : i32
        %dma_wait3A_1499 = arith.constant 0 : i32
        %dma_wait3A_1500 = tpu.memref_slice %arg2[%add3A_11, %dma_wait3A_1498, %dma_wait3A_1499] : memref<4x10240x64xf32, #tpu.memory_space<hbm>> -> memref<1x10240x64xf32, #tpu.memory_space<hbm>>
        %dma_wait3A_1501 = tpu.memref_squeeze %dma_wait3A_1500 : memref<1x10240x64xf32, #tpu.memory_space<hbm>> -> memref<10240x64xf32, #tpu.memory_space<hbm>>
        %dma_wait3A_1502 = arith.constant 0 : i32
        %dma_wait3A_1503 = arith.constant 0 : i32
        %dma_wait3A_1504 = tpu.memref_slice %dma_wait3A_1501[%dma_wait3A_1502, %dma_wait3A_1503] : memref<10240x64xf32, #tpu.memory_space<hbm>> -> memref<10240x64xf32, #tpu.memory_space<hbm>>
        tpu.wait_indirect_dma semaphore(%arg11 : memref<!tpu.dma_semaphore, #tpu.memory_space<semaphore_mem>>) src(%dma_wait3A_1504 : memref<10240x64xf32, #tpu.memory_space<hbm>>) dst(%dma_wait3A_1494 : memref<80x64xf32, #tpu.memory_space<vmem>>)
        %dma_wait3A_1505 = arith.constant 1 : i32
        %dma_wait3A_1506 = arith.constant 1 : i32
        %dma_wait3A_1507 = arith.constant 0 : i32
        %dma_wait3A_1508 = arith.constant 0 : i32
        %dma_wait3A_1509 = tpu.memref_slice %arg8[%dma_wait3A_1506, %dma_wait3A_1507, %dma_wait3A_1508] : memref<10x80x64xf32, #tpu.memory_space<vmem>> -> memref<1x80x64xf32, #tpu.memory_space<vmem>>
        %dma_wait3A_1510 = tpu.memref_squeeze %dma_wait3A_1509 : memref<1x80x64xf32, #tpu.memory_space<vmem>> -> memref<80x64xf32, #tpu.memory_space<vmem>>
        %dma_wait3A_1511 = arith.constant 0 : i32
        %dma_wait3A_1512 = tpu.memref_slice %arg6[%dma_wait3A_1505, %dma_wait3A_1511] : memref<10x80xi32, #tpu.memory_space<vmem>> -> memref<1x80xi32, #tpu.memory_space<vmem>>
        %dma_wait3A_1513 = tpu.memref_squeeze %dma_wait3A_1512 : memref<1x80xi32, #tpu.memory_space<vmem>> -> memref<80xi32, #tpu.memory_space<vmem>>
        %dma_wait3A_1514 = arith.constant 0 : i32
        %dma_wait3A_1515 = arith.constant 0 : i32
        %dma_wait3A_1516 = tpu.memref_slice %arg2[%add3A_11, %dma_wait3A_1514, %dma_wait3A_1515] : memref<4x10240x64xf32, #tpu.memory_space<hbm>> -> memref<1x10240x64xf32, #tpu.memory_space<hbm>>
        %dma_wait3A_1517 = tpu.memref_squeeze %dma_wait3A_1516 : memref<1x10240x64xf32, #tpu.memory_space<hbm>> -> memref<10240x64xf32, #tpu.memory_space<hbm>>
        %dma_wait3A_1518 = arith.constant 0 : i32
        %dma_wait3A_1519 = arith.constant 0 : i32
        %dma_wait3A_1520 = tpu.memref_slice %dma_wait3A_1517[%dma_wait3A_1518, %dma_wait3A_1519] : memref<10240x64xf32, #tpu.memory_space<hbm>> -> memref<10240x64xf32, #tpu.memory_space<hbm>>
        tpu.wait_indirect_dma semaphore(%arg11 : memref<!tpu.dma_semaphore, #tpu.memory_space<semaphore_mem>>) src(%dma_wait3A_1520 : memref<10240x64xf32, #tpu.memory_space<hbm>>) dst(%dma_wait3A_1510 : memref<80x64xf32, #tpu.memory_space<vmem>>)
        %dma_wait3A_1521 = arith.constant 2 : i32
        %dma_wait3A_1522 = arith.constant 2 : i32
        %dma_wait3A_1523 = arith.constant 0 : i32
        %dma_wait3A_1524 = arith.constant 0 : i32
        %dma_wait3A_1525 = tpu.memref_slice %arg8[%dma_wait3A_1522, %dma_wait3A_1523, %dma_wait3A_1524] : memref<10x80x64xf32, #tpu.memory_space<vmem>> -> memref<1x80x64xf32, #tpu.memory_space<vmem>>
        %dma_wait3A_1526 = tpu.memref_squeeze %dma_wait3A_1525 : memref<1x80x64xf32, #tpu.memory_space<vmem>> -> memref<80x64xf32, #tpu.memory_space<vmem>>
        %dma_wait3A_1527 = arith.constant 0 : i32
        %dma_wait3A_1528 = tpu.memref_slice %arg6[%dma_wait3A_1521, %dma_wait3A_1527] : memref<10x80xi32, #tpu.memory_space<vmem>> -> memref<1x80xi32, #tpu.memory_space<vmem>>
        %dma_wait3A_1529 = tpu.memref_squeeze %dma_wait3A_1528 : memref<1x80xi32, #tpu.memory_space<vmem>> -> memref<80xi32, #tpu.memory_space<vmem>>
        %dma_wait3A_1530 = arith.constant 0 : i32
        %dma_wait3A_1531 = arith.constant 0 : i32
        %dma_wait3A_1532 = tpu.memref_slice %arg2[%add3A_11, %dma_wait3A_1530, %dma_wait3A_1531] : memref<4x10240x64xf32, #tpu.memory_space<hbm>> -> memref<1x10240x64xf32, #tpu.memory_space<hbm>>
        %dma_wait3A_1533 = tpu.memref_squeeze %dma_wait3A_1532 : memref<1x10240x64xf32, #tpu.memory_space<hbm>> -> memref<10240x64xf32, #tpu.memory_space<hbm>>
        %dma_wait3A_1534 = arith.constant 0 : i32
        %dma_wait3A_1535 = arith.constant 0 : i32
        %dma_wait3A_1536 = tpu.memref_slice %dma_wait3A_1533[%dma_wait3A_1534, %dma_wait3A_1535] : memref<10240x64xf32, #tpu.memory_space<hbm>> -> memref<10240x64xf32, #tpu.memory_space<hbm>>
        tpu.wait_indirect_dma semaphore(%arg11 : memref<!tpu.dma_semaphore, #tpu.memory_space<semaphore_mem>>) src(%dma_wait3A_1536 : memref<10240x64xf32, #tpu.memory_space<hbm>>) dst(%dma_wait3A_1526 : memref<80x64xf32, #tpu.memory_space<vmem>>)
        %dma_wait3A_1537 = arith.constant 3 : i32
        %dma_wait3A_1538 = arith.constant 3 : i32
        %dma_wait3A_1539 = arith.constant 0 : i32
        %dma_wait3A_1540 = arith.constant 0 : i32
        %dma_wait3A_1541 = tpu.memref_slice %arg8[%dma_wait3A_1538, %dma_wait3A_1539, %dma_wait3A_1540] : memref<10x80x64xf32, #tpu.memory_space<vmem>> -> memref<1x80x64xf32, #tpu.memory_space<vmem>>
        %dma_wait3A_1542 = tpu.memref_squeeze %dma_wait3A_1541 : memref<1x80x64xf32, #tpu.memory_space<vmem>> -> memref<80x64xf32, #tpu.memory_space<vmem>>
        %dma_wait3A_1543 = arith.constant 0 : i32
        %dma_wait3A_1544 = tpu.memref_slice %arg6[%dma_wait3A_1537, %dma_wait3A_1543] : memref<10x80xi32, #tpu.memory_space<vmem>> -> memref<1x80xi32, #tpu.memory_space<vmem>>
        %dma_wait3A_1545 = tpu.memref_squeeze %dma_wait3A_1544 : memref<1x80xi32, #tpu.memory_space<vmem>> -> memref<80xi32, #tpu.memory_space<vmem>>
        %dma_wait3A_1546 = arith.constant 0 : i32
        %dma_wait3A_1547 = arith.constant 0 : i32
        %dma_wait3A_1548 = tpu.memref_slice %arg2[%add3A_11, %dma_wait3A_1546, %dma_wait3A_1547] : memref<4x10240x64xf32, #tpu.memory_space<hbm>> -> memref<1x10240x64xf32, #tpu.memory_space<hbm>>
        %dma_wait3A_1549 = tpu.memref_squeeze %dma_wait3A_1548 : memref<1x10240x64xf32, #tpu.memory_space<hbm>> -> memref<10240x64xf32, #tpu.memory_space<hbm>>
        %dma_wait3A_1550 = arith.constant 0 : i32
        %dma_wait3A_1551 = arith.constant 0 : i32
        %dma_wait3A_1552 = tpu.memref_slice %dma_wait3A_1549[%dma_wait3A_1550, %dma_wait3A_1551] : memref<10240x64xf32, #tpu.memory_space<hbm>> -> memref<10240x64xf32, #tpu.memory_space<hbm>>
        tpu.wait_indirect_dma semaphore(%arg11 : memref<!tpu.dma_semaphore, #tpu.memory_space<semaphore_mem>>) src(%dma_wait3A_1552 : memref<10240x64xf32, #tpu.memory_space<hbm>>) dst(%dma_wait3A_1542 : memref<80x64xf32, #tpu.memory_space<vmem>>)
        %dma_wait3A_1553 = arith.constant 4 : i32
        %dma_wait3A_1554 = arith.constant 4 : i32
        %dma_wait3A_1555 = arith.constant 0 : i32
        %dma_wait3A_1556 = arith.constant 0 : i32
        %dma_wait3A_1557 = tpu.memref_slice %arg8[%dma_wait3A_1554, %dma_wait3A_1555, %dma_wait3A_1556] : memref<10x80x64xf32, #tpu.memory_space<vmem>> -> memref<1x80x64xf32, #tpu.memory_space<vmem>>
        %dma_wait3A_1558 = tpu.memref_squeeze %dma_wait3A_1557 : memref<1x80x64xf32, #tpu.memory_space<vmem>> -> memref<80x64xf32, #tpu.memory_space<vmem>>
        %dma_wait3A_1559 = arith.constant 0 : i32
        %dma_wait3A_1560 = tpu.memref_slice %arg6[%dma_wait3A_1553, %dma_wait3A_1559] : memref<10x80xi32, #tpu.memory_space<vmem>> -> memref<1x80xi32, #tpu.memory_space<vmem>>
        %dma_wait3A_1561 = tpu.memref_squeeze %dma_wait3A_1560 : memref<1x80xi32, #tpu.memory_space<vmem>> -> memref<80xi32, #tpu.memory_space<vmem>>
        %dma_wait3A_1562 = arith.constant 0 : i32
        %dma_wait3A_1563 = arith.constant 0 : i32
        %dma_wait3A_1564 = tpu.memref_slice %arg2[%add3A_11, %dma_wait3A_1562, %dma_wait3A_1563] : memref<4x10240x64xf32, #tpu.memory_space<hbm>> -> memref<1x10240x64xf32, #tpu.memory_space<hbm>>
        %dma_wait3A_1565 = tpu.memref_squeeze %dma_wait3A_1564 : memref<1x10240x64xf32, #tpu.memory_space<hbm>> -> memref<10240x64xf32, #tpu.memory_space<hbm>>
        %dma_wait3A_1566 = arith.constant 0 : i32
        %dma_wait3A_1567 = arith.constant 0 : i32
        %dma_wait3A_1568 = tpu.memref_slice %dma_wait3A_1565[%dma_wait3A_1566, %dma_wait3A_1567] : memref<10240x64xf32, #tpu.memory_space<hbm>> -> memref<10240x64xf32, #tpu.memory_space<hbm>>
        tpu.wait_indirect_dma semaphore(%arg11 : memref<!tpu.dma_semaphore, #tpu.memory_space<semaphore_mem>>) src(%dma_wait3A_1568 : memref<10240x64xf32, #tpu.memory_space<hbm>>) dst(%dma_wait3A_1558 : memref<80x64xf32, #tpu.memory_space<vmem>>)
        %dma_start3A_1569 = arith.constant 0 : i32
        %dma_start3A_1570 = arith.constant 0 : i32
        %dma_start3A_1571 = arith.constant 0 : i32
        %dma_start3A_1572 = arith.constant 0 : i32
        %dma_start3A_1573 = tpu.memref_slice %arg8[%dma_start3A_1569, %dma_start3A_1571, %dma_start3A_1572] : memref<10x80x64xf32, #tpu.memory_space<vmem>> -> memref<1x80x64xf32, #tpu.memory_space<vmem>>
        %dma_start3A_1574 = tpu.memref_squeeze %dma_start3A_1573 : memref<1x80x64xf32, #tpu.memory_space<vmem>> -> memref<80x64xf32, #tpu.memory_space<vmem>>
        %dma_start3A_1575 = arith.constant 0 : i32
        %dma_start3A_1576 = tpu.memref_slice %arg7[%dma_start3A_1570, %dma_start3A_1575] : memref<10x80xi32, #tpu.memory_space<vmem>> -> memref<1x80xi32, #tpu.memory_space<vmem>>
        %dma_start3A_1577 = tpu.memref_squeeze %dma_start3A_1576 : memref<1x80xi32, #tpu.memory_space<vmem>> -> memref<80xi32, #tpu.memory_space<vmem>>
        %dma_start3A_1578 = arith.constant 0 : i32
        %dma_start3A_1579 = arith.constant 0 : i32
        %dma_start3A_1580 = tpu.memref_slice %arg10[%dma_start3A_1578, %dma_start3A_1579] : memref<10240x64xf32, #tpu.memory_space<vmem_shared>> -> memref<10240x64xf32, #tpu.memory_space<vmem_shared>>
        tpu.enqueue_indirect_dma source(%dma_start3A_1574 : memref<80x64xf32, #tpu.memory_space<vmem>>) target(%dma_start3A_1580 : memref<10240x64xf32, #tpu.memory_space<vmem_shared>>) offsets(%dma_start3A_1577 : memref<80xi32, #tpu.memory_space<vmem>>) semaphore(%arg13 : memref<!tpu.dma_semaphore, #tpu.memory_space<semaphore_mem>>) {add = true}
        %dma_start3A_1581 = arith.constant 1 : i32
        %dma_start3A_1582 = arith.constant 1 : i32
        %dma_start3A_1583 = arith.constant 0 : i32
        %dma_start3A_1584 = arith.constant 0 : i32
        %dma_start3A_1585 = tpu.memref_slice %arg8[%dma_start3A_1581, %dma_start3A_1583, %dma_start3A_1584] : memref<10x80x64xf32, #tpu.memory_space<vmem>> -> memref<1x80x64xf32, #tpu.memory_space<vmem>>
        %dma_start3A_1586 = tpu.memref_squeeze %dma_start3A_1585 : memref<1x80x64xf32, #tpu.memory_space<vmem>> -> memref<80x64xf32, #tpu.memory_space<vmem>>
        %dma_start3A_1587 = arith.constant 0 : i32
        %dma_start3A_1588 = tpu.memref_slice %arg7[%dma_start3A_1582, %dma_start3A_1587] : memref<10x80xi32, #tpu.memory_space<vmem>> -> memref<1x80xi32, #tpu.memory_space<vmem>>
        %dma_start3A_1589 = tpu.memref_squeeze %dma_start3A_1588 : memref<1x80xi32, #tpu.memory_space<vmem>> -> memref<80xi32, #tpu.memory_space<vmem>>
        %dma_start3A_1590 = arith.constant 0 : i32
        %dma_start3A_1591 = arith.constant 0 : i32
        %dma_start3A_1592 = tpu.memref_slice %arg10[%dma_start3A_1590, %dma_start3A_1591] : memref<10240x64xf32, #tpu.memory_space<vmem_shared>> -> memref<10240x64xf32, #tpu.memory_space<vmem_shared>>
        tpu.enqueue_indirect_dma source(%dma_start3A_1586 : memref<80x64xf32, #tpu.memory_space<vmem>>) target(%dma_start3A_1592 : memref<10240x64xf32, #tpu.memory_space<vmem_shared>>) offsets(%dma_start3A_1589 : memref<80xi32, #tpu.memory_space<vmem>>) semaphore(%arg13 : memref<!tpu.dma_semaphore, #tpu.memory_space<semaphore_mem>>) {add = true}
        %dma_start3A_1593 = arith.constant 2 : i32
        %dma_start3A_1594 = arith.constant 2 : i32
        %dma_start3A_1595 = arith.constant 0 : i32
        %dma_start3A_1596 = arith.constant 0 : i32
        %dma_start3A_1597 = tpu.memref_slice %arg8[%dma_start3A_1593, %dma_start3A_1595, %dma_start3A_1596] : memref<10x80x64xf32, #tpu.memory_space<vmem>> -> memref<1x80x64xf32, #tpu.memory_space<vmem>>
        %dma_start3A_1598 = tpu.memref_squeeze %dma_start3A_1597 : memref<1x80x64xf32, #tpu.memory_space<vmem>> -> memref<80x64xf32, #tpu.memory_space<vmem>>
        %dma_start3A_1599 = arith.constant 0 : i32
        %dma_start3A_1600 = tpu.memref_slice %arg7[%dma_start3A_1594, %dma_start3A_1599] : memref<10x80xi32, #tpu.memory_space<vmem>> -> memref<1x80xi32, #tpu.memory_space<vmem>>
        %dma_start3A_1601 = tpu.memref_squeeze %dma_start3A_1600 : memref<1x80xi32, #tpu.memory_space<vmem>> -> memref<80xi32, #tpu.memory_space<vmem>>
        %dma_start3A_1602 = arith.constant 0 : i32
        %dma_start3A_1603 = arith.constant 0 : i32
        %dma_start3A_1604 = tpu.memref_slice %arg10[%dma_start3A_1602, %dma_start3A_1603] : memref<10240x64xf32, #tpu.memory_space<vmem_shared>> -> memref<10240x64xf32, #tpu.memory_space<vmem_shared>>
        tpu.enqueue_indirect_dma source(%dma_start3A_1598 : memref<80x64xf32, #tpu.memory_space<vmem>>) target(%dma_start3A_1604 : memref<10240x64xf32, #tpu.memory_space<vmem_shared>>) offsets(%dma_start3A_1601 : memref<80xi32, #tpu.memory_space<vmem>>) semaphore(%arg13 : memref<!tpu.dma_semaphore, #tpu.memory_space<semaphore_mem>>) {add = true}
        %dma_start3A_1605 = arith.constant 3 : i32
        %dma_start3A_1606 = arith.constant 3 : i32
        %dma_start3A_1607 = arith.constant 0 : i32
        %dma_start3A_1608 = arith.constant 0 : i32
        %dma_start3A_1609 = tpu.memref_slice %arg8[%dma_start3A_1605, %dma_start3A_1607, %dma_start3A_1608] : memref<10x80x64xf32, #tpu.memory_space<vmem>> -> memref<1x80x64xf32, #tpu.memory_space<vmem>>
        %dma_start3A_1610 = tpu.memref_squeeze %dma_start3A_1609 : memref<1x80x64xf32, #tpu.memory_space<vmem>> -> memref<80x64xf32, #tpu.memory_space<vmem>>
        %dma_start3A_1611 = arith.constant 0 : i32
        %dma_start3A_1612 = tpu.memref_slice %arg7[%dma_start3A_1606, %dma_start3A_1611] : memref<10x80xi32, #tpu.memory_space<vmem>> -> memref<1x80xi32, #tpu.memory_space<vmem>>
        %dma_start3A_1613 = tpu.memref_squeeze %dma_start3A_1612 : memref<1x80xi32, #tpu.memory_space<vmem>> -> memref<80xi32, #tpu.memory_space<vmem>>
        %dma_start3A_1614 = arith.constant 0 : i32
        %dma_start3A_1615 = arith.constant 0 : i32
        %dma_start3A_1616 = tpu.memref_slice %arg10[%dma_start3A_1614, %dma_start3A_1615] : memref<10240x64xf32, #tpu.memory_space<vmem_shared>> -> memref<10240x64xf32, #tpu.memory_space<vmem_shared>>
        tpu.enqueue_indirect_dma source(%dma_start3A_1610 : memref<80x64xf32, #tpu.memory_space<vmem>>) target(%dma_start3A_1616 : memref<10240x64xf32, #tpu.memory_space<vmem_shared>>) offsets(%dma_start3A_1613 : memref<80xi32, #tpu.memory_space<vmem>>) semaphore(%arg13 : memref<!tpu.dma_semaphore, #tpu.memory_space<semaphore_mem>>) {add = true}
        %dma_start3A_1617 = arith.constant 4 : i32
        %dma_start3A_1618 = arith.constant 4 : i32
        %dma_start3A_1619 = arith.constant 0 : i32
        %dma_start3A_1620 = arith.constant 0 : i32
        %dma_start3A_1621 = tpu.memref_slice %arg8[%dma_start3A_1617, %dma_start3A_1619, %dma_start3A_1620] : memref<10x80x64xf32, #tpu.memory_space<vmem>> -> memref<1x80x64xf32, #tpu.memory_space<vmem>>
        %dma_start3A_1622 = tpu.memref_squeeze %dma_start3A_1621 : memref<1x80x64xf32, #tpu.memory_space<vmem>> -> memref<80x64xf32, #tpu.memory_space<vmem>>
        %dma_start3A_1623 = arith.constant 0 : i32
        %dma_start3A_1624 = tpu.memref_slice %arg7[%dma_start3A_1618, %dma_start3A_1623] : memref<10x80xi32, #tpu.memory_space<vmem>> -> memref<1x80xi32, #tpu.memory_space<vmem>>
        %dma_start3A_1625 = tpu.memref_squeeze %dma_start3A_1624 : memref<1x80xi32, #tpu.memory_space<vmem>> -> memref<80xi32, #tpu.memory_space<vmem>>
        %dma_start3A_1626 = arith.constant 0 : i32
        %dma_start3A_1627 = arith.constant 0 : i32
        %dma_start3A_1628 = tpu.memref_slice %arg10[%dma_start3A_1626, %dma_start3A_1627] : memref<10240x64xf32, #tpu.memory_space<vmem_shared>> -> memref<10240x64xf32, #tpu.memory_space<vmem_shared>>
        tpu.enqueue_indirect_dma source(%dma_start3A_1622 : memref<80x64xf32, #tpu.memory_space<vmem>>) target(%dma_start3A_1628 : memref<10240x64xf32, #tpu.memory_space<vmem_shared>>) offsets(%dma_start3A_1625 : memref<80xi32, #tpu.memory_space<vmem>>) semaphore(%arg13 : memref<!tpu.dma_semaphore, #tpu.memory_space<semaphore_mem>>) {add = true}
        %mul3A_1629 = arith.constant 5 : i32
        %mul3A_1630 = arith.muli %add3A_1488, %mul3A_1629 : i32
        %add3A_1631 = arith.constant 0 : i32
        %add3A_1632 = arith.addi %mul3A_1630, %add3A_1631 : i32
        %get3A_1633 = arith.index_cast %add3A_1632 : i32 to index
        %get3A_1634 = arith.constant 0 : index
        %get3A_1635 = tpu.vector_load %arg5[%get3A_1633, %get3A_1634] {strides = array<i32>} : memref<250x80xi32, #tpu.memory_space<vmem>>, vector<16xi32>,
        %shift_right_logical3A_1636 = arith.constant 16 : i32
        %shift_right_logical3A_1637 = vector.broadcast %shift_right_logical3A_1636 : i32 to vector<16xi32>
        %shift_right_logical3A_1638 = arith.shrui %get3A_1635, %shift_right_logical3A_1637 : vector<16xi32>
        %swap3A_1639 = arith.constant 5 : i32
        %swap3A_1640 = arith.index_cast %swap3A_1639 : i32 to index
        %swap3A_1641 = arith.constant 0 : index
        %swap3A_1642 = tpu.vector_load %arg6[%swap3A_1640, %swap3A_1641] {strides = array<i32>} : memref<10x80xi32, #tpu.memory_space<vmem>>, vector<16xi32>,
        tpu.vector_store %arg6[%swap3A_1640, %swap3A_1641], %shift_right_logical3A_1638 {strides = array<i32>} : memref<10x80xi32, #tpu.memory_space<vmem>>, vector<16xi32>,
        %and3A_1643 = arith.constant 65535 : i32
        %and3A_1644 = vector.broadcast %and3A_1643 : i32 to vector<16xi32>
        %and3A_1645 = arith.andi %get3A_1635, %and3A_1644 : vector<16xi32>
        %swap3A_1646 = arith.constant 5 : i32
        %swap3A_1647 = arith.index_cast %swap3A_1646 : i32 to index
        %swap3A_1648 = arith.constant 0 : index
        %swap3A_1649 = tpu.vector_load %arg7[%swap3A_1647, %swap3A_1648] {strides = array<i32>} : memref<10x80xi32, #tpu.memory_space<vmem>>, vector<16xi32>,
        tpu.vector_store %arg7[%swap3A_1647, %swap3A_1648], %and3A_1645 {strides = array<i32>} : memref<10x80xi32, #tpu.memory_space<vmem>>, vector<16xi32>,
        %get3A_1650 = arith.index_cast %add3A_1632 : i32 to index
        %get3A_1651 = arith.constant 16 : index
        %get3A_1652 = tpu.vector_load %arg5[%get3A_1650, %get3A_1651] {strides = array<i32>} : memref<250x80xi32, #tpu.memory_space<vmem>>, vector<16xi32>,
        %shift_right_logical3A_1653 = arith.constant 16 : i32
        %shift_right_logical3A_1654 = vector.broadcast %shift_right_logical3A_1653 : i32 to vector<16xi32>
        %shift_right_logical3A_1655 = arith.shrui %get3A_1652, %shift_right_logical3A_1654 : vector<16xi32>
        %swap3A_1656 = arith.constant 5 : i32
        %swap3A_1657 = arith.index_cast %swap3A_1656 : i32 to index
        %swap3A_1658 = arith.constant 16 : index
        %swap3A_1659 = tpu.vector_load %arg6[%swap3A_1657, %swap3A_1658] {strides = array<i32>} : memref<10x80xi32, #tpu.memory_space<vmem>>, vector<16xi32>,
        tpu.vector_store %arg6[%swap3A_1657, %swap3A_1658], %shift_right_logical3A_1655 {strides = array<i32>} : memref<10x80xi32, #tpu.memory_space<vmem>>, vector<16xi32>,
        %and3A_1660 = arith.constant 65535 : i32
        %and3A_1661 = vector.broadcast %and3A_1660 : i32 to vector<16xi32>
        %and3A_1662 = arith.andi %get3A_1652, %and3A_1661 : vector<16xi32>
        %swap3A_1663 = arith.constant 5 : i32
        %swap3A_1664 = arith.index_cast %swap3A_1663 : i32 to index
        %swap3A_1665 = arith.constant 16 : index
        %swap3A_1666 = tpu.vector_load %arg7[%swap3A_1664, %swap3A_1665] {strides = array<i32>} : memref<10x80xi32, #tpu.memory_space<vmem>>, vector<16xi32>,
        tpu.vector_store %arg7[%swap3A_1664, %swap3A_1665], %and3A_1662 {strides = array<i32>} : memref<10x80xi32, #tpu.memory_space<vmem>>, vector<16xi32>,
        %get3A_1667 = arith.index_cast %add3A_1632 : i32 to index
        %get3A_1668 = arith.constant 32 : index
        %get3A_1669 = tpu.vector_load %arg5[%get3A_1667, %get3A_1668] {strides = array<i32>} : memref<250x80xi32, #tpu.memory_space<vmem>>, vector<16xi32>,
        %shift_right_logical3A_1670 = arith.constant 16 : i32
        %shift_right_logical3A_1671 = vector.broadcast %shift_right_logical3A_1670 : i32 to vector<16xi32>
        %shift_right_logical3A_1672 = arith.shrui %get3A_1669, %shift_right_logical3A_1671 : vector<16xi32>
        %swap3A_1673 = arith.constant 5 : i32
        %swap3A_1674 = arith.index_cast %swap3A_1673 : i32 to index
        %swap3A_1675 = arith.constant 32 : index
        %swap3A_1676 = tpu.vector_load %arg6[%swap3A_1674, %swap3A_1675] {strides = array<i32>} : memref<10x80xi32, #tpu.memory_space<vmem>>, vector<16xi32>,
        tpu.vector_store %arg6[%swap3A_1674, %swap3A_1675], %shift_right_logical3A_1672 {strides = array<i32>} : memref<10x80xi32, #tpu.memory_space<vmem>>, vector<16xi32>,
        %and3A_1677 = arith.constant 65535 : i32
        %and3A_1678 = vector.broadcast %and3A_1677 : i32 to vector<16xi32>
        %and3A_1679 = arith.andi %get3A_1669, %and3A_1678 : vector<16xi32>
        %swap3A_1680 = arith.constant 5 : i32
        %swap3A_1681 = arith.index_cast %swap3A_1680 : i32 to index
        %swap3A_1682 = arith.constant 32 : index
        %swap3A_1683 = tpu.vector_load %arg7[%swap3A_1681, %swap3A_1682] {strides = array<i32>} : memref<10x80xi32, #tpu.memory_space<vmem>>, vector<16xi32>,
        tpu.vector_store %arg7[%swap3A_1681, %swap3A_1682], %and3A_1679 {strides = array<i32>} : memref<10x80xi32, #tpu.memory_space<vmem>>, vector<16xi32>,
        %get3A_1684 = arith.index_cast %add3A_1632 : i32 to index
        %get3A_1685 = arith.constant 48 : index
        %get3A_1686 = tpu.vector_load %arg5[%get3A_1684, %get3A_1685] {strides = array<i32>} : memref<250x80xi32, #tpu.memory_space<vmem>>, vector<16xi32>,
        %shift_right_logical3A_1687 = arith.constant 16 : i32
        %shift_right_logical3A_1688 = vector.broadcast %shift_right_logical3A_1687 : i32 to vector<16xi32>
        %shift_right_logical3A_1689 = arith.shrui %get3A_1686, %shift_right_logical3A_1688 : vector<16xi32>
        %swap3A_1690 = arith.constant 5 : i32
        %swap3A_1691 = arith.index_cast %swap3A_1690 : i32 to index
        %swap3A_1692 = arith.constant 48 : index
        %swap3A_1693 = tpu.vector_load %arg6[%swap3A_1691, %swap3A_1692] {strides = array<i32>} : memref<10x80xi32, #tpu.memory_space<vmem>>, vector<16xi32>,
        tpu.vector_store %arg6[%swap3A_1691, %swap3A_1692], %shift_right_logical3A_1689 {strides = array<i32>} : memref<10x80xi32, #tpu.memory_space<vmem>>, vector<16xi32>,
        %and3A_1694 = arith.constant 65535 : i32
        %and3A_1695 = vector.broadcast %and3A_1694 : i32 to vector<16xi32>
        %and3A_1696 = arith.andi %get3A_1686, %and3A_1695 : vector<16xi32>
        %swap3A_1697 = arith.constant 5 : i32
        %swap3A_1698 = arith.index_cast %swap3A_1697 : i32 to index
        %swap3A_1699 = arith.constant 48 : index
        %swap3A_1700 = tpu.vector_load %arg7[%swap3A_1698, %swap3A_1699] {strides = array<i32>} : memref<10x80xi32, #tpu.memory_space<vmem>>, vector<16xi32>,
        tpu.vector_store %arg7[%swap3A_1698, %swap3A_1699], %and3A_1696 {strides = array<i32>} : memref<10x80xi32, #tpu.memory_space<vmem>>, vector<16xi32>,
        %get3A_1701 = arith.index_cast %add3A_1632 : i32 to index
        %get3A_1702 = arith.constant 64 : index
        %get3A_1703 = tpu.vector_load %arg5[%get3A_1701, %get3A_1702] {strides = array<i32>} : memref<250x80xi32, #tpu.memory_space<vmem>>, vector<16xi32>,
        %shift_right_logical3A_1704 = arith.constant 16 : i32
        %shift_right_logical3A_1705 = vector.broadcast %shift_right_logical3A_1704 : i32 to vector<16xi32>
        %shift_right_logical3A_1706 = arith.shrui %get3A_1703, %shift_right_logical3A_1705 : vector<16xi32>
        %swap3A_1707 = arith.constant 5 : i32
        %swap3A_1708 = arith.index_cast %swap3A_1707 : i32 to index
        %swap3A_1709 = arith.constant 64 : index
        %swap3A_1710 = tpu.vector_load %arg6[%swap3A_1708, %swap3A_1709] {strides = array<i32>} : memref<10x80xi32, #tpu.memory_space<vmem>>, vector<16xi32>,
        tpu.vector_store %arg6[%swap3A_1708, %swap3A_1709], %shift_right_logical3A_1706 {strides = array<i32>} : memref<10x80xi32, #tpu.memory_space<vmem>>, vector<16xi32>,
        %and3A_1711 = arith.constant 65535 : i32
        %and3A_1712 = vector.broadcast %and3A_1711 : i32 to vector<16xi32>
        %and3A_1713 = arith.andi %get3A_1703, %and3A_1712 : vector<16xi32>
        %swap3A_1714 = arith.constant 5 : i32
        %swap3A_1715 = arith.index_cast %swap3A_1714 : i32 to index
        %swap3A_1716 = arith.constant 64 : index
        %swap3A_1717 = tpu.vector_load %arg7[%swap3A_1715, %swap3A_1716] {strides = array<i32>} : memref<10x80xi32, #tpu.memory_space<vmem>>, vector<16xi32>,
        tpu.vector_store %arg7[%swap3A_1715, %swap3A_1716], %and3A_1713 {strides = array<i32>} : memref<10x80xi32, #tpu.memory_space<vmem>>, vector<16xi32>,
        %dma_start3A_1718 = arith.constant 5 : i32
        %dma_start3A_1719 = arith.constant 5 : i32
        %dma_start3A_1720 = arith.constant 0 : i32
        %dma_start3A_1721 = arith.constant 0 : i32
        %dma_start3A_1722 = tpu.memref_slice %arg8[%dma_start3A_1719, %dma_start3A_1720, %dma_start3A_1721] : memref<10x80x64xf32, #tpu.memory_space<vmem>> -> memref<1x80x64xf32, #tpu.memory_space<vmem>>
        %dma_start3A_1723 = tpu.memref_squeeze %dma_start3A_1722 : memref<1x80x64xf32, #tpu.memory_space<vmem>> -> memref<80x64xf32, #tpu.memory_space<vmem>>
        %dma_start3A_1724 = arith.constant 0 : i32
        %dma_start3A_1725 = tpu.memref_slice %arg6[%dma_start3A_1718, %dma_start3A_1724] : memref<10x80xi32, #tpu.memory_space<vmem>> -> memref<1x80xi32, #tpu.memory_space<vmem>>
        %dma_start3A_1726 = tpu.memref_squeeze %dma_start3A_1725 : memref<1x80xi32, #tpu.memory_space<vmem>> -> memref<80xi32, #tpu.memory_space<vmem>>
        %dma_start3A_1727 = arith.constant 0 : i32
        %dma_start3A_1728 = arith.constant 0 : i32
        %dma_start3A_1729 = tpu.memref_slice %arg2[%add3A_11, %dma_start3A_1727, %dma_start3A_1728] : memref<4x10240x64xf32, #tpu.memory_space<hbm>> -> memref<1x10240x64xf32, #tpu.memory_space<hbm>>
        %dma_start3A_1730 = tpu.memref_squeeze %dma_start3A_1729 : memref<1x10240x64xf32, #tpu.memory_space<hbm>> -> memref<10240x64xf32, #tpu.memory_space<hbm>>
        %dma_start3A_1731 = arith.constant 0 : i32
        %dma_start3A_1732 = arith.constant 0 : i32
        %dma_start3A_1733 = tpu.memref_slice %dma_start3A_1730[%dma_start3A_1731, %dma_start3A_1732] : memref<10240x64xf32, #tpu.memory_space<hbm>> -> memref<10240x64xf32, #tpu.memory_space<hbm>>
        tpu.enqueue_indirect_dma source(%dma_start3A_1733 : memref<10240x64xf32, #tpu.memory_space<hbm>>) target(%dma_start3A_1723 : memref<80x64xf32, #tpu.memory_space<vmem>>) offsets(%dma_start3A_1726 : memref<80xi32, #tpu.memory_space<vmem>>) semaphore(%arg12 : memref<!tpu.dma_semaphore, #tpu.memory_space<semaphore_mem>>)
        %mul3A_1734 = arith.constant 5 : i32
        %mul3A_1735 = arith.muli %add3A_1488, %mul3A_1734 : i32
        %add3A_1736 = arith.constant 1 : i32
        %add3A_1737 = arith.addi %mul3A_1735, %add3A_1736 : i32
        %get3A_1738 = arith.index_cast %add3A_1737 : i32 to index
        %get3A_1739 = arith.constant 0 : index
        %get3A_1740 = tpu.vector_load %arg5[%get3A_1738, %get3A_1739] {strides = array<i32>} : memref<250x80xi32, #tpu.memory_space<vmem>>, vector<16xi32>,
        %shift_right_logical3A_1741 = arith.constant 16 : i32
        %shift_right_logical3A_1742 = vector.broadcast %shift_right_logical3A_1741 : i32 to vector<16xi32>
        %shift_right_logical3A_1743 = arith.shrui %get3A_1740, %shift_right_logical3A_1742 : vector<16xi32>
        %swap3A_1744 = arith.constant 6 : i32
        %swap3A_1745 = arith.index_cast %swap3A_1744 : i32 to index
        %swap3A_1746 = arith.constant 0 : index
        %swap3A_1747 = tpu.vector_load %arg6[%swap3A_1745, %swap3A_1746] {strides = array<i32>} : memref<10x80xi32, #tpu.memory_space<vmem>>, vector<16xi32>,
        tpu.vector_store %arg6[%swap3A_1745, %swap3A_1746], %shift_right_logical3A_1743 {strides = array<i32>} : memref<10x80xi32, #tpu.memory_space<vmem>>, vector<16xi32>,
        %and3A_1748 = arith.constant 65535 : i32
        %and3A_1749 = vector.broadcast %and3A_1748 : i32 to vector<16xi32>
        %and3A_1750 = arith.andi %get3A_1740, %and3A_1749 : vector<16xi32>
        %swap3A_1751 = arith.constant 6 : i32
        %swap3A_1752 = arith.index_cast %swap3A_1751 : i32 to index
        %swap3A_1753 = arith.constant 0 : index
        %swap3A_1754 = tpu.vector_load %arg7[%swap3A_1752, %swap3A_1753] {strides = array<i32>} : memref<10x80xi32, #tpu.memory_space<vmem>>, vector<16xi32>,
        tpu.vector_store %arg7[%swap3A_1752, %swap3A_1753], %and3A_1750 {strides = array<i32>} : memref<10x80xi32, #tpu.memory_space<vmem>>, vector<16xi32>,
        %get3A_1755 = arith.index_cast %add3A_1737 : i32 to index
        %get3A_1756 = arith.constant 16 : index
        %get3A_1757 = tpu.vector_load %arg5[%get3A_1755, %get3A_1756] {strides = array<i32>} : memref<250x80xi32, #tpu.memory_space<vmem>>, vector<16xi32>,
        %shift_right_logical3A_1758 = arith.constant 16 : i32
        %shift_right_logical3A_1759 = vector.broadcast %shift_right_logical3A_1758 : i32 to vector<16xi32>
        %shift_right_logical3A_1760 = arith.shrui %get3A_1757, %shift_right_logical3A_1759 : vector<16xi32>
        %swap3A_1761 = arith.constant 6 : i32
        %swap3A_1762 = arith.index_cast %swap3A_1761 : i32 to index
        %swap3A_1763 = arith.constant 16 : index
        %swap3A_1764 = tpu.vector_load %arg6[%swap3A_1762, %swap3A_1763] {strides = array<i32>} : memref<10x80xi32, #tpu.memory_space<vmem>>, vector<16xi32>,
        tpu.vector_store %arg6[%swap3A_1762, %swap3A_1763], %shift_right_logical3A_1760 {strides = array<i32>} : memref<10x80xi32, #tpu.memory_space<vmem>>, vector<16xi32>,
        %and3A_1765 = arith.constant 65535 : i32
        %and3A_1766 = vector.broadcast %and3A_1765 : i32 to vector<16xi32>
        %and3A_1767 = arith.andi %get3A_1757, %and3A_1766 : vector<16xi32>
        %swap3A_1768 = arith.constant 6 : i32
        %swap3A_1769 = arith.index_cast %swap3A_1768 : i32 to index
        %swap3A_1770 = arith.constant 16 : index
        %swap3A_1771 = tpu.vector_load %arg7[%swap3A_1769, %swap3A_1770] {strides = array<i32>} : memref<10x80xi32, #tpu.memory_space<vmem>>, vector<16xi32>,
        tpu.vector_store %arg7[%swap3A_1769, %swap3A_1770], %and3A_1767 {strides = array<i32>} : memref<10x80xi32, #tpu.memory_space<vmem>>, vector<16xi32>,
        %get3A_1772 = arith.index_cast %add3A_1737 : i32 to index
        %get3A_1773 = arith.constant 32 : index
        %get3A_1774 = tpu.vector_load %arg5[%get3A_1772, %get3A_1773] {strides = array<i32>} : memref<250x80xi32, #tpu.memory_space<vmem>>, vector<16xi32>,
        %shift_right_logical3A_1775 = arith.constant 16 : i32
        %shift_right_logical3A_1776 = vector.broadcast %shift_right_logical3A_1775 : i32 to vector<16xi32>
        %shift_right_logical3A_1777 = arith.shrui %get3A_1774, %shift_right_logical3A_1776 : vector<16xi32>
        %swap3A_1778 = arith.constant 6 : i32
        %swap3A_1779 = arith.index_cast %swap3A_1778 : i32 to index
        %swap3A_1780 = arith.constant 32 : index
        %swap3A_1781 = tpu.vector_load %arg6[%swap3A_1779, %swap3A_1780] {strides = array<i32>} : memref<10x80xi32, #tpu.memory_space<vmem>>, vector<16xi32>,
        tpu.vector_store %arg6[%swap3A_1779, %swap3A_1780], %shift_right_logical3A_1777 {strides = array<i32>} : memref<10x80xi32, #tpu.memory_space<vmem>>, vector<16xi32>,
        %and3A_1782 = arith.constant 65535 : i32
        %and3A_1783 = vector.broadcast %and3A_1782 : i32 to vector<16xi32>
        %and3A_1784 = arith.andi %get3A_1774, %and3A_1783 : vector<16xi32>
        %swap3A_1785 = arith.constant 6 : i32
        %swap3A_1786 = arith.index_cast %swap3A_1785 : i32 to index
        %swap3A_1787 = arith.constant 32 : index
        %swap3A_1788 = tpu.vector_load %arg7[%swap3A_1786, %swap3A_1787] {strides = array<i32>} : memref<10x80xi32, #tpu.memory_space<vmem>>, vector<16xi32>,
        tpu.vector_store %arg7[%swap3A_1786, %swap3A_1787], %and3A_1784 {strides = array<i32>} : memref<10x80xi32, #tpu.memory_space<vmem>>, vector<16xi32>,
        %get3A_1789 = arith.index_cast %add3A_1737 : i32 to index
        %get3A_1790 = arith.constant 48 : index
        %get3A_1791 = tpu.vector_load %arg5[%get3A_1789, %get3A_1790] {strides = array<i32>} : memref<250x80xi32, #tpu.memory_space<vmem>>, vector<16xi32>,
        %shift_right_logical3A_1792 = arith.constant 16 : i32
        %shift_right_logical3A_1793 = vector.broadcast %shift_right_logical3A_1792 : i32 to vector<16xi32>
        %shift_right_logical3A_1794 = arith.shrui %get3A_1791, %shift_right_logical3A_1793 : vector<16xi32>
        %swap3A_1795 = arith.constant 6 : i32
        %swap3A_1796 = arith.index_cast %swap3A_1795 : i32 to index
        %swap3A_1797 = arith.constant 48 : index
        %swap3A_1798 = tpu.vector_load %arg6[%swap3A_1796, %swap3A_1797] {strides = array<i32>} : memref<10x80xi32, #tpu.memory_space<vmem>>, vector<16xi32>,
        tpu.vector_store %arg6[%swap3A_1796, %swap3A_1797], %shift_right_logical3A_1794 {strides = array<i32>} : memref<10x80xi32, #tpu.memory_space<vmem>>, vector<16xi32>,
        %and3A_1799 = arith.constant 65535 : i32
        %and3A_1800 = vector.broadcast %and3A_1799 : i32 to vector<16xi32>
        %and3A_1801 = arith.andi %get3A_1791, %and3A_1800 : vector<16xi32>
        %swap3A_1802 = arith.constant 6 : i32
        %swap3A_1803 = arith.index_cast %swap3A_1802 : i32 to index
        %swap3A_1804 = arith.constant 48 : index
        %swap3A_1805 = tpu.vector_load %arg7[%swap3A_1803, %swap3A_1804] {strides = array<i32>} : memref<10x80xi32, #tpu.memory_space<vmem>>, vector<16xi32>,
        tpu.vector_store %arg7[%swap3A_1803, %swap3A_1804], %and3A_1801 {strides = array<i32>} : memref<10x80xi32, #tpu.memory_space<vmem>>, vector<16xi32>,
        %get3A_1806 = arith.index_cast %add3A_1737 : i32 to index
        %get3A_1807 = arith.constant 64 : index
        %get3A_1808 = tpu.vector_load %arg5[%get3A_1806, %get3A_1807] {strides = array<i32>} : memref<250x80xi32, #tpu.memory_space<vmem>>, vector<16xi32>,
        %shift_right_logical3A_1809 = arith.constant 16 : i32
        %shift_right_logical3A_1810 = vector.broadcast %shift_right_logical3A_1809 : i32 to vector<16xi32>
        %shift_right_logical3A_1811 = arith.shrui %get3A_1808, %shift_right_logical3A_1810 : vector<16xi32>
        %swap3A_1812 = arith.constant 6 : i32
        %swap3A_1813 = arith.index_cast %swap3A_1812 : i32 to index
        %swap3A_1814 = arith.constant 64 : index
        %swap3A_1815 = tpu.vector_load %arg6[%swap3A_1813, %swap3A_1814] {strides = array<i32>} : memref<10x80xi32, #tpu.memory_space<vmem>>, vector<16xi32>,
        tpu.vector_store %arg6[%swap3A_1813, %swap3A_1814], %shift_right_logical3A_1811 {strides = array<i32>} : memref<10x80xi32, #tpu.memory_space<vmem>>, vector<16xi32>,
        %and3A_1816 = arith.constant 65535 : i32
        %and3A_1817 = vector.broadcast %and3A_1816 : i32 to vector<16xi32>
        %and3A_1818 = arith.andi %get3A_1808, %and3A_1817 : vector<16xi32>
        %swap3A_1819 = arith.constant 6 : i32
        %swap3A_1820 = arith.index_cast %swap3A_1819 : i32 to index
        %swap3A_1821 = arith.constant 64 : index
        %swap3A_1822 = tpu.vector_load %arg7[%swap3A_1820, %swap3A_1821] {strides = array<i32>} : memref<10x80xi32, #tpu.memory_space<vmem>>, vector<16xi32>,
        tpu.vector_store %arg7[%swap3A_1820, %swap3A_1821], %and3A_1818 {strides = array<i32>} : memref<10x80xi32, #tpu.memory_space<vmem>>, vector<16xi32>,
        %dma_start3A_1823 = arith.constant 6 : i32
        %dma_start3A_1824 = arith.constant 6 : i32
        %dma_start3A_1825 = arith.constant 0 : i32
        %dma_start3A_1826 = arith.constant 0 : i32
        %dma_start3A_1827 = tpu.memref_slice %arg8[%dma_start3A_1824, %dma_start3A_1825, %dma_start3A_1826] : memref<10x80x64xf32, #tpu.memory_space<vmem>> -> memref<1x80x64xf32, #tpu.memory_space<vmem>>
        %dma_start3A_1828 = tpu.memref_squeeze %dma_start3A_1827 : memref<1x80x64xf32, #tpu.memory_space<vmem>> -> memref<80x64xf32, #tpu.memory_space<vmem>>
        %dma_start3A_1829 = arith.constant 0 : i32
        %dma_start3A_1830 = tpu.memref_slice %arg6[%dma_start3A_1823, %dma_start3A_1829] : memref<10x80xi32, #tpu.memory_space<vmem>> -> memref<1x80xi32, #tpu.memory_space<vmem>>
        %dma_start3A_1831 = tpu.memref_squeeze %dma_start3A_1830 : memref<1x80xi32, #tpu.memory_space<vmem>> -> memref<80xi32, #tpu.memory_space<vmem>>
        %dma_start3A_1832 = arith.constant 0 : i32
        %dma_start3A_1833 = arith.constant 0 : i32
        %dma_start3A_1834 = tpu.memref_slice %arg2[%add3A_11, %dma_start3A_1832, %dma_start3A_1833] : memref<4x10240x64xf32, #tpu.memory_space<hbm>> -> memref<1x10240x64xf32, #tpu.memory_space<hbm>>
        %dma_start3A_1835 = tpu.memref_squeeze %dma_start3A_1834 : memref<1x10240x64xf32, #tpu.memory_space<hbm>> -> memref<10240x64xf32, #tpu.memory_space<hbm>>
        %dma_start3A_1836 = arith.constant 0 : i32
        %dma_start3A_1837 = arith.constant 0 : i32
        %dma_start3A_1838 = tpu.memref_slice %dma_start3A_1835[%dma_start3A_1836, %dma_start3A_1837] : memref<10240x64xf32, #tpu.memory_space<hbm>> -> memref<10240x64xf32, #tpu.memory_space<hbm>>
        tpu.enqueue_indirect_dma source(%dma_start3A_1838 : memref<10240x64xf32, #tpu.memory_space<hbm>>) target(%dma_start3A_1828 : memref<80x64xf32, #tpu.memory_space<vmem>>) offsets(%dma_start3A_1831 : memref<80xi32, #tpu.memory_space<vmem>>) semaphore(%arg12 : memref<!tpu.dma_semaphore, #tpu.memory_space<semaphore_mem>>)
        %mul3A_1839 = arith.constant 5 : i32
        %mul3A_1840 = arith.muli %add3A_1488, %mul3A_1839 : i32
        %add3A_1841 = arith.constant 2 : i32
        %add3A_1842 = arith.addi %mul3A_1840, %add3A_1841 : i32
        %get3A_1843 = arith.index_cast %add3A_1842 : i32 to index
        %get3A_1844 = arith.constant 0 : index
        %get3A_1845 = tpu.vector_load %arg5[%get3A_1843, %get3A_1844] {strides = array<i32>} : memref<250x80xi32, #tpu.memory_space<vmem>>, vector<16xi32>,
        %shift_right_logical3A_1846 = arith.constant 16 : i32
        %shift_right_logical3A_1847 = vector.broadcast %shift_right_logical3A_1846 : i32 to vector<16xi32>
        %shift_right_logical3A_1848 = arith.shrui %get3A_1845, %shift_right_logical3A_1847 : vector<16xi32>
        %swap3A_1849 = arith.constant 7 : i32
        %swap3A_1850 = arith.index_cast %swap3A_1849 : i32 to index
        %swap3A_1851 = arith.constant 0 : index
        %swap3A_1852 = tpu.vector_load %arg6[%swap3A_1850, %swap3A_1851] {strides = array<i32>} : memref<10x80xi32, #tpu.memory_space<vmem>>, vector<16xi32>,
        tpu.vector_store %arg6[%swap3A_1850, %swap3A_1851], %shift_right_logical3A_1848 {strides = array<i32>} : memref<10x80xi32, #tpu.memory_space<vmem>>, vector<16xi32>,
        %and3A_1853 = arith.constant 65535 : i32
        %and3A_1854 = vector.broadcast %and3A_1853 : i32 to vector<16xi32>
        %and3A_1855 = arith.andi %get3A_1845, %and3A_1854 : vector<16xi32>
        %swap3A_1856 = arith.constant 7 : i32
        %swap3A_1857 = arith.index_cast %swap3A_1856 : i32 to index
        %swap3A_1858 = arith.constant 0 : index
        %swap3A_1859 = tpu.vector_load %arg7[%swap3A_1857, %swap3A_1858] {strides = array<i32>} : memref<10x80xi32, #tpu.memory_space<vmem>>, vector<16xi32>,
        tpu.vector_store %arg7[%swap3A_1857, %swap3A_1858], %and3A_1855 {strides = array<i32>} : memref<10x80xi32, #tpu.memory_space<vmem>>, vector<16xi32>,
        %get3A_1860 = arith.index_cast %add3A_1842 : i32 to index
        %get3A_1861 = arith.constant 16 : index
        %get3A_1862 = tpu.vector_load %arg5[%get3A_1860, %get3A_1861] {strides = array<i32>} : memref<250x80xi32, #tpu.memory_space<vmem>>, vector<16xi32>,
        %shift_right_logical3A_1863 = arith.constant 16 : i32
        %shift_right_logical3A_1864 = vector.broadcast %shift_right_logical3A_1863 : i32 to vector<16xi32>
        %shift_right_logical3A_1865 = arith.shrui %get3A_1862, %shift_right_logical3A_1864 : vector<16xi32>
        %swap3A_1866 = arith.constant 7 : i32
        %swap3A_1867 = arith.index_cast %swap3A_1866 : i32 to index
        %swap3A_1868 = arith.constant 16 : index
        %swap3A_1869 = tpu.vector_load %arg6[%swap3A_1867, %swap3A_1868] {strides = array<i32>} : memref<10x80xi32, #tpu.memory_space<vmem>>, vector<16xi32>,
        tpu.vector_store %arg6[%swap3A_1867, %swap3A_1868], %shift_right_logical3A_1865 {strides = array<i32>} : memref<10x80xi32, #tpu.memory_space<vmem>>, vector<16xi32>,
        %and3A_1870 = arith.constant 65535 : i32
        %and3A_1871 = vector.broadcast %and3A_1870 : i32 to vector<16xi32>
        %and3A_1872 = arith.andi %get3A_1862, %and3A_1871 : vector<16xi32>
        %swap3A_1873 = arith.constant 7 : i32
        %swap3A_1874 = arith.index_cast %swap3A_1873 : i32 to index
        %swap3A_1875 = arith.constant 16 : index
        %swap3A_1876 = tpu.vector_load %arg7[%swap3A_1874, %swap3A_1875] {strides = array<i32>} : memref<10x80xi32, #tpu.memory_space<vmem>>, vector<16xi32>,
        tpu.vector_store %arg7[%swap3A_1874, %swap3A_1875], %and3A_1872 {strides = array<i32>} : memref<10x80xi32, #tpu.memory_space<vmem>>, vector<16xi32>,
        %get3A_1877 = arith.index_cast %add3A_1842 : i32 to index
        %get3A_1878 = arith.constant 32 : index
        %get3A_1879 = tpu.vector_load %arg5[%get3A_1877, %get3A_1878] {strides = array<i32>} : memref<250x80xi32, #tpu.memory_space<vmem>>, vector<16xi32>,
        %shift_right_logical3A_1880 = arith.constant 16 : i32
        %shift_right_logical3A_1881 = vector.broadcast %shift_right_logical3A_1880 : i32 to vector<16xi32>
        %shift_right_logical3A_1882 = arith.shrui %get3A_1879, %shift_right_logical3A_1881 : vector<16xi32>
        %swap3A_1883 = arith.constant 7 : i32
        %swap3A_1884 = arith.index_cast %swap3A_1883 : i32 to index
        %swap3A_1885 = arith.constant 32 : index
        %swap3A_1886 = tpu.vector_load %arg6[%swap3A_1884, %swap3A_1885] {strides = array<i32>} : memref<10x80xi32, #tpu.memory_space<vmem>>, vector<16xi32>,
        tpu.vector_store %arg6[%swap3A_1884, %swap3A_1885], %shift_right_logical3A_1882 {strides = array<i32>} : memref<10x80xi32, #tpu.memory_space<vmem>>, vector<16xi32>,
        %and3A_1887 = arith.constant 65535 : i32
        %and3A_1888 = vector.broadcast %and3A_1887 : i32 to vector<16xi32>
        %and3A_1889 = arith.andi %get3A_1879, %and3A_1888 : vector<16xi32>
        %swap3A_1890 = arith.constant 7 : i32
        %swap3A_1891 = arith.index_cast %swap3A_1890 : i32 to index
        %swap3A_1892 = arith.constant 32 : index
        %swap3A_1893 = tpu.vector_load %arg7[%swap3A_1891, %swap3A_1892] {strides = array<i32>} : memref<10x80xi32, #tpu.memory_space<vmem>>, vector<16xi32>,
        tpu.vector_store %arg7[%swap3A_1891, %swap3A_1892], %and3A_1889 {strides = array<i32>} : memref<10x80xi32, #tpu.memory_space<vmem>>, vector<16xi32>,
        %get3A_1894 = arith.index_cast %add3A_1842 : i32 to index
        %get3A_1895 = arith.constant 48 : index
        %get3A_1896 = tpu.vector_load %arg5[%get3A_1894, %get3A_1895] {strides = array<i32>} : memref<250x80xi32, #tpu.memory_space<vmem>>, vector<16xi32>,
        %shift_right_logical3A_1897 = arith.constant 16 : i32
        %shift_right_logical3A_1898 = vector.broadcast %shift_right_logical3A_1897 : i32 to vector<16xi32>
        %shift_right_logical3A_1899 = arith.shrui %get3A_1896, %shift_right_logical3A_1898 : vector<16xi32>
        %swap3A_1900 = arith.constant 7 : i32
        %swap3A_1901 = arith.index_cast %swap3A_1900 : i32 to index
        %swap3A_1902 = arith.constant 48 : index
        %swap3A_1903 = tpu.vector_load %arg6[%swap3A_1901, %swap3A_1902] {strides = array<i32>} : memref<10x80xi32, #tpu.memory_space<vmem>>, vector<16xi32>,
        tpu.vector_store %arg6[%swap3A_1901, %swap3A_1902], %shift_right_logical3A_1899 {strides = array<i32>} : memref<10x80xi32, #tpu.memory_space<vmem>>, vector<16xi32>,
        %and3A_1904 = arith.constant 65535 : i32
        %and3A_1905 = vector.broadcast %and3A_1904 : i32 to vector<16xi32>
        %and3A_1906 = arith.andi %get3A_1896, %and3A_1905 : vector<16xi32>
        %swap3A_1907 = arith.constant 7 : i32
        %swap3A_1908 = arith.index_cast %swap3A_1907 : i32 to index
        %swap3A_1909 = arith.constant 48 : index
        %swap3A_1910 = tpu.vector_load %arg7[%swap3A_1908, %swap3A_1909] {strides = array<i32>} : memref<10x80xi32, #tpu.memory_space<vmem>>, vector<16xi32>,
        tpu.vector_store %arg7[%swap3A_1908, %swap3A_1909], %and3A_1906 {strides = array<i32>} : memref<10x80xi32, #tpu.memory_space<vmem>>, vector<16xi32>,
        %get3A_1911 = arith.index_cast %add3A_1842 : i32 to index
        %get3A_1912 = arith.constant 64 : index
        %get3A_1913 = tpu.vector_load %arg5[%get3A_1911, %get3A_1912] {strides = array<i32>} : memref<250x80xi32, #tpu.memory_space<vmem>>, vector<16xi32>,
        %shift_right_logical3A_1914 = arith.constant 16 : i32
        %shift_right_logical3A_1915 = vector.broadcast %shift_right_logical3A_1914 : i32 to vector<16xi32>
        %shift_right_logical3A_1916 = arith.shrui %get3A_1913, %shift_right_logical3A_1915 : vector<16xi32>
        %swap3A_1917 = arith.constant 7 : i32
        %swap3A_1918 = arith.index_cast %swap3A_1917 : i32 to index
        %swap3A_1919 = arith.constant 64 : index
        %swap3A_1920 = tpu.vector_load %arg6[%swap3A_1918, %swap3A_1919] {strides = array<i32>} : memref<10x80xi32, #tpu.memory_space<vmem>>, vector<16xi32>,
        tpu.vector_store %arg6[%swap3A_1918, %swap3A_1919], %shift_right_logical3A_1916 {strides = array<i32>} : memref<10x80xi32, #tpu.memory_space<vmem>>, vector<16xi32>,
        %and3A_1921 = arith.constant 65535 : i32
        %and3A_1922 = vector.broadcast %and3A_1921 : i32 to vector<16xi32>
        %and3A_1923 = arith.andi %get3A_1913, %and3A_1922 : vector<16xi32>
        %swap3A_1924 = arith.constant 7 : i32
        %swap3A_1925 = arith.index_cast %swap3A_1924 : i32 to index
        %swap3A_1926 = arith.constant 64 : index
        %swap3A_1927 = tpu.vector_load %arg7[%swap3A_1925, %swap3A_1926] {strides = array<i32>} : memref<10x80xi32, #tpu.memory_space<vmem>>, vector<16xi32>,
        tpu.vector_store %arg7[%swap3A_1925, %swap3A_1926], %and3A_1923 {strides = array<i32>} : memref<10x80xi32, #tpu.memory_space<vmem>>, vector<16xi32>,
        %dma_start3A_1928 = arith.constant 7 : i32
        %dma_start3A_1929 = arith.constant 7 : i32
        %dma_start3A_1930 = arith.constant 0 : i32
        %dma_start3A_1931 = arith.constant 0 : i32
        %dma_start3A_1932 = tpu.memref_slice %arg8[%dma_start3A_1929, %dma_start3A_1930, %dma_start3A_1931] : memref<10x80x64xf32, #tpu.memory_space<vmem>> -> memref<1x80x64xf32, #tpu.memory_space<vmem>>
        %dma_start3A_1933 = tpu.memref_squeeze %dma_start3A_1932 : memref<1x80x64xf32, #tpu.memory_space<vmem>> -> memref<80x64xf32, #tpu.memory_space<vmem>>
        %dma_start3A_1934 = arith.constant 0 : i32
        %dma_start3A_1935 = tpu.memref_slice %arg6[%dma_start3A_1928, %dma_start3A_1934] : memref<10x80xi32, #tpu.memory_space<vmem>> -> memref<1x80xi32, #tpu.memory_space<vmem>>
        %dma_start3A_1936 = tpu.memref_squeeze %dma_start3A_1935 : memref<1x80xi32, #tpu.memory_space<vmem>> -> memref<80xi32, #tpu.memory_space<vmem>>
        %dma_start3A_1937 = arith.constant 0 : i32
        %dma_start3A_1938 = arith.constant 0 : i32
        %dma_start3A_1939 = tpu.memref_slice %arg2[%add3A_11, %dma_start3A_1937, %dma_start3A_1938] : memref<4x10240x64xf32, #tpu.memory_space<hbm>> -> memref<1x10240x64xf32, #tpu.memory_space<hbm>>
        %dma_start3A_1940 = tpu.memref_squeeze %dma_start3A_1939 : memref<1x10240x64xf32, #tpu.memory_space<hbm>> -> memref<10240x64xf32, #tpu.memory_space<hbm>>
        %dma_start3A_1941 = arith.constant 0 : i32
        %dma_start3A_1942 = arith.constant 0 : i32
        %dma_start3A_1943 = tpu.memref_slice %dma_start3A_1940[%dma_start3A_1941, %dma_start3A_1942] : memref<10240x64xf32, #tpu.memory_space<hbm>> -> memref<10240x64xf32, #tpu.memory_space<hbm>>
        tpu.enqueue_indirect_dma source(%dma_start3A_1943 : memref<10240x64xf32, #tpu.memory_space<hbm>>) target(%dma_start3A_1933 : memref<80x64xf32, #tpu.memory_space<vmem>>) offsets(%dma_start3A_1936 : memref<80xi32, #tpu.memory_space<vmem>>) semaphore(%arg12 : memref<!tpu.dma_semaphore, #tpu.memory_space<semaphore_mem>>)
        %mul3A_1944 = arith.constant 5 : i32
        %mul3A_1945 = arith.muli %add3A_1488, %mul3A_1944 : i32
        %add3A_1946 = arith.constant 3 : i32
        %add3A_1947 = arith.addi %mul3A_1945, %add3A_1946 : i32
        %get3A_1948 = arith.index_cast %add3A_1947 : i32 to index
        %get3A_1949 = arith.constant 0 : index
        %get3A_1950 = tpu.vector_load %arg5[%get3A_1948, %get3A_1949] {strides = array<i32>} : memref<250x80xi32, #tpu.memory_space<vmem>>, vector<16xi32>,
        %shift_right_logical3A_1951 = arith.constant 16 : i32
        %shift_right_logical3A_1952 = vector.broadcast %shift_right_logical3A_1951 : i32 to vector<16xi32>
        %shift_right_logical3A_1953 = arith.shrui %get3A_1950, %shift_right_logical3A_1952 : vector<16xi32>
        %swap3A_1954 = arith.constant 8 : i32
        %swap3A_1955 = arith.index_cast %swap3A_1954 : i32 to index
        %swap3A_1956 = arith.constant 0 : index
        %swap3A_1957 = tpu.vector_load %arg6[%swap3A_1955, %swap3A_1956] {strides = array<i32>} : memref<10x80xi32, #tpu.memory_space<vmem>>, vector<16xi32>,
        tpu.vector_store %arg6[%swap3A_1955, %swap3A_1956], %shift_right_logical3A_1953 {strides = array<i32>} : memref<10x80xi32, #tpu.memory_space<vmem>>, vector<16xi32>,
        %and3A_1958 = arith.constant 65535 : i32
        %and3A_1959 = vector.broadcast %and3A_1958 : i32 to vector<16xi32>
        %and3A_1960 = arith.andi %get3A_1950, %and3A_1959 : vector<16xi32>
        %swap3A_1961 = arith.constant 8 : i32
        %swap3A_1962 = arith.index_cast %swap3A_1961 : i32 to index
        %swap3A_1963 = arith.constant 0 : index
        %swap3A_1964 = tpu.vector_load %arg7[%swap3A_1962, %swap3A_1963] {strides = array<i32>} : memref<10x80xi32, #tpu.memory_space<vmem>>, vector<16xi32>,
        tpu.vector_store %arg7[%swap3A_1962, %swap3A_1963], %and3A_1960 {strides = array<i32>} : memref<10x80xi32, #tpu.memory_space<vmem>>, vector<16xi32>,
        %get3A_1965 = arith.index_cast %add3A_1947 : i32 to index
        %get3A_1966 = arith.constant 16 : index
        %get3A_1967 = tpu.vector_load %arg5[%get3A_1965, %get3A_1966] {strides = array<i32>} : memref<250x80xi32, #tpu.memory_space<vmem>>, vector<16xi32>,
        %shift_right_logical3A_1968 = arith.constant 16 : i32
        %shift_right_logical3A_1969 = vector.broadcast %shift_right_logical3A_1968 : i32 to vector<16xi32>
        %shift_right_logical3A_1970 = arith.shrui %get3A_1967, %shift_right_logical3A_1969 : vector<16xi32>
        %swap3A_1971 = arith.constant 8 : i32
        %swap3A_1972 = arith.index_cast %swap3A_1971 : i32 to index
        %swap3A_1973 = arith.constant 16 : index
        %swap3A_1974 = tpu.vector_load %arg6[%swap3A_1972, %swap3A_1973] {strides = array<i32>} : memref<10x80xi32, #tpu.memory_space<vmem>>, vector<16xi32>,
        tpu.vector_store %arg6[%swap3A_1972, %swap3A_1973], %shift_right_logical3A_1970 {strides = array<i32>} : memref<10x80xi32, #tpu.memory_space<vmem>>, vector<16xi32>,
        %and3A_1975 = arith.constant 65535 : i32
        %and3A_1976 = vector.broadcast %and3A_1975 : i32 to vector<16xi32>
        %and3A_1977 = arith.andi %get3A_1967, %and3A_1976 : vector<16xi32>
        %swap3A_1978 = arith.constant 8 : i32
        %swap3A_1979 = arith.index_cast %swap3A_1978 : i32 to index
        %swap3A_1980 = arith.constant 16 : index
        %swap3A_1981 = tpu.vector_load %arg7[%swap3A_1979, %swap3A_1980] {strides = array<i32>} : memref<10x80xi32, #tpu.memory_space<vmem>>, vector<16xi32>,
        tpu.vector_store %arg7[%swap3A_1979, %swap3A_1980], %and3A_1977 {strides = array<i32>} : memref<10x80xi32, #tpu.memory_space<vmem>>, vector<16xi32>,
        %get3A_1982 = arith.index_cast %add3A_1947 : i32 to index
        %get3A_1983 = arith.constant 32 : index
        %get3A_1984 = tpu.vector_load %arg5[%get3A_1982, %get3A_1983] {strides = array<i32>} : memref<250x80xi32, #tpu.memory_space<vmem>>, vector<16xi32>,
        %shift_right_logical3A_1985 = arith.constant 16 : i32
        %shift_right_logical3A_1986 = vector.broadcast %shift_right_logical3A_1985 : i32 to vector<16xi32>
        %shift_right_logical3A_1987 = arith.shrui %get3A_1984, %shift_right_logical3A_1986 : vector<16xi32>
        %swap3A_1988 = arith.constant 8 : i32
        %swap3A_1989 = arith.index_cast %swap3A_1988 : i32 to index
        %swap3A_1990 = arith.constant 32 : index
        %swap3A_1991 = tpu.vector_load %arg6[%swap3A_1989, %swap3A_1990] {strides = array<i32>} : memref<10x80xi32, #tpu.memory_space<vmem>>, vector<16xi32>,
        tpu.vector_store %arg6[%swap3A_1989, %swap3A_1990], %shift_right_logical3A_1987 {strides = array<i32>} : memref<10x80xi32, #tpu.memory_space<vmem>>, vector<16xi32>,
        %and3A_1992 = arith.constant 65535 : i32
        %and3A_1993 = vector.broadcast %and3A_1992 : i32 to vector<16xi32>
        %and3A_1994 = arith.andi %get3A_1984, %and3A_1993 : vector<16xi32>
        %swap3A_1995 = arith.constant 8 : i32
        %swap3A_1996 = arith.index_cast %swap3A_1995 : i32 to index
        %swap3A_1997 = arith.constant 32 : index
        %swap3A_1998 = tpu.vector_load %arg7[%swap3A_1996, %swap3A_1997] {strides = array<i32>} : memref<10x80xi32, #tpu.memory_space<vmem>>, vector<16xi32>,
        tpu.vector_store %arg7[%swap3A_1996, %swap3A_1997], %and3A_1994 {strides = array<i32>} : memref<10x80xi32, #tpu.memory_space<vmem>>, vector<16xi32>,
        %get3A_1999 = arith.index_cast %add3A_1947 : i32 to index
        %get3A_2000 = arith.constant 48 : index
        %get3A_2001 = tpu.vector_load %arg5[%get3A_1999, %get3A_2000] {strides = array<i32>} : memref<250x80xi32, #tpu.memory_space<vmem>>, vector<16xi32>,
        %shift_right_logical3A_2002 = arith.constant 16 : i32
        %shift_right_logical3A_2003 = vector.broadcast %shift_right_logical3A_2002 : i32 to vector<16xi32>
        %shift_right_logical3A_2004 = arith.shrui %get3A_2001, %shift_right_logical3A_2003 : vector<16xi32>
        %swap3A_2005 = arith.constant 8 : i32
        %swap3A_2006 = arith.index_cast %swap3A_2005 : i32 to index
        %swap3A_2007 = arith.constant 48 : index
        %swap3A_2008 = tpu.vector_load %arg6[%swap3A_2006, %swap3A_2007] {strides = array<i32>} : memref<10x80xi32, #tpu.memory_space<vmem>>, vector<16xi32>,
        tpu.vector_store %arg6[%swap3A_2006, %swap3A_2007], %shift_right_logical3A_2004 {strides = array<i32>} : memref<10x80xi32, #tpu.memory_space<vmem>>, vector<16xi32>,
        %and3A_2009 = arith.constant 65535 : i32
        %and3A_2010 = vector.broadcast %and3A_2009 : i32 to vector<16xi32>
        %and3A_2011 = arith.andi %get3A_2001, %and3A_2010 : vector<16xi32>
        %swap3A_2012 = arith.constant 8 : i32
        %swap3A_2013 = arith.index_cast %swap3A_2012 : i32 to index
        %swap3A_2014 = arith.constant 48 : index
        %swap3A_2015 = tpu.vector_load %arg7[%swap3A_2013, %swap3A_2014] {strides = array<i32>} : memref<10x80xi32, #tpu.memory_space<vmem>>, vector<16xi32>,
        tpu.vector_store %arg7[%swap3A_2013, %swap3A_2014], %and3A_2011 {strides = array<i32>} : memref<10x80xi32, #tpu.memory_space<vmem>>, vector<16xi32>,
        %get3A_2016 = arith.index_cast %add3A_1947 : i32 to index
        %get3A_2017 = arith.constant 64 : index
        %get3A_2018 = tpu.vector_load %arg5[%get3A_2016, %get3A_2017] {strides = array<i32>} : memref<250x80xi32, #tpu.memory_space<vmem>>, vector<16xi32>,
        %shift_right_logical3A_2019 = arith.constant 16 : i32
        %shift_right_logical3A_2020 = vector.broadcast %shift_right_logical3A_2019 : i32 to vector<16xi32>
        %shift_right_logical3A_2021 = arith.shrui %get3A_2018, %shift_right_logical3A_2020 : vector<16xi32>
        %swap3A_2022 = arith.constant 8 : i32
        %swap3A_2023 = arith.index_cast %swap3A_2022 : i32 to index
        %swap3A_2024 = arith.constant 64 : index
        %swap3A_2025 = tpu.vector_load %arg6[%swap3A_2023, %swap3A_2024] {strides = array<i32>} : memref<10x80xi32, #tpu.memory_space<vmem>>, vector<16xi32>,
        tpu.vector_store %arg6[%swap3A_2023, %swap3A_2024], %shift_right_logical3A_2021 {strides = array<i32>} : memref<10x80xi32, #tpu.memory_space<vmem>>, vector<16xi32>,
        %and3A_2026 = arith.constant 65535 : i32
        %and3A_2027 = vector.broadcast %and3A_2026 : i32 to vector<16xi32>
        %and3A_2028 = arith.andi %get3A_2018, %and3A_2027 : vector<16xi32>
        %swap3A_2029 = arith.constant 8 : i32
        %swap3A_2030 = arith.index_cast %swap3A_2029 : i32 to index
        %swap3A_2031 = arith.constant 64 : index
        %swap3A_2032 = tpu.vector_load %arg7[%swap3A_2030, %swap3A_2031] {strides = array<i32>} : memref<10x80xi32, #tpu.memory_space<vmem>>, vector<16xi32>,
        tpu.vector_store %arg7[%swap3A_2030, %swap3A_2031], %and3A_2028 {strides = array<i32>} : memref<10x80xi32, #tpu.memory_space<vmem>>, vector<16xi32>,
        %dma_start3A_2033 = arith.constant 8 : i32
        %dma_start3A_2034 = arith.constant 8 : i32
        %dma_start3A_2035 = arith.constant 0 : i32
        %dma_start3A_2036 = arith.constant 0 : i32
        %dma_start3A_2037 = tpu.memref_slice %arg8[%dma_start3A_2034, %dma_start3A_2035, %dma_start3A_2036] : memref<10x80x64xf32, #tpu.memory_space<vmem>> -> memref<1x80x64xf32, #tpu.memory_space<vmem>>
        %dma_start3A_2038 = tpu.memref_squeeze %dma_start3A_2037 : memref<1x80x64xf32, #tpu.memory_space<vmem>> -> memref<80x64xf32, #tpu.memory_space<vmem>>
        %dma_start3A_2039 = arith.constant 0 : i32
        %dma_start3A_2040 = tpu.memref_slice %arg6[%dma_start3A_2033, %dma_start3A_2039] : memref<10x80xi32, #tpu.memory_space<vmem>> -> memref<1x80xi32, #tpu.memory_space<vmem>>
        %dma_start3A_2041 = tpu.memref_squeeze %dma_start3A_2040 : memref<1x80xi32, #tpu.memory_space<vmem>> -> memref<80xi32, #tpu.memory_space<vmem>>
        %dma_start3A_2042 = arith.constant 0 : i32
        %dma_start3A_2043 = arith.constant 0 : i32
        %dma_start3A_2044 = tpu.memref_slice %arg2[%add3A_11, %dma_start3A_2042, %dma_start3A_2043] : memref<4x10240x64xf32, #tpu.memory_space<hbm>> -> memref<1x10240x64xf32, #tpu.memory_space<hbm>>
        %dma_start3A_2045 = tpu.memref_squeeze %dma_start3A_2044 : memref<1x10240x64xf32, #tpu.memory_space<hbm>> -> memref<10240x64xf32, #tpu.memory_space<hbm>>
        %dma_start3A_2046 = arith.constant 0 : i32
        %dma_start3A_2047 = arith.constant 0 : i32
        %dma_start3A_2048 = tpu.memref_slice %dma_start3A_2045[%dma_start3A_2046, %dma_start3A_2047] : memref<10240x64xf32, #tpu.memory_space<hbm>> -> memref<10240x64xf32, #tpu.memory_space<hbm>>
        tpu.enqueue_indirect_dma source(%dma_start3A_2048 : memref<10240x64xf32, #tpu.memory_space<hbm>>) target(%dma_start3A_2038 : memref<80x64xf32, #tpu.memory_space<vmem>>) offsets(%dma_start3A_2041 : memref<80xi32, #tpu.memory_space<vmem>>) semaphore(%arg12 : memref<!tpu.dma_semaphore, #tpu.memory_space<semaphore_mem>>)
        %mul3A_2049 = arith.constant 5 : i32
        %mul3A_2050 = arith.muli %add3A_1488, %mul3A_2049 : i32
        %add3A_2051 = arith.constant 4 : i32
        %add3A_2052 = arith.addi %mul3A_2050, %add3A_2051 : i32
        %get3A_2053 = arith.index_cast %add3A_2052 : i32 to index
        %get3A_2054 = arith.constant 0 : index
        %get3A_2055 = tpu.vector_load %arg5[%get3A_2053, %get3A_2054] {strides = array<i32>} : memref<250x80xi32, #tpu.memory_space<vmem>>, vector<16xi32>,
        %shift_right_logical3A_2056 = arith.constant 16 : i32
        %shift_right_logical3A_2057 = vector.broadcast %shift_right_logical3A_2056 : i32 to vector<16xi32>
        %shift_right_logical3A_2058 = arith.shrui %get3A_2055, %shift_right_logical3A_2057 : vector<16xi32>
        %swap3A_2059 = arith.constant 9 : i32
        %swap3A_2060 = arith.index_cast %swap3A_2059 : i32 to index
        %swap3A_2061 = arith.constant 0 : index
        %swap3A_2062 = tpu.vector_load %arg6[%swap3A_2060, %swap3A_2061] {strides = array<i32>} : memref<10x80xi32, #tpu.memory_space<vmem>>, vector<16xi32>,
        tpu.vector_store %arg6[%swap3A_2060, %swap3A_2061], %shift_right_logical3A_2058 {strides = array<i32>} : memref<10x80xi32, #tpu.memory_space<vmem>>, vector<16xi32>,
        %and3A_2063 = arith.constant 65535 : i32
        %and3A_2064 = vector.broadcast %and3A_2063 : i32 to vector<16xi32>
        %and3A_2065 = arith.andi %get3A_2055, %and3A_2064 : vector<16xi32>
        %swap3A_2066 = arith.constant 9 : i32
        %swap3A_2067 = arith.index_cast %swap3A_2066 : i32 to index
        %swap3A_2068 = arith.constant 0 : index
        %swap3A_2069 = tpu.vector_load %arg7[%swap3A_2067, %swap3A_2068] {strides = array<i32>} : memref<10x80xi32, #tpu.memory_space<vmem>>, vector<16xi32>,
        tpu.vector_store %arg7[%swap3A_2067, %swap3A_2068], %and3A_2065 {strides = array<i32>} : memref<10x80xi32, #tpu.memory_space<vmem>>, vector<16xi32>,
        %get3A_2070 = arith.index_cast %add3A_2052 : i32 to index
        %get3A_2071 = arith.constant 16 : index
        %get3A_2072 = tpu.vector_load %arg5[%get3A_2070, %get3A_2071] {strides = array<i32>} : memref<250x80xi32, #tpu.memory_space<vmem>>, vector<16xi32>,
        %shift_right_logical3A_2073 = arith.constant 16 : i32
        %shift_right_logical3A_2074 = vector.broadcast %shift_right_logical3A_2073 : i32 to vector<16xi32>
        %shift_right_logical3A_2075 = arith.shrui %get3A_2072, %shift_right_logical3A_2074 : vector<16xi32>
        %swap3A_2076 = arith.constant 9 : i32
        %swap3A_2077 = arith.index_cast %swap3A_2076 : i32 to index
        %swap3A_2078 = arith.constant 16 : index
        %swap3A_2079 = tpu.vector_load %arg6[%swap3A_2077, %swap3A_2078] {strides = array<i32>} : memref<10x80xi32, #tpu.memory_space<vmem>>, vector<16xi32>,
        tpu.vector_store %arg6[%swap3A_2077, %swap3A_2078], %shift_right_logical3A_2075 {strides = array<i32>} : memref<10x80xi32, #tpu.memory_space<vmem>>, vector<16xi32>,
        %and3A_2080 = arith.constant 65535 : i32
        %and3A_2081 = vector.broadcast %and3A_2080 : i32 to vector<16xi32>
        %and3A_2082 = arith.andi %get3A_2072, %and3A_2081 : vector<16xi32>
        %swap3A_2083 = arith.constant 9 : i32
        %swap3A_2084 = arith.index_cast %swap3A_2083 : i32 to index
        %swap3A_2085 = arith.constant 16 : index
        %swap3A_2086 = tpu.vector_load %arg7[%swap3A_2084, %swap3A_2085] {strides = array<i32>} : memref<10x80xi32, #tpu.memory_space<vmem>>, vector<16xi32>,
        tpu.vector_store %arg7[%swap3A_2084, %swap3A_2085], %and3A_2082 {strides = array<i32>} : memref<10x80xi32, #tpu.memory_space<vmem>>, vector<16xi32>,
        %get3A_2087 = arith.index_cast %add3A_2052 : i32 to index
        %get3A_2088 = arith.constant 32 : index
        %get3A_2089 = tpu.vector_load %arg5[%get3A_2087, %get3A_2088] {strides = array<i32>} : memref<250x80xi32, #tpu.memory_space<vmem>>, vector<16xi32>,
        %shift_right_logical3A_2090 = arith.constant 16 : i32
        %shift_right_logical3A_2091 = vector.broadcast %shift_right_logical3A_2090 : i32 to vector<16xi32>
        %shift_right_logical3A_2092 = arith.shrui %get3A_2089, %shift_right_logical3A_2091 : vector<16xi32>
        %swap3A_2093 = arith.constant 9 : i32
        %swap3A_2094 = arith.index_cast %swap3A_2093 : i32 to index
        %swap3A_2095 = arith.constant 32 : index
        %swap3A_2096 = tpu.vector_load %arg6[%swap3A_2094, %swap3A_2095] {strides = array<i32>} : memref<10x80xi32, #tpu.memory_space<vmem>>, vector<16xi32>,
        tpu.vector_store %arg6[%swap3A_2094, %swap3A_2095], %shift_right_logical3A_2092 {strides = array<i32>} : memref<10x80xi32, #tpu.memory_space<vmem>>, vector<16xi32>,
        %and3A_2097 = arith.constant 65535 : i32
        %and3A_2098 = vector.broadcast %and3A_2097 : i32 to vector<16xi32>
        %and3A_2099 = arith.andi %get3A_2089, %and3A_2098 : vector<16xi32>
        %swap3A_2100 = arith.constant 9 : i32
        %swap3A_2101 = arith.index_cast %swap3A_2100 : i32 to index
        %swap3A_2102 = arith.constant 32 : index
        %swap3A_2103 = tpu.vector_load %arg7[%swap3A_2101, %swap3A_2102] {strides = array<i32>} : memref<10x80xi32, #tpu.memory_space<vmem>>, vector<16xi32>,
        tpu.vector_store %arg7[%swap3A_2101, %swap3A_2102], %and3A_2099 {strides = array<i32>} : memref<10x80xi32, #tpu.memory_space<vmem>>, vector<16xi32>,
        %get3A_2104 = arith.index_cast %add3A_2052 : i32 to index
        %get3A_2105 = arith.constant 48 : index
        %get3A_2106 = tpu.vector_load %arg5[%get3A_2104, %get3A_2105] {strides = array<i32>} : memref<250x80xi32, #tpu.memory_space<vmem>>, vector<16xi32>,
        %shift_right_logical3A_2107 = arith.constant 16 : i32
        %shift_right_logical3A_2108 = vector.broadcast %shift_right_logical3A_2107 : i32 to vector<16xi32>
        %shift_right_logical3A_2109 = arith.shrui %get3A_2106, %shift_right_logical3A_2108 : vector<16xi32>
        %swap3A_2110 = arith.constant 9 : i32
        %swap3A_2111 = arith.index_cast %swap3A_2110 : i32 to index
        %swap3A_2112 = arith.constant 48 : index
        %swap3A_2113 = tpu.vector_load %arg6[%swap3A_2111, %swap3A_2112] {strides = array<i32>} : memref<10x80xi32, #tpu.memory_space<vmem>>, vector<16xi32>,
        tpu.vector_store %arg6[%swap3A_2111, %swap3A_2112], %shift_right_logical3A_2109 {strides = array<i32>} : memref<10x80xi32, #tpu.memory_space<vmem>>, vector<16xi32>,
        %and3A_2114 = arith.constant 65535 : i32
        %and3A_2115 = vector.broadcast %and3A_2114 : i32 to vector<16xi32>
        %and3A_2116 = arith.andi %get3A_2106, %and3A_2115 : vector<16xi32>
        %swap3A_2117 = arith.constant 9 : i32
        %swap3A_2118 = arith.index_cast %swap3A_2117 : i32 to index
        %swap3A_2119 = arith.constant 48 : index
        %swap3A_2120 = tpu.vector_load %arg7[%swap3A_2118, %swap3A_2119] {strides = array<i32>} : memref<10x80xi32, #tpu.memory_space<vmem>>, vector<16xi32>,
        tpu.vector_store %arg7[%swap3A_2118, %swap3A_2119], %and3A_2116 {strides = array<i32>} : memref<10x80xi32, #tpu.memory_space<vmem>>, vector<16xi32>,
        %get3A_2121 = arith.index_cast %add3A_2052 : i32 to index
        %get3A_2122 = arith.constant 64 : index
        %get3A_2123 = tpu.vector_load %arg5[%get3A_2121, %get3A_2122] {strides = array<i32>} : memref<250x80xi32, #tpu.memory_space<vmem>>, vector<16xi32>,
        %shift_right_logical3A_2124 = arith.constant 16 : i32
        %shift_right_logical3A_2125 = vector.broadcast %shift_right_logical3A_2124 : i32 to vector<16xi32>
        %shift_right_logical3A_2126 = arith.shrui %get3A_2123, %shift_right_logical3A_2125 : vector<16xi32>
        %swap3A_2127 = arith.constant 9 : i32
        %swap3A_2128 = arith.index_cast %swap3A_2127 : i32 to index
        %swap3A_2129 = arith.constant 64 : index
        %swap3A_2130 = tpu.vector_load %arg6[%swap3A_2128, %swap3A_2129] {strides = array<i32>} : memref<10x80xi32, #tpu.memory_space<vmem>>, vector<16xi32>,
        tpu.vector_store %arg6[%swap3A_2128, %swap3A_2129], %shift_right_logical3A_2126 {strides = array<i32>} : memref<10x80xi32, #tpu.memory_space<vmem>>, vector<16xi32>,
        %and3A_2131 = arith.constant 65535 : i32
        %and3A_2132 = vector.broadcast %and3A_2131 : i32 to vector<16xi32>
        %and3A_2133 = arith.andi %get3A_2123, %and3A_2132 : vector<16xi32>
        %swap3A_2134 = arith.constant 9 : i32
        %swap3A_2135 = arith.index_cast %swap3A_2134 : i32 to index
        %swap3A_2136 = arith.constant 64 : index
        %swap3A_2137 = tpu.vector_load %arg7[%swap3A_2135, %swap3A_2136] {strides = array<i32>} : memref<10x80xi32, #tpu.memory_space<vmem>>, vector<16xi32>,
        tpu.vector_store %arg7[%swap3A_2135, %swap3A_2136], %and3A_2133 {strides = array<i32>} : memref<10x80xi32, #tpu.memory_space<vmem>>, vector<16xi32>,
        %dma_start3A_2138 = arith.constant 9 : i32
        %dma_start3A_2139 = arith.constant 9 : i32
        %dma_start3A_2140 = arith.constant 0 : i32
        %dma_start3A_2141 = arith.constant 0 : i32
        %dma_start3A_2142 = tpu.memref_slice %arg8[%dma_start3A_2139, %dma_start3A_2140, %dma_start3A_2141] : memref<10x80x64xf32, #tpu.memory_space<vmem>> -> memref<1x80x64xf32, #tpu.memory_space<vmem>>
        %dma_start3A_2143 = tpu.memref_squeeze %dma_start3A_2142 : memref<1x80x64xf32, #tpu.memory_space<vmem>> -> memref<80x64xf32, #tpu.memory_space<vmem>>
        %dma_start3A_2144 = arith.constant 0 : i32
        %dma_start3A_2145 = tpu.memref_slice %arg6[%dma_start3A_2138, %dma_start3A_2144] : memref<10x80xi32, #tpu.memory_space<vmem>> -> memref<1x80xi32, #tpu.memory_space<vmem>>
        %dma_start3A_2146 = tpu.memref_squeeze %dma_start3A_2145 : memref<1x80xi32, #tpu.memory_space<vmem>> -> memref<80xi32, #tpu.memory_space<vmem>>
        %dma_start3A_2147 = arith.constant 0 : i32
        %dma_start3A_2148 = arith.constant 0 : i32
        %dma_start3A_2149 = tpu.memref_slice %arg2[%add3A_11, %dma_start3A_2147, %dma_start3A_2148] : memref<4x10240x64xf32, #tpu.memory_space<hbm>> -> memref<1x10240x64xf32, #tpu.memory_space<hbm>>
        %dma_start3A_2150 = tpu.memref_squeeze %dma_start3A_2149 : memref<1x10240x64xf32, #tpu.memory_space<hbm>> -> memref<10240x64xf32, #tpu.memory_space<hbm>>
        %dma_start3A_2151 = arith.constant 0 : i32
        %dma_start3A_2152 = arith.constant 0 : i32
        %dma_start3A_2153 = tpu.memref_slice %dma_start3A_2150[%dma_start3A_2151, %dma_start3A_2152] : memref<10240x64xf32, #tpu.memory_space<hbm>> -> memref<10240x64xf32, #tpu.memory_space<hbm>>
        tpu.enqueue_indirect_dma source(%dma_start3A_2153 : memref<10240x64xf32, #tpu.memory_space<hbm>>) target(%dma_start3A_2143 : memref<80x64xf32, #tpu.memory_space<vmem>>) offsets(%dma_start3A_2146 : memref<80xi32, #tpu.memory_space<vmem>>) semaphore(%arg12 : memref<!tpu.dma_semaphore, #tpu.memory_space<semaphore_mem>>)
        %dma_wait3A_2154 = arith.constant 0 : i32
        %dma_wait3A_2155 = arith.constant 0 : i32
        %dma_wait3A_2156 = arith.constant 0 : i32
        %dma_wait3A_2157 = arith.constant 0 : i32
        %dma_wait3A_2158 = tpu.memref_slice %arg8[%dma_wait3A_2154, %dma_wait3A_2156, %dma_wait3A_2157] : memref<10x80x64xf32, #tpu.memory_space<vmem>> -> memref<1x80x64xf32, #tpu.memory_space<vmem>>
        %dma_wait3A_2159 = tpu.memref_squeeze %dma_wait3A_2158 : memref<1x80x64xf32, #tpu.memory_space<vmem>> -> memref<80x64xf32, #tpu.memory_space<vmem>>
        %dma_wait3A_2160 = arith.constant 0 : i32
        %dma_wait3A_2161 = tpu.memref_slice %arg7[%dma_wait3A_2155, %dma_wait3A_2160] : memref<10x80xi32, #tpu.memory_space<vmem>> -> memref<1x80xi32, #tpu.memory_space<vmem>>
        %dma_wait3A_2162 = tpu.memref_squeeze %dma_wait3A_2161 : memref<1x80xi32, #tpu.memory_space<vmem>> -> memref<80xi32, #tpu.memory_space<vmem>>
        %dma_wait3A_2163 = arith.constant 0 : i32
        %dma_wait3A_2164 = arith.constant 0 : i32
        %dma_wait3A_2165 = tpu.memref_slice %arg10[%dma_wait3A_2163, %dma_wait3A_2164] : memref<10240x64xf32, #tpu.memory_space<vmem_shared>> -> memref<10240x64xf32, #tpu.memory_space<vmem_shared>>
        tpu.wait_indirect_dma semaphore(%arg13 : memref<!tpu.dma_semaphore, #tpu.memory_space<semaphore_mem>>) src(%dma_wait3A_2159 : memref<80x64xf32, #tpu.memory_space<vmem>>) dst(%dma_wait3A_2165 : memref<10240x64xf32, #tpu.memory_space<vmem_shared>>)
        %dma_wait3A_2166 = arith.constant 1 : i32
        %dma_wait3A_2167 = arith.constant 1 : i32
        %dma_wait3A_2168 = arith.constant 0 : i32
        %dma_wait3A_2169 = arith.constant 0 : i32
        %dma_wait3A_2170 = tpu.memref_slice %arg8[%dma_wait3A_2166, %dma_wait3A_2168, %dma_wait3A_2169] : memref<10x80x64xf32, #tpu.memory_space<vmem>> -> memref<1x80x64xf32, #tpu.memory_space<vmem>>
        %dma_wait3A_2171 = tpu.memref_squeeze %dma_wait3A_2170 : memref<1x80x64xf32, #tpu.memory_space<vmem>> -> memref<80x64xf32, #tpu.memory_space<vmem>>
        %dma_wait3A_2172 = arith.constant 0 : i32
        %dma_wait3A_2173 = tpu.memref_slice %arg7[%dma_wait3A_2167, %dma_wait3A_2172] : memref<10x80xi32, #tpu.memory_space<vmem>> -> memref<1x80xi32, #tpu.memory_space<vmem>>
        %dma_wait3A_2174 = tpu.memref_squeeze %dma_wait3A_2173 : memref<1x80xi32, #tpu.memory_space<vmem>> -> memref<80xi32, #tpu.memory_space<vmem>>
        %dma_wait3A_2175 = arith.constant 0 : i32
        %dma_wait3A_2176 = arith.constant 0 : i32
        %dma_wait3A_2177 = tpu.memref_slice %arg10[%dma_wait3A_2175, %dma_wait3A_2176] : memref<10240x64xf32, #tpu.memory_space<vmem_shared>> -> memref<10240x64xf32, #tpu.memory_space<vmem_shared>>
        tpu.wait_indirect_dma semaphore(%arg13 : memref<!tpu.dma_semaphore, #tpu.memory_space<semaphore_mem>>) src(%dma_wait3A_2171 : memref<80x64xf32, #tpu.memory_space<vmem>>) dst(%dma_wait3A_2177 : memref<10240x64xf32, #tpu.memory_space<vmem_shared>>)
        %dma_wait3A_2178 = arith.constant 2 : i32
        %dma_wait3A_2179 = arith.constant 2 : i32
        %dma_wait3A_2180 = arith.constant 0 : i32
        %dma_wait3A_2181 = arith.constant 0 : i32
        %dma_wait3A_2182 = tpu.memref_slice %arg8[%dma_wait3A_2178, %dma_wait3A_2180, %dma_wait3A_2181] : memref<10x80x64xf32, #tpu.memory_space<vmem>> -> memref<1x80x64xf32, #tpu.memory_space<vmem>>
        %dma_wait3A_2183 = tpu.memref_squeeze %dma_wait3A_2182 : memref<1x80x64xf32, #tpu.memory_space<vmem>> -> memref<80x64xf32, #tpu.memory_space<vmem>>
        %dma_wait3A_2184 = arith.constant 0 : i32
        %dma_wait3A_2185 = tpu.memref_slice %arg7[%dma_wait3A_2179, %dma_wait3A_2184] : memref<10x80xi32, #tpu.memory_space<vmem>> -> memref<1x80xi32, #tpu.memory_space<vmem>>
        %dma_wait3A_2186 = tpu.memref_squeeze %dma_wait3A_2185 : memref<1x80xi32, #tpu.memory_space<vmem>> -> memref<80xi32, #tpu.memory_space<vmem>>
        %dma_wait3A_2187 = arith.constant 0 : i32
        %dma_wait3A_2188 = arith.constant 0 : i32
        %dma_wait3A_2189 = tpu.memref_slice %arg10[%dma_wait3A_2187, %dma_wait3A_2188] : memref<10240x64xf32, #tpu.memory_space<vmem_shared>> -> memref<10240x64xf32, #tpu.memory_space<vmem_shared>>
        tpu.wait_indirect_dma semaphore(%arg13 : memref<!tpu.dma_semaphore, #tpu.memory_space<semaphore_mem>>) src(%dma_wait3A_2183 : memref<80x64xf32, #tpu.memory_space<vmem>>) dst(%dma_wait3A_2189 : memref<10240x64xf32, #tpu.memory_space<vmem_shared>>)
        %dma_wait3A_2190 = arith.constant 3 : i32
        %dma_wait3A_2191 = arith.constant 3 : i32
        %dma_wait3A_2192 = arith.constant 0 : i32
        %dma_wait3A_2193 = arith.constant 0 : i32
        %dma_wait3A_2194 = tpu.memref_slice %arg8[%dma_wait3A_2190, %dma_wait3A_2192, %dma_wait3A_2193] : memref<10x80x64xf32, #tpu.memory_space<vmem>> -> memref<1x80x64xf32, #tpu.memory_space<vmem>>
        %dma_wait3A_2195 = tpu.memref_squeeze %dma_wait3A_2194 : memref<1x80x64xf32, #tpu.memory_space<vmem>> -> memref<80x64xf32, #tpu.memory_space<vmem>>
        %dma_wait3A_2196 = arith.constant 0 : i32
        %dma_wait3A_2197 = tpu.memref_slice %arg7[%dma_wait3A_2191, %dma_wait3A_2196] : memref<10x80xi32, #tpu.memory_space<vmem>> -> memref<1x80xi32, #tpu.memory_space<vmem>>
        %dma_wait3A_2198 = tpu.memref_squeeze %dma_wait3A_2197 : memref<1x80xi32, #tpu.memory_space<vmem>> -> memref<80xi32, #tpu.memory_space<vmem>>
        %dma_wait3A_2199 = arith.constant 0 : i32
        %dma_wait3A_2200 = arith.constant 0 : i32
        %dma_wait3A_2201 = tpu.memref_slice %arg10[%dma_wait3A_2199, %dma_wait3A_2200] : memref<10240x64xf32, #tpu.memory_space<vmem_shared>> -> memref<10240x64xf32, #tpu.memory_space<vmem_shared>>
        tpu.wait_indirect_dma semaphore(%arg13 : memref<!tpu.dma_semaphore, #tpu.memory_space<semaphore_mem>>) src(%dma_wait3A_2195 : memref<80x64xf32, #tpu.memory_space<vmem>>) dst(%dma_wait3A_2201 : memref<10240x64xf32, #tpu.memory_space<vmem_shared>>)
        %dma_wait3A_2202 = arith.constant 4 : i32
        %dma_wait3A_2203 = arith.constant 4 : i32
        %dma_wait3A_2204 = arith.constant 0 : i32
        %dma_wait3A_2205 = arith.constant 0 : i32
        %dma_wait3A_2206 = tpu.memref_slice %arg8[%dma_wait3A_2202, %dma_wait3A_2204, %dma_wait3A_2205] : memref<10x80x64xf32, #tpu.memory_space<vmem>> -> memref<1x80x64xf32, #tpu.memory_space<vmem>>
        %dma_wait3A_2207 = tpu.memref_squeeze %dma_wait3A_2206 : memref<1x80x64xf32, #tpu.memory_space<vmem>> -> memref<80x64xf32, #tpu.memory_space<vmem>>
        %dma_wait3A_2208 = arith.constant 0 : i32
        %dma_wait3A_2209 = tpu.memref_slice %arg7[%dma_wait3A_2203, %dma_wait3A_2208] : memref<10x80xi32, #tpu.memory_space<vmem>> -> memref<1x80xi32, #tpu.memory_space<vmem>>
        %dma_wait3A_2210 = tpu.memref_squeeze %dma_wait3A_2209 : memref<1x80xi32, #tpu.memory_space<vmem>> -> memref<80xi32, #tpu.memory_space<vmem>>
        %dma_wait3A_2211 = arith.constant 0 : i32
        %dma_wait3A_2212 = arith.constant 0 : i32
        %dma_wait3A_2213 = tpu.memref_slice %arg10[%dma_wait3A_2211, %dma_wait3A_2212] : memref<10240x64xf32, #tpu.memory_space<vmem_shared>> -> memref<10240x64xf32, #tpu.memory_space<vmem_shared>>
        tpu.wait_indirect_dma semaphore(%arg13 : memref<!tpu.dma_semaphore, #tpu.memory_space<semaphore_mem>>) src(%dma_wait3A_2207 : memref<80x64xf32, #tpu.memory_space<vmem>>) dst(%dma_wait3A_2213 : memref<10240x64xf32, #tpu.memory_space<vmem_shared>>)
        %add3A_2214 = arith.constant 1 : i32
        %add3A_2215 = arith.addi %mul3A_1486, %add3A_2214 : i32
        %add3A_2216 = arith.constant 2 : i32
        %add3A_2217 = arith.addi %mul3A_1486, %add3A_2216 : i32
        %dma_wait3A_2218 = arith.constant 5 : i32
        %dma_wait3A_2219 = arith.constant 5 : i32
        %dma_wait3A_2220 = arith.constant 0 : i32
        %dma_wait3A_2221 = arith.constant 0 : i32
        %dma_wait3A_2222 = tpu.memref_slice %arg8[%dma_wait3A_2219, %dma_wait3A_2220, %dma_wait3A_2221] : memref<10x80x64xf32, #tpu.memory_space<vmem>> -> memref<1x80x64xf32, #tpu.memory_space<vmem>>
        %dma_wait3A_2223 = tpu.memref_squeeze %dma_wait3A_2222 : memref<1x80x64xf32, #tpu.memory_space<vmem>> -> memref<80x64xf32, #tpu.memory_space<vmem>>
        %dma_wait3A_2224 = arith.constant 0 : i32
        %dma_wait3A_2225 = tpu.memref_slice %arg6[%dma_wait3A_2218, %dma_wait3A_2224] : memref<10x80xi32, #tpu.memory_space<vmem>> -> memref<1x80xi32, #tpu.memory_space<vmem>>
        %dma_wait3A_2226 = tpu.memref_squeeze %dma_wait3A_2225 : memref<1x80xi32, #tpu.memory_space<vmem>> -> memref<80xi32, #tpu.memory_space<vmem>>
        %dma_wait3A_2227 = arith.constant 0 : i32
        %dma_wait3A_2228 = arith.constant 0 : i32
        %dma_wait3A_2229 = tpu.memref_slice %arg2[%add3A_11, %dma_wait3A_2227, %dma_wait3A_2228] : memref<4x10240x64xf32, #tpu.memory_space<hbm>> -> memref<1x10240x64xf32, #tpu.memory_space<hbm>>
        %dma_wait3A_2230 = tpu.memref_squeeze %dma_wait3A_2229 : memref<1x10240x64xf32, #tpu.memory_space<hbm>> -> memref<10240x64xf32, #tpu.memory_space<hbm>>
        %dma_wait3A_2231 = arith.constant 0 : i32
        %dma_wait3A_2232 = arith.constant 0 : i32
        %dma_wait3A_2233 = tpu.memref_slice %dma_wait3A_2230[%dma_wait3A_2231, %dma_wait3A_2232] : memref<10240x64xf32, #tpu.memory_space<hbm>> -> memref<10240x64xf32, #tpu.memory_space<hbm>>
        tpu.wait_indirect_dma semaphore(%arg12 : memref<!tpu.dma_semaphore, #tpu.memory_space<semaphore_mem>>) src(%dma_wait3A_2233 : memref<10240x64xf32, #tpu.memory_space<hbm>>) dst(%dma_wait3A_2223 : memref<80x64xf32, #tpu.memory_space<vmem>>)
        %dma_wait3A_2234 = arith.constant 6 : i32
        %dma_wait3A_2235 = arith.constant 6 : i32
        %dma_wait3A_2236 = arith.constant 0 : i32
        %dma_wait3A_2237 = arith.constant 0 : i32
        %dma_wait3A_2238 = tpu.memref_slice %arg8[%dma_wait3A_2235, %dma_wait3A_2236, %dma_wait3A_2237] : memref<10x80x64xf32, #tpu.memory_space<vmem>> -> memref<1x80x64xf32, #tpu.memory_space<vmem>>
        %dma_wait3A_2239 = tpu.memref_squeeze %dma_wait3A_2238 : memref<1x80x64xf32, #tpu.memory_space<vmem>> -> memref<80x64xf32, #tpu.memory_space<vmem>>
        %dma_wait3A_2240 = arith.constant 0 : i32
        %dma_wait3A_2241 = tpu.memref_slice %arg6[%dma_wait3A_2234, %dma_wait3A_2240] : memref<10x80xi32, #tpu.memory_space<vmem>> -> memref<1x80xi32, #tpu.memory_space<vmem>>
        %dma_wait3A_2242 = tpu.memref_squeeze %dma_wait3A_2241 : memref<1x80xi32, #tpu.memory_space<vmem>> -> memref<80xi32, #tpu.memory_space<vmem>>
        %dma_wait3A_2243 = arith.constant 0 : i32
        %dma_wait3A_2244 = arith.constant 0 : i32
        %dma_wait3A_2245 = tpu.memref_slice %arg2[%add3A_11, %dma_wait3A_2243, %dma_wait3A_2244] : memref<4x10240x64xf32, #tpu.memory_space<hbm>> -> memref<1x10240x64xf32, #tpu.memory_space<hbm>>
        %dma_wait3A_2246 = tpu.memref_squeeze %dma_wait3A_2245 : memref<1x10240x64xf32, #tpu.memory_space<hbm>> -> memref<10240x64xf32, #tpu.memory_space<hbm>>
        %dma_wait3A_2247 = arith.constant 0 : i32
        %dma_wait3A_2248 = arith.constant 0 : i32
        %dma_wait3A_2249 = tpu.memref_slice %dma_wait3A_2246[%dma_wait3A_2247, %dma_wait3A_2248] : memref<10240x64xf32, #tpu.memory_space<hbm>> -> memref<10240x64xf32, #tpu.memory_space<hbm>>
        tpu.wait_indirect_dma semaphore(%arg12 : memref<!tpu.dma_semaphore, #tpu.memory_space<semaphore_mem>>) src(%dma_wait3A_2249 : memref<10240x64xf32, #tpu.memory_space<hbm>>) dst(%dma_wait3A_2239 : memref<80x64xf32, #tpu.memory_space<vmem>>)
        %dma_wait3A_2250 = arith.constant 7 : i32
        %dma_wait3A_2251 = arith.constant 7 : i32
        %dma_wait3A_2252 = arith.constant 0 : i32
        %dma_wait3A_2253 = arith.constant 0 : i32
        %dma_wait3A_2254 = tpu.memref_slice %arg8[%dma_wait3A_2251, %dma_wait3A_2252, %dma_wait3A_2253] : memref<10x80x64xf32, #tpu.memory_space<vmem>> -> memref<1x80x64xf32, #tpu.memory_space<vmem>>
        %dma_wait3A_2255 = tpu.memref_squeeze %dma_wait3A_2254 : memref<1x80x64xf32, #tpu.memory_space<vmem>> -> memref<80x64xf32, #tpu.memory_space<vmem>>
        %dma_wait3A_2256 = arith.constant 0 : i32
        %dma_wait3A_2257 = tpu.memref_slice %arg6[%dma_wait3A_2250, %dma_wait3A_2256] : memref<10x80xi32, #tpu.memory_space<vmem>> -> memref<1x80xi32, #tpu.memory_space<vmem>>
        %dma_wait3A_2258 = tpu.memref_squeeze %dma_wait3A_2257 : memref<1x80xi32, #tpu.memory_space<vmem>> -> memref<80xi32, #tpu.memory_space<vmem>>
        %dma_wait3A_2259 = arith.constant 0 : i32
        %dma_wait3A_2260 = arith.constant 0 : i32
        %dma_wait3A_2261 = tpu.memref_slice %arg2[%add3A_11, %dma_wait3A_2259, %dma_wait3A_2260] : memref<4x10240x64xf32, #tpu.memory_space<hbm>> -> memref<1x10240x64xf32, #tpu.memory_space<hbm>>
        %dma_wait3A_2262 = tpu.memref_squeeze %dma_wait3A_2261 : memref<1x10240x64xf32, #tpu.memory_space<hbm>> -> memref<10240x64xf32, #tpu.memory_space<hbm>>
        %dma_wait3A_2263 = arith.constant 0 : i32
        %dma_wait3A_2264 = arith.constant 0 : i32
        %dma_wait3A_2265 = tpu.memref_slice %dma_wait3A_2262[%dma_wait3A_2263, %dma_wait3A_2264] : memref<10240x64xf32, #tpu.memory_space<hbm>> -> memref<10240x64xf32, #tpu.memory_space<hbm>>
        tpu.wait_indirect_dma semaphore(%arg12 : memref<!tpu.dma_semaphore, #tpu.memory_space<semaphore_mem>>) src(%dma_wait3A_2265 : memref<10240x64xf32, #tpu.memory_space<hbm>>) dst(%dma_wait3A_2255 : memref<80x64xf32, #tpu.memory_space<vmem>>)
        %dma_wait3A_2266 = arith.constant 8 : i32
        %dma_wait3A_2267 = arith.constant 8 : i32
        %dma_wait3A_2268 = arith.constant 0 : i32
        %dma_wait3A_2269 = arith.constant 0 : i32
        %dma_wait3A_2270 = tpu.memref_slice %arg8[%dma_wait3A_2267, %dma_wait3A_2268, %dma_wait3A_2269] : memref<10x80x64xf32, #tpu.memory_space<vmem>> -> memref<1x80x64xf32, #tpu.memory_space<vmem>>
        %dma_wait3A_2271 = tpu.memref_squeeze %dma_wait3A_2270 : memref<1x80x64xf32, #tpu.memory_space<vmem>> -> memref<80x64xf32, #tpu.memory_space<vmem>>
        %dma_wait3A_2272 = arith.constant 0 : i32
        %dma_wait3A_2273 = tpu.memref_slice %arg6[%dma_wait3A_2266, %dma_wait3A_2272] : memref<10x80xi32, #tpu.memory_space<vmem>> -> memref<1x80xi32, #tpu.memory_space<vmem>>
        %dma_wait3A_2274 = tpu.memref_squeeze %dma_wait3A_2273 : memref<1x80xi32, #tpu.memory_space<vmem>> -> memref<80xi32, #tpu.memory_space<vmem>>
        %dma_wait3A_2275 = arith.constant 0 : i32
        %dma_wait3A_2276 = arith.constant 0 : i32
        %dma_wait3A_2277 = tpu.memref_slice %arg2[%add3A_11, %dma_wait3A_2275, %dma_wait3A_2276] : memref<4x10240x64xf32, #tpu.memory_space<hbm>> -> memref<1x10240x64xf32, #tpu.memory_space<hbm>>
        %dma_wait3A_2278 = tpu.memref_squeeze %dma_wait3A_2277 : memref<1x10240x64xf32, #tpu.memory_space<hbm>> -> memref<10240x64xf32, #tpu.memory_space<hbm>>
        %dma_wait3A_2279 = arith.constant 0 : i32
        %dma_wait3A_2280 = arith.constant 0 : i32
        %dma_wait3A_2281 = tpu.memref_slice %dma_wait3A_2278[%dma_wait3A_2279, %dma_wait3A_2280] : memref<10240x64xf32, #tpu.memory_space<hbm>> -> memref<10240x64xf32, #tpu.memory_space<hbm>>
        tpu.wait_indirect_dma semaphore(%arg12 : memref<!tpu.dma_semaphore, #tpu.memory_space<semaphore_mem>>) src(%dma_wait3A_2281 : memref<10240x64xf32, #tpu.memory_space<hbm>>) dst(%dma_wait3A_2271 : memref<80x64xf32, #tpu.memory_space<vmem>>)
        %dma_wait3A_2282 = arith.constant 9 : i32
        %dma_wait3A_2283 = arith.constant 9 : i32
        %dma_wait3A_2284 = arith.constant 0 : i32
        %dma_wait3A_2285 = arith.constant 0 : i32
        %dma_wait3A_2286 = tpu.memref_slice %arg8[%dma_wait3A_2283, %dma_wait3A_2284, %dma_wait3A_2285] : memref<10x80x64xf32, #tpu.memory_space<vmem>> -> memref<1x80x64xf32, #tpu.memory_space<vmem>>
        %dma_wait3A_2287 = tpu.memref_squeeze %dma_wait3A_2286 : memref<1x80x64xf32, #tpu.memory_space<vmem>> -> memref<80x64xf32, #tpu.memory_space<vmem>>
        %dma_wait3A_2288 = arith.constant 0 : i32
        %dma_wait3A_2289 = tpu.memref_slice %arg6[%dma_wait3A_2282, %dma_wait3A_2288] : memref<10x80xi32, #tpu.memory_space<vmem>> -> memref<1x80xi32, #tpu.memory_space<vmem>>
        %dma_wait3A_2290 = tpu.memref_squeeze %dma_wait3A_2289 : memref<1x80xi32, #tpu.memory_space<vmem>> -> memref<80xi32, #tpu.memory_space<vmem>>
        %dma_wait3A_2291 = arith.constant 0 : i32
        %dma_wait3A_2292 = arith.constant 0 : i32
        %dma_wait3A_2293 = tpu.memref_slice %arg2[%add3A_11, %dma_wait3A_2291, %dma_wait3A_2292] : memref<4x10240x64xf32, #tpu.memory_space<hbm>> -> memref<1x10240x64xf32, #tpu.memory_space<hbm>>
        %dma_wait3A_2294 = tpu.memref_squeeze %dma_wait3A_2293 : memref<1x10240x64xf32, #tpu.memory_space<hbm>> -> memref<10240x64xf32, #tpu.memory_space<hbm>>
        %dma_wait3A_2295 = arith.constant 0 : i32
        %dma_wait3A_2296 = arith.constant 0 : i32
        %dma_wait3A_2297 = tpu.memref_slice %dma_wait3A_2294[%dma_wait3A_2295, %dma_wait3A_2296] : memref<10240x64xf32, #tpu.memory_space<hbm>> -> memref<10240x64xf32, #tpu.memory_space<hbm>>
        tpu.wait_indirect_dma semaphore(%arg12 : memref<!tpu.dma_semaphore, #tpu.memory_space<semaphore_mem>>) src(%dma_wait3A_2297 : memref<10240x64xf32, #tpu.memory_space<hbm>>) dst(%dma_wait3A_2287 : memref<80x64xf32, #tpu.memory_space<vmem>>)
        %dma_start3A_2298 = arith.constant 5 : i32
        %dma_start3A_2299 = arith.constant 5 : i32
        %dma_start3A_2300 = arith.constant 0 : i32
        %dma_start3A_2301 = arith.constant 0 : i32
        %dma_start3A_2302 = tpu.memref_slice %arg8[%dma_start3A_2298, %dma_start3A_2300, %dma_start3A_2301] : memref<10x80x64xf32, #tpu.memory_space<vmem>> -> memref<1x80x64xf32, #tpu.memory_space<vmem>>
        %dma_start3A_2303 = tpu.memref_squeeze %dma_start3A_2302 : memref<1x80x64xf32, #tpu.memory_space<vmem>> -> memref<80x64xf32, #tpu.memory_space<vmem>>
        %dma_start3A_2304 = arith.constant 0 : i32
        %dma_start3A_2305 = tpu.memref_slice %arg7[%dma_start3A_2299, %dma_start3A_2304] : memref<10x80xi32, #tpu.memory_space<vmem>> -> memref<1x80xi32, #tpu.memory_space<vmem>>
        %dma_start3A_2306 = tpu.memref_squeeze %dma_start3A_2305 : memref<1x80xi32, #tpu.memory_space<vmem>> -> memref<80xi32, #tpu.memory_space<vmem>>
        %dma_start3A_2307 = arith.constant 0 : i32
        %dma_start3A_2308 = arith.constant 0 : i32
        %dma_start3A_2309 = tpu.memref_slice %arg10[%dma_start3A_2307, %dma_start3A_2308] : memref<10240x64xf32, #tpu.memory_space<vmem_shared>> -> memref<10240x64xf32, #tpu.memory_space<vmem_shared>>
        tpu.enqueue_indirect_dma source(%dma_start3A_2303 : memref<80x64xf32, #tpu.memory_space<vmem>>) target(%dma_start3A_2309 : memref<10240x64xf32, #tpu.memory_space<vmem_shared>>) offsets(%dma_start3A_2306 : memref<80xi32, #tpu.memory_space<vmem>>) semaphore(%arg14 : memref<!tpu.dma_semaphore, #tpu.memory_space<semaphore_mem>>) {add = true}
        %dma_start3A_2310 = arith.constant 6 : i32
        %dma_start3A_2311 = arith.constant 6 : i32
        %dma_start3A_2312 = arith.constant 0 : i32
        %dma_start3A_2313 = arith.constant 0 : i32
        %dma_start3A_2314 = tpu.memref_slice %arg8[%dma_start3A_2310, %dma_start3A_2312, %dma_start3A_2313] : memref<10x80x64xf32, #tpu.memory_space<vmem>> -> memref<1x80x64xf32, #tpu.memory_space<vmem>>
        %dma_start3A_2315 = tpu.memref_squeeze %dma_start3A_2314 : memref<1x80x64xf32, #tpu.memory_space<vmem>> -> memref<80x64xf32, #tpu.memory_space<vmem>>
        %dma_start3A_2316 = arith.constant 0 : i32
        %dma_start3A_2317 = tpu.memref_slice %arg7[%dma_start3A_2311, %dma_start3A_2316] : memref<10x80xi32, #tpu.memory_space<vmem>> -> memref<1x80xi32, #tpu.memory_space<vmem>>
        %dma_start3A_2318 = tpu.memref_squeeze %dma_start3A_2317 : memref<1x80xi32, #tpu.memory_space<vmem>> -> memref<80xi32, #tpu.memory_space<vmem>>
        %dma_start3A_2319 = arith.constant 0 : i32
        %dma_start3A_2320 = arith.constant 0 : i32
        %dma_start3A_2321 = tpu.memref_slice %arg10[%dma_start3A_2319, %dma_start3A_2320] : memref<10240x64xf32, #tpu.memory_space<vmem_shared>> -> memref<10240x64xf32, #tpu.memory_space<vmem_shared>>
        tpu.enqueue_indirect_dma source(%dma_start3A_2315 : memref<80x64xf32, #tpu.memory_space<vmem>>) target(%dma_start3A_2321 : memref<10240x64xf32, #tpu.memory_space<vmem_shared>>) offsets(%dma_start3A_2318 : memref<80xi32, #tpu.memory_space<vmem>>) semaphore(%arg14 : memref<!tpu.dma_semaphore, #tpu.memory_space<semaphore_mem>>) {add = true}
        %dma_start3A_2322 = arith.constant 7 : i32
        %dma_start3A_2323 = arith.constant 7 : i32
        %dma_start3A_2324 = arith.constant 0 : i32
        %dma_start3A_2325 = arith.constant 0 : i32
        %dma_start3A_2326 = tpu.memref_slice %arg8[%dma_start3A_2322, %dma_start3A_2324, %dma_start3A_2325] : memref<10x80x64xf32, #tpu.memory_space<vmem>> -> memref<1x80x64xf32, #tpu.memory_space<vmem>>
        %dma_start3A_2327 = tpu.memref_squeeze %dma_start3A_2326 : memref<1x80x64xf32, #tpu.memory_space<vmem>> -> memref<80x64xf32, #tpu.memory_space<vmem>>
        %dma_start3A_2328 = arith.constant 0 : i32
        %dma_start3A_2329 = tpu.memref_slice %arg7[%dma_start3A_2323, %dma_start3A_2328] : memref<10x80xi32, #tpu.memory_space<vmem>> -> memref<1x80xi32, #tpu.memory_space<vmem>>
        %dma_start3A_2330 = tpu.memref_squeeze %dma_start3A_2329 : memref<1x80xi32, #tpu.memory_space<vmem>> -> memref<80xi32, #tpu.memory_space<vmem>>
        %dma_start3A_2331 = arith.constant 0 : i32
        %dma_start3A_2332 = arith.constant 0 : i32
        %dma_start3A_2333 = tpu.memref_slice %arg10[%dma_start3A_2331, %dma_start3A_2332] : memref<10240x64xf32, #tpu.memory_space<vmem_shared>> -> memref<10240x64xf32, #tpu.memory_space<vmem_shared>>
        tpu.enqueue_indirect_dma source(%dma_start3A_2327 : memref<80x64xf32, #tpu.memory_space<vmem>>) target(%dma_start3A_2333 : memref<10240x64xf32, #tpu.memory_space<vmem_shared>>) offsets(%dma_start3A_2330 : memref<80xi32, #tpu.memory_space<vmem>>) semaphore(%arg14 : memref<!tpu.dma_semaphore, #tpu.memory_space<semaphore_mem>>) {add = true}
        %dma_start3A_2334 = arith.constant 8 : i32
        %dma_start3A_2335 = arith.constant 8 : i32
        %dma_start3A_2336 = arith.constant 0 : i32
        %dma_start3A_2337 = arith.constant 0 : i32
        %dma_start3A_2338 = tpu.memref_slice %arg8[%dma_start3A_2334, %dma_start3A_2336, %dma_start3A_2337] : memref<10x80x64xf32, #tpu.memory_space<vmem>> -> memref<1x80x64xf32, #tpu.memory_space<vmem>>
        %dma_start3A_2339 = tpu.memref_squeeze %dma_start3A_2338 : memref<1x80x64xf32, #tpu.memory_space<vmem>> -> memref<80x64xf32, #tpu.memory_space<vmem>>
        %dma_start3A_2340 = arith.constant 0 : i32
        %dma_start3A_2341 = tpu.memref_slice %arg7[%dma_start3A_2335, %dma_start3A_2340] : memref<10x80xi32, #tpu.memory_space<vmem>> -> memref<1x80xi32, #tpu.memory_space<vmem>>
        %dma_start3A_2342 = tpu.memref_squeeze %dma_start3A_2341 : memref<1x80xi32, #tpu.memory_space<vmem>> -> memref<80xi32, #tpu.memory_space<vmem>>
        %dma_start3A_2343 = arith.constant 0 : i32
        %dma_start3A_2344 = arith.constant 0 : i32
        %dma_start3A_2345 = tpu.memref_slice %arg10[%dma_start3A_2343, %dma_start3A_2344] : memref<10240x64xf32, #tpu.memory_space<vmem_shared>> -> memref<10240x64xf32, #tpu.memory_space<vmem_shared>>
        tpu.enqueue_indirect_dma source(%dma_start3A_2339 : memref<80x64xf32, #tpu.memory_space<vmem>>) target(%dma_start3A_2345 : memref<10240x64xf32, #tpu.memory_space<vmem_shared>>) offsets(%dma_start3A_2342 : memref<80xi32, #tpu.memory_space<vmem>>) semaphore(%arg14 : memref<!tpu.dma_semaphore, #tpu.memory_space<semaphore_mem>>) {add = true}
        %dma_start3A_2346 = arith.constant 9 : i32
        %dma_start3A_2347 = arith.constant 9 : i32
        %dma_start3A_2348 = arith.constant 0 : i32
        %dma_start3A_2349 = arith.constant 0 : i32
        %dma_start3A_2350 = tpu.memref_slice %arg8[%dma_start3A_2346, %dma_start3A_2348, %dma_start3A_2349] : memref<10x80x64xf32, #tpu.memory_space<vmem>> -> memref<1x80x64xf32, #tpu.memory_space<vmem>>
        %dma_start3A_2351 = tpu.memref_squeeze %dma_start3A_2350 : memref<1x80x64xf32, #tpu.memory_space<vmem>> -> memref<80x64xf32, #tpu.memory_space<vmem>>
        %dma_start3A_2352 = arith.constant 0 : i32
        %dma_start3A_2353 = tpu.memref_slice %arg7[%dma_start3A_2347, %dma_start3A_2352] : memref<10x80xi32, #tpu.memory_space<vmem>> -> memref<1x80xi32, #tpu.memory_space<vmem>>
        %dma_start3A_2354 = tpu.memref_squeeze %dma_start3A_2353 : memref<1x80xi32, #tpu.memory_space<vmem>> -> memref<80xi32, #tpu.memory_space<vmem>>
        %dma_start3A_2355 = arith.constant 0 : i32
        %dma_start3A_2356 = arith.constant 0 : i32
        %dma_start3A_2357 = tpu.memref_slice %arg10[%dma_start3A_2355, %dma_start3A_2356] : memref<10240x64xf32, #tpu.memory_space<vmem_shared>> -> memref<10240x64xf32, #tpu.memory_space<vmem_shared>>
        tpu.enqueue_indirect_dma source(%dma_start3A_2351 : memref<80x64xf32, #tpu.memory_space<vmem>>) target(%dma_start3A_2357 : memref<10240x64xf32, #tpu.memory_space<vmem_shared>>) offsets(%dma_start3A_2354 : memref<80xi32, #tpu.memory_space<vmem>>) semaphore(%arg14 : memref<!tpu.dma_semaphore, #tpu.memory_space<semaphore_mem>>) {add = true}
        %mul3A_2358 = arith.constant 5 : i32
        %mul3A_2359 = arith.muli %add3A_2217, %mul3A_2358 : i32
        %add3A_2360 = arith.constant 0 : i32
        %add3A_2361 = arith.addi %mul3A_2359, %add3A_2360 : i32
        %get3A_2362 = arith.index_cast %add3A_2361 : i32 to index
        %get3A_2363 = arith.constant 0 : index
        %get3A_2364 = tpu.vector_load %arg5[%get3A_2362, %get3A_2363] {strides = array<i32>} : memref<250x80xi32, #tpu.memory_space<vmem>>, vector<16xi32>,
        %shift_right_logical3A_2365 = arith.constant 16 : i32
        %shift_right_logical3A_2366 = vector.broadcast %shift_right_logical3A_2365 : i32 to vector<16xi32>
        %shift_right_logical3A_2367 = arith.shrui %get3A_2364, %shift_right_logical3A_2366 : vector<16xi32>
        %swap3A_2368 = arith.constant 0 : i32
        %swap3A_2369 = arith.index_cast %swap3A_2368 : i32 to index
        %swap3A_2370 = arith.constant 0 : index
        %swap3A_2371 = tpu.vector_load %arg6[%swap3A_2369, %swap3A_2370] {strides = array<i32>} : memref<10x80xi32, #tpu.memory_space<vmem>>, vector<16xi32>,
        tpu.vector_store %arg6[%swap3A_2369, %swap3A_2370], %shift_right_logical3A_2367 {strides = array<i32>} : memref<10x80xi32, #tpu.memory_space<vmem>>, vector<16xi32>,
        %and3A_2372 = arith.constant 65535 : i32
        %and3A_2373 = vector.broadcast %and3A_2372 : i32 to vector<16xi32>
        %and3A_2374 = arith.andi %get3A_2364, %and3A_2373 : vector<16xi32>
        %swap3A_2375 = arith.constant 0 : i32
        %swap3A_2376 = arith.index_cast %swap3A_2375 : i32 to index
        %swap3A_2377 = arith.constant 0 : index
        %swap3A_2378 = tpu.vector_load %arg7[%swap3A_2376, %swap3A_2377] {strides = array<i32>} : memref<10x80xi32, #tpu.memory_space<vmem>>, vector<16xi32>,
        tpu.vector_store %arg7[%swap3A_2376, %swap3A_2377], %and3A_2374 {strides = array<i32>} : memref<10x80xi32, #tpu.memory_space<vmem>>, vector<16xi32>,
        %get3A_2379 = arith.index_cast %add3A_2361 : i32 to index
        %get3A_2380 = arith.constant 16 : index
        %get3A_2381 = tpu.vector_load %arg5[%get3A_2379, %get3A_2380] {strides = array<i32>} : memref<250x80xi32, #tpu.memory_space<vmem>>, vector<16xi32>,
        %shift_right_logical3A_2382 = arith.constant 16 : i32
        %shift_right_logical3A_2383 = vector.broadcast %shift_right_logical3A_2382 : i32 to vector<16xi32>
        %shift_right_logical3A_2384 = arith.shrui %get3A_2381, %shift_right_logical3A_2383 : vector<16xi32>
        %swap3A_2385 = arith.constant 0 : i32
        %swap3A_2386 = arith.index_cast %swap3A_2385 : i32 to index
        %swap3A_2387 = arith.constant 16 : index
        %swap3A_2388 = tpu.vector_load %arg6[%swap3A_2386, %swap3A_2387] {strides = array<i32>} : memref<10x80xi32, #tpu.memory_space<vmem>>, vector<16xi32>,
        tpu.vector_store %arg6[%swap3A_2386, %swap3A_2387], %shift_right_logical3A_2384 {strides = array<i32>} : memref<10x80xi32, #tpu.memory_space<vmem>>, vector<16xi32>,
        %and3A_2389 = arith.constant 65535 : i32
        %and3A_2390 = vector.broadcast %and3A_2389 : i32 to vector<16xi32>
        %and3A_2391 = arith.andi %get3A_2381, %and3A_2390 : vector<16xi32>
        %swap3A_2392 = arith.constant 0 : i32
        %swap3A_2393 = arith.index_cast %swap3A_2392 : i32 to index
        %swap3A_2394 = arith.constant 16 : index
        %swap3A_2395 = tpu.vector_load %arg7[%swap3A_2393, %swap3A_2394] {strides = array<i32>} : memref<10x80xi32, #tpu.memory_space<vmem>>, vector<16xi32>,
        tpu.vector_store %arg7[%swap3A_2393, %swap3A_2394], %and3A_2391 {strides = array<i32>} : memref<10x80xi32, #tpu.memory_space<vmem>>, vector<16xi32>,
        %get3A_2396 = arith.index_cast %add3A_2361 : i32 to index
        %get3A_2397 = arith.constant 32 : index
        %get3A_2398 = tpu.vector_load %arg5[%get3A_2396, %get3A_2397] {strides = array<i32>} : memref<250x80xi32, #tpu.memory_space<vmem>>, vector<16xi32>,
        %shift_right_logical3A_2399 = arith.constant 16 : i32
        %shift_right_logical3A_2400 = vector.broadcast %shift_right_logical3A_2399 : i32 to vector<16xi32>
        %shift_right_logical3A_2401 = arith.shrui %get3A_2398, %shift_right_logical3A_2400 : vector<16xi32>
        %swap3A_2402 = arith.constant 0 : i32
        %swap3A_2403 = arith.index_cast %swap3A_2402 : i32 to index
        %swap3A_2404 = arith.constant 32 : index
        %swap3A_2405 = tpu.vector_load %arg6[%swap3A_2403, %swap3A_2404] {strides = array<i32>} : memref<10x80xi32, #tpu.memory_space<vmem>>, vector<16xi32>,
        tpu.vector_store %arg6[%swap3A_2403, %swap3A_2404], %shift_right_logical3A_2401 {strides = array<i32>} : memref<10x80xi32, #tpu.memory_space<vmem>>, vector<16xi32>,
        %and3A_2406 = arith.constant 65535 : i32
        %and3A_2407 = vector.broadcast %and3A_2406 : i32 to vector<16xi32>
        %and3A_2408 = arith.andi %get3A_2398, %and3A_2407 : vector<16xi32>
        %swap3A_2409 = arith.constant 0 : i32
        %swap3A_2410 = arith.index_cast %swap3A_2409 : i32 to index
        %swap3A_2411 = arith.constant 32 : index
        %swap3A_2412 = tpu.vector_load %arg7[%swap3A_2410, %swap3A_2411] {strides = array<i32>} : memref<10x80xi32, #tpu.memory_space<vmem>>, vector<16xi32>,
        tpu.vector_store %arg7[%swap3A_2410, %swap3A_2411], %and3A_2408 {strides = array<i32>} : memref<10x80xi32, #tpu.memory_space<vmem>>, vector<16xi32>,
        %get3A_2413 = arith.index_cast %add3A_2361 : i32 to index
        %get3A_2414 = arith.constant 48 : index
        %get3A_2415 = tpu.vector_load %arg5[%get3A_2413, %get3A_2414] {strides = array<i32>} : memref<250x80xi32, #tpu.memory_space<vmem>>, vector<16xi32>,
        %shift_right_logical3A_2416 = arith.constant 16 : i32
        %shift_right_logical3A_2417 = vector.broadcast %shift_right_logical3A_2416 : i32 to vector<16xi32>
        %shift_right_logical3A_2418 = arith.shrui %get3A_2415, %shift_right_logical3A_2417 : vector<16xi32>
        %swap3A_2419 = arith.constant 0 : i32
        %swap3A_2420 = arith.index_cast %swap3A_2419 : i32 to index
        %swap3A_2421 = arith.constant 48 : index
        %swap3A_2422 = tpu.vector_load %arg6[%swap3A_2420, %swap3A_2421] {strides = array<i32>} : memref<10x80xi32, #tpu.memory_space<vmem>>, vector<16xi32>,
        tpu.vector_store %arg6[%swap3A_2420, %swap3A_2421], %shift_right_logical3A_2418 {strides = array<i32>} : memref<10x80xi32, #tpu.memory_space<vmem>>, vector<16xi32>,
        %and3A_2423 = arith.constant 65535 : i32
        %and3A_2424 = vector.broadcast %and3A_2423 : i32 to vector<16xi32>
        %and3A_2425 = arith.andi %get3A_2415, %and3A_2424 : vector<16xi32>
        %swap3A_2426 = arith.constant 0 : i32
        %swap3A_2427 = arith.index_cast %swap3A_2426 : i32 to index
        %swap3A_2428 = arith.constant 48 : index
        %swap3A_2429 = tpu.vector_load %arg7[%swap3A_2427, %swap3A_2428] {strides = array<i32>} : memref<10x80xi32, #tpu.memory_space<vmem>>, vector<16xi32>,
        tpu.vector_store %arg7[%swap3A_2427, %swap3A_2428], %and3A_2425 {strides = array<i32>} : memref<10x80xi32, #tpu.memory_space<vmem>>, vector<16xi32>,
        %get3A_2430 = arith.index_cast %add3A_2361 : i32 to index
        %get3A_2431 = arith.constant 64 : index
        %get3A_2432 = tpu.vector_load %arg5[%get3A_2430, %get3A_2431] {strides = array<i32>} : memref<250x80xi32, #tpu.memory_space<vmem>>, vector<16xi32>,
        %shift_right_logical3A_2433 = arith.constant 16 : i32
        %shift_right_logical3A_2434 = vector.broadcast %shift_right_logical3A_2433 : i32 to vector<16xi32>
        %shift_right_logical3A_2435 = arith.shrui %get3A_2432, %shift_right_logical3A_2434 : vector<16xi32>
        %swap3A_2436 = arith.constant 0 : i32
        %swap3A_2437 = arith.index_cast %swap3A_2436 : i32 to index
        %swap3A_2438 = arith.constant 64 : index
        %swap3A_2439 = tpu.vector_load %arg6[%swap3A_2437, %swap3A_2438] {strides = array<i32>} : memref<10x80xi32, #tpu.memory_space<vmem>>, vector<16xi32>,
        tpu.vector_store %arg6[%swap3A_2437, %swap3A_2438], %shift_right_logical3A_2435 {strides = array<i32>} : memref<10x80xi32, #tpu.memory_space<vmem>>, vector<16xi32>,
        %and3A_2440 = arith.constant 65535 : i32
        %and3A_2441 = vector.broadcast %and3A_2440 : i32 to vector<16xi32>
        %and3A_2442 = arith.andi %get3A_2432, %and3A_2441 : vector<16xi32>
        %swap3A_2443 = arith.constant 0 : i32
        %swap3A_2444 = arith.index_cast %swap3A_2443 : i32 to index
        %swap3A_2445 = arith.constant 64 : index
        %swap3A_2446 = tpu.vector_load %arg7[%swap3A_2444, %swap3A_2445] {strides = array<i32>} : memref<10x80xi32, #tpu.memory_space<vmem>>, vector<16xi32>,
        tpu.vector_store %arg7[%swap3A_2444, %swap3A_2445], %and3A_2442 {strides = array<i32>} : memref<10x80xi32, #tpu.memory_space<vmem>>, vector<16xi32>,
        %dma_start3A_2447 = arith.constant 0 : i32
        %dma_start3A_2448 = arith.constant 0 : i32
        %dma_start3A_2449 = arith.constant 0 : i32
        %dma_start3A_2450 = arith.constant 0 : i32
        %dma_start3A_2451 = tpu.memref_slice %arg8[%dma_start3A_2448, %dma_start3A_2449, %dma_start3A_2450] : memref<10x80x64xf32, #tpu.memory_space<vmem>> -> memref<1x80x64xf32, #tpu.memory_space<vmem>>
        %dma_start3A_2452 = tpu.memref_squeeze %dma_start3A_2451 : memref<1x80x64xf32, #tpu.memory_space<vmem>> -> memref<80x64xf32, #tpu.memory_space<vmem>>
        %dma_start3A_2453 = arith.constant 0 : i32
        %dma_start3A_2454 = tpu.memref_slice %arg6[%dma_start3A_2447, %dma_start3A_2453] : memref<10x80xi32, #tpu.memory_space<vmem>> -> memref<1x80xi32, #tpu.memory_space<vmem>>
        %dma_start3A_2455 = tpu.memref_squeeze %dma_start3A_2454 : memref<1x80xi32, #tpu.memory_space<vmem>> -> memref<80xi32, #tpu.memory_space<vmem>>
        %dma_start3A_2456 = arith.constant 0 : i32
        %dma_start3A_2457 = arith.constant 0 : i32
        %dma_start3A_2458 = tpu.memref_slice %arg2[%add3A_11, %dma_start3A_2456, %dma_start3A_2457] : memref<4x10240x64xf32, #tpu.memory_space<hbm>> -> memref<1x10240x64xf32, #tpu.memory_space<hbm>>
        %dma_start3A_2459 = tpu.memref_squeeze %dma_start3A_2458 : memref<1x10240x64xf32, #tpu.memory_space<hbm>> -> memref<10240x64xf32, #tpu.memory_space<hbm>>
        %dma_start3A_2460 = arith.constant 0 : i32
        %dma_start3A_2461 = arith.constant 0 : i32
        %dma_start3A_2462 = tpu.memref_slice %dma_start3A_2459[%dma_start3A_2460, %dma_start3A_2461] : memref<10240x64xf32, #tpu.memory_space<hbm>> -> memref<10240x64xf32, #tpu.memory_space<hbm>>
        tpu.enqueue_indirect_dma source(%dma_start3A_2462 : memref<10240x64xf32, #tpu.memory_space<hbm>>) target(%dma_start3A_2452 : memref<80x64xf32, #tpu.memory_space<vmem>>) offsets(%dma_start3A_2455 : memref<80xi32, #tpu.memory_space<vmem>>) semaphore(%arg11 : memref<!tpu.dma_semaphore, #tpu.memory_space<semaphore_mem>>)
        %mul3A_2463 = arith.constant 5 : i32
        %mul3A_2464 = arith.muli %add3A_2217, %mul3A_2463 : i32
        %add3A_2465 = arith.constant 1 : i32
        %add3A_2466 = arith.addi %mul3A_2464, %add3A_2465 : i32
        %get3A_2467 = arith.index_cast %add3A_2466 : i32 to index
        %get3A_2468 = arith.constant 0 : index
        %get3A_2469 = tpu.vector_load %arg5[%get3A_2467, %get3A_2468] {strides = array<i32>} : memref<250x80xi32, #tpu.memory_space<vmem>>, vector<16xi32>,
        %shift_right_logical3A_2470 = arith.constant 16 : i32
        %shift_right_logical3A_2471 = vector.broadcast %shift_right_logical3A_2470 : i32 to vector<16xi32>
        %shift_right_logical3A_2472 = arith.shrui %get3A_2469, %shift_right_logical3A_2471 : vector<16xi32>
        %swap3A_2473 = arith.constant 1 : i32
        %swap3A_2474 = arith.index_cast %swap3A_2473 : i32 to index
        %swap3A_2475 = arith.constant 0 : index
        %swap3A_2476 = tpu.vector_load %arg6[%swap3A_2474, %swap3A_2475] {strides = array<i32>} : memref<10x80xi32, #tpu.memory_space<vmem>>, vector<16xi32>,
        tpu.vector_store %arg6[%swap3A_2474, %swap3A_2475], %shift_right_logical3A_2472 {strides = array<i32>} : memref<10x80xi32, #tpu.memory_space<vmem>>, vector<16xi32>,
        %and3A_2477 = arith.constant 65535 : i32
        %and3A_2478 = vector.broadcast %and3A_2477 : i32 to vector<16xi32>
        %and3A_2479 = arith.andi %get3A_2469, %and3A_2478 : vector<16xi32>
        %swap3A_2480 = arith.constant 1 : i32
        %swap3A_2481 = arith.index_cast %swap3A_2480 : i32 to index
        %swap3A_2482 = arith.constant 0 : index
        %swap3A_2483 = tpu.vector_load %arg7[%swap3A_2481, %swap3A_2482] {strides = array<i32>} : memref<10x80xi32, #tpu.memory_space<vmem>>, vector<16xi32>,
        tpu.vector_store %arg7[%swap3A_2481, %swap3A_2482], %and3A_2479 {strides = array<i32>} : memref<10x80xi32, #tpu.memory_space<vmem>>, vector<16xi32>,
        %get3A_2484 = arith.index_cast %add3A_2466 : i32 to index
        %get3A_2485 = arith.constant 16 : index
        %get3A_2486 = tpu.vector_load %arg5[%get3A_2484, %get3A_2485] {strides = array<i32>} : memref<250x80xi32, #tpu.memory_space<vmem>>, vector<16xi32>,
        %shift_right_logical3A_2487 = arith.constant 16 : i32
        %shift_right_logical3A_2488 = vector.broadcast %shift_right_logical3A_2487 : i32 to vector<16xi32>
        %shift_right_logical3A_2489 = arith.shrui %get3A_2486, %shift_right_logical3A_2488 : vector<16xi32>
        %swap3A_2490 = arith.constant 1 : i32
        %swap3A_2491 = arith.index_cast %swap3A_2490 : i32 to index
        %swap3A_2492 = arith.constant 16 : index
        %swap3A_2493 = tpu.vector_load %arg6[%swap3A_2491, %swap3A_2492] {strides = array<i32>} : memref<10x80xi32, #tpu.memory_space<vmem>>, vector<16xi32>,
        tpu.vector_store %arg6[%swap3A_2491, %swap3A_2492], %shift_right_logical3A_2489 {strides = array<i32>} : memref<10x80xi32, #tpu.memory_space<vmem>>, vector<16xi32>,
        %and3A_2494 = arith.constant 65535 : i32
        %and3A_2495 = vector.broadcast %and3A_2494 : i32 to vector<16xi32>
        %and3A_2496 = arith.andi %get3A_2486, %and3A_2495 : vector<16xi32>
        %swap3A_2497 = arith.constant 1 : i32
        %swap3A_2498 = arith.index_cast %swap3A_2497 : i32 to index
        %swap3A_2499 = arith.constant 16 : index
        %swap3A_2500 = tpu.vector_load %arg7[%swap3A_2498, %swap3A_2499] {strides = array<i32>} : memref<10x80xi32, #tpu.memory_space<vmem>>, vector<16xi32>,
        tpu.vector_store %arg7[%swap3A_2498, %swap3A_2499], %and3A_2496 {strides = array<i32>} : memref<10x80xi32, #tpu.memory_space<vmem>>, vector<16xi32>,
        %get3A_2501 = arith.index_cast %add3A_2466 : i32 to index
        %get3A_2502 = arith.constant 32 : index
        %get3A_2503 = tpu.vector_load %arg5[%get3A_2501, %get3A_2502] {strides = array<i32>} : memref<250x80xi32, #tpu.memory_space<vmem>>, vector<16xi32>,
        %shift_right_logical3A_2504 = arith.constant 16 : i32
        %shift_right_logical3A_2505 = vector.broadcast %shift_right_logical3A_2504 : i32 to vector<16xi32>
        %shift_right_logical3A_2506 = arith.shrui %get3A_2503, %shift_right_logical3A_2505 : vector<16xi32>
        %swap3A_2507 = arith.constant 1 : i32
        %swap3A_2508 = arith.index_cast %swap3A_2507 : i32 to index
        %swap3A_2509 = arith.constant 32 : index
        %swap3A_2510 = tpu.vector_load %arg6[%swap3A_2508, %swap3A_2509] {strides = array<i32>} : memref<10x80xi32, #tpu.memory_space<vmem>>, vector<16xi32>,
        tpu.vector_store %arg6[%swap3A_2508, %swap3A_2509], %shift_right_logical3A_2506 {strides = array<i32>} : memref<10x80xi32, #tpu.memory_space<vmem>>, vector<16xi32>,
        %and3A_2511 = arith.constant 65535 : i32
        %and3A_2512 = vector.broadcast %and3A_2511 : i32 to vector<16xi32>
        %and3A_2513 = arith.andi %get3A_2503, %and3A_2512 : vector<16xi32>
        %swap3A_2514 = arith.constant 1 : i32
        %swap3A_2515 = arith.index_cast %swap3A_2514 : i32 to index
        %swap3A_2516 = arith.constant 32 : index
        %swap3A_2517 = tpu.vector_load %arg7[%swap3A_2515, %swap3A_2516] {strides = array<i32>} : memref<10x80xi32, #tpu.memory_space<vmem>>, vector<16xi32>,
        tpu.vector_store %arg7[%swap3A_2515, %swap3A_2516], %and3A_2513 {strides = array<i32>} : memref<10x80xi32, #tpu.memory_space<vmem>>, vector<16xi32>,
        %get3A_2518 = arith.index_cast %add3A_2466 : i32 to index
        %get3A_2519 = arith.constant 48 : index
        %get3A_2520 = tpu.vector_load %arg5[%get3A_2518, %get3A_2519] {strides = array<i32>} : memref<250x80xi32, #tpu.memory_space<vmem>>, vector<16xi32>,
        %shift_right_logical3A_2521 = arith.constant 16 : i32
        %shift_right_logical3A_2522 = vector.broadcast %shift_right_logical3A_2521 : i32 to vector<16xi32>
        %shift_right_logical3A_2523 = arith.shrui %get3A_2520, %shift_right_logical3A_2522 : vector<16xi32>
        %swap3A_2524 = arith.constant 1 : i32
        %swap3A_2525 = arith.index_cast %swap3A_2524 : i32 to index
        %swap3A_2526 = arith.constant 48 : index
        %swap3A_2527 = tpu.vector_load %arg6[%swap3A_2525, %swap3A_2526] {strides = array<i32>} : memref<10x80xi32, #tpu.memory_space<vmem>>, vector<16xi32>,
        tpu.vector_store %arg6[%swap3A_2525, %swap3A_2526], %shift_right_logical3A_2523 {strides = array<i32>} : memref<10x80xi32, #tpu.memory_space<vmem>>, vector<16xi32>,
        %and3A_2528 = arith.constant 65535 : i32
        %and3A_2529 = vector.broadcast %and3A_2528 : i32 to vector<16xi32>
        %and3A_2530 = arith.andi %get3A_2520, %and3A_2529 : vector<16xi32>
        %swap3A_2531 = arith.constant 1 : i32
        %swap3A_2532 = arith.index_cast %swap3A_2531 : i32 to index
        %swap3A_2533 = arith.constant 48 : index
        %swap3A_2534 = tpu.vector_load %arg7[%swap3A_2532, %swap3A_2533] {strides = array<i32>} : memref<10x80xi32, #tpu.memory_space<vmem>>, vector<16xi32>,
        tpu.vector_store %arg7[%swap3A_2532, %swap3A_2533], %and3A_2530 {strides = array<i32>} : memref<10x80xi32, #tpu.memory_space<vmem>>, vector<16xi32>,
        %get3A_2535 = arith.index_cast %add3A_2466 : i32 to index
        %get3A_2536 = arith.constant 64 : index
        %get3A_2537 = tpu.vector_load %arg5[%get3A_2535, %get3A_2536] {strides = array<i32>} : memref<250x80xi32, #tpu.memory_space<vmem>>, vector<16xi32>,
        %shift_right_logical3A_2538 = arith.constant 16 : i32
        %shift_right_logical3A_2539 = vector.broadcast %shift_right_logical3A_2538 : i32 to vector<16xi32>
        %shift_right_logical3A_2540 = arith.shrui %get3A_2537, %shift_right_logical3A_2539 : vector<16xi32>
        %swap3A_2541 = arith.constant 1 : i32
        %swap3A_2542 = arith.index_cast %swap3A_2541 : i32 to index
        %swap3A_2543 = arith.constant 64 : index
        %swap3A_2544 = tpu.vector_load %arg6[%swap3A_2542, %swap3A_2543] {strides = array<i32>} : memref<10x80xi32, #tpu.memory_space<vmem>>, vector<16xi32>,
        tpu.vector_store %arg6[%swap3A_2542, %swap3A_2543], %shift_right_logical3A_2540 {strides = array<i32>} : memref<10x80xi32, #tpu.memory_space<vmem>>, vector<16xi32>,
        %and3A_2545 = arith.constant 65535 : i32
        %and3A_2546 = vector.broadcast %and3A_2545 : i32 to vector<16xi32>
        %and3A_2547 = arith.andi %get3A_2537, %and3A_2546 : vector<16xi32>
        %swap3A_2548 = arith.constant 1 : i32
        %swap3A_2549 = arith.index_cast %swap3A_2548 : i32 to index
        %swap3A_2550 = arith.constant 64 : index
        %swap3A_2551 = tpu.vector_load %arg7[%swap3A_2549, %swap3A_2550] {strides = array<i32>} : memref<10x80xi32, #tpu.memory_space<vmem>>, vector<16xi32>,
        tpu.vector_store %arg7[%swap3A_2549, %swap3A_2550], %and3A_2547 {strides = array<i32>} : memref<10x80xi32, #tpu.memory_space<vmem>>, vector<16xi32>,
        %dma_start3A_2552 = arith.constant 1 : i32
        %dma_start3A_2553 = arith.constant 1 : i32
        %dma_start3A_2554 = arith.constant 0 : i32
        %dma_start3A_2555 = arith.constant 0 : i32
        %dma_start3A_2556 = tpu.memref_slice %arg8[%dma_start3A_2553, %dma_start3A_2554, %dma_start3A_2555] : memref<10x80x64xf32, #tpu.memory_space<vmem>> -> memref<1x80x64xf32, #tpu.memory_space<vmem>>
        %dma_start3A_2557 = tpu.memref_squeeze %dma_start3A_2556 : memref<1x80x64xf32, #tpu.memory_space<vmem>> -> memref<80x64xf32, #tpu.memory_space<vmem>>
        %dma_start3A_2558 = arith.constant 0 : i32
        %dma_start3A_2559 = tpu.memref_slice %arg6[%dma_start3A_2552, %dma_start3A_2558] : memref<10x80xi32, #tpu.memory_space<vmem>> -> memref<1x80xi32, #tpu.memory_space<vmem>>
        %dma_start3A_2560 = tpu.memref_squeeze %dma_start3A_2559 : memref<1x80xi32, #tpu.memory_space<vmem>> -> memref<80xi32, #tpu.memory_space<vmem>>
        %dma_start3A_2561 = arith.constant 0 : i32
        %dma_start3A_2562 = arith.constant 0 : i32
        %dma_start3A_2563 = tpu.memref_slice %arg2[%add3A_11, %dma_start3A_2561, %dma_start3A_2562] : memref<4x10240x64xf32, #tpu.memory_space<hbm>> -> memref<1x10240x64xf32, #tpu.memory_space<hbm>>
        %dma_start3A_2564 = tpu.memref_squeeze %dma_start3A_2563 : memref<1x10240x64xf32, #tpu.memory_space<hbm>> -> memref<10240x64xf32, #tpu.memory_space<hbm>>
        %dma_start3A_2565 = arith.constant 0 : i32
        %dma_start3A_2566 = arith.constant 0 : i32
        %dma_start3A_2567 = tpu.memref_slice %dma_start3A_2564[%dma_start3A_2565, %dma_start3A_2566] : memref<10240x64xf32, #tpu.memory_space<hbm>> -> memref<10240x64xf32, #tpu.memory_space<hbm>>
        tpu.enqueue_indirect_dma source(%dma_start3A_2567 : memref<10240x64xf32, #tpu.memory_space<hbm>>) target(%dma_start3A_2557 : memref<80x64xf32, #tpu.memory_space<vmem>>) offsets(%dma_start3A_2560 : memref<80xi32, #tpu.memory_space<vmem>>) semaphore(%arg11 : memref<!tpu.dma_semaphore, #tpu.memory_space<semaphore_mem>>)
        %mul3A_2568 = arith.constant 5 : i32
        %mul3A_2569 = arith.muli %add3A_2217, %mul3A_2568 : i32
        %add3A_2570 = arith.constant 2 : i32
        %add3A_2571 = arith.addi %mul3A_2569, %add3A_2570 : i32
        %get3A_2572 = arith.index_cast %add3A_2571 : i32 to index
        %get3A_2573 = arith.constant 0 : index
        %get3A_2574 = tpu.vector_load %arg5[%get3A_2572, %get3A_2573] {strides = array<i32>} : memref<250x80xi32, #tpu.memory_space<vmem>>, vector<16xi32>,
        %shift_right_logical3A_2575 = arith.constant 16 : i32
        %shift_right_logical3A_2576 = vector.broadcast %shift_right_logical3A_2575 : i32 to vector<16xi32>
        %shift_right_logical3A_2577 = arith.shrui %get3A_2574, %shift_right_logical3A_2576 : vector<16xi32>
        %swap3A_2578 = arith.constant 2 : i32
        %swap3A_2579 = arith.index_cast %swap3A_2578 : i32 to index
        %swap3A_2580 = arith.constant 0 : index
        %swap3A_2581 = tpu.vector_load %arg6[%swap3A_2579, %swap3A_2580] {strides = array<i32>} : memref<10x80xi32, #tpu.memory_space<vmem>>, vector<16xi32>,
        tpu.vector_store %arg6[%swap3A_2579, %swap3A_2580], %shift_right_logical3A_2577 {strides = array<i32>} : memref<10x80xi32, #tpu.memory_space<vmem>>, vector<16xi32>,
        %and3A_2582 = arith.constant 65535 : i32
        %and3A_2583 = vector.broadcast %and3A_2582 : i32 to vector<16xi32>
        %and3A_2584 = arith.andi %get3A_2574, %and3A_2583 : vector<16xi32>
        %swap3A_2585 = arith.constant 2 : i32
        %swap3A_2586 = arith.index_cast %swap3A_2585 : i32 to index
        %swap3A_2587 = arith.constant 0 : index
        %swap3A_2588 = tpu.vector_load %arg7[%swap3A_2586, %swap3A_2587] {strides = array<i32>} : memref<10x80xi32, #tpu.memory_space<vmem>>, vector<16xi32>,
        tpu.vector_store %arg7[%swap3A_2586, %swap3A_2587], %and3A_2584 {strides = array<i32>} : memref<10x80xi32, #tpu.memory_space<vmem>>, vector<16xi32>,
        %get3A_2589 = arith.index_cast %add3A_2571 : i32 to index
        %get3A_2590 = arith.constant 16 : index
        %get3A_2591 = tpu.vector_load %arg5[%get3A_2589, %get3A_2590] {strides = array<i32>} : memref<250x80xi32, #tpu.memory_space<vmem>>, vector<16xi32>,
        %shift_right_logical3A_2592 = arith.constant 16 : i32
        %shift_right_logical3A_2593 = vector.broadcast %shift_right_logical3A_2592 : i32 to vector<16xi32>
        %shift_right_logical3A_2594 = arith.shrui %get3A_2591, %shift_right_logical3A_2593 : vector<16xi32>
        %swap3A_2595 = arith.constant 2 : i32
        %swap3A_2596 = arith.index_cast %swap3A_2595 : i32 to index
        %swap3A_2597 = arith.constant 16 : index
        %swap3A_2598 = tpu.vector_load %arg6[%swap3A_2596, %swap3A_2597] {strides = array<i32>} : memref<10x80xi32, #tpu.memory_space<vmem>>, vector<16xi32>,
        tpu.vector_store %arg6[%swap3A_2596, %swap3A_2597], %shift_right_logical3A_2594 {strides = array<i32>} : memref<10x80xi32, #tpu.memory_space<vmem>>, vector<16xi32>,
        %and3A_2599 = arith.constant 65535 : i32
        %and3A_2600 = vector.broadcast %and3A_2599 : i32 to vector<16xi32>
        %and3A_2601 = arith.andi %get3A_2591, %and3A_2600 : vector<16xi32>
        %swap3A_2602 = arith.constant 2 : i32
        %swap3A_2603 = arith.index_cast %swap3A_2602 : i32 to index
        %swap3A_2604 = arith.constant 16 : index
        %swap3A_2605 = tpu.vector_load %arg7[%swap3A_2603, %swap3A_2604] {strides = array<i32>} : memref<10x80xi32, #tpu.memory_space<vmem>>, vector<16xi32>,
        tpu.vector_store %arg7[%swap3A_2603, %swap3A_2604], %and3A_2601 {strides = array<i32>} : memref<10x80xi32, #tpu.memory_space<vmem>>, vector<16xi32>,
        %get3A_2606 = arith.index_cast %add3A_2571 : i32 to index
        %get3A_2607 = arith.constant 32 : index
        %get3A_2608 = tpu.vector_load %arg5[%get3A_2606, %get3A_2607] {strides = array<i32>} : memref<250x80xi32, #tpu.memory_space<vmem>>, vector<16xi32>,
        %shift_right_logical3A_2609 = arith.constant 16 : i32
        %shift_right_logical3A_2610 = vector.broadcast %shift_right_logical3A_2609 : i32 to vector<16xi32>
        %shift_right_logical3A_2611 = arith.shrui %get3A_2608, %shift_right_logical3A_2610 : vector<16xi32>
        %swap3A_2612 = arith.constant 2 : i32
        %swap3A_2613 = arith.index_cast %swap3A_2612 : i32 to index
        %swap3A_2614 = arith.constant 32 : index
        %swap3A_2615 = tpu.vector_load %arg6[%swap3A_2613, %swap3A_2614] {strides = array<i32>} : memref<10x80xi32, #tpu.memory_space<vmem>>, vector<16xi32>,
        tpu.vector_store %arg6[%swap3A_2613, %swap3A_2614], %shift_right_logical3A_2611 {strides = array<i32>} : memref<10x80xi32, #tpu.memory_space<vmem>>, vector<16xi32>,
        %and3A_2616 = arith.constant 65535 : i32
        %and3A_2617 = vector.broadcast %and3A_2616 : i32 to vector<16xi32>
        %and3A_2618 = arith.andi %get3A_2608, %and3A_2617 : vector<16xi32>
        %swap3A_2619 = arith.constant 2 : i32
        %swap3A_2620 = arith.index_cast %swap3A_2619 : i32 to index
        %swap3A_2621 = arith.constant 32 : index
        %swap3A_2622 = tpu.vector_load %arg7[%swap3A_2620, %swap3A_2621] {strides = array<i32>} : memref<10x80xi32, #tpu.memory_space<vmem>>, vector<16xi32>,
        tpu.vector_store %arg7[%swap3A_2620, %swap3A_2621], %and3A_2618 {strides = array<i32>} : memref<10x80xi32, #tpu.memory_space<vmem>>, vector<16xi32>,
        %get3A_2623 = arith.index_cast %add3A_2571 : i32 to index
        %get3A_2624 = arith.constant 48 : index
        %get3A_2625 = tpu.vector_load %arg5[%get3A_2623, %get3A_2624] {strides = array<i32>} : memref<250x80xi32, #tpu.memory_space<vmem>>, vector<16xi32>,
        %shift_right_logical3A_2626 = arith.constant 16 : i32
        %shift_right_logical3A_2627 = vector.broadcast %shift_right_logical3A_2626 : i32 to vector<16xi32>
        %shift_right_logical3A_2628 = arith.shrui %get3A_2625, %shift_right_logical3A_2627 : vector<16xi32>
        %swap3A_2629 = arith.constant 2 : i32
        %swap3A_2630 = arith.index_cast %swap3A_2629 : i32 to index
        %swap3A_2631 = arith.constant 48 : index
        %swap3A_2632 = tpu.vector_load %arg6[%swap3A_2630, %swap3A_2631] {strides = array<i32>} : memref<10x80xi32, #tpu.memory_space<vmem>>, vector<16xi32>,
        tpu.vector_store %arg6[%swap3A_2630, %swap3A_2631], %shift_right_logical3A_2628 {strides = array<i32>} : memref<10x80xi32, #tpu.memory_space<vmem>>, vector<16xi32>,
        %and3A_2633 = arith.constant 65535 : i32
        %and3A_2634 = vector.broadcast %and3A_2633 : i32 to vector<16xi32>
        %and3A_2635 = arith.andi %get3A_2625, %and3A_2634 : vector<16xi32>
        %swap3A_2636 = arith.constant 2 : i32
        %swap3A_2637 = arith.index_cast %swap3A_2636 : i32 to index
        %swap3A_2638 = arith.constant 48 : index
        %swap3A_2639 = tpu.vector_load %arg7[%swap3A_2637, %swap3A_2638] {strides = array<i32>} : memref<10x80xi32, #tpu.memory_space<vmem>>, vector<16xi32>,
        tpu.vector_store %arg7[%swap3A_2637, %swap3A_2638], %and3A_2635 {strides = array<i32>} : memref<10x80xi32, #tpu.memory_space<vmem>>, vector<16xi32>,
        %get3A_2640 = arith.index_cast %add3A_2571 : i32 to index
        %get3A_2641 = arith.constant 64 : index
        %get3A_2642 = tpu.vector_load %arg5[%get3A_2640, %get3A_2641] {strides = array<i32>} : memref<250x80xi32, #tpu.memory_space<vmem>>, vector<16xi32>,
        %shift_right_logical3A_2643 = arith.constant 16 : i32
        %shift_right_logical3A_2644 = vector.broadcast %shift_right_logical3A_2643 : i32 to vector<16xi32>
        %shift_right_logical3A_2645 = arith.shrui %get3A_2642, %shift_right_logical3A_2644 : vector<16xi32>
        %swap3A_2646 = arith.constant 2 : i32
        %swap3A_2647 = arith.index_cast %swap3A_2646 : i32 to index
        %swap3A_2648 = arith.constant 64 : index
        %swap3A_2649 = tpu.vector_load %arg6[%swap3A_2647, %swap3A_2648] {strides = array<i32>} : memref<10x80xi32, #tpu.memory_space<vmem>>, vector<16xi32>,
        tpu.vector_store %arg6[%swap3A_2647, %swap3A_2648], %shift_right_logical3A_2645 {strides = array<i32>} : memref<10x80xi32, #tpu.memory_space<vmem>>, vector<16xi32>,
        %and3A_2650 = arith.constant 65535 : i32
        %and3A_2651 = vector.broadcast %and3A_2650 : i32 to vector<16xi32>
        %and3A_2652 = arith.andi %get3A_2642, %and3A_2651 : vector<16xi32>
        %swap3A_2653 = arith.constant 2 : i32
        %swap3A_2654 = arith.index_cast %swap3A_2653 : i32 to index
        %swap3A_2655 = arith.constant 64 : index
        %swap3A_2656 = tpu.vector_load %arg7[%swap3A_2654, %swap3A_2655] {strides = array<i32>} : memref<10x80xi32, #tpu.memory_space<vmem>>, vector<16xi32>,
        tpu.vector_store %arg7[%swap3A_2654, %swap3A_2655], %and3A_2652 {strides = array<i32>} : memref<10x80xi32, #tpu.memory_space<vmem>>, vector<16xi32>,
        %dma_start3A_2657 = arith.constant 2 : i32
        %dma_start3A_2658 = arith.constant 2 : i32
        %dma_start3A_2659 = arith.constant 0 : i32
        %dma_start3A_2660 = arith.constant 0 : i32
        %dma_start3A_2661 = tpu.memref_slice %arg8[%dma_start3A_2658, %dma_start3A_2659, %dma_start3A_2660] : memref<10x80x64xf32, #tpu.memory_space<vmem>> -> memref<1x80x64xf32, #tpu.memory_space<vmem>>
        %dma_start3A_2662 = tpu.memref_squeeze %dma_start3A_2661 : memref<1x80x64xf32, #tpu.memory_space<vmem>> -> memref<80x64xf32, #tpu.memory_space<vmem>>
        %dma_start3A_2663 = arith.constant 0 : i32
        %dma_start3A_2664 = tpu.memref_slice %arg6[%dma_start3A_2657, %dma_start3A_2663] : memref<10x80xi32, #tpu.memory_space<vmem>> -> memref<1x80xi32, #tpu.memory_space<vmem>>
        %dma_start3A_2665 = tpu.memref_squeeze %dma_start3A_2664 : memref<1x80xi32, #tpu.memory_space<vmem>> -> memref<80xi32, #tpu.memory_space<vmem>>
        %dma_start3A_2666 = arith.constant 0 : i32
        %dma_start3A_2667 = arith.constant 0 : i32
        %dma_start3A_2668 = tpu.memref_slice %arg2[%add3A_11, %dma_start3A_2666, %dma_start3A_2667] : memref<4x10240x64xf32, #tpu.memory_space<hbm>> -> memref<1x10240x64xf32, #tpu.memory_space<hbm>>
        %dma_start3A_2669 = tpu.memref_squeeze %dma_start3A_2668 : memref<1x10240x64xf32, #tpu.memory_space<hbm>> -> memref<10240x64xf32, #tpu.memory_space<hbm>>
        %dma_start3A_2670 = arith.constant 0 : i32
        %dma_start3A_2671 = arith.constant 0 : i32
        %dma_start3A_2672 = tpu.memref_slice %dma_start3A_2669[%dma_start3A_2670, %dma_start3A_2671] : memref<10240x64xf32, #tpu.memory_space<hbm>> -> memref<10240x64xf32, #tpu.memory_space<hbm>>
        tpu.enqueue_indirect_dma source(%dma_start3A_2672 : memref<10240x64xf32, #tpu.memory_space<hbm>>) target(%dma_start3A_2662 : memref<80x64xf32, #tpu.memory_space<vmem>>) offsets(%dma_start3A_2665 : memref<80xi32, #tpu.memory_space<vmem>>) semaphore(%arg11 : memref<!tpu.dma_semaphore, #tpu.memory_space<semaphore_mem>>)
        %mul3A_2673 = arith.constant 5 : i32
        %mul3A_2674 = arith.muli %add3A_2217, %mul3A_2673 : i32
        %add3A_2675 = arith.constant 3 : i32
        %add3A_2676 = arith.addi %mul3A_2674, %add3A_2675 : i32
        %get3A_2677 = arith.index_cast %add3A_2676 : i32 to index
        %get3A_2678 = arith.constant 0 : index
        %get3A_2679 = tpu.vector_load %arg5[%get3A_2677, %get3A_2678] {strides = array<i32>} : memref<250x80xi32, #tpu.memory_space<vmem>>, vector<16xi32>,
        %shift_right_logical3A_2680 = arith.constant 16 : i32
        %shift_right_logical3A_2681 = vector.broadcast %shift_right_logical3A_2680 : i32 to vector<16xi32>
        %shift_right_logical3A_2682 = arith.shrui %get3A_2679, %shift_right_logical3A_2681 : vector<16xi32>
        %swap3A_2683 = arith.constant 3 : i32
        %swap3A_2684 = arith.index_cast %swap3A_2683 : i32 to index
        %swap3A_2685 = arith.constant 0 : index
        %swap3A_2686 = tpu.vector_load %arg6[%swap3A_2684, %swap3A_2685] {strides = array<i32>} : memref<10x80xi32, #tpu.memory_space<vmem>>, vector<16xi32>,
        tpu.vector_store %arg6[%swap3A_2684, %swap3A_2685], %shift_right_logical3A_2682 {strides = array<i32>} : memref<10x80xi32, #tpu.memory_space<vmem>>, vector<16xi32>,
        %and3A_2687 = arith.constant 65535 : i32
        %and3A_2688 = vector.broadcast %and3A_2687 : i32 to vector<16xi32>
        %and3A_2689 = arith.andi %get3A_2679, %and3A_2688 : vector<16xi32>
        %swap3A_2690 = arith.constant 3 : i32
        %swap3A_2691 = arith.index_cast %swap3A_2690 : i32 to index
        %swap3A_2692 = arith.constant 0 : index
        %swap3A_2693 = tpu.vector_load %arg7[%swap3A_2691, %swap3A_2692] {strides = array<i32>} : memref<10x80xi32, #tpu.memory_space<vmem>>, vector<16xi32>,
        tpu.vector_store %arg7[%swap3A_2691, %swap3A_2692], %and3A_2689 {strides = array<i32>} : memref<10x80xi32, #tpu.memory_space<vmem>>, vector<16xi32>,
        %get3A_2694 = arith.index_cast %add3A_2676 : i32 to index
        %get3A_2695 = arith.constant 16 : index
        %get3A_2696 = tpu.vector_load %arg5[%get3A_2694, %get3A_2695] {strides = array<i32>} : memref<250x80xi32, #tpu.memory_space<vmem>>, vector<16xi32>,
        %shift_right_logical3A_2697 = arith.constant 16 : i32
        %shift_right_logical3A_2698 = vector.broadcast %shift_right_logical3A_2697 : i32 to vector<16xi32>
        %shift_right_logical3A_2699 = arith.shrui %get3A_2696, %shift_right_logical3A_2698 : vector<16xi32>
        %swap3A_2700 = arith.constant 3 : i32
        %swap3A_2701 = arith.index_cast %swap3A_2700 : i32 to index
        %swap3A_2702 = arith.constant 16 : index
        %swap3A_2703 = tpu.vector_load %arg6[%swap3A_2701, %swap3A_2702] {strides = array<i32>} : memref<10x80xi32, #tpu.memory_space<vmem>>, vector<16xi32>,
        tpu.vector_store %arg6[%swap3A_2701, %swap3A_2702], %shift_right_logical3A_2699 {strides = array<i32>} : memref<10x80xi32, #tpu.memory_space<vmem>>, vector<16xi32>,
        %and3A_2704 = arith.constant 65535 : i32
        %and3A_2705 = vector.broadcast %and3A_2704 : i32 to vector<16xi32>
        %and3A_2706 = arith.andi %get3A_2696, %and3A_2705 : vector<16xi32>
        %swap3A_2707 = arith.constant 3 : i32
        %swap3A_2708 = arith.index_cast %swap3A_2707 : i32 to index
        %swap3A_2709 = arith.constant 16 : index
        %swap3A_2710 = tpu.vector_load %arg7[%swap3A_2708, %swap3A_2709] {strides = array<i32>} : memref<10x80xi32, #tpu.memory_space<vmem>>, vector<16xi32>,
        tpu.vector_store %arg7[%swap3A_2708, %swap3A_2709], %and3A_2706 {strides = array<i32>} : memref<10x80xi32, #tpu.memory_space<vmem>>, vector<16xi32>,
        %get3A_2711 = arith.index_cast %add3A_2676 : i32 to index
        %get3A_2712 = arith.constant 32 : index
        %get3A_2713 = tpu.vector_load %arg5[%get3A_2711, %get3A_2712] {strides = array<i32>} : memref<250x80xi32, #tpu.memory_space<vmem>>, vector<16xi32>,
        %shift_right_logical3A_2714 = arith.constant 16 : i32
        %shift_right_logical3A_2715 = vector.broadcast %shift_right_logical3A_2714 : i32 to vector<16xi32>
        %shift_right_logical3A_2716 = arith.shrui %get3A_2713, %shift_right_logical3A_2715 : vector<16xi32>
        %swap3A_2717 = arith.constant 3 : i32
        %swap3A_2718 = arith.index_cast %swap3A_2717 : i32 to index
        %swap3A_2719 = arith.constant 32 : index
        %swap3A_2720 = tpu.vector_load %arg6[%swap3A_2718, %swap3A_2719] {strides = array<i32>} : memref<10x80xi32, #tpu.memory_space<vmem>>, vector<16xi32>,
        tpu.vector_store %arg6[%swap3A_2718, %swap3A_2719], %shift_right_logical3A_2716 {strides = array<i32>} : memref<10x80xi32, #tpu.memory_space<vmem>>, vector<16xi32>,
        %and3A_2721 = arith.constant 65535 : i32
        %and3A_2722 = vector.broadcast %and3A_2721 : i32 to vector<16xi32>
        %and3A_2723 = arith.andi %get3A_2713, %and3A_2722 : vector<16xi32>
        %swap3A_2724 = arith.constant 3 : i32
        %swap3A_2725 = arith.index_cast %swap3A_2724 : i32 to index
        %swap3A_2726 = arith.constant 32 : index
        %swap3A_2727 = tpu.vector_load %arg7[%swap3A_2725, %swap3A_2726] {strides = array<i32>} : memref<10x80xi32, #tpu.memory_space<vmem>>, vector<16xi32>,
        tpu.vector_store %arg7[%swap3A_2725, %swap3A_2726], %and3A_2723 {strides = array<i32>} : memref<10x80xi32, #tpu.memory_space<vmem>>, vector<16xi32>,
        %get3A_2728 = arith.index_cast %add3A_2676 : i32 to index
        %get3A_2729 = arith.constant 48 : index
        %get3A_2730 = tpu.vector_load %arg5[%get3A_2728, %get3A_2729] {strides = array<i32>} : memref<250x80xi32, #tpu.memory_space<vmem>>, vector<16xi32>,
        %shift_right_logical3A_2731 = arith.constant 16 : i32
        %shift_right_logical3A_2732 = vector.broadcast %shift_right_logical3A_2731 : i32 to vector<16xi32>
        %shift_right_logical3A_2733 = arith.shrui %get3A_2730, %shift_right_logical3A_2732 : vector<16xi32>
        %swap3A_2734 = arith.constant 3 : i32
        %swap3A_2735 = arith.index_cast %swap3A_2734 : i32 to index
        %swap3A_2736 = arith.constant 48 : index
        %swap3A_2737 = tpu.vector_load %arg6[%swap3A_2735, %swap3A_2736] {strides = array<i32>} : memref<10x80xi32, #tpu.memory_space<vmem>>, vector<16xi32>,
        tpu.vector_store %arg6[%swap3A_2735, %swap3A_2736], %shift_right_logical3A_2733 {strides = array<i32>} : memref<10x80xi32, #tpu.memory_space<vmem>>, vector<16xi32>,
        %and3A_2738 = arith.constant 65535 : i32
        %and3A_2739 = vector.broadcast %and3A_2738 : i32 to vector<16xi32>
        %and3A_2740 = arith.andi %get3A_2730, %and3A_2739 : vector<16xi32>
        %swap3A_2741 = arith.constant 3 : i32
        %swap3A_2742 = arith.index_cast %swap3A_2741 : i32 to index
        %swap3A_2743 = arith.constant 48 : index
        %swap3A_2744 = tpu.vector_load %arg7[%swap3A_2742, %swap3A_2743] {strides = array<i32>} : memref<10x80xi32, #tpu.memory_space<vmem>>, vector<16xi32>,
        tpu.vector_store %arg7[%swap3A_2742, %swap3A_2743], %and3A_2740 {strides = array<i32>} : memref<10x80xi32, #tpu.memory_space<vmem>>, vector<16xi32>,
        %get3A_2745 = arith.index_cast %add3A_2676 : i32 to index
        %get3A_2746 = arith.constant 64 : index
        %get3A_2747 = tpu.vector_load %arg5[%get3A_2745, %get3A_2746] {strides = array<i32>} : memref<250x80xi32, #tpu.memory_space<vmem>>, vector<16xi32>,
        %shift_right_logical3A_2748 = arith.constant 16 : i32
        %shift_right_logical3A_2749 = vector.broadcast %shift_right_logical3A_2748 : i32 to vector<16xi32>
        %shift_right_logical3A_2750 = arith.shrui %get3A_2747, %shift_right_logical3A_2749 : vector<16xi32>
        %swap3A_2751 = arith.constant 3 : i32
        %swap3A_2752 = arith.index_cast %swap3A_2751 : i32 to index
        %swap3A_2753 = arith.constant 64 : index
        %swap3A_2754 = tpu.vector_load %arg6[%swap3A_2752, %swap3A_2753] {strides = array<i32>} : memref<10x80xi32, #tpu.memory_space<vmem>>, vector<16xi32>,
        tpu.vector_store %arg6[%swap3A_2752, %swap3A_2753], %shift_right_logical3A_2750 {strides = array<i32>} : memref<10x80xi32, #tpu.memory_space<vmem>>, vector<16xi32>,
        %and3A_2755 = arith.constant 65535 : i32
        %and3A_2756 = vector.broadcast %and3A_2755 : i32 to vector<16xi32>
        %and3A_2757 = arith.andi %get3A_2747, %and3A_2756 : vector<16xi32>
        %swap3A_2758 = arith.constant 3 : i32
        %swap3A_2759 = arith.index_cast %swap3A_2758 : i32 to index
        %swap3A_2760 = arith.constant 64 : index
        %swap3A_2761 = tpu.vector_load %arg7[%swap3A_2759, %swap3A_2760] {strides = array<i32>} : memref<10x80xi32, #tpu.memory_space<vmem>>, vector<16xi32>,
        tpu.vector_store %arg7[%swap3A_2759, %swap3A_2760], %and3A_2757 {strides = array<i32>} : memref<10x80xi32, #tpu.memory_space<vmem>>, vector<16xi32>,
        %dma_start3A_2762 = arith.constant 3 : i32
        %dma_start3A_2763 = arith.constant 3 : i32
        %dma_start3A_2764 = arith.constant 0 : i32
        %dma_start3A_2765 = arith.constant 0 : i32
        %dma_start3A_2766 = tpu.memref_slice %arg8[%dma_start3A_2763, %dma_start3A_2764, %dma_start3A_2765] : memref<10x80x64xf32, #tpu.memory_space<vmem>> -> memref<1x80x64xf32, #tpu.memory_space<vmem>>
        %dma_start3A_2767 = tpu.memref_squeeze %dma_start3A_2766 : memref<1x80x64xf32, #tpu.memory_space<vmem>> -> memref<80x64xf32, #tpu.memory_space<vmem>>
        %dma_start3A_2768 = arith.constant 0 : i32
        %dma_start3A_2769 = tpu.memref_slice %arg6[%dma_start3A_2762, %dma_start3A_2768] : memref<10x80xi32, #tpu.memory_space<vmem>> -> memref<1x80xi32, #tpu.memory_space<vmem>>
        %dma_start3A_2770 = tpu.memref_squeeze %dma_start3A_2769 : memref<1x80xi32, #tpu.memory_space<vmem>> -> memref<80xi32, #tpu.memory_space<vmem>>
        %dma_start3A_2771 = arith.constant 0 : i32
        %dma_start3A_2772 = arith.constant 0 : i32
        %dma_start3A_2773 = tpu.memref_slice %arg2[%add3A_11, %dma_start3A_2771, %dma_start3A_2772] : memref<4x10240x64xf32, #tpu.memory_space<hbm>> -> memref<1x10240x64xf32, #tpu.memory_space<hbm>>
        %dma_start3A_2774 = tpu.memref_squeeze %dma_start3A_2773 : memref<1x10240x64xf32, #tpu.memory_space<hbm>> -> memref<10240x64xf32, #tpu.memory_space<hbm>>
        %dma_start3A_2775 = arith.constant 0 : i32
        %dma_start3A_2776 = arith.constant 0 : i32
        %dma_start3A_2777 = tpu.memref_slice %dma_start3A_2774[%dma_start3A_2775, %dma_start3A_2776] : memref<10240x64xf32, #tpu.memory_space<hbm>> -> memref<10240x64xf32, #tpu.memory_space<hbm>>
        tpu.enqueue_indirect_dma source(%dma_start3A_2777 : memref<10240x64xf32, #tpu.memory_space<hbm>>) target(%dma_start3A_2767 : memref<80x64xf32, #tpu.memory_space<vmem>>) offsets(%dma_start3A_2770 : memref<80xi32, #tpu.memory_space<vmem>>) semaphore(%arg11 : memref<!tpu.dma_semaphore, #tpu.memory_space<semaphore_mem>>)
        %mul3A_2778 = arith.constant 5 : i32
        %mul3A_2779 = arith.muli %add3A_2217, %mul3A_2778 : i32
        %add3A_2780 = arith.constant 4 : i32
        %add3A_2781 = arith.addi %mul3A_2779, %add3A_2780 : i32
        %get3A_2782 = arith.index_cast %add3A_2781 : i32 to index
        %get3A_2783 = arith.constant 0 : index
        %get3A_2784 = tpu.vector_load %arg5[%get3A_2782, %get3A_2783] {strides = array<i32>} : memref<250x80xi32, #tpu.memory_space<vmem>>, vector<16xi32>,
        %shift_right_logical3A_2785 = arith.constant 16 : i32
        %shift_right_logical3A_2786 = vector.broadcast %shift_right_logical3A_2785 : i32 to vector<16xi32>
        %shift_right_logical3A_2787 = arith.shrui %get3A_2784, %shift_right_logical3A_2786 : vector<16xi32>
        %swap3A_2788 = arith.constant 4 : i32
        %swap3A_2789 = arith.index_cast %swap3A_2788 : i32 to index
        %swap3A_2790 = arith.constant 0 : index
        %swap3A_2791 = tpu.vector_load %arg6[%swap3A_2789, %swap3A_2790] {strides = array<i32>} : memref<10x80xi32, #tpu.memory_space<vmem>>, vector<16xi32>,
        tpu.vector_store %arg6[%swap3A_2789, %swap3A_2790], %shift_right_logical3A_2787 {strides = array<i32>} : memref<10x80xi32, #tpu.memory_space<vmem>>, vector<16xi32>,
        %and3A_2792 = arith.constant 65535 : i32
        %and3A_2793 = vector.broadcast %and3A_2792 : i32 to vector<16xi32>
        %and3A_2794 = arith.andi %get3A_2784, %and3A_2793 : vector<16xi32>
        %swap3A_2795 = arith.constant 4 : i32
        %swap3A_2796 = arith.index_cast %swap3A_2795 : i32 to index
        %swap3A_2797 = arith.constant 0 : index
        %swap3A_2798 = tpu.vector_load %arg7[%swap3A_2796, %swap3A_2797] {strides = array<i32>} : memref<10x80xi32, #tpu.memory_space<vmem>>, vector<16xi32>,
        tpu.vector_store %arg7[%swap3A_2796, %swap3A_2797], %and3A_2794 {strides = array<i32>} : memref<10x80xi32, #tpu.memory_space<vmem>>, vector<16xi32>,
        %get3A_2799 = arith.index_cast %add3A_2781 : i32 to index
        %get3A_2800 = arith.constant 16 : index
        %get3A_2801 = tpu.vector_load %arg5[%get3A_2799, %get3A_2800] {strides = array<i32>} : memref<250x80xi32, #tpu.memory_space<vmem>>, vector<16xi32>,
        %shift_right_logical3A_2802 = arith.constant 16 : i32
        %shift_right_logical3A_2803 = vector.broadcast %shift_right_logical3A_2802 : i32 to vector<16xi32>
        %shift_right_logical3A_2804 = arith.shrui %get3A_2801, %shift_right_logical3A_2803 : vector<16xi32>
        %swap3A_2805 = arith.constant 4 : i32
        %swap3A_2806 = arith.index_cast %swap3A_2805 : i32 to index
        %swap3A_2807 = arith.constant 16 : index
        %swap3A_2808 = tpu.vector_load %arg6[%swap3A_2806, %swap3A_2807] {strides = array<i32>} : memref<10x80xi32, #tpu.memory_space<vmem>>, vector<16xi32>,
        tpu.vector_store %arg6[%swap3A_2806, %swap3A_2807], %shift_right_logical3A_2804 {strides = array<i32>} : memref<10x80xi32, #tpu.memory_space<vmem>>, vector<16xi32>,
        %and3A_2809 = arith.constant 65535 : i32
        %and3A_2810 = vector.broadcast %and3A_2809 : i32 to vector<16xi32>
        %and3A_2811 = arith.andi %get3A_2801, %and3A_2810 : vector<16xi32>
        %swap3A_2812 = arith.constant 4 : i32
        %swap3A_2813 = arith.index_cast %swap3A_2812 : i32 to index
        %swap3A_2814 = arith.constant 16 : index
        %swap3A_2815 = tpu.vector_load %arg7[%swap3A_2813, %swap3A_2814] {strides = array<i32>} : memref<10x80xi32, #tpu.memory_space<vmem>>, vector<16xi32>,
        tpu.vector_store %arg7[%swap3A_2813, %swap3A_2814], %and3A_2811 {strides = array<i32>} : memref<10x80xi32, #tpu.memory_space<vmem>>, vector<16xi32>,
        %get3A_2816 = arith.index_cast %add3A_2781 : i32 to index
        %get3A_2817 = arith.constant 32 : index
        %get3A_2818 = tpu.vector_load %arg5[%get3A_2816, %get3A_2817] {strides = array<i32>} : memref<250x80xi32, #tpu.memory_space<vmem>>, vector<16xi32>,
        %shift_right_logical3A_2819 = arith.constant 16 : i32
        %shift_right_logical3A_2820 = vector.broadcast %shift_right_logical3A_2819 : i32 to vector<16xi32>
        %shift_right_logical3A_2821 = arith.shrui %get3A_2818, %shift_right_logical3A_2820 : vector<16xi32>
        %swap3A_2822 = arith.constant 4 : i32
        %swap3A_2823 = arith.index_cast %swap3A_2822 : i32 to index
        %swap3A_2824 = arith.constant 32 : index
        %swap3A_2825 = tpu.vector_load %arg6[%swap3A_2823, %swap3A_2824] {strides = array<i32>} : memref<10x80xi32, #tpu.memory_space<vmem>>, vector<16xi32>,
        tpu.vector_store %arg6[%swap3A_2823, %swap3A_2824], %shift_right_logical3A_2821 {strides = array<i32>} : memref<10x80xi32, #tpu.memory_space<vmem>>, vector<16xi32>,
        %and3A_2826 = arith.constant 65535 : i32
        %and3A_2827 = vector.broadcast %and3A_2826 : i32 to vector<16xi32>
        %and3A_2828 = arith.andi %get3A_2818, %and3A_2827 : vector<16xi32>
        %swap3A_2829 = arith.constant 4 : i32
        %swap3A_2830 = arith.index_cast %swap3A_2829 : i32 to index
        %swap3A_2831 = arith.constant 32 : index
        %swap3A_2832 = tpu.vector_load %arg7[%swap3A_2830, %swap3A_2831] {strides = array<i32>} : memref<10x80xi32, #tpu.memory_space<vmem>>, vector<16xi32>,
        tpu.vector_store %arg7[%swap3A_2830, %swap3A_2831], %and3A_2828 {strides = array<i32>} : memref<10x80xi32, #tpu.memory_space<vmem>>, vector<16xi32>,
        %get3A_2833 = arith.index_cast %add3A_2781 : i32 to index
        %get3A_2834 = arith.constant 48 : index
        %get3A_2835 = tpu.vector_load %arg5[%get3A_2833, %get3A_2834] {strides = array<i32>} : memref<250x80xi32, #tpu.memory_space<vmem>>, vector<16xi32>,
        %shift_right_logical3A_2836 = arith.constant 16 : i32
        %shift_right_logical3A_2837 = vector.broadcast %shift_right_logical3A_2836 : i32 to vector<16xi32>
        %shift_right_logical3A_2838 = arith.shrui %get3A_2835, %shift_right_logical3A_2837 : vector<16xi32>
        %swap3A_2839 = arith.constant 4 : i32
        %swap3A_2840 = arith.index_cast %swap3A_2839 : i32 to index
        %swap3A_2841 = arith.constant 48 : index
        %swap3A_2842 = tpu.vector_load %arg6[%swap3A_2840, %swap3A_2841] {strides = array<i32>} : memref<10x80xi32, #tpu.memory_space<vmem>>, vector<16xi32>,
        tpu.vector_store %arg6[%swap3A_2840, %swap3A_2841], %shift_right_logical3A_2838 {strides = array<i32>} : memref<10x80xi32, #tpu.memory_space<vmem>>, vector<16xi32>,
        %and3A_2843 = arith.constant 65535 : i32
        %and3A_2844 = vector.broadcast %and3A_2843 : i32 to vector<16xi32>
        %and3A_2845 = arith.andi %get3A_2835, %and3A_2844 : vector<16xi32>
        %swap3A_2846 = arith.constant 4 : i32
        %swap3A_2847 = arith.index_cast %swap3A_2846 : i32 to index
        %swap3A_2848 = arith.constant 48 : index
        %swap3A_2849 = tpu.vector_load %arg7[%swap3A_2847, %swap3A_2848] {strides = array<i32>} : memref<10x80xi32, #tpu.memory_space<vmem>>, vector<16xi32>,
        tpu.vector_store %arg7[%swap3A_2847, %swap3A_2848], %and3A_2845 {strides = array<i32>} : memref<10x80xi32, #tpu.memory_space<vmem>>, vector<16xi32>,
        %get3A_2850 = arith.index_cast %add3A_2781 : i32 to index
        %get3A_2851 = arith.constant 64 : index
        %get3A_2852 = tpu.vector_load %arg5[%get3A_2850, %get3A_2851] {strides = array<i32>} : memref<250x80xi32, #tpu.memory_space<vmem>>, vector<16xi32>,
        %shift_right_logical3A_2853 = arith.constant 16 : i32
        %shift_right_logical3A_2854 = vector.broadcast %shift_right_logical3A_2853 : i32 to vector<16xi32>
        %shift_right_logical3A_2855 = arith.shrui %get3A_2852, %shift_right_logical3A_2854 : vector<16xi32>
        %swap3A_2856 = arith.constant 4 : i32
        %swap3A_2857 = arith.index_cast %swap3A_2856 : i32 to index
        %swap3A_2858 = arith.constant 64 : index
        %swap3A_2859 = tpu.vector_load %arg6[%swap3A_2857, %swap3A_2858] {strides = array<i32>} : memref<10x80xi32, #tpu.memory_space<vmem>>, vector<16xi32>,
        tpu.vector_store %arg6[%swap3A_2857, %swap3A_2858], %shift_right_logical3A_2855 {strides = array<i32>} : memref<10x80xi32, #tpu.memory_space<vmem>>, vector<16xi32>,
        %and3A_2860 = arith.constant 65535 : i32
        %and3A_2861 = vector.broadcast %and3A_2860 : i32 to vector<16xi32>
        %and3A_2862 = arith.andi %get3A_2852, %and3A_2861 : vector<16xi32>
        %swap3A_2863 = arith.constant 4 : i32
        %swap3A_2864 = arith.index_cast %swap3A_2863 : i32 to index
        %swap3A_2865 = arith.constant 64 : index
        %swap3A_2866 = tpu.vector_load %arg7[%swap3A_2864, %swap3A_2865] {strides = array<i32>} : memref<10x80xi32, #tpu.memory_space<vmem>>, vector<16xi32>,
        tpu.vector_store %arg7[%swap3A_2864, %swap3A_2865], %and3A_2862 {strides = array<i32>} : memref<10x80xi32, #tpu.memory_space<vmem>>, vector<16xi32>,
        %dma_start3A_2867 = arith.constant 4 : i32
        %dma_start3A_2868 = arith.constant 4 : i32
        %dma_start3A_2869 = arith.constant 0 : i32
        %dma_start3A_2870 = arith.constant 0 : i32
        %dma_start3A_2871 = tpu.memref_slice %arg8[%dma_start3A_2868, %dma_start3A_2869, %dma_start3A_2870] : memref<10x80x64xf32, #tpu.memory_space<vmem>> -> memref<1x80x64xf32, #tpu.memory_space<vmem>>
        %dma_start3A_2872 = tpu.memref_squeeze %dma_start3A_2871 : memref<1x80x64xf32, #tpu.memory_space<vmem>> -> memref<80x64xf32, #tpu.memory_space<vmem>>
        %dma_start3A_2873 = arith.constant 0 : i32
        %dma_start3A_2874 = tpu.memref_slice %arg6[%dma_start3A_2867, %dma_start3A_2873] : memref<10x80xi32, #tpu.memory_space<vmem>> -> memref<1x80xi32, #tpu.memory_space<vmem>>
        %dma_start3A_2875 = tpu.memref_squeeze %dma_start3A_2874 : memref<1x80xi32, #tpu.memory_space<vmem>> -> memref<80xi32, #tpu.memory_space<vmem>>
        %dma_start3A_2876 = arith.constant 0 : i32
        %dma_start3A_2877 = arith.constant 0 : i32
        %dma_start3A_2878 = tpu.memref_slice %arg2[%add3A_11, %dma_start3A_2876, %dma_start3A_2877] : memref<4x10240x64xf32, #tpu.memory_space<hbm>> -> memref<1x10240x64xf32, #tpu.memory_space<hbm>>
        %dma_start3A_2879 = tpu.memref_squeeze %dma_start3A_2878 : memref<1x10240x64xf32, #tpu.memory_space<hbm>> -> memref<10240x64xf32, #tpu.memory_space<hbm>>
        %dma_start3A_2880 = arith.constant 0 : i32
        %dma_start3A_2881 = arith.constant 0 : i32
        %dma_start3A_2882 = tpu.memref_slice %dma_start3A_2879[%dma_start3A_2880, %dma_start3A_2881] : memref<10240x64xf32, #tpu.memory_space<hbm>> -> memref<10240x64xf32, #tpu.memory_space<hbm>>
        tpu.enqueue_indirect_dma source(%dma_start3A_2882 : memref<10240x64xf32, #tpu.memory_space<hbm>>) target(%dma_start3A_2872 : memref<80x64xf32, #tpu.memory_space<vmem>>) offsets(%dma_start3A_2875 : memref<80xi32, #tpu.memory_space<vmem>>) semaphore(%arg11 : memref<!tpu.dma_semaphore, #tpu.memory_space<semaphore_mem>>)
        %dma_wait3A_2883 = arith.constant 5 : i32
        %dma_wait3A_2884 = arith.constant 5 : i32
        %dma_wait3A_2885 = arith.constant 0 : i32
        %dma_wait3A_2886 = arith.constant 0 : i32
        %dma_wait3A_2887 = tpu.memref_slice %arg8[%dma_wait3A_2883, %dma_wait3A_2885, %dma_wait3A_2886] : memref<10x80x64xf32, #tpu.memory_space<vmem>> -> memref<1x80x64xf32, #tpu.memory_space<vmem>>
        %dma_wait3A_2888 = tpu.memref_squeeze %dma_wait3A_2887 : memref<1x80x64xf32, #tpu.memory_space<vmem>> -> memref<80x64xf32, #tpu.memory_space<vmem>>
        %dma_wait3A_2889 = arith.constant 0 : i32
        %dma_wait3A_2890 = tpu.memref_slice %arg7[%dma_wait3A_2884, %dma_wait3A_2889] : memref<10x80xi32, #tpu.memory_space<vmem>> -> memref<1x80xi32, #tpu.memory_space<vmem>>
        %dma_wait3A_2891 = tpu.memref_squeeze %dma_wait3A_2890 : memref<1x80xi32, #tpu.memory_space<vmem>> -> memref<80xi32, #tpu.memory_space<vmem>>
        %dma_wait3A_2892 = arith.constant 0 : i32
        %dma_wait3A_2893 = arith.constant 0 : i32
        %dma_wait3A_2894 = tpu.memref_slice %arg10[%dma_wait3A_2892, %dma_wait3A_2893] : memref<10240x64xf32, #tpu.memory_space<vmem_shared>> -> memref<10240x64xf32, #tpu.memory_space<vmem_shared>>
        tpu.wait_indirect_dma semaphore(%arg14 : memref<!tpu.dma_semaphore, #tpu.memory_space<semaphore_mem>>) src(%dma_wait3A_2888 : memref<80x64xf32, #tpu.memory_space<vmem>>) dst(%dma_wait3A_2894 : memref<10240x64xf32, #tpu.memory_space<vmem_shared>>)
        %dma_wait3A_2895 = arith.constant 6 : i32
        %dma_wait3A_2896 = arith.constant 6 : i32
        %dma_wait3A_2897 = arith.constant 0 : i32
        %dma_wait3A_2898 = arith.constant 0 : i32
        %dma_wait3A_2899 = tpu.memref_slice %arg8[%dma_wait3A_2895, %dma_wait3A_2897, %dma_wait3A_2898] : memref<10x80x64xf32, #tpu.memory_space<vmem>> -> memref<1x80x64xf32, #tpu.memory_space<vmem>>
        %dma_wait3A_2900 = tpu.memref_squeeze %dma_wait3A_2899 : memref<1x80x64xf32, #tpu.memory_space<vmem>> -> memref<80x64xf32, #tpu.memory_space<vmem>>
        %dma_wait3A_2901 = arith.constant 0 : i32
        %dma_wait3A_2902 = tpu.memref_slice %arg7[%dma_wait3A_2896, %dma_wait3A_2901] : memref<10x80xi32, #tpu.memory_space<vmem>> -> memref<1x80xi32, #tpu.memory_space<vmem>>
        %dma_wait3A_2903 = tpu.memref_squeeze %dma_wait3A_2902 : memref<1x80xi32, #tpu.memory_space<vmem>> -> memref<80xi32, #tpu.memory_space<vmem>>
        %dma_wait3A_2904 = arith.constant 0 : i32
        %dma_wait3A_2905 = arith.constant 0 : i32
        %dma_wait3A_2906 = tpu.memref_slice %arg10[%dma_wait3A_2904, %dma_wait3A_2905] : memref<10240x64xf32, #tpu.memory_space<vmem_shared>> -> memref<10240x64xf32, #tpu.memory_space<vmem_shared>>
        tpu.wait_indirect_dma semaphore(%arg14 : memref<!tpu.dma_semaphore, #tpu.memory_space<semaphore_mem>>) src(%dma_wait3A_2900 : memref<80x64xf32, #tpu.memory_space<vmem>>) dst(%dma_wait3A_2906 : memref<10240x64xf32, #tpu.memory_space<vmem_shared>>)
        %dma_wait3A_2907 = arith.constant 7 : i32
        %dma_wait3A_2908 = arith.constant 7 : i32
        %dma_wait3A_2909 = arith.constant 0 : i32
        %dma_wait3A_2910 = arith.constant 0 : i32
        %dma_wait3A_2911 = tpu.memref_slice %arg8[%dma_wait3A_2907, %dma_wait3A_2909, %dma_wait3A_2910] : memref<10x80x64xf32, #tpu.memory_space<vmem>> -> memref<1x80x64xf32, #tpu.memory_space<vmem>>
        %dma_wait3A_2912 = tpu.memref_squeeze %dma_wait3A_2911 : memref<1x80x64xf32, #tpu.memory_space<vmem>> -> memref<80x64xf32, #tpu.memory_space<vmem>>
        %dma_wait3A_2913 = arith.constant 0 : i32
        %dma_wait3A_2914 = tpu.memref_slice %arg7[%dma_wait3A_2908, %dma_wait3A_2913] : memref<10x80xi32, #tpu.memory_space<vmem>> -> memref<1x80xi32, #tpu.memory_space<vmem>>
        %dma_wait3A_2915 = tpu.memref_squeeze %dma_wait3A_2914 : memref<1x80xi32, #tpu.memory_space<vmem>> -> memref<80xi32, #tpu.memory_space<vmem>>
        %dma_wait3A_2916 = arith.constant 0 : i32
        %dma_wait3A_2917 = arith.constant 0 : i32
        %dma_wait3A_2918 = tpu.memref_slice %arg10[%dma_wait3A_2916, %dma_wait3A_2917] : memref<10240x64xf32, #tpu.memory_space<vmem_shared>> -> memref<10240x64xf32, #tpu.memory_space<vmem_shared>>
        tpu.wait_indirect_dma semaphore(%arg14 : memref<!tpu.dma_semaphore, #tpu.memory_space<semaphore_mem>>) src(%dma_wait3A_2912 : memref<80x64xf32, #tpu.memory_space<vmem>>) dst(%dma_wait3A_2918 : memref<10240x64xf32, #tpu.memory_space<vmem_shared>>)
        %dma_wait3A_2919 = arith.constant 8 : i32
        %dma_wait3A_2920 = arith.constant 8 : i32
        %dma_wait3A_2921 = arith.constant 0 : i32
        %dma_wait3A_2922 = arith.constant 0 : i32
        %dma_wait3A_2923 = tpu.memref_slice %arg8[%dma_wait3A_2919, %dma_wait3A_2921, %dma_wait3A_2922] : memref<10x80x64xf32, #tpu.memory_space<vmem>> -> memref<1x80x64xf32, #tpu.memory_space<vmem>>
        %dma_wait3A_2924 = tpu.memref_squeeze %dma_wait3A_2923 : memref<1x80x64xf32, #tpu.memory_space<vmem>> -> memref<80x64xf32, #tpu.memory_space<vmem>>
        %dma_wait3A_2925 = arith.constant 0 : i32
        %dma_wait3A_2926 = tpu.memref_slice %arg7[%dma_wait3A_2920, %dma_wait3A_2925] : memref<10x80xi32, #tpu.memory_space<vmem>> -> memref<1x80xi32, #tpu.memory_space<vmem>>
        %dma_wait3A_2927 = tpu.memref_squeeze %dma_wait3A_2926 : memref<1x80xi32, #tpu.memory_space<vmem>> -> memref<80xi32, #tpu.memory_space<vmem>>
        %dma_wait3A_2928 = arith.constant 0 : i32
        %dma_wait3A_2929 = arith.constant 0 : i32
        %dma_wait3A_2930 = tpu.memref_slice %arg10[%dma_wait3A_2928, %dma_wait3A_2929] : memref<10240x64xf32, #tpu.memory_space<vmem_shared>> -> memref<10240x64xf32, #tpu.memory_space<vmem_shared>>
        tpu.wait_indirect_dma semaphore(%arg14 : memref<!tpu.dma_semaphore, #tpu.memory_space<semaphore_mem>>) src(%dma_wait3A_2924 : memref<80x64xf32, #tpu.memory_space<vmem>>) dst(%dma_wait3A_2930 : memref<10240x64xf32, #tpu.memory_space<vmem_shared>>)
        %dma_wait3A_2931 = arith.constant 9 : i32
        %dma_wait3A_2932 = arith.constant 9 : i32
        %dma_wait3A_2933 = arith.constant 0 : i32
        %dma_wait3A_2934 = arith.constant 0 : i32
        %dma_wait3A_2935 = tpu.memref_slice %arg8[%dma_wait3A_2931, %dma_wait3A_2933, %dma_wait3A_2934] : memref<10x80x64xf32, #tpu.memory_space<vmem>> -> memref<1x80x64xf32, #tpu.memory_space<vmem>>
        %dma_wait3A_2936 = tpu.memref_squeeze %dma_wait3A_2935 : memref<1x80x64xf32, #tpu.memory_space<vmem>> -> memref<80x64xf32, #tpu.memory_space<vmem>>
        %dma_wait3A_2937 = arith.constant 0 : i32
        %dma_wait3A_2938 = tpu.memref_slice %arg7[%dma_wait3A_2932, %dma_wait3A_2937] : memref<10x80xi32, #tpu.memory_space<vmem>> -> memref<1x80xi32, #tpu.memory_space<vmem>>
        %dma_wait3A_2939 = tpu.memref_squeeze %dma_wait3A_2938 : memref<1x80xi32, #tpu.memory_space<vmem>> -> memref<80xi32, #tpu.memory_space<vmem>>
        %dma_wait3A_2940 = arith.constant 0 : i32
        %dma_wait3A_2941 = arith.constant 0 : i32
        %dma_wait3A_2942 = tpu.memref_slice %arg10[%dma_wait3A_2940, %dma_wait3A_2941] : memref<10240x64xf32, #tpu.memory_space<vmem_shared>> -> memref<10240x64xf32, #tpu.memory_space<vmem_shared>>
        tpu.wait_indirect_dma semaphore(%arg14 : memref<!tpu.dma_semaphore, #tpu.memory_space<semaphore_mem>>) src(%dma_wait3A_2936 : memref<80x64xf32, #tpu.memory_space<vmem>>) dst(%dma_wait3A_2942 : memref<10240x64xf32, #tpu.memory_space<vmem_shared>>)
      }
      %scan3A_545 = arith.constant 24 : i32
      %dma_wait3A = arith.constant 0 : i32
      %dma_wait3A_546 = arith.constant 0 : i32
      %dma_wait3A_547 = arith.constant 0 : i32
      %dma_wait3A_548 = arith.constant 0 : i32
      %dma_wait3A_549 = tpu.memref_slice %arg8[%dma_wait3A_546, %dma_wait3A_547, %dma_wait3A_548] : memref<10x80x64xf32, #tpu.memory_space<vmem>> -> memref<1x80x64xf32, #tpu.memory_space<vmem>>
      %dma_wait3A_550 = tpu.memref_squeeze %dma_wait3A_549 : memref<1x80x64xf32, #tpu.memory_space<vmem>> -> memref<80x64xf32, #tpu.memory_space<vmem>>
      %dma_wait3A_551 = arith.constant 0 : i32
      %dma_wait3A_552 = tpu.memref_slice %arg6[%dma_wait3A, %dma_wait3A_551] : memref<10x80xi32, #tpu.memory_space<vmem>> -> memref<1x80xi32, #tpu.memory_space<vmem>>
      %dma_wait3A_553 = tpu.memref_squeeze %dma_wait3A_552 : memref<1x80xi32, #tpu.memory_space<vmem>> -> memref<80xi32, #tpu.memory_space<vmem>>
      %dma_wait3A_554 = arith.constant 0 : i32
      %dma_wait3A_555 = arith.constant 0 : i32
      %dma_wait3A_556 = tpu.memref_slice %arg2[%add3A_11, %dma_wait3A_554, %dma_wait3A_555] : memref<4x10240x64xf32, #tpu.memory_space<hbm>> -> memref<1x10240x64xf32, #tpu.memory_space<hbm>>
      %dma_wait3A_557 = tpu.memref_squeeze %dma_wait3A_556 : memref<1x10240x64xf32, #tpu.memory_space<hbm>> -> memref<10240x64xf32, #tpu.memory_space<hbm>>
      %dma_wait3A_558 = arith.constant 0 : i32
      %dma_wait3A_559 = arith.constant 0 : i32
      %dma_wait3A_560 = tpu.memref_slice %dma_wait3A_557[%dma_wait3A_558, %dma_wait3A_559] : memref<10240x64xf32, #tpu.memory_space<hbm>> -> memref<10240x64xf32, #tpu.memory_space<hbm>>
      tpu.wait_indirect_dma semaphore(%arg11 : memref<!tpu.dma_semaphore, #tpu.memory_space<semaphore_mem>>) src(%dma_wait3A_560 : memref<10240x64xf32, #tpu.memory_space<hbm>>) dst(%dma_wait3A_550 : memref<80x64xf32, #tpu.memory_space<vmem>>)
      %dma_wait3A_561 = arith.constant 1 : i32
      %dma_wait3A_562 = arith.constant 1 : i32
      %dma_wait3A_563 = arith.constant 0 : i32
      %dma_wait3A_564 = arith.constant 0 : i32
      %dma_wait3A_565 = tpu.memref_slice %arg8[%dma_wait3A_562, %dma_wait3A_563, %dma_wait3A_564] : memref<10x80x64xf32, #tpu.memory_space<vmem>> -> memref<1x80x64xf32, #tpu.memory_space<vmem>>
      %dma_wait3A_566 = tpu.memref_squeeze %dma_wait3A_565 : memref<1x80x64xf32, #tpu.memory_space<vmem>> -> memref<80x64xf32, #tpu.memory_space<vmem>>
      %dma_wait3A_567 = arith.constant 0 : i32
      %dma_wait3A_568 = tpu.memref_slice %arg6[%dma_wait3A_561, %dma_wait3A_567] : memref<10x80xi32, #tpu.memory_space<vmem>> -> memref<1x80xi32, #tpu.memory_space<vmem>>
      %dma_wait3A_569 = tpu.memref_squeeze %dma_wait3A_568 : memref<1x80xi32, #tpu.memory_space<vmem>> -> memref<80xi32, #tpu.memory_space<vmem>>
      %dma_wait3A_570 = arith.constant 0 : i32
      %dma_wait3A_571 = arith.constant 0 : i32
      %dma_wait3A_572 = tpu.memref_slice %arg2[%add3A_11, %dma_wait3A_570, %dma_wait3A_571] : memref<4x10240x64xf32, #tpu.memory_space<hbm>> -> memref<1x10240x64xf32, #tpu.memory_space<hbm>>
      %dma_wait3A_573 = tpu.memref_squeeze %dma_wait3A_572 : memref<1x10240x64xf32, #tpu.memory_space<hbm>> -> memref<10240x64xf32, #tpu.memory_space<hbm>>
      %dma_wait3A_574 = arith.constant 0 : i32
      %dma_wait3A_575 = arith.constant 0 : i32
      %dma_wait3A_576 = tpu.memref_slice %dma_wait3A_573[%dma_wait3A_574, %dma_wait3A_575] : memref<10240x64xf32, #tpu.memory_space<hbm>> -> memref<10240x64xf32, #tpu.memory_space<hbm>>
      tpu.wait_indirect_dma semaphore(%arg11 : memref<!tpu.dma_semaphore, #tpu.memory_space<semaphore_mem>>) src(%dma_wait3A_576 : memref<10240x64xf32, #tpu.memory_space<hbm>>) dst(%dma_wait3A_566 : memref<80x64xf32, #tpu.memory_space<vmem>>)
      %dma_wait3A_577 = arith.constant 2 : i32
      %dma_wait3A_578 = arith.constant 2 : i32
      %dma_wait3A_579 = arith.constant 0 : i32
      %dma_wait3A_580 = arith.constant 0 : i32
      %dma_wait3A_581 = tpu.memref_slice %arg8[%dma_wait3A_578, %dma_wait3A_579, %dma_wait3A_580] : memref<10x80x64xf32, #tpu.memory_space<vmem>> -> memref<1x80x64xf32, #tpu.memory_space<vmem>>
      %dma_wait3A_582 = tpu.memref_squeeze %dma_wait3A_581 : memref<1x80x64xf32, #tpu.memory_space<vmem>> -> memref<80x64xf32, #tpu.memory_space<vmem>>
      %dma_wait3A_583 = arith.constant 0 : i32
      %dma_wait3A_584 = tpu.memref_slice %arg6[%dma_wait3A_577, %dma_wait3A_583] : memref<10x80xi32, #tpu.memory_space<vmem>> -> memref<1x80xi32, #tpu.memory_space<vmem>>
      %dma_wait3A_585 = tpu.memref_squeeze %dma_wait3A_584 : memref<1x80xi32, #tpu.memory_space<vmem>> -> memref<80xi32, #tpu.memory_space<vmem>>
      %dma_wait3A_586 = arith.constant 0 : i32
      %dma_wait3A_587 = arith.constant 0 : i32
      %dma_wait3A_588 = tpu.memref_slice %arg2[%add3A_11, %dma_wait3A_586, %dma_wait3A_587] : memref<4x10240x64xf32, #tpu.memory_space<hbm>> -> memref<1x10240x64xf32, #tpu.memory_space<hbm>>
      %dma_wait3A_589 = tpu.memref_squeeze %dma_wait3A_588 : memref<1x10240x64xf32, #tpu.memory_space<hbm>> -> memref<10240x64xf32, #tpu.memory_space<hbm>>
      %dma_wait3A_590 = arith.constant 0 : i32
      %dma_wait3A_591 = arith.constant 0 : i32
      %dma_wait3A_592 = tpu.memref_slice %dma_wait3A_589[%dma_wait3A_590, %dma_wait3A_591] : memref<10240x64xf32, #tpu.memory_space<hbm>> -> memref<10240x64xf32, #tpu.memory_space<hbm>>
      tpu.wait_indirect_dma semaphore(%arg11 : memref<!tpu.dma_semaphore, #tpu.memory_space<semaphore_mem>>) src(%dma_wait3A_592 : memref<10240x64xf32, #tpu.memory_space<hbm>>) dst(%dma_wait3A_582 : memref<80x64xf32, #tpu.memory_space<vmem>>)
      %dma_wait3A_593 = arith.constant 3 : i32
      %dma_wait3A_594 = arith.constant 3 : i32
      %dma_wait3A_595 = arith.constant 0 : i32
      %dma_wait3A_596 = arith.constant 0 : i32
      %dma_wait3A_597 = tpu.memref_slice %arg8[%dma_wait3A_594, %dma_wait3A_595, %dma_wait3A_596] : memref<10x80x64xf32, #tpu.memory_space<vmem>> -> memref<1x80x64xf32, #tpu.memory_space<vmem>>
      %dma_wait3A_598 = tpu.memref_squeeze %dma_wait3A_597 : memref<1x80x64xf32, #tpu.memory_space<vmem>> -> memref<80x64xf32, #tpu.memory_space<vmem>>
      %dma_wait3A_599 = arith.constant 0 : i32
      %dma_wait3A_600 = tpu.memref_slice %arg6[%dma_wait3A_593, %dma_wait3A_599] : memref<10x80xi32, #tpu.memory_space<vmem>> -> memref<1x80xi32, #tpu.memory_space<vmem>>
      %dma_wait3A_601 = tpu.memref_squeeze %dma_wait3A_600 : memref<1x80xi32, #tpu.memory_space<vmem>> -> memref<80xi32, #tpu.memory_space<vmem>>
      %dma_wait3A_602 = arith.constant 0 : i32
      %dma_wait3A_603 = arith.constant 0 : i32
      %dma_wait3A_604 = tpu.memref_slice %arg2[%add3A_11, %dma_wait3A_602, %dma_wait3A_603] : memref<4x10240x64xf32, #tpu.memory_space<hbm>> -> memref<1x10240x64xf32, #tpu.memory_space<hbm>>
      %dma_wait3A_605 = tpu.memref_squeeze %dma_wait3A_604 : memref<1x10240x64xf32, #tpu.memory_space<hbm>> -> memref<10240x64xf32, #tpu.memory_space<hbm>>
      %dma_wait3A_606 = arith.constant 0 : i32
      %dma_wait3A_607 = arith.constant 0 : i32
      %dma_wait3A_608 = tpu.memref_slice %dma_wait3A_605[%dma_wait3A_606, %dma_wait3A_607] : memref<10240x64xf32, #tpu.memory_space<hbm>> -> memref<10240x64xf32, #tpu.memory_space<hbm>>
      tpu.wait_indirect_dma semaphore(%arg11 : memref<!tpu.dma_semaphore, #tpu.memory_space<semaphore_mem>>) src(%dma_wait3A_608 : memref<10240x64xf32, #tpu.memory_space<hbm>>) dst(%dma_wait3A_598 : memref<80x64xf32, #tpu.memory_space<vmem>>)
      %dma_wait3A_609 = arith.constant 4 : i32
      %dma_wait3A_610 = arith.constant 4 : i32
      %dma_wait3A_611 = arith.constant 0 : i32
      %dma_wait3A_612 = arith.constant 0 : i32
      %dma_wait3A_613 = tpu.memref_slice %arg8[%dma_wait3A_610, %dma_wait3A_611, %dma_wait3A_612] : memref<10x80x64xf32, #tpu.memory_space<vmem>> -> memref<1x80x64xf32, #tpu.memory_space<vmem>>
      %dma_wait3A_614 = tpu.memref_squeeze %dma_wait3A_613 : memref<1x80x64xf32, #tpu.memory_space<vmem>> -> memref<80x64xf32, #tpu.memory_space<vmem>>
      %dma_wait3A_615 = arith.constant 0 : i32
      %dma_wait3A_616 = tpu.memref_slice %arg6[%dma_wait3A_609, %dma_wait3A_615] : memref<10x80xi32, #tpu.memory_space<vmem>> -> memref<1x80xi32, #tpu.memory_space<vmem>>
      %dma_wait3A_617 = tpu.memref_squeeze %dma_wait3A_616 : memref<1x80xi32, #tpu.memory_space<vmem>> -> memref<80xi32, #tpu.memory_space<vmem>>
      %dma_wait3A_618 = arith.constant 0 : i32
      %dma_wait3A_619 = arith.constant 0 : i32
      %dma_wait3A_620 = tpu.memref_slice %arg2[%add3A_11, %dma_wait3A_618, %dma_wait3A_619] : memref<4x10240x64xf32, #tpu.memory_space<hbm>> -> memref<1x10240x64xf32, #tpu.memory_space<hbm>>
      %dma_wait3A_621 = tpu.memref_squeeze %dma_wait3A_620 : memref<1x10240x64xf32, #tpu.memory_space<hbm>> -> memref<10240x64xf32, #tpu.memory_space<hbm>>
      %dma_wait3A_622 = arith.constant 0 : i32
      %dma_wait3A_623 = arith.constant 0 : i32
      %dma_wait3A_624 = tpu.memref_slice %dma_wait3A_621[%dma_wait3A_622, %dma_wait3A_623] : memref<10240x64xf32, #tpu.memory_space<hbm>> -> memref<10240x64xf32, #tpu.memory_space<hbm>>
      tpu.wait_indirect_dma semaphore(%arg11 : memref<!tpu.dma_semaphore, #tpu.memory_space<semaphore_mem>>) src(%dma_wait3A_624 : memref<10240x64xf32, #tpu.memory_space<hbm>>) dst(%dma_wait3A_614 : memref<80x64xf32, #tpu.memory_space<vmem>>)
      %dma_start3A_625 = arith.constant 0 : i32
      %dma_start3A_626 = arith.constant 0 : i32
      %dma_start3A_627 = arith.constant 0 : i32
      %dma_start3A_628 = arith.constant 0 : i32
      %dma_start3A_629 = tpu.memref_slice %arg8[%dma_start3A_625, %dma_start3A_627, %dma_start3A_628] : memref<10x80x64xf32, #tpu.memory_space<vmem>> -> memref<1x80x64xf32, #tpu.memory_space<vmem>>
      %dma_start3A_630 = tpu.memref_squeeze %dma_start3A_629 : memref<1x80x64xf32, #tpu.memory_space<vmem>> -> memref<80x64xf32, #tpu.memory_space<vmem>>
      %dma_start3A_631 = arith.constant 0 : i32
      %dma_start3A_632 = tpu.memref_slice %arg7[%dma_start3A_626, %dma_start3A_631] : memref<10x80xi32, #tpu.memory_space<vmem>> -> memref<1x80xi32, #tpu.memory_space<vmem>>
      %dma_start3A_633 = tpu.memref_squeeze %dma_start3A_632 : memref<1x80xi32, #tpu.memory_space<vmem>> -> memref<80xi32, #tpu.memory_space<vmem>>
      %dma_start3A_634 = arith.constant 0 : i32
      %dma_start3A_635 = arith.constant 0 : i32
      %dma_start3A_636 = tpu.memref_slice %arg10[%dma_start3A_634, %dma_start3A_635] : memref<10240x64xf32, #tpu.memory_space<vmem_shared>> -> memref<10240x64xf32, #tpu.memory_space<vmem_shared>>
      tpu.enqueue_indirect_dma source(%dma_start3A_630 : memref<80x64xf32, #tpu.memory_space<vmem>>) target(%dma_start3A_636 : memref<10240x64xf32, #tpu.memory_space<vmem_shared>>) offsets(%dma_start3A_633 : memref<80xi32, #tpu.memory_space<vmem>>) semaphore(%arg13 : memref<!tpu.dma_semaphore, #tpu.memory_space<semaphore_mem>>) {add = true}
      %dma_start3A_637 = arith.constant 1 : i32
      %dma_start3A_638 = arith.constant 1 : i32
      %dma_start3A_639 = arith.constant 0 : i32
      %dma_start3A_640 = arith.constant 0 : i32
      %dma_start3A_641 = tpu.memref_slice %arg8[%dma_start3A_637, %dma_start3A_639, %dma_start3A_640] : memref<10x80x64xf32, #tpu.memory_space<vmem>> -> memref<1x80x64xf32, #tpu.memory_space<vmem>>
      %dma_start3A_642 = tpu.memref_squeeze %dma_start3A_641 : memref<1x80x64xf32, #tpu.memory_space<vmem>> -> memref<80x64xf32, #tpu.memory_space<vmem>>
      %dma_start3A_643 = arith.constant 0 : i32
      %dma_start3A_644 = tpu.memref_slice %arg7[%dma_start3A_638, %dma_start3A_643] : memref<10x80xi32, #tpu.memory_space<vmem>> -> memref<1x80xi32, #tpu.memory_space<vmem>>
      %dma_start3A_645 = tpu.memref_squeeze %dma_start3A_644 : memref<1x80xi32, #tpu.memory_space<vmem>> -> memref<80xi32, #tpu.memory_space<vmem>>
      %dma_start3A_646 = arith.constant 0 : i32
      %dma_start3A_647 = arith.constant 0 : i32
      %dma_start3A_648 = tpu.memref_slice %arg10[%dma_start3A_646, %dma_start3A_647] : memref<10240x64xf32, #tpu.memory_space<vmem_shared>> -> memref<10240x64xf32, #tpu.memory_space<vmem_shared>>
      tpu.enqueue_indirect_dma source(%dma_start3A_642 : memref<80x64xf32, #tpu.memory_space<vmem>>) target(%dma_start3A_648 : memref<10240x64xf32, #tpu.memory_space<vmem_shared>>) offsets(%dma_start3A_645 : memref<80xi32, #tpu.memory_space<vmem>>) semaphore(%arg13 : memref<!tpu.dma_semaphore, #tpu.memory_space<semaphore_mem>>) {add = true}
      %dma_start3A_649 = arith.constant 2 : i32
      %dma_start3A_650 = arith.constant 2 : i32
      %dma_start3A_651 = arith.constant 0 : i32
      %dma_start3A_652 = arith.constant 0 : i32
      %dma_start3A_653 = tpu.memref_slice %arg8[%dma_start3A_649, %dma_start3A_651, %dma_start3A_652] : memref<10x80x64xf32, #tpu.memory_space<vmem>> -> memref<1x80x64xf32, #tpu.memory_space<vmem>>
      %dma_start3A_654 = tpu.memref_squeeze %dma_start3A_653 : memref<1x80x64xf32, #tpu.memory_space<vmem>> -> memref<80x64xf32, #tpu.memory_space<vmem>>
      %dma_start3A_655 = arith.constant 0 : i32
      %dma_start3A_656 = tpu.memref_slice %arg7[%dma_start3A_650, %dma_start3A_655] : memref<10x80xi32, #tpu.memory_space<vmem>> -> memref<1x80xi32, #tpu.memory_space<vmem>>
      %dma_start3A_657 = tpu.memref_squeeze %dma_start3A_656 : memref<1x80xi32, #tpu.memory_space<vmem>> -> memref<80xi32, #tpu.memory_space<vmem>>
      %dma_start3A_658 = arith.constant 0 : i32
      %dma_start3A_659 = arith.constant 0 : i32
      %dma_start3A_660 = tpu.memref_slice %arg10[%dma_start3A_658, %dma_start3A_659] : memref<10240x64xf32, #tpu.memory_space<vmem_shared>> -> memref<10240x64xf32, #tpu.memory_space<vmem_shared>>
      tpu.enqueue_indirect_dma source(%dma_start3A_654 : memref<80x64xf32, #tpu.memory_space<vmem>>) target(%dma_start3A_660 : memref<10240x64xf32, #tpu.memory_space<vmem_shared>>) offsets(%dma_start3A_657 : memref<80xi32, #tpu.memory_space<vmem>>) semaphore(%arg13 : memref<!tpu.dma_semaphore, #tpu.memory_space<semaphore_mem>>) {add = true}
      %dma_start3A_661 = arith.constant 3 : i32
      %dma_start3A_662 = arith.constant 3 : i32
      %dma_start3A_663 = arith.constant 0 : i32
      %dma_start3A_664 = arith.constant 0 : i32
      %dma_start3A_665 = tpu.memref_slice %arg8[%dma_start3A_661, %dma_start3A_663, %dma_start3A_664] : memref<10x80x64xf32, #tpu.memory_space<vmem>> -> memref<1x80x64xf32, #tpu.memory_space<vmem>>
      %dma_start3A_666 = tpu.memref_squeeze %dma_start3A_665 : memref<1x80x64xf32, #tpu.memory_space<vmem>> -> memref<80x64xf32, #tpu.memory_space<vmem>>
      %dma_start3A_667 = arith.constant 0 : i32
      %dma_start3A_668 = tpu.memref_slice %arg7[%dma_start3A_662, %dma_start3A_667] : memref<10x80xi32, #tpu.memory_space<vmem>> -> memref<1x80xi32, #tpu.memory_space<vmem>>
      %dma_start3A_669 = tpu.memref_squeeze %dma_start3A_668 : memref<1x80xi32, #tpu.memory_space<vmem>> -> memref<80xi32, #tpu.memory_space<vmem>>
      %dma_start3A_670 = arith.constant 0 : i32
      %dma_start3A_671 = arith.constant 0 : i32
      %dma_start3A_672 = tpu.memref_slice %arg10[%dma_start3A_670, %dma_start3A_671] : memref<10240x64xf32, #tpu.memory_space<vmem_shared>> -> memref<10240x64xf32, #tpu.memory_space<vmem_shared>>
      tpu.enqueue_indirect_dma source(%dma_start3A_666 : memref<80x64xf32, #tpu.memory_space<vmem>>) target(%dma_start3A_672 : memref<10240x64xf32, #tpu.memory_space<vmem_shared>>) offsets(%dma_start3A_669 : memref<80xi32, #tpu.memory_space<vmem>>) semaphore(%arg13 : memref<!tpu.dma_semaphore, #tpu.memory_space<semaphore_mem>>) {add = true}
      %dma_start3A_673 = arith.constant 4 : i32
      %dma_start3A_674 = arith.constant 4 : i32
      %dma_start3A_675 = arith.constant 0 : i32
      %dma_start3A_676 = arith.constant 0 : i32
      %dma_start3A_677 = tpu.memref_slice %arg8[%dma_start3A_673, %dma_start3A_675, %dma_start3A_676] : memref<10x80x64xf32, #tpu.memory_space<vmem>> -> memref<1x80x64xf32, #tpu.memory_space<vmem>>
      %dma_start3A_678 = tpu.memref_squeeze %dma_start3A_677 : memref<1x80x64xf32, #tpu.memory_space<vmem>> -> memref<80x64xf32, #tpu.memory_space<vmem>>
      %dma_start3A_679 = arith.constant 0 : i32
      %dma_start3A_680 = tpu.memref_slice %arg7[%dma_start3A_674, %dma_start3A_679] : memref<10x80xi32, #tpu.memory_space<vmem>> -> memref<1x80xi32, #tpu.memory_space<vmem>>
      %dma_start3A_681 = tpu.memref_squeeze %dma_start3A_680 : memref<1x80xi32, #tpu.memory_space<vmem>> -> memref<80xi32, #tpu.memory_space<vmem>>
      %dma_start3A_682 = arith.constant 0 : i32
      %dma_start3A_683 = arith.constant 0 : i32
      %dma_start3A_684 = tpu.memref_slice %arg10[%dma_start3A_682, %dma_start3A_683] : memref<10240x64xf32, #tpu.memory_space<vmem_shared>> -> memref<10240x64xf32, #tpu.memory_space<vmem_shared>>
      tpu.enqueue_indirect_dma source(%dma_start3A_678 : memref<80x64xf32, #tpu.memory_space<vmem>>) target(%dma_start3A_684 : memref<10240x64xf32, #tpu.memory_space<vmem_shared>>) offsets(%dma_start3A_681 : memref<80xi32, #tpu.memory_space<vmem>>) semaphore(%arg13 : memref<!tpu.dma_semaphore, #tpu.memory_space<semaphore_mem>>) {add = true}
      %get3A_685 = arith.constant 245 : i32
      %get3A_686 = arith.index_cast %get3A_685 : i32 to index
      %get3A_687 = arith.constant 0 : index
      %get3A_688 = tpu.vector_load %arg5[%get3A_686, %get3A_687] {strides = array<i32>} : memref<250x80xi32, #tpu.memory_space<vmem>>, vector<16xi32>,
      %shift_right_logical3A_689 = arith.constant 16 : i32
      %shift_right_logical3A_690 = vector.broadcast %shift_right_logical3A_689 : i32 to vector<16xi32>
      %shift_right_logical3A_691 = arith.shrui %get3A_688, %shift_right_logical3A_690 : vector<16xi32>
      %swap3A_692 = arith.constant 5 : i32
      %swap3A_693 = arith.index_cast %swap3A_692 : i32 to index
      %swap3A_694 = arith.constant 0 : index
      %swap3A_695 = tpu.vector_load %arg6[%swap3A_693, %swap3A_694] {strides = array<i32>} : memref<10x80xi32, #tpu.memory_space<vmem>>, vector<16xi32>,
      tpu.vector_store %arg6[%swap3A_693, %swap3A_694], %shift_right_logical3A_691 {strides = array<i32>} : memref<10x80xi32, #tpu.memory_space<vmem>>, vector<16xi32>,
      %and3A_696 = arith.constant 65535 : i32
      %and3A_697 = vector.broadcast %and3A_696 : i32 to vector<16xi32>
      %and3A_698 = arith.andi %get3A_688, %and3A_697 : vector<16xi32>
      %swap3A_699 = arith.constant 5 : i32
      %swap3A_700 = arith.index_cast %swap3A_699 : i32 to index
      %swap3A_701 = arith.constant 0 : index
      %swap3A_702 = tpu.vector_load %arg7[%swap3A_700, %swap3A_701] {strides = array<i32>} : memref<10x80xi32, #tpu.memory_space<vmem>>, vector<16xi32>,
      tpu.vector_store %arg7[%swap3A_700, %swap3A_701], %and3A_698 {strides = array<i32>} : memref<10x80xi32, #tpu.memory_space<vmem>>, vector<16xi32>,
      %get3A_703 = arith.constant 245 : i32
      %get3A_704 = arith.index_cast %get3A_703 : i32 to index
      %get3A_705 = arith.constant 16 : index
      %get3A_706 = tpu.vector_load %arg5[%get3A_704, %get3A_705] {strides = array<i32>} : memref<250x80xi32, #tpu.memory_space<vmem>>, vector<16xi32>,
      %shift_right_logical3A_707 = arith.constant 16 : i32
      %shift_right_logical3A_708 = vector.broadcast %shift_right_logical3A_707 : i32 to vector<16xi32>
      %shift_right_logical3A_709 = arith.shrui %get3A_706, %shift_right_logical3A_708 : vector<16xi32>
      %swap3A_710 = arith.constant 5 : i32
      %swap3A_711 = arith.index_cast %swap3A_710 : i32 to index
      %swap3A_712 = arith.constant 16 : index
      %swap3A_713 = tpu.vector_load %arg6[%swap3A_711, %swap3A_712] {strides = array<i32>} : memref<10x80xi32, #tpu.memory_space<vmem>>, vector<16xi32>,
      tpu.vector_store %arg6[%swap3A_711, %swap3A_712], %shift_right_logical3A_709 {strides = array<i32>} : memref<10x80xi32, #tpu.memory_space<vmem>>, vector<16xi32>,
      %and3A_714 = arith.constant 65535 : i32
      %and3A_715 = vector.broadcast %and3A_714 : i32 to vector<16xi32>
      %and3A_716 = arith.andi %get3A_706, %and3A_715 : vector<16xi32>
      %swap3A_717 = arith.constant 5 : i32
      %swap3A_718 = arith.index_cast %swap3A_717 : i32 to index
      %swap3A_719 = arith.constant 16 : index
      %swap3A_720 = tpu.vector_load %arg7[%swap3A_718, %swap3A_719] {strides = array<i32>} : memref<10x80xi32, #tpu.memory_space<vmem>>, vector<16xi32>,
      tpu.vector_store %arg7[%swap3A_718, %swap3A_719], %and3A_716 {strides = array<i32>} : memref<10x80xi32, #tpu.memory_space<vmem>>, vector<16xi32>,
      %get3A_721 = arith.constant 245 : i32
      %get3A_722 = arith.index_cast %get3A_721 : i32 to index
      %get3A_723 = arith.constant 32 : index
      %get3A_724 = tpu.vector_load %arg5[%get3A_722, %get3A_723] {strides = array<i32>} : memref<250x80xi32, #tpu.memory_space<vmem>>, vector<16xi32>,
      %shift_right_logical3A_725 = arith.constant 16 : i32
      %shift_right_logical3A_726 = vector.broadcast %shift_right_logical3A_725 : i32 to vector<16xi32>
      %shift_right_logical3A_727 = arith.shrui %get3A_724, %shift_right_logical3A_726 : vector<16xi32>
      %swap3A_728 = arith.constant 5 : i32
      %swap3A_729 = arith.index_cast %swap3A_728 : i32 to index
      %swap3A_730 = arith.constant 32 : index
      %swap3A_731 = tpu.vector_load %arg6[%swap3A_729, %swap3A_730] {strides = array<i32>} : memref<10x80xi32, #tpu.memory_space<vmem>>, vector<16xi32>,
      tpu.vector_store %arg6[%swap3A_729, %swap3A_730], %shift_right_logical3A_727 {strides = array<i32>} : memref<10x80xi32, #tpu.memory_space<vmem>>, vector<16xi32>,
      %and3A_732 = arith.constant 65535 : i32
      %and3A_733 = vector.broadcast %and3A_732 : i32 to vector<16xi32>
      %and3A_734 = arith.andi %get3A_724, %and3A_733 : vector<16xi32>
      %swap3A_735 = arith.constant 5 : i32
      %swap3A_736 = arith.index_cast %swap3A_735 : i32 to index
      %swap3A_737 = arith.constant 32 : index
      %swap3A_738 = tpu.vector_load %arg7[%swap3A_736, %swap3A_737] {strides = array<i32>} : memref<10x80xi32, #tpu.memory_space<vmem>>, vector<16xi32>,
      tpu.vector_store %arg7[%swap3A_736, %swap3A_737], %and3A_734 {strides = array<i32>} : memref<10x80xi32, #tpu.memory_space<vmem>>, vector<16xi32>,
      %get3A_739 = arith.constant 245 : i32
      %get3A_740 = arith.index_cast %get3A_739 : i32 to index
      %get3A_741 = arith.constant 48 : index
      %get3A_742 = tpu.vector_load %arg5[%get3A_740, %get3A_741] {strides = array<i32>} : memref<250x80xi32, #tpu.memory_space<vmem>>, vector<16xi32>,
      %shift_right_logical3A_743 = arith.constant 16 : i32
      %shift_right_logical3A_744 = vector.broadcast %shift_right_logical3A_743 : i32 to vector<16xi32>
      %shift_right_logical3A_745 = arith.shrui %get3A_742, %shift_right_logical3A_744 : vector<16xi32>
      %swap3A_746 = arith.constant 5 : i32
      %swap3A_747 = arith.index_cast %swap3A_746 : i32 to index
      %swap3A_748 = arith.constant 48 : index
      %swap3A_749 = tpu.vector_load %arg6[%swap3A_747, %swap3A_748] {strides = array<i32>} : memref<10x80xi32, #tpu.memory_space<vmem>>, vector<16xi32>,
      tpu.vector_store %arg6[%swap3A_747, %swap3A_748], %shift_right_logical3A_745 {strides = array<i32>} : memref<10x80xi32, #tpu.memory_space<vmem>>, vector<16xi32>,
      %and3A_750 = arith.constant 65535 : i32
      %and3A_751 = vector.broadcast %and3A_750 : i32 to vector<16xi32>
      %and3A_752 = arith.andi %get3A_742, %and3A_751 : vector<16xi32>
      %swap3A_753 = arith.constant 5 : i32
      %swap3A_754 = arith.index_cast %swap3A_753 : i32 to index
      %swap3A_755 = arith.constant 48 : index
      %swap3A_756 = tpu.vector_load %arg7[%swap3A_754, %swap3A_755] {strides = array<i32>} : memref<10x80xi32, #tpu.memory_space<vmem>>, vector<16xi32>,
      tpu.vector_store %arg7[%swap3A_754, %swap3A_755], %and3A_752 {strides = array<i32>} : memref<10x80xi32, #tpu.memory_space<vmem>>, vector<16xi32>,
      %get3A_757 = arith.constant 245 : i32
      %get3A_758 = arith.index_cast %get3A_757 : i32 to index
      %get3A_759 = arith.constant 64 : index
      %get3A_760 = tpu.vector_load %arg5[%get3A_758, %get3A_759] {strides = array<i32>} : memref<250x80xi32, #tpu.memory_space<vmem>>, vector<16xi32>,
      %shift_right_logical3A_761 = arith.constant 16 : i32
      %shift_right_logical3A_762 = vector.broadcast %shift_right_logical3A_761 : i32 to vector<16xi32>
      %shift_right_logical3A_763 = arith.shrui %get3A_760, %shift_right_logical3A_762 : vector<16xi32>
      %swap3A_764 = arith.constant 5 : i32
      %swap3A_765 = arith.index_cast %swap3A_764 : i32 to index
      %swap3A_766 = arith.constant 64 : index
      %swap3A_767 = tpu.vector_load %arg6[%swap3A_765, %swap3A_766] {strides = array<i32>} : memref<10x80xi32, #tpu.memory_space<vmem>>, vector<16xi32>,
      tpu.vector_store %arg6[%swap3A_765, %swap3A_766], %shift_right_logical3A_763 {strides = array<i32>} : memref<10x80xi32, #tpu.memory_space<vmem>>, vector<16xi32>,
      %and3A_768 = arith.constant 65535 : i32
      %and3A_769 = vector.broadcast %and3A_768 : i32 to vector<16xi32>
      %and3A_770 = arith.andi %get3A_760, %and3A_769 : vector<16xi32>
      %swap3A_771 = arith.constant 5 : i32
      %swap3A_772 = arith.index_cast %swap3A_771 : i32 to index
      %swap3A_773 = arith.constant 64 : index
      %swap3A_774 = tpu.vector_load %arg7[%swap3A_772, %swap3A_773] {strides = array<i32>} : memref<10x80xi32, #tpu.memory_space<vmem>>, vector<16xi32>,
      tpu.vector_store %arg7[%swap3A_772, %swap3A_773], %and3A_770 {strides = array<i32>} : memref<10x80xi32, #tpu.memory_space<vmem>>, vector<16xi32>,
      %dma_start3A_775 = arith.constant 5 : i32
      %dma_start3A_776 = arith.constant 5 : i32
      %dma_start3A_777 = arith.constant 0 : i32
      %dma_start3A_778 = arith.constant 0 : i32
      %dma_start3A_779 = tpu.memref_slice %arg8[%dma_start3A_776, %dma_start3A_777, %dma_start3A_778] : memref<10x80x64xf32, #tpu.memory_space<vmem>> -> memref<1x80x64xf32, #tpu.memory_space<vmem>>
      %dma_start3A_780 = tpu.memref_squeeze %dma_start3A_779 : memref<1x80x64xf32, #tpu.memory_space<vmem>> -> memref<80x64xf32, #tpu.memory_space<vmem>>
      %dma_start3A_781 = arith.constant 0 : i32
      %dma_start3A_782 = tpu.memref_slice %arg6[%dma_start3A_775, %dma_start3A_781] : memref<10x80xi32, #tpu.memory_space<vmem>> -> memref<1x80xi32, #tpu.memory_space<vmem>>
      %dma_start3A_783 = tpu.memref_squeeze %dma_start3A_782 : memref<1x80xi32, #tpu.memory_space<vmem>> -> memref<80xi32, #tpu.memory_space<vmem>>
      %dma_start3A_784 = arith.constant 0 : i32
      %dma_start3A_785 = arith.constant 0 : i32
      %dma_start3A_786 = tpu.memref_slice %arg2[%add3A_11, %dma_start3A_784, %dma_start3A_785] : memref<4x10240x64xf32, #tpu.memory_space<hbm>> -> memref<1x10240x64xf32, #tpu.memory_space<hbm>>
      %dma_start3A_787 = tpu.memref_squeeze %dma_start3A_786 : memref<1x10240x64xf32, #tpu.memory_space<hbm>> -> memref<10240x64xf32, #tpu.memory_space<hbm>>
      %dma_start3A_788 = arith.constant 0 : i32
      %dma_start3A_789 = arith.constant 0 : i32
      %dma_start3A_790 = tpu.memref_slice %dma_start3A_787[%dma_start3A_788, %dma_start3A_789] : memref<10240x64xf32, #tpu.memory_space<hbm>> -> memref<10240x64xf32, #tpu.memory_space<hbm>>
      tpu.enqueue_indirect_dma source(%dma_start3A_790 : memref<10240x64xf32, #tpu.memory_space<hbm>>) target(%dma_start3A_780 : memref<80x64xf32, #tpu.memory_space<vmem>>) offsets(%dma_start3A_783 : memref<80xi32, #tpu.memory_space<vmem>>) semaphore(%arg12 : memref<!tpu.dma_semaphore, #tpu.memory_space<semaphore_mem>>)
      %get3A_791 = arith.constant 246 : i32
      %get3A_792 = arith.index_cast %get3A_791 : i32 to index
      %get3A_793 = arith.constant 0 : index
      %get3A_794 = tpu.vector_load %arg5[%get3A_792, %get3A_793] {strides = array<i32>} : memref<250x80xi32, #tpu.memory_space<vmem>>, vector<16xi32>,
      %shift_right_logical3A_795 = arith.constant 16 : i32
      %shift_right_logical3A_796 = vector.broadcast %shift_right_logical3A_795 : i32 to vector<16xi32>
      %shift_right_logical3A_797 = arith.shrui %get3A_794, %shift_right_logical3A_796 : vector<16xi32>
      %swap3A_798 = arith.constant 6 : i32
      %swap3A_799 = arith.index_cast %swap3A_798 : i32 to index
      %swap3A_800 = arith.constant 0 : index
      %swap3A_801 = tpu.vector_load %arg6[%swap3A_799, %swap3A_800] {strides = array<i32>} : memref<10x80xi32, #tpu.memory_space<vmem>>, vector<16xi32>,
      tpu.vector_store %arg6[%swap3A_799, %swap3A_800], %shift_right_logical3A_797 {strides = array<i32>} : memref<10x80xi32, #tpu.memory_space<vmem>>, vector<16xi32>,
      %and3A_802 = arith.constant 65535 : i32
      %and3A_803 = vector.broadcast %and3A_802 : i32 to vector<16xi32>
      %and3A_804 = arith.andi %get3A_794, %and3A_803 : vector<16xi32>
      %swap3A_805 = arith.constant 6 : i32
      %swap3A_806 = arith.index_cast %swap3A_805 : i32 to index
      %swap3A_807 = arith.constant 0 : index
      %swap3A_808 = tpu.vector_load %arg7[%swap3A_806, %swap3A_807] {strides = array<i32>} : memref<10x80xi32, #tpu.memory_space<vmem>>, vector<16xi32>,
      tpu.vector_store %arg7[%swap3A_806, %swap3A_807], %and3A_804 {strides = array<i32>} : memref<10x80xi32, #tpu.memory_space<vmem>>, vector<16xi32>,
      %get3A_809 = arith.constant 246 : i32
      %get3A_810 = arith.index_cast %get3A_809 : i32 to index
      %get3A_811 = arith.constant 16 : index
      %get3A_812 = tpu.vector_load %arg5[%get3A_810, %get3A_811] {strides = array<i32>} : memref<250x80xi32, #tpu.memory_space<vmem>>, vector<16xi32>,
      %shift_right_logical3A_813 = arith.constant 16 : i32
      %shift_right_logical3A_814 = vector.broadcast %shift_right_logical3A_813 : i32 to vector<16xi32>
      %shift_right_logical3A_815 = arith.shrui %get3A_812, %shift_right_logical3A_814 : vector<16xi32>
      %swap3A_816 = arith.constant 6 : i32
      %swap3A_817 = arith.index_cast %swap3A_816 : i32 to index
      %swap3A_818 = arith.constant 16 : index
      %swap3A_819 = tpu.vector_load %arg6[%swap3A_817, %swap3A_818] {strides = array<i32>} : memref<10x80xi32, #tpu.memory_space<vmem>>, vector<16xi32>,
      tpu.vector_store %arg6[%swap3A_817, %swap3A_818], %shift_right_logical3A_815 {strides = array<i32>} : memref<10x80xi32, #tpu.memory_space<vmem>>, vector<16xi32>,
      %and3A_820 = arith.constant 65535 : i32
      %and3A_821 = vector.broadcast %and3A_820 : i32 to vector<16xi32>
      %and3A_822 = arith.andi %get3A_812, %and3A_821 : vector<16xi32>
      %swap3A_823 = arith.constant 6 : i32
      %swap3A_824 = arith.index_cast %swap3A_823 : i32 to index
      %swap3A_825 = arith.constant 16 : index
      %swap3A_826 = tpu.vector_load %arg7[%swap3A_824, %swap3A_825] {strides = array<i32>} : memref<10x80xi32, #tpu.memory_space<vmem>>, vector<16xi32>,
      tpu.vector_store %arg7[%swap3A_824, %swap3A_825], %and3A_822 {strides = array<i32>} : memref<10x80xi32, #tpu.memory_space<vmem>>, vector<16xi32>,
      %get3A_827 = arith.constant 246 : i32
      %get3A_828 = arith.index_cast %get3A_827 : i32 to index
      %get3A_829 = arith.constant 32 : index
      %get3A_830 = tpu.vector_load %arg5[%get3A_828, %get3A_829] {strides = array<i32>} : memref<250x80xi32, #tpu.memory_space<vmem>>, vector<16xi32>,
      %shift_right_logical3A_831 = arith.constant 16 : i32
      %shift_right_logical3A_832 = vector.broadcast %shift_right_logical3A_831 : i32 to vector<16xi32>
      %shift_right_logical3A_833 = arith.shrui %get3A_830, %shift_right_logical3A_832 : vector<16xi32>
      %swap3A_834 = arith.constant 6 : i32
      %swap3A_835 = arith.index_cast %swap3A_834 : i32 to index
      %swap3A_836 = arith.constant 32 : index
      %swap3A_837 = tpu.vector_load %arg6[%swap3A_835, %swap3A_836] {strides = array<i32>} : memref<10x80xi32, #tpu.memory_space<vmem>>, vector<16xi32>,
      tpu.vector_store %arg6[%swap3A_835, %swap3A_836], %shift_right_logical3A_833 {strides = array<i32>} : memref<10x80xi32, #tpu.memory_space<vmem>>, vector<16xi32>,
      %and3A_838 = arith.constant 65535 : i32
      %and3A_839 = vector.broadcast %and3A_838 : i32 to vector<16xi32>
      %and3A_840 = arith.andi %get3A_830, %and3A_839 : vector<16xi32>
      %swap3A_841 = arith.constant 6 : i32
      %swap3A_842 = arith.index_cast %swap3A_841 : i32 to index
      %swap3A_843 = arith.constant 32 : index
      %swap3A_844 = tpu.vector_load %arg7[%swap3A_842, %swap3A_843] {strides = array<i32>} : memref<10x80xi32, #tpu.memory_space<vmem>>, vector<16xi32>,
      tpu.vector_store %arg7[%swap3A_842, %swap3A_843], %and3A_840 {strides = array<i32>} : memref<10x80xi32, #tpu.memory_space<vmem>>, vector<16xi32>,
      %get3A_845 = arith.constant 246 : i32
      %get3A_846 = arith.index_cast %get3A_845 : i32 to index
      %get3A_847 = arith.constant 48 : index
      %get3A_848 = tpu.vector_load %arg5[%get3A_846, %get3A_847] {strides = array<i32>} : memref<250x80xi32, #tpu.memory_space<vmem>>, vector<16xi32>,
      %shift_right_logical3A_849 = arith.constant 16 : i32
      %shift_right_logical3A_850 = vector.broadcast %shift_right_logical3A_849 : i32 to vector<16xi32>
      %shift_right_logical3A_851 = arith.shrui %get3A_848, %shift_right_logical3A_850 : vector<16xi32>
      %swap3A_852 = arith.constant 6 : i32
      %swap3A_853 = arith.index_cast %swap3A_852 : i32 to index
      %swap3A_854 = arith.constant 48 : index
      %swap3A_855 = tpu.vector_load %arg6[%swap3A_853, %swap3A_854] {strides = array<i32>} : memref<10x80xi32, #tpu.memory_space<vmem>>, vector<16xi32>,
      tpu.vector_store %arg6[%swap3A_853, %swap3A_854], %shift_right_logical3A_851 {strides = array<i32>} : memref<10x80xi32, #tpu.memory_space<vmem>>, vector<16xi32>,
      %and3A_856 = arith.constant 65535 : i32
      %and3A_857 = vector.broadcast %and3A_856 : i32 to vector<16xi32>
      %and3A_858 = arith.andi %get3A_848, %and3A_857 : vector<16xi32>
      %swap3A_859 = arith.constant 6 : i32
      %swap3A_860 = arith.index_cast %swap3A_859 : i32 to index
      %swap3A_861 = arith.constant 48 : index
      %swap3A_862 = tpu.vector_load %arg7[%swap3A_860, %swap3A_861] {strides = array<i32>} : memref<10x80xi32, #tpu.memory_space<vmem>>, vector<16xi32>,
      tpu.vector_store %arg7[%swap3A_860, %swap3A_861], %and3A_858 {strides = array<i32>} : memref<10x80xi32, #tpu.memory_space<vmem>>, vector<16xi32>,
      %get3A_863 = arith.constant 246 : i32
      %get3A_864 = arith.index_cast %get3A_863 : i32 to index
      %get3A_865 = arith.constant 64 : index
      %get3A_866 = tpu.vector_load %arg5[%get3A_864, %get3A_865] {strides = array<i32>} : memref<250x80xi32, #tpu.memory_space<vmem>>, vector<16xi32>,
      %shift_right_logical3A_867 = arith.constant 16 : i32
      %shift_right_logical3A_868 = vector.broadcast %shift_right_logical3A_867 : i32 to vector<16xi32>
      %shift_right_logical3A_869 = arith.shrui %get3A_866, %shift_right_logical3A_868 : vector<16xi32>
      %swap3A_870 = arith.constant 6 : i32
      %swap3A_871 = arith.index_cast %swap3A_870 : i32 to index
      %swap3A_872 = arith.constant 64 : index
      %swap3A_873 = tpu.vector_load %arg6[%swap3A_871, %swap3A_872] {strides = array<i32>} : memref<10x80xi32, #tpu.memory_space<vmem>>, vector<16xi32>,
      tpu.vector_store %arg6[%swap3A_871, %swap3A_872], %shift_right_logical3A_869 {strides = array<i32>} : memref<10x80xi32, #tpu.memory_space<vmem>>, vector<16xi32>,
      %and3A_874 = arith.constant 65535 : i32
      %and3A_875 = vector.broadcast %and3A_874 : i32 to vector<16xi32>
      %and3A_876 = arith.andi %get3A_866, %and3A_875 : vector<16xi32>
      %swap3A_877 = arith.constant 6 : i32
      %swap3A_878 = arith.index_cast %swap3A_877 : i32 to index
      %swap3A_879 = arith.constant 64 : index
      %swap3A_880 = tpu.vector_load %arg7[%swap3A_878, %swap3A_879] {strides = array<i32>} : memref<10x80xi32, #tpu.memory_space<vmem>>, vector<16xi32>,
      tpu.vector_store %arg7[%swap3A_878, %swap3A_879], %and3A_876 {strides = array<i32>} : memref<10x80xi32, #tpu.memory_space<vmem>>, vector<16xi32>,
      %dma_start3A_881 = arith.constant 6 : i32
      %dma_start3A_882 = arith.constant 6 : i32
      %dma_start3A_883 = arith.constant 0 : i32
      %dma_start3A_884 = arith.constant 0 : i32
      %dma_start3A_885 = tpu.memref_slice %arg8[%dma_start3A_882, %dma_start3A_883, %dma_start3A_884] : memref<10x80x64xf32, #tpu.memory_space<vmem>> -> memref<1x80x64xf32, #tpu.memory_space<vmem>>
      %dma_start3A_886 = tpu.memref_squeeze %dma_start3A_885 : memref<1x80x64xf32, #tpu.memory_space<vmem>> -> memref<80x64xf32, #tpu.memory_space<vmem>>
      %dma_start3A_887 = arith.constant 0 : i32
      %dma_start3A_888 = tpu.memref_slice %arg6[%dma_start3A_881, %dma_start3A_887] : memref<10x80xi32, #tpu.memory_space<vmem>> -> memref<1x80xi32, #tpu.memory_space<vmem>>
      %dma_start3A_889 = tpu.memref_squeeze %dma_start3A_888 : memref<1x80xi32, #tpu.memory_space<vmem>> -> memref<80xi32, #tpu.memory_space<vmem>>
      %dma_start3A_890 = arith.constant 0 : i32
      %dma_start3A_891 = arith.constant 0 : i32
      %dma_start3A_892 = tpu.memref_slice %arg2[%add3A_11, %dma_start3A_890, %dma_start3A_891] : memref<4x10240x64xf32, #tpu.memory_space<hbm>> -> memref<1x10240x64xf32, #tpu.memory_space<hbm>>
      %dma_start3A_893 = tpu.memref_squeeze %dma_start3A_892 : memref<1x10240x64xf32, #tpu.memory_space<hbm>> -> memref<10240x64xf32, #tpu.memory_space<hbm>>
      %dma_start3A_894 = arith.constant 0 : i32
      %dma_start3A_895 = arith.constant 0 : i32
      %dma_start3A_896 = tpu.memref_slice %dma_start3A_893[%dma_start3A_894, %dma_start3A_895] : memref<10240x64xf32, #tpu.memory_space<hbm>> -> memref<10240x64xf32, #tpu.memory_space<hbm>>
      tpu.enqueue_indirect_dma source(%dma_start3A_896 : memref<10240x64xf32, #tpu.memory_space<hbm>>) target(%dma_start3A_886 : memref<80x64xf32, #tpu.memory_space<vmem>>) offsets(%dma_start3A_889 : memref<80xi32, #tpu.memory_space<vmem>>) semaphore(%arg12 : memref<!tpu.dma_semaphore, #tpu.memory_space<semaphore_mem>>)
      %get3A_897 = arith.constant 247 : i32
      %get3A_898 = arith.index_cast %get3A_897 : i32 to index
      %get3A_899 = arith.constant 0 : index
      %get3A_900 = tpu.vector_load %arg5[%get3A_898, %get3A_899] {strides = array<i32>} : memref<250x80xi32, #tpu.memory_space<vmem>>, vector<16xi32>,
      %shift_right_logical3A_901 = arith.constant 16 : i32
      %shift_right_logical3A_902 = vector.broadcast %shift_right_logical3A_901 : i32 to vector<16xi32>
      %shift_right_logical3A_903 = arith.shrui %get3A_900, %shift_right_logical3A_902 : vector<16xi32>
      %swap3A_904 = arith.constant 7 : i32
      %swap3A_905 = arith.index_cast %swap3A_904 : i32 to index
      %swap3A_906 = arith.constant 0 : index
      %swap3A_907 = tpu.vector_load %arg6[%swap3A_905, %swap3A_906] {strides = array<i32>} : memref<10x80xi32, #tpu.memory_space<vmem>>, vector<16xi32>,
      tpu.vector_store %arg6[%swap3A_905, %swap3A_906], %shift_right_logical3A_903 {strides = array<i32>} : memref<10x80xi32, #tpu.memory_space<vmem>>, vector<16xi32>,
      %and3A_908 = arith.constant 65535 : i32
      %and3A_909 = vector.broadcast %and3A_908 : i32 to vector<16xi32>
      %and3A_910 = arith.andi %get3A_900, %and3A_909 : vector<16xi32>
      %swap3A_911 = arith.constant 7 : i32
      %swap3A_912 = arith.index_cast %swap3A_911 : i32 to index
      %swap3A_913 = arith.constant 0 : index
      %swap3A_914 = tpu.vector_load %arg7[%swap3A_912, %swap3A_913] {strides = array<i32>} : memref<10x80xi32, #tpu.memory_space<vmem>>, vector<16xi32>,
      tpu.vector_store %arg7[%swap3A_912, %swap3A_913], %and3A_910 {strides = array<i32>} : memref<10x80xi32, #tpu.memory_space<vmem>>, vector<16xi32>,
      %get3A_915 = arith.constant 247 : i32
      %get3A_916 = arith.index_cast %get3A_915 : i32 to index
      %get3A_917 = arith.constant 16 : index
      %get3A_918 = tpu.vector_load %arg5[%get3A_916, %get3A_917] {strides = array<i32>} : memref<250x80xi32, #tpu.memory_space<vmem>>, vector<16xi32>,
      %shift_right_logical3A_919 = arith.constant 16 : i32
      %shift_right_logical3A_920 = vector.broadcast %shift_right_logical3A_919 : i32 to vector<16xi32>
      %shift_right_logical3A_921 = arith.shrui %get3A_918, %shift_right_logical3A_920 : vector<16xi32>
      %swap3A_922 = arith.constant 7 : i32
      %swap3A_923 = arith.index_cast %swap3A_922 : i32 to index
      %swap3A_924 = arith.constant 16 : index
      %swap3A_925 = tpu.vector_load %arg6[%swap3A_923, %swap3A_924] {strides = array<i32>} : memref<10x80xi32, #tpu.memory_space<vmem>>, vector<16xi32>,
      tpu.vector_store %arg6[%swap3A_923, %swap3A_924], %shift_right_logical3A_921 {strides = array<i32>} : memref<10x80xi32, #tpu.memory_space<vmem>>, vector<16xi32>,
      %and3A_926 = arith.constant 65535 : i32
      %and3A_927 = vector.broadcast %and3A_926 : i32 to vector<16xi32>
      %and3A_928 = arith.andi %get3A_918, %and3A_927 : vector<16xi32>
      %swap3A_929 = arith.constant 7 : i32
      %swap3A_930 = arith.index_cast %swap3A_929 : i32 to index
      %swap3A_931 = arith.constant 16 : index
      %swap3A_932 = tpu.vector_load %arg7[%swap3A_930, %swap3A_931] {strides = array<i32>} : memref<10x80xi32, #tpu.memory_space<vmem>>, vector<16xi32>,
      tpu.vector_store %arg7[%swap3A_930, %swap3A_931], %and3A_928 {strides = array<i32>} : memref<10x80xi32, #tpu.memory_space<vmem>>, vector<16xi32>,
      %get3A_933 = arith.constant 247 : i32
      %get3A_934 = arith.index_cast %get3A_933 : i32 to index
      %get3A_935 = arith.constant 32 : index
      %get3A_936 = tpu.vector_load %arg5[%get3A_934, %get3A_935] {strides = array<i32>} : memref<250x80xi32, #tpu.memory_space<vmem>>, vector<16xi32>,
      %shift_right_logical3A_937 = arith.constant 16 : i32
      %shift_right_logical3A_938 = vector.broadcast %shift_right_logical3A_937 : i32 to vector<16xi32>
      %shift_right_logical3A_939 = arith.shrui %get3A_936, %shift_right_logical3A_938 : vector<16xi32>
      %swap3A_940 = arith.constant 7 : i32
      %swap3A_941 = arith.index_cast %swap3A_940 : i32 to index
      %swap3A_942 = arith.constant 32 : index
      %swap3A_943 = tpu.vector_load %arg6[%swap3A_941, %swap3A_942] {strides = array<i32>} : memref<10x80xi32, #tpu.memory_space<vmem>>, vector<16xi32>,
      tpu.vector_store %arg6[%swap3A_941, %swap3A_942], %shift_right_logical3A_939 {strides = array<i32>} : memref<10x80xi32, #tpu.memory_space<vmem>>, vector<16xi32>,
      %and3A_944 = arith.constant 65535 : i32
      %and3A_945 = vector.broadcast %and3A_944 : i32 to vector<16xi32>
      %and3A_946 = arith.andi %get3A_936, %and3A_945 : vector<16xi32>
      %swap3A_947 = arith.constant 7 : i32
      %swap3A_948 = arith.index_cast %swap3A_947 : i32 to index
      %swap3A_949 = arith.constant 32 : index
      %swap3A_950 = tpu.vector_load %arg7[%swap3A_948, %swap3A_949] {strides = array<i32>} : memref<10x80xi32, #tpu.memory_space<vmem>>, vector<16xi32>,
      tpu.vector_store %arg7[%swap3A_948, %swap3A_949], %and3A_946 {strides = array<i32>} : memref<10x80xi32, #tpu.memory_space<vmem>>, vector<16xi32>,
      %get3A_951 = arith.constant 247 : i32
      %get3A_952 = arith.index_cast %get3A_951 : i32 to index
      %get3A_953 = arith.constant 48 : index
      %get3A_954 = tpu.vector_load %arg5[%get3A_952, %get3A_953] {strides = array<i32>} : memref<250x80xi32, #tpu.memory_space<vmem>>, vector<16xi32>,
      %shift_right_logical3A_955 = arith.constant 16 : i32
      %shift_right_logical3A_956 = vector.broadcast %shift_right_logical3A_955 : i32 to vector<16xi32>
      %shift_right_logical3A_957 = arith.shrui %get3A_954, %shift_right_logical3A_956 : vector<16xi32>
      %swap3A_958 = arith.constant 7 : i32
      %swap3A_959 = arith.index_cast %swap3A_958 : i32 to index
      %swap3A_960 = arith.constant 48 : index
      %swap3A_961 = tpu.vector_load %arg6[%swap3A_959, %swap3A_960] {strides = array<i32>} : memref<10x80xi32, #tpu.memory_space<vmem>>, vector<16xi32>,
      tpu.vector_store %arg6[%swap3A_959, %swap3A_960], %shift_right_logical3A_957 {strides = array<i32>} : memref<10x80xi32, #tpu.memory_space<vmem>>, vector<16xi32>,
      %and3A_962 = arith.constant 65535 : i32
      %and3A_963 = vector.broadcast %and3A_962 : i32 to vector<16xi32>
      %and3A_964 = arith.andi %get3A_954, %and3A_963 : vector<16xi32>
      %swap3A_965 = arith.constant 7 : i32
      %swap3A_966 = arith.index_cast %swap3A_965 : i32 to index
      %swap3A_967 = arith.constant 48 : index
      %swap3A_968 = tpu.vector_load %arg7[%swap3A_966, %swap3A_967] {strides = array<i32>} : memref<10x80xi32, #tpu.memory_space<vmem>>, vector<16xi32>,
      tpu.vector_store %arg7[%swap3A_966, %swap3A_967], %and3A_964 {strides = array<i32>} : memref<10x80xi32, #tpu.memory_space<vmem>>, vector<16xi32>,
      %get3A_969 = arith.constant 247 : i32
      %get3A_970 = arith.index_cast %get3A_969 : i32 to index
      %get3A_971 = arith.constant 64 : index
      %get3A_972 = tpu.vector_load %arg5[%get3A_970, %get3A_971] {strides = array<i32>} : memref<250x80xi32, #tpu.memory_space<vmem>>, vector<16xi32>,
      %shift_right_logical3A_973 = arith.constant 16 : i32
      %shift_right_logical3A_974 = vector.broadcast %shift_right_logical3A_973 : i32 to vector<16xi32>
      %shift_right_logical3A_975 = arith.shrui %get3A_972, %shift_right_logical3A_974 : vector<16xi32>
      %swap3A_976 = arith.constant 7 : i32
      %swap3A_977 = arith.index_cast %swap3A_976 : i32 to index
      %swap3A_978 = arith.constant 64 : index
      %swap3A_979 = tpu.vector_load %arg6[%swap3A_977, %swap3A_978] {strides = array<i32>} : memref<10x80xi32, #tpu.memory_space<vmem>>, vector<16xi32>,
      tpu.vector_store %arg6[%swap3A_977, %swap3A_978], %shift_right_logical3A_975 {strides = array<i32>} : memref<10x80xi32, #tpu.memory_space<vmem>>, vector<16xi32>,
      %and3A_980 = arith.constant 65535 : i32
      %and3A_981 = vector.broadcast %and3A_980 : i32 to vector<16xi32>
      %and3A_982 = arith.andi %get3A_972, %and3A_981 : vector<16xi32>
      %swap3A_983 = arith.constant 7 : i32
      %swap3A_984 = arith.index_cast %swap3A_983 : i32 to index
      %swap3A_985 = arith.constant 64 : index
      %swap3A_986 = tpu.vector_load %arg7[%swap3A_984, %swap3A_985] {strides = array<i32>} : memref<10x80xi32, #tpu.memory_space<vmem>>, vector<16xi32>,
      tpu.vector_store %arg7[%swap3A_984, %swap3A_985], %and3A_982 {strides = array<i32>} : memref<10x80xi32, #tpu.memory_space<vmem>>, vector<16xi32>,
      %dma_start3A_987 = arith.constant 7 : i32
      %dma_start3A_988 = arith.constant 7 : i32
      %dma_start3A_989 = arith.constant 0 : i32
      %dma_start3A_990 = arith.constant 0 : i32
      %dma_start3A_991 = tpu.memref_slice %arg8[%dma_start3A_988, %dma_start3A_989, %dma_start3A_990] : memref<10x80x64xf32, #tpu.memory_space<vmem>> -> memref<1x80x64xf32, #tpu.memory_space<vmem>>
      %dma_start3A_992 = tpu.memref_squeeze %dma_start3A_991 : memref<1x80x64xf32, #tpu.memory_space<vmem>> -> memref<80x64xf32, #tpu.memory_space<vmem>>
      %dma_start3A_993 = arith.constant 0 : i32
      %dma_start3A_994 = tpu.memref_slice %arg6[%dma_start3A_987, %dma_start3A_993] : memref<10x80xi32, #tpu.memory_space<vmem>> -> memref<1x80xi32, #tpu.memory_space<vmem>>
      %dma_start3A_995 = tpu.memref_squeeze %dma_start3A_994 : memref<1x80xi32, #tpu.memory_space<vmem>> -> memref<80xi32, #tpu.memory_space<vmem>>
      %dma_start3A_996 = arith.constant 0 : i32
      %dma_start3A_997 = arith.constant 0 : i32
      %dma_start3A_998 = tpu.memref_slice %arg2[%add3A_11, %dma_start3A_996, %dma_start3A_997] : memref<4x10240x64xf32, #tpu.memory_space<hbm>> -> memref<1x10240x64xf32, #tpu.memory_space<hbm>>
      %dma_start3A_999 = tpu.memref_squeeze %dma_start3A_998 : memref<1x10240x64xf32, #tpu.memory_space<hbm>> -> memref<10240x64xf32, #tpu.memory_space<hbm>>
      %dma_start3A_1000 = arith.constant 0 : i32
      %dma_start3A_1001 = arith.constant 0 : i32
      %dma_start3A_1002 = tpu.memref_slice %dma_start3A_999[%dma_start3A_1000, %dma_start3A_1001] : memref<10240x64xf32, #tpu.memory_space<hbm>> -> memref<10240x64xf32, #tpu.memory_space<hbm>>
      tpu.enqueue_indirect_dma source(%dma_start3A_1002 : memref<10240x64xf32, #tpu.memory_space<hbm>>) target(%dma_start3A_992 : memref<80x64xf32, #tpu.memory_space<vmem>>) offsets(%dma_start3A_995 : memref<80xi32, #tpu.memory_space<vmem>>) semaphore(%arg12 : memref<!tpu.dma_semaphore, #tpu.memory_space<semaphore_mem>>)
      %get3A_1003 = arith.constant 248 : i32
      %get3A_1004 = arith.index_cast %get3A_1003 : i32 to index
      %get3A_1005 = arith.constant 0 : index
      %get3A_1006 = tpu.vector_load %arg5[%get3A_1004, %get3A_1005] {strides = array<i32>} : memref<250x80xi32, #tpu.memory_space<vmem>>, vector<16xi32>,
      %shift_right_logical3A_1007 = arith.constant 16 : i32
      %shift_right_logical3A_1008 = vector.broadcast %shift_right_logical3A_1007 : i32 to vector<16xi32>
      %shift_right_logical3A_1009 = arith.shrui %get3A_1006, %shift_right_logical3A_1008 : vector<16xi32>
      %swap3A_1010 = arith.constant 8 : i32
      %swap3A_1011 = arith.index_cast %swap3A_1010 : i32 to index
      %swap3A_1012 = arith.constant 0 : index
      %swap3A_1013 = tpu.vector_load %arg6[%swap3A_1011, %swap3A_1012] {strides = array<i32>} : memref<10x80xi32, #tpu.memory_space<vmem>>, vector<16xi32>,
      tpu.vector_store %arg6[%swap3A_1011, %swap3A_1012], %shift_right_logical3A_1009 {strides = array<i32>} : memref<10x80xi32, #tpu.memory_space<vmem>>, vector<16xi32>,
      %and3A_1014 = arith.constant 65535 : i32
      %and3A_1015 = vector.broadcast %and3A_1014 : i32 to vector<16xi32>
      %and3A_1016 = arith.andi %get3A_1006, %and3A_1015 : vector<16xi32>
      %swap3A_1017 = arith.constant 8 : i32
      %swap3A_1018 = arith.index_cast %swap3A_1017 : i32 to index
      %swap3A_1019 = arith.constant 0 : index
      %swap3A_1020 = tpu.vector_load %arg7[%swap3A_1018, %swap3A_1019] {strides = array<i32>} : memref<10x80xi32, #tpu.memory_space<vmem>>, vector<16xi32>,
      tpu.vector_store %arg7[%swap3A_1018, %swap3A_1019], %and3A_1016 {strides = array<i32>} : memref<10x80xi32, #tpu.memory_space<vmem>>, vector<16xi32>,
      %get3A_1021 = arith.constant 248 : i32
      %get3A_1022 = arith.index_cast %get3A_1021 : i32 to index
      %get3A_1023 = arith.constant 16 : index
      %get3A_1024 = tpu.vector_load %arg5[%get3A_1022, %get3A_1023] {strides = array<i32>} : memref<250x80xi32, #tpu.memory_space<vmem>>, vector<16xi32>,
      %shift_right_logical3A_1025 = arith.constant 16 : i32
      %shift_right_logical3A_1026 = vector.broadcast %shift_right_logical3A_1025 : i32 to vector<16xi32>
      %shift_right_logical3A_1027 = arith.shrui %get3A_1024, %shift_right_logical3A_1026 : vector<16xi32>
      %swap3A_1028 = arith.constant 8 : i32
      %swap3A_1029 = arith.index_cast %swap3A_1028 : i32 to index
      %swap3A_1030 = arith.constant 16 : index
      %swap3A_1031 = tpu.vector_load %arg6[%swap3A_1029, %swap3A_1030] {strides = array<i32>} : memref<10x80xi32, #tpu.memory_space<vmem>>, vector<16xi32>,
      tpu.vector_store %arg6[%swap3A_1029, %swap3A_1030], %shift_right_logical3A_1027 {strides = array<i32>} : memref<10x80xi32, #tpu.memory_space<vmem>>, vector<16xi32>,
      %and3A_1032 = arith.constant 65535 : i32
      %and3A_1033 = vector.broadcast %and3A_1032 : i32 to vector<16xi32>
      %and3A_1034 = arith.andi %get3A_1024, %and3A_1033 : vector<16xi32>
      %swap3A_1035 = arith.constant 8 : i32
      %swap3A_1036 = arith.index_cast %swap3A_1035 : i32 to index
      %swap3A_1037 = arith.constant 16 : index
      %swap3A_1038 = tpu.vector_load %arg7[%swap3A_1036, %swap3A_1037] {strides = array<i32>} : memref<10x80xi32, #tpu.memory_space<vmem>>, vector<16xi32>,
      tpu.vector_store %arg7[%swap3A_1036, %swap3A_1037], %and3A_1034 {strides = array<i32>} : memref<10x80xi32, #tpu.memory_space<vmem>>, vector<16xi32>,
      %get3A_1039 = arith.constant 248 : i32
      %get3A_1040 = arith.index_cast %get3A_1039 : i32 to index
      %get3A_1041 = arith.constant 32 : index
      %get3A_1042 = tpu.vector_load %arg5[%get3A_1040, %get3A_1041] {strides = array<i32>} : memref<250x80xi32, #tpu.memory_space<vmem>>, vector<16xi32>,
      %shift_right_logical3A_1043 = arith.constant 16 : i32
      %shift_right_logical3A_1044 = vector.broadcast %shift_right_logical3A_1043 : i32 to vector<16xi32>
      %shift_right_logical3A_1045 = arith.shrui %get3A_1042, %shift_right_logical3A_1044 : vector<16xi32>
      %swap3A_1046 = arith.constant 8 : i32
      %swap3A_1047 = arith.index_cast %swap3A_1046 : i32 to index
      %swap3A_1048 = arith.constant 32 : index
      %swap3A_1049 = tpu.vector_load %arg6[%swap3A_1047, %swap3A_1048] {strides = array<i32>} : memref<10x80xi32, #tpu.memory_space<vmem>>, vector<16xi32>,
      tpu.vector_store %arg6[%swap3A_1047, %swap3A_1048], %shift_right_logical3A_1045 {strides = array<i32>} : memref<10x80xi32, #tpu.memory_space<vmem>>, vector<16xi32>,
      %and3A_1050 = arith.constant 65535 : i32
      %and3A_1051 = vector.broadcast %and3A_1050 : i32 to vector<16xi32>
      %and3A_1052 = arith.andi %get3A_1042, %and3A_1051 : vector<16xi32>
      %swap3A_1053 = arith.constant 8 : i32
      %swap3A_1054 = arith.index_cast %swap3A_1053 : i32 to index
      %swap3A_1055 = arith.constant 32 : index
      %swap3A_1056 = tpu.vector_load %arg7[%swap3A_1054, %swap3A_1055] {strides = array<i32>} : memref<10x80xi32, #tpu.memory_space<vmem>>, vector<16xi32>,
      tpu.vector_store %arg7[%swap3A_1054, %swap3A_1055], %and3A_1052 {strides = array<i32>} : memref<10x80xi32, #tpu.memory_space<vmem>>, vector<16xi32>,
      %get3A_1057 = arith.constant 248 : i32
      %get3A_1058 = arith.index_cast %get3A_1057 : i32 to index
      %get3A_1059 = arith.constant 48 : index
      %get3A_1060 = tpu.vector_load %arg5[%get3A_1058, %get3A_1059] {strides = array<i32>} : memref<250x80xi32, #tpu.memory_space<vmem>>, vector<16xi32>,
      %shift_right_logical3A_1061 = arith.constant 16 : i32
      %shift_right_logical3A_1062 = vector.broadcast %shift_right_logical3A_1061 : i32 to vector<16xi32>
      %shift_right_logical3A_1063 = arith.shrui %get3A_1060, %shift_right_logical3A_1062 : vector<16xi32>
      %swap3A_1064 = arith.constant 8 : i32
      %swap3A_1065 = arith.index_cast %swap3A_1064 : i32 to index
      %swap3A_1066 = arith.constant 48 : index
      %swap3A_1067 = tpu.vector_load %arg6[%swap3A_1065, %swap3A_1066] {strides = array<i32>} : memref<10x80xi32, #tpu.memory_space<vmem>>, vector<16xi32>,
      tpu.vector_store %arg6[%swap3A_1065, %swap3A_1066], %shift_right_logical3A_1063 {strides = array<i32>} : memref<10x80xi32, #tpu.memory_space<vmem>>, vector<16xi32>,
      %and3A_1068 = arith.constant 65535 : i32
      %and3A_1069 = vector.broadcast %and3A_1068 : i32 to vector<16xi32>
      %and3A_1070 = arith.andi %get3A_1060, %and3A_1069 : vector<16xi32>
      %swap3A_1071 = arith.constant 8 : i32
      %swap3A_1072 = arith.index_cast %swap3A_1071 : i32 to index
      %swap3A_1073 = arith.constant 48 : index
      %swap3A_1074 = tpu.vector_load %arg7[%swap3A_1072, %swap3A_1073] {strides = array<i32>} : memref<10x80xi32, #tpu.memory_space<vmem>>, vector<16xi32>,
      tpu.vector_store %arg7[%swap3A_1072, %swap3A_1073], %and3A_1070 {strides = array<i32>} : memref<10x80xi32, #tpu.memory_space<vmem>>, vector<16xi32>,
      %get3A_1075 = arith.constant 248 : i32
      %get3A_1076 = arith.index_cast %get3A_1075 : i32 to index
      %get3A_1077 = arith.constant 64 : index
      %get3A_1078 = tpu.vector_load %arg5[%get3A_1076, %get3A_1077] {strides = array<i32>} : memref<250x80xi32, #tpu.memory_space<vmem>>, vector<16xi32>,
      %shift_right_logical3A_1079 = arith.constant 16 : i32
      %shift_right_logical3A_1080 = vector.broadcast %shift_right_logical3A_1079 : i32 to vector<16xi32>
      %shift_right_logical3A_1081 = arith.shrui %get3A_1078, %shift_right_logical3A_1080 : vector<16xi32>
      %swap3A_1082 = arith.constant 8 : i32
      %swap3A_1083 = arith.index_cast %swap3A_1082 : i32 to index
      %swap3A_1084 = arith.constant 64 : index
      %swap3A_1085 = tpu.vector_load %arg6[%swap3A_1083, %swap3A_1084] {strides = array<i32>} : memref<10x80xi32, #tpu.memory_space<vmem>>, vector<16xi32>,
      tpu.vector_store %arg6[%swap3A_1083, %swap3A_1084], %shift_right_logical3A_1081 {strides = array<i32>} : memref<10x80xi32, #tpu.memory_space<vmem>>, vector<16xi32>,
      %and3A_1086 = arith.constant 65535 : i32
      %and3A_1087 = vector.broadcast %and3A_1086 : i32 to vector<16xi32>
      %and3A_1088 = arith.andi %get3A_1078, %and3A_1087 : vector<16xi32>
      %swap3A_1089 = arith.constant 8 : i32
      %swap3A_1090 = arith.index_cast %swap3A_1089 : i32 to index
      %swap3A_1091 = arith.constant 64 : index
      %swap3A_1092 = tpu.vector_load %arg7[%swap3A_1090, %swap3A_1091] {strides = array<i32>} : memref<10x80xi32, #tpu.memory_space<vmem>>, vector<16xi32>,
      tpu.vector_store %arg7[%swap3A_1090, %swap3A_1091], %and3A_1088 {strides = array<i32>} : memref<10x80xi32, #tpu.memory_space<vmem>>, vector<16xi32>,
      %dma_start3A_1093 = arith.constant 8 : i32
      %dma_start3A_1094 = arith.constant 8 : i32
      %dma_start3A_1095 = arith.constant 0 : i32
      %dma_start3A_1096 = arith.constant 0 : i32
      %dma_start3A_1097 = tpu.memref_slice %arg8[%dma_start3A_1094, %dma_start3A_1095, %dma_start3A_1096] : memref<10x80x64xf32, #tpu.memory_space<vmem>> -> memref<1x80x64xf32, #tpu.memory_space<vmem>>
      %dma_start3A_1098 = tpu.memref_squeeze %dma_start3A_1097 : memref<1x80x64xf32, #tpu.memory_space<vmem>> -> memref<80x64xf32, #tpu.memory_space<vmem>>
      %dma_start3A_1099 = arith.constant 0 : i32
      %dma_start3A_1100 = tpu.memref_slice %arg6[%dma_start3A_1093, %dma_start3A_1099] : memref<10x80xi32, #tpu.memory_space<vmem>> -> memref<1x80xi32, #tpu.memory_space<vmem>>
      %dma_start3A_1101 = tpu.memref_squeeze %dma_start3A_1100 : memref<1x80xi32, #tpu.memory_space<vmem>> -> memref<80xi32, #tpu.memory_space<vmem>>
      %dma_start3A_1102 = arith.constant 0 : i32
      %dma_start3A_1103 = arith.constant 0 : i32
      %dma_start3A_1104 = tpu.memref_slice %arg2[%add3A_11, %dma_start3A_1102, %dma_start3A_1103] : memref<4x10240x64xf32, #tpu.memory_space<hbm>> -> memref<1x10240x64xf32, #tpu.memory_space<hbm>>
      %dma_start3A_1105 = tpu.memref_squeeze %dma_start3A_1104 : memref<1x10240x64xf32, #tpu.memory_space<hbm>> -> memref<10240x64xf32, #tpu.memory_space<hbm>>
      %dma_start3A_1106 = arith.constant 0 : i32
      %dma_start3A_1107 = arith.constant 0 : i32
      %dma_start3A_1108 = tpu.memref_slice %dma_start3A_1105[%dma_start3A_1106, %dma_start3A_1107] : memref<10240x64xf32, #tpu.memory_space<hbm>> -> memref<10240x64xf32, #tpu.memory_space<hbm>>
      tpu.enqueue_indirect_dma source(%dma_start3A_1108 : memref<10240x64xf32, #tpu.memory_space<hbm>>) target(%dma_start3A_1098 : memref<80x64xf32, #tpu.memory_space<vmem>>) offsets(%dma_start3A_1101 : memref<80xi32, #tpu.memory_space<vmem>>) semaphore(%arg12 : memref<!tpu.dma_semaphore, #tpu.memory_space<semaphore_mem>>)
      %get3A_1109 = arith.constant 249 : i32
      %get3A_1110 = arith.index_cast %get3A_1109 : i32 to index
      %get3A_1111 = arith.constant 0 : index
      %get3A_1112 = tpu.vector_load %arg5[%get3A_1110, %get3A_1111] {strides = array<i32>} : memref<250x80xi32, #tpu.memory_space<vmem>>, vector<16xi32>,
      %shift_right_logical3A_1113 = arith.constant 16 : i32
      %shift_right_logical3A_1114 = vector.broadcast %shift_right_logical3A_1113 : i32 to vector<16xi32>
      %shift_right_logical3A_1115 = arith.shrui %get3A_1112, %shift_right_logical3A_1114 : vector<16xi32>
      %swap3A_1116 = arith.constant 9 : i32
      %swap3A_1117 = arith.index_cast %swap3A_1116 : i32 to index
      %swap3A_1118 = arith.constant 0 : index
      %swap3A_1119 = tpu.vector_load %arg6[%swap3A_1117, %swap3A_1118] {strides = array<i32>} : memref<10x80xi32, #tpu.memory_space<vmem>>, vector<16xi32>,
      tpu.vector_store %arg6[%swap3A_1117, %swap3A_1118], %shift_right_logical3A_1115 {strides = array<i32>} : memref<10x80xi32, #tpu.memory_space<vmem>>, vector<16xi32>,
      %and3A_1120 = arith.constant 65535 : i32
      %and3A_1121 = vector.broadcast %and3A_1120 : i32 to vector<16xi32>
      %and3A_1122 = arith.andi %get3A_1112, %and3A_1121 : vector<16xi32>
      %swap3A_1123 = arith.constant 9 : i32
      %swap3A_1124 = arith.index_cast %swap3A_1123 : i32 to index
      %swap3A_1125 = arith.constant 0 : index
      %swap3A_1126 = tpu.vector_load %arg7[%swap3A_1124, %swap3A_1125] {strides = array<i32>} : memref<10x80xi32, #tpu.memory_space<vmem>>, vector<16xi32>,
      tpu.vector_store %arg7[%swap3A_1124, %swap3A_1125], %and3A_1122 {strides = array<i32>} : memref<10x80xi32, #tpu.memory_space<vmem>>, vector<16xi32>,
      %get3A_1127 = arith.constant 249 : i32
      %get3A_1128 = arith.index_cast %get3A_1127 : i32 to index
      %get3A_1129 = arith.constant 16 : index
      %get3A_1130 = tpu.vector_load %arg5[%get3A_1128, %get3A_1129] {strides = array<i32>} : memref<250x80xi32, #tpu.memory_space<vmem>>, vector<16xi32>,
      %shift_right_logical3A_1131 = arith.constant 16 : i32
      %shift_right_logical3A_1132 = vector.broadcast %shift_right_logical3A_1131 : i32 to vector<16xi32>
      %shift_right_logical3A_1133 = arith.shrui %get3A_1130, %shift_right_logical3A_1132 : vector<16xi32>
      %swap3A_1134 = arith.constant 9 : i32
      %swap3A_1135 = arith.index_cast %swap3A_1134 : i32 to index
      %swap3A_1136 = arith.constant 16 : index
      %swap3A_1137 = tpu.vector_load %arg6[%swap3A_1135, %swap3A_1136] {strides = array<i32>} : memref<10x80xi32, #tpu.memory_space<vmem>>, vector<16xi32>,
      tpu.vector_store %arg6[%swap3A_1135, %swap3A_1136], %shift_right_logical3A_1133 {strides = array<i32>} : memref<10x80xi32, #tpu.memory_space<vmem>>, vector<16xi32>,
      %and3A_1138 = arith.constant 65535 : i32
      %and3A_1139 = vector.broadcast %and3A_1138 : i32 to vector<16xi32>
      %and3A_1140 = arith.andi %get3A_1130, %and3A_1139 : vector<16xi32>
      %swap3A_1141 = arith.constant 9 : i32
      %swap3A_1142 = arith.index_cast %swap3A_1141 : i32 to index
      %swap3A_1143 = arith.constant 16 : index
      %swap3A_1144 = tpu.vector_load %arg7[%swap3A_1142, %swap3A_1143] {strides = array<i32>} : memref<10x80xi32, #tpu.memory_space<vmem>>, vector<16xi32>,
      tpu.vector_store %arg7[%swap3A_1142, %swap3A_1143], %and3A_1140 {strides = array<i32>} : memref<10x80xi32, #tpu.memory_space<vmem>>, vector<16xi32>,
      %get3A_1145 = arith.constant 249 : i32
      %get3A_1146 = arith.index_cast %get3A_1145 : i32 to index
      %get3A_1147 = arith.constant 32 : index
      %get3A_1148 = tpu.vector_load %arg5[%get3A_1146, %get3A_1147] {strides = array<i32>} : memref<250x80xi32, #tpu.memory_space<vmem>>, vector<16xi32>,
      %shift_right_logical3A_1149 = arith.constant 16 : i32
      %shift_right_logical3A_1150 = vector.broadcast %shift_right_logical3A_1149 : i32 to vector<16xi32>
      %shift_right_logical3A_1151 = arith.shrui %get3A_1148, %shift_right_logical3A_1150 : vector<16xi32>
      %swap3A_1152 = arith.constant 9 : i32
      %swap3A_1153 = arith.index_cast %swap3A_1152 : i32 to index
      %swap3A_1154 = arith.constant 32 : index
      %swap3A_1155 = tpu.vector_load %arg6[%swap3A_1153, %swap3A_1154] {strides = array<i32>} : memref<10x80xi32, #tpu.memory_space<vmem>>, vector<16xi32>,
      tpu.vector_store %arg6[%swap3A_1153, %swap3A_1154], %shift_right_logical3A_1151 {strides = array<i32>} : memref<10x80xi32, #tpu.memory_space<vmem>>, vector<16xi32>,
      %and3A_1156 = arith.constant 65535 : i32
      %and3A_1157 = vector.broadcast %and3A_1156 : i32 to vector<16xi32>
      %and3A_1158 = arith.andi %get3A_1148, %and3A_1157 : vector<16xi32>
      %swap3A_1159 = arith.constant 9 : i32
      %swap3A_1160 = arith.index_cast %swap3A_1159 : i32 to index
      %swap3A_1161 = arith.constant 32 : index
      %swap3A_1162 = tpu.vector_load %arg7[%swap3A_1160, %swap3A_1161] {strides = array<i32>} : memref<10x80xi32, #tpu.memory_space<vmem>>, vector<16xi32>,
      tpu.vector_store %arg7[%swap3A_1160, %swap3A_1161], %and3A_1158 {strides = array<i32>} : memref<10x80xi32, #tpu.memory_space<vmem>>, vector<16xi32>,
      %get3A_1163 = arith.constant 249 : i32
      %get3A_1164 = arith.index_cast %get3A_1163 : i32 to index
      %get3A_1165 = arith.constant 48 : index
      %get3A_1166 = tpu.vector_load %arg5[%get3A_1164, %get3A_1165] {strides = array<i32>} : memref<250x80xi32, #tpu.memory_space<vmem>>, vector<16xi32>,
      %shift_right_logical3A_1167 = arith.constant 16 : i32
      %shift_right_logical3A_1168 = vector.broadcast %shift_right_logical3A_1167 : i32 to vector<16xi32>
      %shift_right_logical3A_1169 = arith.shrui %get3A_1166, %shift_right_logical3A_1168 : vector<16xi32>
      %swap3A_1170 = arith.constant 9 : i32
      %swap3A_1171 = arith.index_cast %swap3A_1170 : i32 to index
      %swap3A_1172 = arith.constant 48 : index
      %swap3A_1173 = tpu.vector_load %arg6[%swap3A_1171, %swap3A_1172] {strides = array<i32>} : memref<10x80xi32, #tpu.memory_space<vmem>>, vector<16xi32>,
      tpu.vector_store %arg6[%swap3A_1171, %swap3A_1172], %shift_right_logical3A_1169 {strides = array<i32>} : memref<10x80xi32, #tpu.memory_space<vmem>>, vector<16xi32>,
      %and3A_1174 = arith.constant 65535 : i32
      %and3A_1175 = vector.broadcast %and3A_1174 : i32 to vector<16xi32>
      %and3A_1176 = arith.andi %get3A_1166, %and3A_1175 : vector<16xi32>
      %swap3A_1177 = arith.constant 9 : i32
      %swap3A_1178 = arith.index_cast %swap3A_1177 : i32 to index
      %swap3A_1179 = arith.constant 48 : index
      %swap3A_1180 = tpu.vector_load %arg7[%swap3A_1178, %swap3A_1179] {strides = array<i32>} : memref<10x80xi32, #tpu.memory_space<vmem>>, vector<16xi32>,
      tpu.vector_store %arg7[%swap3A_1178, %swap3A_1179], %and3A_1176 {strides = array<i32>} : memref<10x80xi32, #tpu.memory_space<vmem>>, vector<16xi32>,
      %get3A_1181 = arith.constant 249 : i32
      %get3A_1182 = arith.index_cast %get3A_1181 : i32 to index
      %get3A_1183 = arith.constant 64 : index
      %get3A_1184 = tpu.vector_load %arg5[%get3A_1182, %get3A_1183] {strides = array<i32>} : memref<250x80xi32, #tpu.memory_space<vmem>>, vector<16xi32>,
      %shift_right_logical3A_1185 = arith.constant 16 : i32
      %shift_right_logical3A_1186 = vector.broadcast %shift_right_logical3A_1185 : i32 to vector<16xi32>
      %shift_right_logical3A_1187 = arith.shrui %get3A_1184, %shift_right_logical3A_1186 : vector<16xi32>
      %swap3A_1188 = arith.constant 9 : i32
      %swap3A_1189 = arith.index_cast %swap3A_1188 : i32 to index
      %swap3A_1190 = arith.constant 64 : index
      %swap3A_1191 = tpu.vector_load %arg6[%swap3A_1189, %swap3A_1190] {strides = array<i32>} : memref<10x80xi32, #tpu.memory_space<vmem>>, vector<16xi32>,
      tpu.vector_store %arg6[%swap3A_1189, %swap3A_1190], %shift_right_logical3A_1187 {strides = array<i32>} : memref<10x80xi32, #tpu.memory_space<vmem>>, vector<16xi32>,
      %and3A_1192 = arith.constant 65535 : i32
      %and3A_1193 = vector.broadcast %and3A_1192 : i32 to vector<16xi32>
      %and3A_1194 = arith.andi %get3A_1184, %and3A_1193 : vector<16xi32>
      %swap3A_1195 = arith.constant 9 : i32
      %swap3A_1196 = arith.index_cast %swap3A_1195 : i32 to index
      %swap3A_1197 = arith.constant 64 : index
      %swap3A_1198 = tpu.vector_load %arg7[%swap3A_1196, %swap3A_1197] {strides = array<i32>} : memref<10x80xi32, #tpu.memory_space<vmem>>, vector<16xi32>,
      tpu.vector_store %arg7[%swap3A_1196, %swap3A_1197], %and3A_1194 {strides = array<i32>} : memref<10x80xi32, #tpu.memory_space<vmem>>, vector<16xi32>,
      %dma_start3A_1199 = arith.constant 9 : i32
      %dma_start3A_1200 = arith.constant 9 : i32
      %dma_start3A_1201 = arith.constant 0 : i32
      %dma_start3A_1202 = arith.constant 0 : i32
      %dma_start3A_1203 = tpu.memref_slice %arg8[%dma_start3A_1200, %dma_start3A_1201, %dma_start3A_1202] : memref<10x80x64xf32, #tpu.memory_space<vmem>> -> memref<1x80x64xf32, #tpu.memory_space<vmem>>
      %dma_start3A_1204 = tpu.memref_squeeze %dma_start3A_1203 : memref<1x80x64xf32, #tpu.memory_space<vmem>> -> memref<80x64xf32, #tpu.memory_space<vmem>>
      %dma_start3A_1205 = arith.constant 0 : i32
      %dma_start3A_1206 = tpu.memref_slice %arg6[%dma_start3A_1199, %dma_start3A_1205] : memref<10x80xi32, #tpu.memory_space<vmem>> -> memref<1x80xi32, #tpu.memory_space<vmem>>
      %dma_start3A_1207 = tpu.memref_squeeze %dma_start3A_1206 : memref<1x80xi32, #tpu.memory_space<vmem>> -> memref<80xi32, #tpu.memory_space<vmem>>
      %dma_start3A_1208 = arith.constant 0 : i32
      %dma_start3A_1209 = arith.constant 0 : i32
      %dma_start3A_1210 = tpu.memref_slice %arg2[%add3A_11, %dma_start3A_1208, %dma_start3A_1209] : memref<4x10240x64xf32, #tpu.memory_space<hbm>> -> memref<1x10240x64xf32, #tpu.memory_space<hbm>>
      %dma_start3A_1211 = tpu.memref_squeeze %dma_start3A_1210 : memref<1x10240x64xf32, #tpu.memory_space<hbm>> -> memref<10240x64xf32, #tpu.memory_space<hbm>>
      %dma_start3A_1212 = arith.constant 0 : i32
      %dma_start3A_1213 = arith.constant 0 : i32
      %dma_start3A_1214 = tpu.memref_slice %dma_start3A_1211[%dma_start3A_1212, %dma_start3A_1213] : memref<10240x64xf32, #tpu.memory_space<hbm>> -> memref<10240x64xf32, #tpu.memory_space<hbm>>
      tpu.enqueue_indirect_dma source(%dma_start3A_1214 : memref<10240x64xf32, #tpu.memory_space<hbm>>) target(%dma_start3A_1204 : memref<80x64xf32, #tpu.memory_space<vmem>>) offsets(%dma_start3A_1207 : memref<80xi32, #tpu.memory_space<vmem>>) semaphore(%arg12 : memref<!tpu.dma_semaphore, #tpu.memory_space<semaphore_mem>>)
      %dma_wait3A_1215 = arith.constant 0 : i32
      %dma_wait3A_1216 = arith.constant 0 : i32
      %dma_wait3A_1217 = arith.constant 0 : i32
      %dma_wait3A_1218 = arith.constant 0 : i32
      %dma_wait3A_1219 = tpu.memref_slice %arg8[%dma_wait3A_1215, %dma_wait3A_1217, %dma_wait3A_1218] : memref<10x80x64xf32, #tpu.memory_space<vmem>> -> memref<1x80x64xf32, #tpu.memory_space<vmem>>
      %dma_wait3A_1220 = tpu.memref_squeeze %dma_wait3A_1219 : memref<1x80x64xf32, #tpu.memory_space<vmem>> -> memref<80x64xf32, #tpu.memory_space<vmem>>
      %dma_wait3A_1221 = arith.constant 0 : i32
      %dma_wait3A_1222 = tpu.memref_slice %arg7[%dma_wait3A_1216, %dma_wait3A_1221] : memref<10x80xi32, #tpu.memory_space<vmem>> -> memref<1x80xi32, #tpu.memory_space<vmem>>
      %dma_wait3A_1223 = tpu.memref_squeeze %dma_wait3A_1222 : memref<1x80xi32, #tpu.memory_space<vmem>> -> memref<80xi32, #tpu.memory_space<vmem>>
      %dma_wait3A_1224 = arith.constant 0 : i32
      %dma_wait3A_1225 = arith.constant 0 : i32
      %dma_wait3A_1226 = tpu.memref_slice %arg10[%dma_wait3A_1224, %dma_wait3A_1225] : memref<10240x64xf32, #tpu.memory_space<vmem_shared>> -> memref<10240x64xf32, #tpu.memory_space<vmem_shared>>
      tpu.wait_indirect_dma semaphore(%arg13 : memref<!tpu.dma_semaphore, #tpu.memory_space<semaphore_mem>>) src(%dma_wait3A_1220 : memref<80x64xf32, #tpu.memory_space<vmem>>) dst(%dma_wait3A_1226 : memref<10240x64xf32, #tpu.memory_space<vmem_shared>>)
      %dma_wait3A_1227 = arith.constant 1 : i32
      %dma_wait3A_1228 = arith.constant 1 : i32
      %dma_wait3A_1229 = arith.constant 0 : i32
      %dma_wait3A_1230 = arith.constant 0 : i32
      %dma_wait3A_1231 = tpu.memref_slice %arg8[%dma_wait3A_1227, %dma_wait3A_1229, %dma_wait3A_1230] : memref<10x80x64xf32, #tpu.memory_space<vmem>> -> memref<1x80x64xf32, #tpu.memory_space<vmem>>
      %dma_wait3A_1232 = tpu.memref_squeeze %dma_wait3A_1231 : memref<1x80x64xf32, #tpu.memory_space<vmem>> -> memref<80x64xf32, #tpu.memory_space<vmem>>
      %dma_wait3A_1233 = arith.constant 0 : i32
      %dma_wait3A_1234 = tpu.memref_slice %arg7[%dma_wait3A_1228, %dma_wait3A_1233] : memref<10x80xi32, #tpu.memory_space<vmem>> -> memref<1x80xi32, #tpu.memory_space<vmem>>
      %dma_wait3A_1235 = tpu.memref_squeeze %dma_wait3A_1234 : memref<1x80xi32, #tpu.memory_space<vmem>> -> memref<80xi32, #tpu.memory_space<vmem>>
      %dma_wait3A_1236 = arith.constant 0 : i32
      %dma_wait3A_1237 = arith.constant 0 : i32
      %dma_wait3A_1238 = tpu.memref_slice %arg10[%dma_wait3A_1236, %dma_wait3A_1237] : memref<10240x64xf32, #tpu.memory_space<vmem_shared>> -> memref<10240x64xf32, #tpu.memory_space<vmem_shared>>
      tpu.wait_indirect_dma semaphore(%arg13 : memref<!tpu.dma_semaphore, #tpu.memory_space<semaphore_mem>>) src(%dma_wait3A_1232 : memref<80x64xf32, #tpu.memory_space<vmem>>) dst(%dma_wait3A_1238 : memref<10240x64xf32, #tpu.memory_space<vmem_shared>>)
      %dma_wait3A_1239 = arith.constant 2 : i32
      %dma_wait3A_1240 = arith.constant 2 : i32
      %dma_wait3A_1241 = arith.constant 0 : i32
      %dma_wait3A_1242 = arith.constant 0 : i32
      %dma_wait3A_1243 = tpu.memref_slice %arg8[%dma_wait3A_1239, %dma_wait3A_1241, %dma_wait3A_1242] : memref<10x80x64xf32, #tpu.memory_space<vmem>> -> memref<1x80x64xf32, #tpu.memory_space<vmem>>
      %dma_wait3A_1244 = tpu.memref_squeeze %dma_wait3A_1243 : memref<1x80x64xf32, #tpu.memory_space<vmem>> -> memref<80x64xf32, #tpu.memory_space<vmem>>
      %dma_wait3A_1245 = arith.constant 0 : i32
      %dma_wait3A_1246 = tpu.memref_slice %arg7[%dma_wait3A_1240, %dma_wait3A_1245] : memref<10x80xi32, #tpu.memory_space<vmem>> -> memref<1x80xi32, #tpu.memory_space<vmem>>
      %dma_wait3A_1247 = tpu.memref_squeeze %dma_wait3A_1246 : memref<1x80xi32, #tpu.memory_space<vmem>> -> memref<80xi32, #tpu.memory_space<vmem>>
      %dma_wait3A_1248 = arith.constant 0 : i32
      %dma_wait3A_1249 = arith.constant 0 : i32
      %dma_wait3A_1250 = tpu.memref_slice %arg10[%dma_wait3A_1248, %dma_wait3A_1249] : memref<10240x64xf32, #tpu.memory_space<vmem_shared>> -> memref<10240x64xf32, #tpu.memory_space<vmem_shared>>
      tpu.wait_indirect_dma semaphore(%arg13 : memref<!tpu.dma_semaphore, #tpu.memory_space<semaphore_mem>>) src(%dma_wait3A_1244 : memref<80x64xf32, #tpu.memory_space<vmem>>) dst(%dma_wait3A_1250 : memref<10240x64xf32, #tpu.memory_space<vmem_shared>>)
      %dma_wait3A_1251 = arith.constant 3 : i32
      %dma_wait3A_1252 = arith.constant 3 : i32
      %dma_wait3A_1253 = arith.constant 0 : i32
      %dma_wait3A_1254 = arith.constant 0 : i32
      %dma_wait3A_1255 = tpu.memref_slice %arg8[%dma_wait3A_1251, %dma_wait3A_1253, %dma_wait3A_1254] : memref<10x80x64xf32, #tpu.memory_space<vmem>> -> memref<1x80x64xf32, #tpu.memory_space<vmem>>
      %dma_wait3A_1256 = tpu.memref_squeeze %dma_wait3A_1255 : memref<1x80x64xf32, #tpu.memory_space<vmem>> -> memref<80x64xf32, #tpu.memory_space<vmem>>
      %dma_wait3A_1257 = arith.constant 0 : i32
      %dma_wait3A_1258 = tpu.memref_slice %arg7[%dma_wait3A_1252, %dma_wait3A_1257] : memref<10x80xi32, #tpu.memory_space<vmem>> -> memref<1x80xi32, #tpu.memory_space<vmem>>
      %dma_wait3A_1259 = tpu.memref_squeeze %dma_wait3A_1258 : memref<1x80xi32, #tpu.memory_space<vmem>> -> memref<80xi32, #tpu.memory_space<vmem>>
      %dma_wait3A_1260 = arith.constant 0 : i32
      %dma_wait3A_1261 = arith.constant 0 : i32
      %dma_wait3A_1262 = tpu.memref_slice %arg10[%dma_wait3A_1260, %dma_wait3A_1261] : memref<10240x64xf32, #tpu.memory_space<vmem_shared>> -> memref<10240x64xf32, #tpu.memory_space<vmem_shared>>
      tpu.wait_indirect_dma semaphore(%arg13 : memref<!tpu.dma_semaphore, #tpu.memory_space<semaphore_mem>>) src(%dma_wait3A_1256 : memref<80x64xf32, #tpu.memory_space<vmem>>) dst(%dma_wait3A_1262 : memref<10240x64xf32, #tpu.memory_space<vmem_shared>>)
      %dma_wait3A_1263 = arith.constant 4 : i32
      %dma_wait3A_1264 = arith.constant 4 : i32
      %dma_wait3A_1265 = arith.constant 0 : i32
      %dma_wait3A_1266 = arith.constant 0 : i32
      %dma_wait3A_1267 = tpu.memref_slice %arg8[%dma_wait3A_1263, %dma_wait3A_1265, %dma_wait3A_1266] : memref<10x80x64xf32, #tpu.memory_space<vmem>> -> memref<1x80x64xf32, #tpu.memory_space<vmem>>
      %dma_wait3A_1268 = tpu.memref_squeeze %dma_wait3A_1267 : memref<1x80x64xf32, #tpu.memory_space<vmem>> -> memref<80x64xf32, #tpu.memory_space<vmem>>
      %dma_wait3A_1269 = arith.constant 0 : i32
      %dma_wait3A_1270 = tpu.memref_slice %arg7[%dma_wait3A_1264, %dma_wait3A_1269] : memref<10x80xi32, #tpu.memory_space<vmem>> -> memref<1x80xi32, #tpu.memory_space<vmem>>
      %dma_wait3A_1271 = tpu.memref_squeeze %dma_wait3A_1270 : memref<1x80xi32, #tpu.memory_space<vmem>> -> memref<80xi32, #tpu.memory_space<vmem>>
      %dma_wait3A_1272 = arith.constant 0 : i32
      %dma_wait3A_1273 = arith.constant 0 : i32
      %dma_wait3A_1274 = tpu.memref_slice %arg10[%dma_wait3A_1272, %dma_wait3A_1273] : memref<10240x64xf32, #tpu.memory_space<vmem_shared>> -> memref<10240x64xf32, #tpu.memory_space<vmem_shared>>
      tpu.wait_indirect_dma semaphore(%arg13 : memref<!tpu.dma_semaphore, #tpu.memory_space<semaphore_mem>>) src(%dma_wait3A_1268 : memref<80x64xf32, #tpu.memory_space<vmem>>) dst(%dma_wait3A_1274 : memref<10240x64xf32, #tpu.memory_space<vmem_shared>>)
      %dma_wait3A_1275 = arith.constant 5 : i32
      %dma_wait3A_1276 = arith.constant 5 : i32
      %dma_wait3A_1277 = arith.constant 0 : i32
      %dma_wait3A_1278 = arith.constant 0 : i32
      %dma_wait3A_1279 = tpu.memref_slice %arg8[%dma_wait3A_1276, %dma_wait3A_1277, %dma_wait3A_1278] : memref<10x80x64xf32, #tpu.memory_space<vmem>> -> memref<1x80x64xf32, #tpu.memory_space<vmem>>
      %dma_wait3A_1280 = tpu.memref_squeeze %dma_wait3A_1279 : memref<1x80x64xf32, #tpu.memory_space<vmem>> -> memref<80x64xf32, #tpu.memory_space<vmem>>
      %dma_wait3A_1281 = arith.constant 0 : i32
      %dma_wait3A_1282 = tpu.memref_slice %arg6[%dma_wait3A_1275, %dma_wait3A_1281] : memref<10x80xi32, #tpu.memory_space<vmem>> -> memref<1x80xi32, #tpu.memory_space<vmem>>
      %dma_wait3A_1283 = tpu.memref_squeeze %dma_wait3A_1282 : memref<1x80xi32, #tpu.memory_space<vmem>> -> memref<80xi32, #tpu.memory_space<vmem>>
      %dma_wait3A_1284 = arith.constant 0 : i32
      %dma_wait3A_1285 = arith.constant 0 : i32
      %dma_wait3A_1286 = tpu.memref_slice %arg2[%add3A_11, %dma_wait3A_1284, %dma_wait3A_1285] : memref<4x10240x64xf32, #tpu.memory_space<hbm>> -> memref<1x10240x64xf32, #tpu.memory_space<hbm>>
      %dma_wait3A_1287 = tpu.memref_squeeze %dma_wait3A_1286 : memref<1x10240x64xf32, #tpu.memory_space<hbm>> -> memref<10240x64xf32, #tpu.memory_space<hbm>>
      %dma_wait3A_1288 = arith.constant 0 : i32
      %dma_wait3A_1289 = arith.constant 0 : i32
      %dma_wait3A_1290 = tpu.memref_slice %dma_wait3A_1287[%dma_wait3A_1288, %dma_wait3A_1289] : memref<10240x64xf32, #tpu.memory_space<hbm>> -> memref<10240x64xf32, #tpu.memory_space<hbm>>
      tpu.wait_indirect_dma semaphore(%arg12 : memref<!tpu.dma_semaphore, #tpu.memory_space<semaphore_mem>>) src(%dma_wait3A_1290 : memref<10240x64xf32, #tpu.memory_space<hbm>>) dst(%dma_wait3A_1280 : memref<80x64xf32, #tpu.memory_space<vmem>>)
      %dma_wait3A_1291 = arith.constant 6 : i32
      %dma_wait3A_1292 = arith.constant 6 : i32
      %dma_wait3A_1293 = arith.constant 0 : i32
      %dma_wait3A_1294 = arith.constant 0 : i32
      %dma_wait3A_1295 = tpu.memref_slice %arg8[%dma_wait3A_1292, %dma_wait3A_1293, %dma_wait3A_1294] : memref<10x80x64xf32, #tpu.memory_space<vmem>> -> memref<1x80x64xf32, #tpu.memory_space<vmem>>
      %dma_wait3A_1296 = tpu.memref_squeeze %dma_wait3A_1295 : memref<1x80x64xf32, #tpu.memory_space<vmem>> -> memref<80x64xf32, #tpu.memory_space<vmem>>
      %dma_wait3A_1297 = arith.constant 0 : i32
      %dma_wait3A_1298 = tpu.memref_slice %arg6[%dma_wait3A_1291, %dma_wait3A_1297] : memref<10x80xi32, #tpu.memory_space<vmem>> -> memref<1x80xi32, #tpu.memory_space<vmem>>
      %dma_wait3A_1299 = tpu.memref_squeeze %dma_wait3A_1298 : memref<1x80xi32, #tpu.memory_space<vmem>> -> memref<80xi32, #tpu.memory_space<vmem>>
      %dma_wait3A_1300 = arith.constant 0 : i32
      %dma_wait3A_1301 = arith.constant 0 : i32
      %dma_wait3A_1302 = tpu.memref_slice %arg2[%add3A_11, %dma_wait3A_1300, %dma_wait3A_1301] : memref<4x10240x64xf32, #tpu.memory_space<hbm>> -> memref<1x10240x64xf32, #tpu.memory_space<hbm>>
      %dma_wait3A_1303 = tpu.memref_squeeze %dma_wait3A_1302 : memref<1x10240x64xf32, #tpu.memory_space<hbm>> -> memref<10240x64xf32, #tpu.memory_space<hbm>>
      %dma_wait3A_1304 = arith.constant 0 : i32
      %dma_wait3A_1305 = arith.constant 0 : i32
      %dma_wait3A_1306 = tpu.memref_slice %dma_wait3A_1303[%dma_wait3A_1304, %dma_wait3A_1305] : memref<10240x64xf32, #tpu.memory_space<hbm>> -> memref<10240x64xf32, #tpu.memory_space<hbm>>
      tpu.wait_indirect_dma semaphore(%arg12 : memref<!tpu.dma_semaphore, #tpu.memory_space<semaphore_mem>>) src(%dma_wait3A_1306 : memref<10240x64xf32, #tpu.memory_space<hbm>>) dst(%dma_wait3A_1296 : memref<80x64xf32, #tpu.memory_space<vmem>>)
      %dma_wait3A_1307 = arith.constant 7 : i32
      %dma_wait3A_1308 = arith.constant 7 : i32
      %dma_wait3A_1309 = arith.constant 0 : i32
      %dma_wait3A_1310 = arith.constant 0 : i32
      %dma_wait3A_1311 = tpu.memref_slice %arg8[%dma_wait3A_1308, %dma_wait3A_1309, %dma_wait3A_1310] : memref<10x80x64xf32, #tpu.memory_space<vmem>> -> memref<1x80x64xf32, #tpu.memory_space<vmem>>
      %dma_wait3A_1312 = tpu.memref_squeeze %dma_wait3A_1311 : memref<1x80x64xf32, #tpu.memory_space<vmem>> -> memref<80x64xf32, #tpu.memory_space<vmem>>
      %dma_wait3A_1313 = arith.constant 0 : i32
      %dma_wait3A_1314 = tpu.memref_slice %arg6[%dma_wait3A_1307, %dma_wait3A_1313] : memref<10x80xi32, #tpu.memory_space<vmem>> -> memref<1x80xi32, #tpu.memory_space<vmem>>
      %dma_wait3A_1315 = tpu.memref_squeeze %dma_wait3A_1314 : memref<1x80xi32, #tpu.memory_space<vmem>> -> memref<80xi32, #tpu.memory_space<vmem>>
      %dma_wait3A_1316 = arith.constant 0 : i32
      %dma_wait3A_1317 = arith.constant 0 : i32
      %dma_wait3A_1318 = tpu.memref_slice %arg2[%add3A_11, %dma_wait3A_1316, %dma_wait3A_1317] : memref<4x10240x64xf32, #tpu.memory_space<hbm>> -> memref<1x10240x64xf32, #tpu.memory_space<hbm>>
      %dma_wait3A_1319 = tpu.memref_squeeze %dma_wait3A_1318 : memref<1x10240x64xf32, #tpu.memory_space<hbm>> -> memref<10240x64xf32, #tpu.memory_space<hbm>>
      %dma_wait3A_1320 = arith.constant 0 : i32
      %dma_wait3A_1321 = arith.constant 0 : i32
      %dma_wait3A_1322 = tpu.memref_slice %dma_wait3A_1319[%dma_wait3A_1320, %dma_wait3A_1321] : memref<10240x64xf32, #tpu.memory_space<hbm>> -> memref<10240x64xf32, #tpu.memory_space<hbm>>
      tpu.wait_indirect_dma semaphore(%arg12 : memref<!tpu.dma_semaphore, #tpu.memory_space<semaphore_mem>>) src(%dma_wait3A_1322 : memref<10240x64xf32, #tpu.memory_space<hbm>>) dst(%dma_wait3A_1312 : memref<80x64xf32, #tpu.memory_space<vmem>>)
      %dma_wait3A_1323 = arith.constant 8 : i32
      %dma_wait3A_1324 = arith.constant 8 : i32
      %dma_wait3A_1325 = arith.constant 0 : i32
      %dma_wait3A_1326 = arith.constant 0 : i32
      %dma_wait3A_1327 = tpu.memref_slice %arg8[%dma_wait3A_1324, %dma_wait3A_1325, %dma_wait3A_1326] : memref<10x80x64xf32, #tpu.memory_space<vmem>> -> memref<1x80x64xf32, #tpu.memory_space<vmem>>
      %dma_wait3A_1328 = tpu.memref_squeeze %dma_wait3A_1327 : memref<1x80x64xf32, #tpu.memory_space<vmem>> -> memref<80x64xf32, #tpu.memory_space<vmem>>
      %dma_wait3A_1329 = arith.constant 0 : i32
      %dma_wait3A_1330 = tpu.memref_slice %arg6[%dma_wait3A_1323, %dma_wait3A_1329] : memref<10x80xi32, #tpu.memory_space<vmem>> -> memref<1x80xi32, #tpu.memory_space<vmem>>
      %dma_wait3A_1331 = tpu.memref_squeeze %dma_wait3A_1330 : memref<1x80xi32, #tpu.memory_space<vmem>> -> memref<80xi32, #tpu.memory_space<vmem>>
      %dma_wait3A_1332 = arith.constant 0 : i32
      %dma_wait3A_1333 = arith.constant 0 : i32
      %dma_wait3A_1334 = tpu.memref_slice %arg2[%add3A_11, %dma_wait3A_1332, %dma_wait3A_1333] : memref<4x10240x64xf32, #tpu.memory_space<hbm>> -> memref<1x10240x64xf32, #tpu.memory_space<hbm>>
      %dma_wait3A_1335 = tpu.memref_squeeze %dma_wait3A_1334 : memref<1x10240x64xf32, #tpu.memory_space<hbm>> -> memref<10240x64xf32, #tpu.memory_space<hbm>>
      %dma_wait3A_1336 = arith.constant 0 : i32
      %dma_wait3A_1337 = arith.constant 0 : i32
      %dma_wait3A_1338 = tpu.memref_slice %dma_wait3A_1335[%dma_wait3A_1336, %dma_wait3A_1337] : memref<10240x64xf32, #tpu.memory_space<hbm>> -> memref<10240x64xf32, #tpu.memory_space<hbm>>
      tpu.wait_indirect_dma semaphore(%arg12 : memref<!tpu.dma_semaphore, #tpu.memory_space<semaphore_mem>>) src(%dma_wait3A_1338 : memref<10240x64xf32, #tpu.memory_space<hbm>>) dst(%dma_wait3A_1328 : memref<80x64xf32, #tpu.memory_space<vmem>>)
      %dma_wait3A_1339 = arith.constant 9 : i32
      %dma_wait3A_1340 = arith.constant 9 : i32
      %dma_wait3A_1341 = arith.constant 0 : i32
      %dma_wait3A_1342 = arith.constant 0 : i32
      %dma_wait3A_1343 = tpu.memref_slice %arg8[%dma_wait3A_1340, %dma_wait3A_1341, %dma_wait3A_1342] : memref<10x80x64xf32, #tpu.memory_space<vmem>> -> memref<1x80x64xf32, #tpu.memory_space<vmem>>
      %dma_wait3A_1344 = tpu.memref_squeeze %dma_wait3A_1343 : memref<1x80x64xf32, #tpu.memory_space<vmem>> -> memref<80x64xf32, #tpu.memory_space<vmem>>
      %dma_wait3A_1345 = arith.constant 0 : i32
      %dma_wait3A_1346 = tpu.memref_slice %arg6[%dma_wait3A_1339, %dma_wait3A_1345] : memref<10x80xi32, #tpu.memory_space<vmem>> -> memref<1x80xi32, #tpu.memory_space<vmem>>
      %dma_wait3A_1347 = tpu.memref_squeeze %dma_wait3A_1346 : memref<1x80xi32, #tpu.memory_space<vmem>> -> memref<80xi32, #tpu.memory_space<vmem>>
      %dma_wait3A_1348 = arith.constant 0 : i32
      %dma_wait3A_1349 = arith.constant 0 : i32
      %dma_wait3A_1350 = tpu.memref_slice %arg2[%add3A_11, %dma_wait3A_1348, %dma_wait3A_1349] : memref<4x10240x64xf32, #tpu.memory_space<hbm>> -> memref<1x10240x64xf32, #tpu.memory_space<hbm>>
      %dma_wait3A_1351 = tpu.memref_squeeze %dma_wait3A_1350 : memref<1x10240x64xf32, #tpu.memory_space<hbm>> -> memref<10240x64xf32, #tpu.memory_space<hbm>>
      %dma_wait3A_1352 = arith.constant 0 : i32
      %dma_wait3A_1353 = arith.constant 0 : i32
      %dma_wait3A_1354 = tpu.memref_slice %dma_wait3A_1351[%dma_wait3A_1352, %dma_wait3A_1353] : memref<10240x64xf32, #tpu.memory_space<hbm>> -> memref<10240x64xf32, #tpu.memory_space<hbm>>
      tpu.wait_indirect_dma semaphore(%arg12 : memref<!tpu.dma_semaphore, #tpu.memory_space<semaphore_mem>>) src(%dma_wait3A_1354 : memref<10240x64xf32, #tpu.memory_space<hbm>>) dst(%dma_wait3A_1344 : memref<80x64xf32, #tpu.memory_space<vmem>>)
      %dma_start3A_1355 = arith.constant 5 : i32
      %dma_start3A_1356 = arith.constant 5 : i32
      %dma_start3A_1357 = arith.constant 0 : i32
      %dma_start3A_1358 = arith.constant 0 : i32
      %dma_start3A_1359 = tpu.memref_slice %arg8[%dma_start3A_1355, %dma_start3A_1357, %dma_start3A_1358] : memref<10x80x64xf32, #tpu.memory_space<vmem>> -> memref<1x80x64xf32, #tpu.memory_space<vmem>>
      %dma_start3A_1360 = tpu.memref_squeeze %dma_start3A_1359 : memref<1x80x64xf32, #tpu.memory_space<vmem>> -> memref<80x64xf32, #tpu.memory_space<vmem>>
      %dma_start3A_1361 = arith.constant 0 : i32
      %dma_start3A_1362 = tpu.memref_slice %arg7[%dma_start3A_1356, %dma_start3A_1361] : memref<10x80xi32, #tpu.memory_space<vmem>> -> memref<1x80xi32, #tpu.memory_space<vmem>>
      %dma_start3A_1363 = tpu.memref_squeeze %dma_start3A_1362 : memref<1x80xi32, #tpu.memory_space<vmem>> -> memref<80xi32, #tpu.memory_space<vmem>>
      %dma_start3A_1364 = arith.constant 0 : i32
      %dma_start3A_1365 = arith.constant 0 : i32
      %dma_start3A_1366 = tpu.memref_slice %arg10[%dma_start3A_1364, %dma_start3A_1365] : memref<10240x64xf32, #tpu.memory_space<vmem_shared>> -> memref<10240x64xf32, #tpu.memory_space<vmem_shared>>
      tpu.enqueue_indirect_dma source(%dma_start3A_1360 : memref<80x64xf32, #tpu.memory_space<vmem>>) target(%dma_start3A_1366 : memref<10240x64xf32, #tpu.memory_space<vmem_shared>>) offsets(%dma_start3A_1363 : memref<80xi32, #tpu.memory_space<vmem>>) semaphore(%arg14 : memref<!tpu.dma_semaphore, #tpu.memory_space<semaphore_mem>>) {add = true}
      %dma_start3A_1367 = arith.constant 6 : i32
      %dma_start3A_1368 = arith.constant 6 : i32
      %dma_start3A_1369 = arith.constant 0 : i32
      %dma_start3A_1370 = arith.constant 0 : i32
      %dma_start3A_1371 = tpu.memref_slice %arg8[%dma_start3A_1367, %dma_start3A_1369, %dma_start3A_1370] : memref<10x80x64xf32, #tpu.memory_space<vmem>> -> memref<1x80x64xf32, #tpu.memory_space<vmem>>
      %dma_start3A_1372 = tpu.memref_squeeze %dma_start3A_1371 : memref<1x80x64xf32, #tpu.memory_space<vmem>> -> memref<80x64xf32, #tpu.memory_space<vmem>>
      %dma_start3A_1373 = arith.constant 0 : i32
      %dma_start3A_1374 = tpu.memref_slice %arg7[%dma_start3A_1368, %dma_start3A_1373] : memref<10x80xi32, #tpu.memory_space<vmem>> -> memref<1x80xi32, #tpu.memory_space<vmem>>
      %dma_start3A_1375 = tpu.memref_squeeze %dma_start3A_1374 : memref<1x80xi32, #tpu.memory_space<vmem>> -> memref<80xi32, #tpu.memory_space<vmem>>
      %dma_start3A_1376 = arith.constant 0 : i32
      %dma_start3A_1377 = arith.constant 0 : i32
      %dma_start3A_1378 = tpu.memref_slice %arg10[%dma_start3A_1376, %dma_start3A_1377] : memref<10240x64xf32, #tpu.memory_space<vmem_shared>> -> memref<10240x64xf32, #tpu.memory_space<vmem_shared>>
      tpu.enqueue_indirect_dma source(%dma_start3A_1372 : memref<80x64xf32, #tpu.memory_space<vmem>>) target(%dma_start3A_1378 : memref<10240x64xf32, #tpu.memory_space<vmem_shared>>) offsets(%dma_start3A_1375 : memref<80xi32, #tpu.memory_space<vmem>>) semaphore(%arg14 : memref<!tpu.dma_semaphore, #tpu.memory_space<semaphore_mem>>) {add = true}
      %dma_start3A_1379 = arith.constant 7 : i32
      %dma_start3A_1380 = arith.constant 7 : i32
      %dma_start3A_1381 = arith.constant 0 : i32
      %dma_start3A_1382 = arith.constant 0 : i32
      %dma_start3A_1383 = tpu.memref_slice %arg8[%dma_start3A_1379, %dma_start3A_1381, %dma_start3A_1382] : memref<10x80x64xf32, #tpu.memory_space<vmem>> -> memref<1x80x64xf32, #tpu.memory_space<vmem>>
      %dma_start3A_1384 = tpu.memref_squeeze %dma_start3A_1383 : memref<1x80x64xf32, #tpu.memory_space<vmem>> -> memref<80x64xf32, #tpu.memory_space<vmem>>
      %dma_start3A_1385 = arith.constant 0 : i32
      %dma_start3A_1386 = tpu.memref_slice %arg7[%dma_start3A_1380, %dma_start3A_1385] : memref<10x80xi32, #tpu.memory_space<vmem>> -> memref<1x80xi32, #tpu.memory_space<vmem>>
      %dma_start3A_1387 = tpu.memref_squeeze %dma_start3A_1386 : memref<1x80xi32, #tpu.memory_space<vmem>> -> memref<80xi32, #tpu.memory_space<vmem>>
      %dma_start3A_1388 = arith.constant 0 : i32
      %dma_start3A_1389 = arith.constant 0 : i32
      %dma_start3A_1390 = tpu.memref_slice %arg10[%dma_start3A_1388, %dma_start3A_1389] : memref<10240x64xf32, #tpu.memory_space<vmem_shared>> -> memref<10240x64xf32, #tpu.memory_space<vmem_shared>>
      tpu.enqueue_indirect_dma source(%dma_start3A_1384 : memref<80x64xf32, #tpu.memory_space<vmem>>) target(%dma_start3A_1390 : memref<10240x64xf32, #tpu.memory_space<vmem_shared>>) offsets(%dma_start3A_1387 : memref<80xi32, #tpu.memory_space<vmem>>) semaphore(%arg14 : memref<!tpu.dma_semaphore, #tpu.memory_space<semaphore_mem>>) {add = true}
      %dma_start3A_1391 = arith.constant 8 : i32
      %dma_start3A_1392 = arith.constant 8 : i32
      %dma_start3A_1393 = arith.constant 0 : i32
      %dma_start3A_1394 = arith.constant 0 : i32
      %dma_start3A_1395 = tpu.memref_slice %arg8[%dma_start3A_1391, %dma_start3A_1393, %dma_start3A_1394] : memref<10x80x64xf32, #tpu.memory_space<vmem>> -> memref<1x80x64xf32, #tpu.memory_space<vmem>>
      %dma_start3A_1396 = tpu.memref_squeeze %dma_start3A_1395 : memref<1x80x64xf32, #tpu.memory_space<vmem>> -> memref<80x64xf32, #tpu.memory_space<vmem>>
      %dma_start3A_1397 = arith.constant 0 : i32
      %dma_start3A_1398 = tpu.memref_slice %arg7[%dma_start3A_1392, %dma_start3A_1397] : memref<10x80xi32, #tpu.memory_space<vmem>> -> memref<1x80xi32, #tpu.memory_space<vmem>>
      %dma_start3A_1399 = tpu.memref_squeeze %dma_start3A_1398 : memref<1x80xi32, #tpu.memory_space<vmem>> -> memref<80xi32, #tpu.memory_space<vmem>>
      %dma_start3A_1400 = arith.constant 0 : i32
      %dma_start3A_1401 = arith.constant 0 : i32
      %dma_start3A_1402 = tpu.memref_slice %arg10[%dma_start3A_1400, %dma_start3A_1401] : memref<10240x64xf32, #tpu.memory_space<vmem_shared>> -> memref<10240x64xf32, #tpu.memory_space<vmem_shared>>
      tpu.enqueue_indirect_dma source(%dma_start3A_1396 : memref<80x64xf32, #tpu.memory_space<vmem>>) target(%dma_start3A_1402 : memref<10240x64xf32, #tpu.memory_space<vmem_shared>>) offsets(%dma_start3A_1399 : memref<80xi32, #tpu.memory_space<vmem>>) semaphore(%arg14 : memref<!tpu.dma_semaphore, #tpu.memory_space<semaphore_mem>>) {add = true}
      %dma_start3A_1403 = arith.constant 9 : i32
      %dma_start3A_1404 = arith.constant 9 : i32
      %dma_start3A_1405 = arith.constant 0 : i32
      %dma_start3A_1406 = arith.constant 0 : i32
      %dma_start3A_1407 = tpu.memref_slice %arg8[%dma_start3A_1403, %dma_start3A_1405, %dma_start3A_1406] : memref<10x80x64xf32, #tpu.memory_space<vmem>> -> memref<1x80x64xf32, #tpu.memory_space<vmem>>
      %dma_start3A_1408 = tpu.memref_squeeze %dma_start3A_1407 : memref<1x80x64xf32, #tpu.memory_space<vmem>> -> memref<80x64xf32, #tpu.memory_space<vmem>>
      %dma_start3A_1409 = arith.constant 0 : i32
      %dma_start3A_1410 = tpu.memref_slice %arg7[%dma_start3A_1404, %dma_start3A_1409] : memref<10x80xi32, #tpu.memory_space<vmem>> -> memref<1x80xi32, #tpu.memory_space<vmem>>
      %dma_start3A_1411 = tpu.memref_squeeze %dma_start3A_1410 : memref<1x80xi32, #tpu.memory_space<vmem>> -> memref<80xi32, #tpu.memory_space<vmem>>
      %dma_start3A_1412 = arith.constant 0 : i32
      %dma_start3A_1413 = arith.constant 0 : i32
      %dma_start3A_1414 = tpu.memref_slice %arg10[%dma_start3A_1412, %dma_start3A_1413] : memref<10240x64xf32, #tpu.memory_space<vmem_shared>> -> memref<10240x64xf32, #tpu.memory_space<vmem_shared>>
      tpu.enqueue_indirect_dma source(%dma_start3A_1408 : memref<80x64xf32, #tpu.memory_space<vmem>>) target(%dma_start3A_1414 : memref<10240x64xf32, #tpu.memory_space<vmem_shared>>) offsets(%dma_start3A_1411 : memref<80xi32, #tpu.memory_space<vmem>>) semaphore(%arg14 : memref<!tpu.dma_semaphore, #tpu.memory_space<semaphore_mem>>) {add = true}
      %dma_wait3A_1415 = arith.constant 5 : i32
      %dma_wait3A_1416 = arith.constant 5 : i32
      %dma_wait3A_1417 = arith.constant 0 : i32
      %dma_wait3A_1418 = arith.constant 0 : i32
      %dma_wait3A_1419 = tpu.memref_slice %arg8[%dma_wait3A_1415, %dma_wait3A_1417, %dma_wait3A_1418] : memref<10x80x64xf32, #tpu.memory_space<vmem>> -> memref<1x80x64xf32, #tpu.memory_space<vmem>>
      %dma_wait3A_1420 = tpu.memref_squeeze %dma_wait3A_1419 : memref<1x80x64xf32, #tpu.memory_space<vmem>> -> memref<80x64xf32, #tpu.memory_space<vmem>>
      %dma_wait3A_1421 = arith.constant 0 : i32
      %dma_wait3A_1422 = tpu.memref_slice %arg7[%dma_wait3A_1416, %dma_wait3A_1421] : memref<10x80xi32, #tpu.memory_space<vmem>> -> memref<1x80xi32, #tpu.memory_space<vmem>>
      %dma_wait3A_1423 = tpu.memref_squeeze %dma_wait3A_1422 : memref<1x80xi32, #tpu.memory_space<vmem>> -> memref<80xi32, #tpu.memory_space<vmem>>
      %dma_wait3A_1424 = arith.constant 0 : i32
      %dma_wait3A_1425 = arith.constant 0 : i32
      %dma_wait3A_1426 = tpu.memref_slice %arg10[%dma_wait3A_1424, %dma_wait3A_1425] : memref<10240x64xf32, #tpu.memory_space<vmem_shared>> -> memref<10240x64xf32, #tpu.memory_space<vmem_shared>>
      tpu.wait_indirect_dma semaphore(%arg14 : memref<!tpu.dma_semaphore, #tpu.memory_space<semaphore_mem>>) src(%dma_wait3A_1420 : memref<80x64xf32, #tpu.memory_space<vmem>>) dst(%dma_wait3A_1426 : memref<10240x64xf32, #tpu.memory_space<vmem_shared>>)
      %dma_wait3A_1427 = arith.constant 6 : i32
      %dma_wait3A_1428 = arith.constant 6 : i32
      %dma_wait3A_1429 = arith.constant 0 : i32
      %dma_wait3A_1430 = arith.constant 0 : i32
      %dma_wait3A_1431 = tpu.memref_slice %arg8[%dma_wait3A_1427, %dma_wait3A_1429, %dma_wait3A_1430] : memref<10x80x64xf32, #tpu.memory_space<vmem>> -> memref<1x80x64xf32, #tpu.memory_space<vmem>>
      %dma_wait3A_1432 = tpu.memref_squeeze %dma_wait3A_1431 : memref<1x80x64xf32, #tpu.memory_space<vmem>> -> memref<80x64xf32, #tpu.memory_space<vmem>>
      %dma_wait3A_1433 = arith.constant 0 : i32
      %dma_wait3A_1434 = tpu.memref_slice %arg7[%dma_wait3A_1428, %dma_wait3A_1433] : memref<10x80xi32, #tpu.memory_space<vmem>> -> memref<1x80xi32, #tpu.memory_space<vmem>>
      %dma_wait3A_1435 = tpu.memref_squeeze %dma_wait3A_1434 : memref<1x80xi32, #tpu.memory_space<vmem>> -> memref<80xi32, #tpu.memory_space<vmem>>
      %dma_wait3A_1436 = arith.constant 0 : i32
      %dma_wait3A_1437 = arith.constant 0 : i32
      %dma_wait3A_1438 = tpu.memref_slice %arg10[%dma_wait3A_1436, %dma_wait3A_1437] : memref<10240x64xf32, #tpu.memory_space<vmem_shared>> -> memref<10240x64xf32, #tpu.memory_space<vmem_shared>>
      tpu.wait_indirect_dma semaphore(%arg14 : memref<!tpu.dma_semaphore, #tpu.memory_space<semaphore_mem>>) src(%dma_wait3A_1432 : memref<80x64xf32, #tpu.memory_space<vmem>>) dst(%dma_wait3A_1438 : memref<10240x64xf32, #tpu.memory_space<vmem_shared>>)
      %dma_wait3A_1439 = arith.constant 7 : i32
      %dma_wait3A_1440 = arith.constant 7 : i32
      %dma_wait3A_1441 = arith.constant 0 : i32
      %dma_wait3A_1442 = arith.constant 0 : i32
      %dma_wait3A_1443 = tpu.memref_slice %arg8[%dma_wait3A_1439, %dma_wait3A_1441, %dma_wait3A_1442] : memref<10x80x64xf32, #tpu.memory_space<vmem>> -> memref<1x80x64xf32, #tpu.memory_space<vmem>>
      %dma_wait3A_1444 = tpu.memref_squeeze %dma_wait3A_1443 : memref<1x80x64xf32, #tpu.memory_space<vmem>> -> memref<80x64xf32, #tpu.memory_space<vmem>>
      %dma_wait3A_1445 = arith.constant 0 : i32
      %dma_wait3A_1446 = tpu.memref_slice %arg7[%dma_wait3A_1440, %dma_wait3A_1445] : memref<10x80xi32, #tpu.memory_space<vmem>> -> memref<1x80xi32, #tpu.memory_space<vmem>>
      %dma_wait3A_1447 = tpu.memref_squeeze %dma_wait3A_1446 : memref<1x80xi32, #tpu.memory_space<vmem>> -> memref<80xi32, #tpu.memory_space<vmem>>
      %dma_wait3A_1448 = arith.constant 0 : i32
      %dma_wait3A_1449 = arith.constant 0 : i32
      %dma_wait3A_1450 = tpu.memref_slice %arg10[%dma_wait3A_1448, %dma_wait3A_1449] : memref<10240x64xf32, #tpu.memory_space<vmem_shared>> -> memref<10240x64xf32, #tpu.memory_space<vmem_shared>>
      tpu.wait_indirect_dma semaphore(%arg14 : memref<!tpu.dma_semaphore, #tpu.memory_space<semaphore_mem>>) src(%dma_wait3A_1444 : memref<80x64xf32, #tpu.memory_space<vmem>>) dst(%dma_wait3A_1450 : memref<10240x64xf32, #tpu.memory_space<vmem_shared>>)
      %dma_wait3A_1451 = arith.constant 8 : i32
      %dma_wait3A_1452 = arith.constant 8 : i32
      %dma_wait3A_1453 = arith.constant 0 : i32
      %dma_wait3A_1454 = arith.constant 0 : i32
      %dma_wait3A_1455 = tpu.memref_slice %arg8[%dma_wait3A_1451, %dma_wait3A_1453, %dma_wait3A_1454] : memref<10x80x64xf32, #tpu.memory_space<vmem>> -> memref<1x80x64xf32, #tpu.memory_space<vmem>>
      %dma_wait3A_1456 = tpu.memref_squeeze %dma_wait3A_1455 : memref<1x80x64xf32, #tpu.memory_space<vmem>> -> memref<80x64xf32, #tpu.memory_space<vmem>>
      %dma_wait3A_1457 = arith.constant 0 : i32
      %dma_wait3A_1458 = tpu.memref_slice %arg7[%dma_wait3A_1452, %dma_wait3A_1457] : memref<10x80xi32, #tpu.memory_space<vmem>> -> memref<1x80xi32, #tpu.memory_space<vmem>>
      %dma_wait3A_1459 = tpu.memref_squeeze %dma_wait3A_1458 : memref<1x80xi32, #tpu.memory_space<vmem>> -> memref<80xi32, #tpu.memory_space<vmem>>
      %dma_wait3A_1460 = arith.constant 0 : i32
      %dma_wait3A_1461 = arith.constant 0 : i32
      %dma_wait3A_1462 = tpu.memref_slice %arg10[%dma_wait3A_1460, %dma_wait3A_1461] : memref<10240x64xf32, #tpu.memory_space<vmem_shared>> -> memref<10240x64xf32, #tpu.memory_space<vmem_shared>>
      tpu.wait_indirect_dma semaphore(%arg14 : memref<!tpu.dma_semaphore, #tpu.memory_space<semaphore_mem>>) src(%dma_wait3A_1456 : memref<80x64xf32, #tpu.memory_space<vmem>>) dst(%dma_wait3A_1462 : memref<10240x64xf32, #tpu.memory_space<vmem_shared>>)
      %dma_wait3A_1463 = arith.constant 9 : i32
      %dma_wait3A_1464 = arith.constant 9 : i32
      %dma_wait3A_1465 = arith.constant 0 : i32
      %dma_wait3A_1466 = arith.constant 0 : i32
      %dma_wait3A_1467 = tpu.memref_slice %arg8[%dma_wait3A_1463, %dma_wait3A_1465, %dma_wait3A_1466] : memref<10x80x64xf32, #tpu.memory_space<vmem>> -> memref<1x80x64xf32, #tpu.memory_space<vmem>>
      %dma_wait3A_1468 = tpu.memref_squeeze %dma_wait3A_1467 : memref<1x80x64xf32, #tpu.memory_space<vmem>> -> memref<80x64xf32, #tpu.memory_space<vmem>>
      %dma_wait3A_1469 = arith.constant 0 : i32
      %dma_wait3A_1470 = tpu.memref_slice %arg7[%dma_wait3A_1464, %dma_wait3A_1469] : memref<10x80xi32, #tpu.memory_space<vmem>> -> memref<1x80xi32, #tpu.memory_space<vmem>>
      %dma_wait3A_1471 = tpu.memref_squeeze %dma_wait3A_1470 : memref<1x80xi32, #tpu.memory_space<vmem>> -> memref<80xi32, #tpu.memory_space<vmem>>
      %dma_wait3A_1472 = arith.constant 0 : i32
      %dma_wait3A_1473 = arith.constant 0 : i32
      %dma_wait3A_1474 = tpu.memref_slice %arg10[%dma_wait3A_1472, %dma_wait3A_1473] : memref<10240x64xf32, #tpu.memory_space<vmem_shared>> -> memref<10240x64xf32, #tpu.memory_space<vmem_shared>>
      tpu.wait_indirect_dma semaphore(%arg14 : memref<!tpu.dma_semaphore, #tpu.memory_space<semaphore_mem>>) src(%dma_wait3A_1468 : memref<80x64xf32, #tpu.memory_space<vmem>>) dst(%dma_wait3A_1474 : memref<10240x64xf32, #tpu.memory_space<vmem_shared>>)
      %barrier3A_1475 = arith.constant 0 : index
      tpu.barrier barrier_id(%barrier3A_1475)
      %mul3A_1476 = arith.constant 640 : i32
      %mul3A_1477 = arith.muli %arg1, %mul3A_1476 : i32
      %mul3A_1478 = arith.constant 640 : i32
      %mul3A_1479 = arith.muli %arg1, %mul3A_1478 : i32
      "tpu.region"() ({
        %run_scoped3A = tpu.sem_alloc : memref<!tpu.dma_semaphore, #tpu.memory_space<semaphore_mem>>
        %dma_start3A_1480 = arith.constant 0 : i32
        %dma_start3A_1481 = arith.constant 0 : i32
        %dma_start3A_1482 = tpu.memref_slice %arg4[%add3A_11, %dma_start3A_1480, %dma_start3A_1481] : memref<4x10240x64xf32, #tpu.memory_space<hbm>> -> memref<1x10240x64xf32, #tpu.memory_space<hbm>>
        %dma_start3A_1483 = tpu.memref_squeeze %dma_start3A_1482 : memref<1x10240x64xf32, #tpu.memory_space<hbm>> -> memref<10240x64xf32, #tpu.memory_space<hbm>>
        %dma_start3A_1484 = arith.constant 0 : i32
        %dma_start3A_1485 = tpu.memref_slice %dma_start3A_1483[%mul3A_1479, %dma_start3A_1484] : memref<10240x64xf32, #tpu.memory_space<hbm>> -> memref<640x64xf32, #tpu.memory_space<hbm>>
        %dma_start3A_1486 = arith.constant 0 : i32
        %dma_start3A_1487 = tpu.memref_slice %arg10[%mul3A_1477, %dma_start3A_1486] : memref<10240x64xf32, #tpu.memory_space<vmem_shared>> -> memref<640x64xf32, #tpu.memory_space<vmem_shared>>
        tpu.enqueue_dma source(%dma_start3A_1487 : memref<640x64xf32, #tpu.memory_space<vmem_shared>>) target(%dma_start3A_1485 : memref<640x64xf32, #tpu.memory_space<hbm>>) target_semaphore(%run_scoped3A : memref<!tpu.dma_semaphore, #tpu.memory_space<semaphore_mem>>)
        %dma_wait3A_1488 = arith.constant 0 : i32
        %dma_wait3A_1489 = arith.constant 0 : i32
        %dma_wait3A_1490 = tpu.memref_slice %arg4[%add3A_11, %dma_wait3A_1488, %dma_wait3A_1489] : memref<4x10240x64xf32, #tpu.memory_space<hbm>> -> memref<1x10240x64xf32, #tpu.memory_space<hbm>>
        %dma_wait3A_1491 = tpu.memref_squeeze %dma_wait3A_1490 : memref<1x10240x64xf32, #tpu.memory_space<hbm>> -> memref<10240x64xf32, #tpu.memory_space<hbm>>
        %dma_wait3A_1492 = arith.constant 0 : i32
        %dma_wait3A_1493 = tpu.memref_slice %dma_wait3A_1491[%mul3A_1479, %dma_wait3A_1492] : memref<10240x64xf32, #tpu.memory_space<hbm>> -> memref<640x64xf32, #tpu.memory_space<hbm>>
        %dma_wait3A_1494 = arith.constant 0 : i32
        %dma_wait3A_1495 = tpu.memref_slice %arg10[%mul3A_1477, %dma_wait3A_1494] : memref<10240x64xf32, #tpu.memory_space<vmem_shared>> -> memref<640x64xf32, #tpu.memory_space<vmem_shared>>
        tpu.wait_dma2 semaphore(%run_scoped3A : memref<!tpu.dma_semaphore, #tpu.memory_space<semaphore_mem>>) src(%dma_wait3A_1495 : memref<640x64xf32, #tpu.memory_space<vmem_shared>>) dst(%dma_wait3A_1493 : memref<640x64xf32, #tpu.memory_space<hbm>>)
        tpu.yield
      }) : () -> ()
    }
    %scan3A_4 = arith.constant 2 : i32
    return
  }
}

#map = affine_map<(d0, d1) -> (0, 0)>
#map1 = affine_map<(d0, d1) -> (0, 0, 0)>
module attributes {stable_mosaic.version = 14 : i64} {
  func.func @pre_kernel(%arg0: i32, %arg1: i32, %arg2: memref<10240x128xf32, #tpu.memory_space<hbm>>, %arg3: memref<10240x128xf32, #tpu.memory_space<hbm>>, %arg4: memref<4000x80xi32, #tpu.memory_space<hbm>>, %arg5: memref<4000x80xi32, #tpu.memory_space<hbm>>, %arg6: memref<4x10240x64xf32, #tpu.memory_space<hbm>>, %arg7: memref<10240x16xf32, #tpu.memory_space<hbm>>, %arg8: memref<4000x80xi32, #tpu.memory_space<hbm>>, %arg9: memref<250x80xi32, #tpu.memory_space<vmem>>, %arg10: memref<250x80xi32, #tpu.memory_space<vmem>>, %arg11: memref<160x64xf32, #tpu.memory_space<vmem>>, %arg12: memref<656xf32, #tpu.memory_space<vmem>>, %arg13: memref<64x16xf32, #tpu.memory_space<vmem>>, %arg14: memref<128x128xf32, #tpu.memory_space<vmem>>, %arg15: memref<128x64xf32, #tpu.memory_space<vmem>>, %arg16: memref<128x64xf32, #tpu.memory_space<vmem>>, %arg17: memref<2x80xi32, #tpu.memory_space<vmem>>, %arg18: memref<160x64xf32, #tpu.memory_space<vmem_shared>>) attributes {dimension_semantics = [#tpu.dimension_semantics<core_parallel>, #tpu.dimension_semantics<subcore_parallel>], iteration_bounds = array<i64: 2, 16>, scalar_prefetch = 0 : i64, scratch_operands = 10 : i64, tpu.core_type = #tpu.core_type<sc_vector_subcore>, window_params = [{transform_indices = #map}, {transform_indices = #map}, {transform_indices = #map}, {transform_indices = #map}, {transform_indices = #map1}, {transform_indices = #map}, {transform_indices = #map}]} {
    %mul3A = arith.constant 250 : i32
    %mul3A_0 = arith.muli %arg1, %mul3A : i32
    "tpu.region"() ({
      %run_scoped3A_46 = tpu.sem_alloc : memref<!tpu.dma_semaphore, #tpu.memory_space<semaphore_mem>>
      %dma_start3A = arith.constant 0 : i32
      %dma_start3A_47 = tpu.memref_slice %arg4[%mul3A_0, %dma_start3A] : memref<4000x80xi32, #tpu.memory_space<hbm>> -> memref<250x80xi32, #tpu.memory_space<hbm>>
      %dma_start3A_48 = arith.constant 0 : i32
      %dma_start3A_49 = tpu.memref_slice %arg4[%mul3A_0, %dma_start3A_48] : memref<4000x80xi32, #tpu.memory_space<hbm>> -> memref<250x80xi32, #tpu.memory_space<hbm>>
      tpu.enqueue_dma source(%dma_start3A_49 : memref<250x80xi32, #tpu.memory_space<hbm>>) target(%arg9 : memref<250x80xi32, #tpu.memory_space<vmem>>) target_semaphore(%run_scoped3A_46 : memref<!tpu.dma_semaphore, #tpu.memory_space<semaphore_mem>>)
      %dma_wait3A = arith.constant 0 : i32
      %dma_wait3A_50 = tpu.memref_slice %arg4[%mul3A_0, %dma_wait3A] : memref<4000x80xi32, #tpu.memory_space<hbm>> -> memref<250x80xi32, #tpu.memory_space<hbm>>
      %dma_wait3A_51 = arith.constant 0 : i32
      %dma_wait3A_52 = tpu.memref_slice %arg4[%mul3A_0, %dma_wait3A_51] : memref<4000x80xi32, #tpu.memory_space<hbm>> -> memref<250x80xi32, #tpu.memory_space<hbm>>
      tpu.wait_dma2 semaphore(%run_scoped3A_46 : memref<!tpu.dma_semaphore, #tpu.memory_space<semaphore_mem>>) src(%dma_wait3A_52 : memref<250x80xi32, #tpu.memory_space<hbm>>) dst(%arg9 : memref<250x80xi32, #tpu.memory_space<vmem>>)
      tpu.yield
    }) : () -> ()
    %mul3A_1 = arith.constant 250 : i32
    %mul3A_2 = arith.muli %arg1, %mul3A_1 : i32
    "tpu.region"() ({
      %run_scoped3A_46 = tpu.sem_alloc : memref<!tpu.dma_semaphore, #tpu.memory_space<semaphore_mem>>
      %dma_start3A = arith.constant 0 : i32
      %dma_start3A_47 = tpu.memref_slice %arg5[%mul3A_2, %dma_start3A] : memref<4000x80xi32, #tpu.memory_space<hbm>> -> memref<250x80xi32, #tpu.memory_space<hbm>>
      %dma_start3A_48 = arith.constant 0 : i32
      %dma_start3A_49 = tpu.memref_slice %arg5[%mul3A_2, %dma_start3A_48] : memref<4000x80xi32, #tpu.memory_space<hbm>> -> memref<250x80xi32, #tpu.memory_space<hbm>>
      tpu.enqueue_dma source(%dma_start3A_49 : memref<250x80xi32, #tpu.memory_space<hbm>>) target(%arg10 : memref<250x80xi32, #tpu.memory_space<vmem>>) target_semaphore(%run_scoped3A_46 : memref<!tpu.dma_semaphore, #tpu.memory_space<semaphore_mem>>)
      %dma_wait3A = arith.constant 0 : i32
      %dma_wait3A_50 = tpu.memref_slice %arg5[%mul3A_2, %dma_wait3A] : memref<4000x80xi32, #tpu.memory_space<hbm>> -> memref<250x80xi32, #tpu.memory_space<hbm>>
      %dma_wait3A_51 = arith.constant 0 : i32
      %dma_wait3A_52 = tpu.memref_slice %arg5[%mul3A_2, %dma_wait3A_51] : memref<4000x80xi32, #tpu.memory_space<hbm>> -> memref<250x80xi32, #tpu.memory_space<hbm>>
      tpu.wait_dma2 semaphore(%run_scoped3A_46 : memref<!tpu.dma_semaphore, #tpu.memory_space<semaphore_mem>>) src(%dma_wait3A_52 : memref<250x80xi32, #tpu.memory_space<hbm>>) dst(%arg10 : memref<250x80xi32, #tpu.memory_space<vmem>>)
      tpu.yield
    }) : () -> ()
    %scan3A = arith.constant 0 : i32
    %scan3A_3 = arith.constant 160 : i32
    %scan3A_4 = arith.addi %scan3A, %scan3A_3 : i32
    %scan3A_5 = arith.constant 1 : i32
    scf.for %scan3A_46 = %scan3A to %scan3A_4 step %scan3A_5  : i32 {
      %mul3A_47 = arith.constant 1 : i32
      %mul3A_48 = arith.muli %scan3A_46, %mul3A_47 : i32
      %add3A = arith.constant 0 : i32
      %add3A_49 = arith.addi %add3A, %mul3A_48 : i32
      %broadcast_in_dim3A_50 = arith.constant 0.000000e+00 : f32
      %broadcast_in_dim3A_51 = vector.broadcast %broadcast_in_dim3A_50 : f32 to vector<16xf32>
      %swap3A = arith.index_cast %add3A_49 : i32 to index
      %swap3A_52 = arith.constant 0 : index
      %swap3A_53 = tpu.vector_load %arg11[%swap3A, %swap3A_52] {strides = array<i32>} : memref<160x64xf32, #tpu.memory_space<vmem>>, vector<16xf32>,
      tpu.vector_store %arg11[%swap3A, %swap3A_52], %broadcast_in_dim3A_51 {strides = array<i32>} : memref<160x64xf32, #tpu.memory_space<vmem>>, vector<16xf32>,
      %broadcast_in_dim3A_54 = arith.constant 0.000000e+00 : f32
      %broadcast_in_dim3A_55 = vector.broadcast %broadcast_in_dim3A_54 : f32 to vector<16xf32>
      %swap3A_56 = arith.index_cast %add3A_49 : i32 to index
      %swap3A_57 = arith.constant 16 : index
      %swap3A_58 = tpu.vector_load %arg11[%swap3A_56, %swap3A_57] {strides = array<i32>} : memref<160x64xf32, #tpu.memory_space<vmem>>, vector<16xf32>,
      tpu.vector_store %arg11[%swap3A_56, %swap3A_57], %broadcast_in_dim3A_55 {strides = array<i32>} : memref<160x64xf32, #tpu.memory_space<vmem>>, vector<16xf32>,
      %broadcast_in_dim3A_59 = arith.constant 0.000000e+00 : f32
      %broadcast_in_dim3A_60 = vector.broadcast %broadcast_in_dim3A_59 : f32 to vector<16xf32>
      %swap3A_61 = arith.index_cast %add3A_49 : i32 to index
      %swap3A_62 = arith.constant 32 : index
      %swap3A_63 = tpu.vector_load %arg11[%swap3A_61, %swap3A_62] {strides = array<i32>} : memref<160x64xf32, #tpu.memory_space<vmem>>, vector<16xf32>,
      tpu.vector_store %arg11[%swap3A_61, %swap3A_62], %broadcast_in_dim3A_60 {strides = array<i32>} : memref<160x64xf32, #tpu.memory_space<vmem>>, vector<16xf32>,
      %broadcast_in_dim3A_64 = arith.constant 0.000000e+00 : f32
      %broadcast_in_dim3A_65 = vector.broadcast %broadcast_in_dim3A_64 : f32 to vector<16xf32>
      %swap3A_66 = arith.index_cast %add3A_49 : i32 to index
      %swap3A_67 = arith.constant 48 : index
      %swap3A_68 = tpu.vector_load %arg11[%swap3A_66, %swap3A_67] {strides = array<i32>} : memref<160x64xf32, #tpu.memory_space<vmem>>, vector<16xf32>,
      tpu.vector_store %arg11[%swap3A_66, %swap3A_67], %broadcast_in_dim3A_65 {strides = array<i32>} : memref<160x64xf32, #tpu.memory_space<vmem>>, vector<16xf32>,
    }
    %scan3A_6 = arith.constant 160 : i32
    %scan3A_7 = arith.constant 0 : i32
    %scan3A_8 = arith.constant 2 : i32
    %scan3A_9 = arith.addi %scan3A_7, %scan3A_8 : i32
    %scan3A_10 = arith.constant 1 : i32
    scf.for %scan3A_46 = %scan3A_7 to %scan3A_9 step %scan3A_10  : i32 {
      %mul3A_47 = arith.constant 1 : i32
      %mul3A_48 = arith.muli %scan3A_46, %mul3A_47 : i32
      %add3A = arith.constant 0 : i32
      %add3A_49 = arith.addi %add3A, %mul3A_48 : i32
      %iota3A = tpu.iota {dimensions = array<i32: 0>} : vector<16xi32>
      %mul3A_50 = arith.constant 80 : i32
      %mul3A_51 = arith.muli %add3A_49, %mul3A_50 : i32
      %add3A_52 = vector.broadcast %mul3A_51 : i32 to vector<16xi32>
      %add3A_53 = arith.addi %iota3A, %add3A_52 : vector<16xi32>
      %add3A_54 = arith.constant 0 : i32
      %add3A_55 = vector.broadcast %add3A_54 : i32 to vector<16xi32>
      %add3A_56 = arith.addi %add3A_53, %add3A_55 : vector<16xi32>
      %swap3A = arith.index_cast %add3A_49 : i32 to index
      %swap3A_57 = arith.constant 0 : index
      %swap3A_58 = tpu.vector_load %arg17[%swap3A, %swap3A_57] {strides = array<i32>} : memref<2x80xi32, #tpu.memory_space<vmem>>, vector<16xi32>,
      tpu.vector_store %arg17[%swap3A, %swap3A_57], %add3A_56 {strides = array<i32>} : memref<2x80xi32, #tpu.memory_space<vmem>>, vector<16xi32>,
      %iota3A_59 = tpu.iota {dimensions = array<i32: 0>} : vector<16xi32>
      %mul3A_60 = arith.constant 80 : i32
      %mul3A_61 = arith.muli %add3A_49, %mul3A_60 : i32
      %add3A_62 = vector.broadcast %mul3A_61 : i32 to vector<16xi32>
      %add3A_63 = arith.addi %iota3A_59, %add3A_62 : vector<16xi32>
      %add3A_64 = arith.constant 16 : i32
      %add3A_65 = vector.broadcast %add3A_64 : i32 to vector<16xi32>
      %add3A_66 = arith.addi %add3A_63, %add3A_65 : vector<16xi32>
      %swap3A_67 = arith.index_cast %add3A_49 : i32 to index
      %swap3A_68 = arith.constant 16 : index
      %swap3A_69 = tpu.vector_load %arg17[%swap3A_67, %swap3A_68] {strides = array<i32>} : memref<2x80xi32, #tpu.memory_space<vmem>>, vector<16xi32>,
      tpu.vector_store %arg17[%swap3A_67, %swap3A_68], %add3A_66 {strides = array<i32>} : memref<2x80xi32, #tpu.memory_space<vmem>>, vector<16xi32>,
      %iota3A_70 = tpu.iota {dimensions = array<i32: 0>} : vector<16xi32>
      %mul3A_71 = arith.constant 80 : i32
      %mul3A_72 = arith.muli %add3A_49, %mul3A_71 : i32
      %add3A_73 = vector.broadcast %mul3A_72 : i32 to vector<16xi32>
      %add3A_74 = arith.addi %iota3A_70, %add3A_73 : vector<16xi32>
      %add3A_75 = arith.constant 32 : i32
      %add3A_76 = vector.broadcast %add3A_75 : i32 to vector<16xi32>
      %add3A_77 = arith.addi %add3A_74, %add3A_76 : vector<16xi32>
      %swap3A_78 = arith.index_cast %add3A_49 : i32 to index
      %swap3A_79 = arith.constant 32 : index
      %swap3A_80 = tpu.vector_load %arg17[%swap3A_78, %swap3A_79] {strides = array<i32>} : memref<2x80xi32, #tpu.memory_space<vmem>>, vector<16xi32>,
      tpu.vector_store %arg17[%swap3A_78, %swap3A_79], %add3A_77 {strides = array<i32>} : memref<2x80xi32, #tpu.memory_space<vmem>>, vector<16xi32>,
      %iota3A_81 = tpu.iota {dimensions = array<i32: 0>} : vector<16xi32>
      %mul3A_82 = arith.constant 80 : i32
      %mul3A_83 = arith.muli %add3A_49, %mul3A_82 : i32
      %add3A_84 = vector.broadcast %mul3A_83 : i32 to vector<16xi32>
      %add3A_85 = arith.addi %iota3A_81, %add3A_84 : vector<16xi32>
      %add3A_86 = arith.constant 48 : i32
      %add3A_87 = vector.broadcast %add3A_86 : i32 to vector<16xi32>
      %add3A_88 = arith.addi %add3A_85, %add3A_87 : vector<16xi32>
      %swap3A_89 = arith.index_cast %add3A_49 : i32 to index
      %swap3A_90 = arith.constant 48 : index
      %swap3A_91 = tpu.vector_load %arg17[%swap3A_89, %swap3A_90] {strides = array<i32>} : memref<2x80xi32, #tpu.memory_space<vmem>>, vector<16xi32>,
      tpu.vector_store %arg17[%swap3A_89, %swap3A_90], %add3A_88 {strides = array<i32>} : memref<2x80xi32, #tpu.memory_space<vmem>>, vector<16xi32>,
      %iota3A_92 = tpu.iota {dimensions = array<i32: 0>} : vector<16xi32>
      %mul3A_93 = arith.constant 80 : i32
      %mul3A_94 = arith.muli %add3A_49, %mul3A_93 : i32
      %add3A_95 = vector.broadcast %mul3A_94 : i32 to vector<16xi32>
      %add3A_96 = arith.addi %iota3A_92, %add3A_95 : vector<16xi32>
      %add3A_97 = arith.constant 64 : i32
      %add3A_98 = vector.broadcast %add3A_97 : i32 to vector<16xi32>
      %add3A_99 = arith.addi %add3A_96, %add3A_98 : vector<16xi32>
      %swap3A_100 = arith.index_cast %add3A_49 : i32 to index
      %swap3A_101 = arith.constant 64 : index
      %swap3A_102 = tpu.vector_load %arg17[%swap3A_100, %swap3A_101] {strides = array<i32>} : memref<2x80xi32, #tpu.memory_space<vmem>>, vector<16xi32>,
      tpu.vector_store %arg17[%swap3A_100, %swap3A_101], %add3A_99 {strides = array<i32>} : memref<2x80xi32, #tpu.memory_space<vmem>>, vector<16xi32>,
    }
    %scan3A_11 = arith.constant 2 : i32
    %scan3A_12 = arith.constant 0 : i32
    %scan3A_13 = arith.constant 10 : i32
    %scan3A_14 = arith.addi %scan3A_12, %scan3A_13 : i32
    %scan3A_15 = arith.constant 1 : i32
    scf.for %scan3A_46 = %scan3A_12 to %scan3A_14 step %scan3A_15  : i32 {
      %mul3A_47 = arith.constant 1 : i32
      %mul3A_48 = arith.muli %scan3A_46, %mul3A_47 : i32
      %add3A = arith.constant 0 : i32
      %add3A_49 = arith.addi %add3A, %mul3A_48 : i32
      %broadcast_in_dim3A_50 = arith.constant 0.000000e+00 : f32
      %broadcast_in_dim3A_51 = vector.broadcast %broadcast_in_dim3A_50 : f32 to vector<16xf32>
      %swap3A = arith.index_cast %add3A_49 : i32 to index
      %swap3A_52 = arith.constant 0 : index
      %swap3A_53 = tpu.vector_load %arg15[%swap3A, %swap3A_52] {strides = array<i32>} : memref<128x64xf32, #tpu.memory_space<vmem>>, vector<16xf32>,
      tpu.vector_store %arg15[%swap3A, %swap3A_52], %broadcast_in_dim3A_51 {strides = array<i32>} : memref<128x64xf32, #tpu.memory_space<vmem>>, vector<16xf32>,
      %broadcast_in_dim3A_54 = arith.constant 0.000000e+00 : f32
      %broadcast_in_dim3A_55 = vector.broadcast %broadcast_in_dim3A_54 : f32 to vector<16xf32>
      %swap3A_56 = arith.index_cast %add3A_49 : i32 to index
      %swap3A_57 = arith.constant 16 : index
      %swap3A_58 = tpu.vector_load %arg15[%swap3A_56, %swap3A_57] {strides = array<i32>} : memref<128x64xf32, #tpu.memory_space<vmem>>, vector<16xf32>,
      tpu.vector_store %arg15[%swap3A_56, %swap3A_57], %broadcast_in_dim3A_55 {strides = array<i32>} : memref<128x64xf32, #tpu.memory_space<vmem>>, vector<16xf32>,
      %broadcast_in_dim3A_59 = arith.constant 0.000000e+00 : f32
      %broadcast_in_dim3A_60 = vector.broadcast %broadcast_in_dim3A_59 : f32 to vector<16xf32>
      %swap3A_61 = arith.index_cast %add3A_49 : i32 to index
      %swap3A_62 = arith.constant 32 : index
      %swap3A_63 = tpu.vector_load %arg15[%swap3A_61, %swap3A_62] {strides = array<i32>} : memref<128x64xf32, #tpu.memory_space<vmem>>, vector<16xf32>,
      tpu.vector_store %arg15[%swap3A_61, %swap3A_62], %broadcast_in_dim3A_60 {strides = array<i32>} : memref<128x64xf32, #tpu.memory_space<vmem>>, vector<16xf32>,
      %broadcast_in_dim3A_64 = arith.constant 0.000000e+00 : f32
      %broadcast_in_dim3A_65 = vector.broadcast %broadcast_in_dim3A_64 : f32 to vector<16xf32>
      %swap3A_66 = arith.index_cast %add3A_49 : i32 to index
      %swap3A_67 = arith.constant 48 : index
      %swap3A_68 = tpu.vector_load %arg15[%swap3A_66, %swap3A_67] {strides = array<i32>} : memref<128x64xf32, #tpu.memory_space<vmem>>, vector<16xf32>,
      tpu.vector_store %arg15[%swap3A_66, %swap3A_67], %broadcast_in_dim3A_65 {strides = array<i32>} : memref<128x64xf32, #tpu.memory_space<vmem>>, vector<16xf32>,
    }
    %scan3A_16 = arith.constant 10 : i32
    %mul3A_17 = arith.constant 10 : i32
    %mul3A_18 = arith.muli %arg1, %mul3A_17 : i32
    "tpu.region"() ({
      %run_scoped3A_46 = tpu.sem_alloc : memref<!tpu.dma_semaphore, #tpu.memory_space<semaphore_mem>>
      %dma_start3A = arith.constant 0 : i32
      %dma_start3A_47 = arith.constant 0 : i32
      %dma_start3A_48 = tpu.memref_slice %arg15[%dma_start3A, %dma_start3A_47] : memref<128x64xf32, #tpu.memory_space<vmem>> -> memref<10x64xf32, #tpu.memory_space<vmem>>
      %dma_start3A_49 = arith.constant 0 : i32
      %dma_start3A_50 = tpu.memref_slice %arg18[%mul3A_18, %dma_start3A_49] : memref<160x64xf32, #tpu.memory_space<vmem_shared>> -> memref<10x64xf32, #tpu.memory_space<vmem_shared>>
      %dma_start3A_51 = arith.constant 0 : i32
      %dma_start3A_52 = tpu.memref_slice %arg18[%mul3A_18, %dma_start3A_51] : memref<160x64xf32, #tpu.memory_space<vmem_shared>> -> memref<10x64xf32, #tpu.memory_space<vmem_shared>>
      %dma_start3A_53 = arith.constant 0 : i32
      %dma_start3A_54 = arith.constant 0 : i32
      %dma_start3A_55 = tpu.memref_slice %arg15[%dma_start3A_53, %dma_start3A_54] : memref<128x64xf32, #tpu.memory_space<vmem>> -> memref<10x64xf32, #tpu.memory_space<vmem>>
      tpu.enqueue_dma source(%dma_start3A_55 : memref<10x64xf32, #tpu.memory_space<vmem>>) target(%dma_start3A_52 : memref<10x64xf32, #tpu.memory_space<vmem_shared>>) target_semaphore(%run_scoped3A_46 : memref<!tpu.dma_semaphore, #tpu.memory_space<semaphore_mem>>)
      %dma_wait3A = arith.constant 0 : i32
      %dma_wait3A_56 = arith.constant 0 : i32
      %dma_wait3A_57 = tpu.memref_slice %arg15[%dma_wait3A, %dma_wait3A_56] : memref<128x64xf32, #tpu.memory_space<vmem>> -> memref<10x64xf32, #tpu.memory_space<vmem>>
      %dma_wait3A_58 = arith.constant 0 : i32
      %dma_wait3A_59 = tpu.memref_slice %arg18[%mul3A_18, %dma_wait3A_58] : memref<160x64xf32, #tpu.memory_space<vmem_shared>> -> memref<10x64xf32, #tpu.memory_space<vmem_shared>>
      %dma_wait3A_60 = arith.constant 0 : i32
      %dma_wait3A_61 = tpu.memref_slice %arg18[%mul3A_18, %dma_wait3A_60] : memref<160x64xf32, #tpu.memory_space<vmem_shared>> -> memref<10x64xf32, #tpu.memory_space<vmem_shared>>
      %dma_wait3A_62 = arith.constant 0 : i32
      %dma_wait3A_63 = arith.constant 0 : i32
      %dma_wait3A_64 = tpu.memref_slice %arg15[%dma_wait3A_62, %dma_wait3A_63] : memref<128x64xf32, #tpu.memory_space<vmem>> -> memref<10x64xf32, #tpu.memory_space<vmem>>
      tpu.wait_dma2 semaphore(%run_scoped3A_46 : memref<!tpu.dma_semaphore, #tpu.memory_space<semaphore_mem>>) src(%dma_wait3A_64 : memref<10x64xf32, #tpu.memory_space<vmem>>) dst(%dma_wait3A_61 : memref<10x64xf32, #tpu.memory_space<vmem_shared>>)
      tpu.yield
    }) : () -> ()
    %broadcast_in_dim3A = arith.constant 1.000000e+00 : f32
    %broadcast_in_dim3A_19 = vector.broadcast %broadcast_in_dim3A : f32 to vector<16xf32>
    %scan3A_20 = arith.constant 0 : i32
    %scan3A_21 = arith.constant 250 : i32
    %scan3A_22 = arith.addi %scan3A_20, %scan3A_21 : i32
    %scan3A_23 = arith.constant 1 : i32
    scf.for %scan3A_46 = %scan3A_20 to %scan3A_22 step %scan3A_23  : i32 {
      %mul3A_47 = arith.constant 1 : i32
      %mul3A_48 = arith.muli %scan3A_46, %mul3A_47 : i32
      %add3A = arith.constant 0 : i32
      %add3A_49 = arith.addi %add3A, %mul3A_48 : i32
      %get3A = arith.index_cast %add3A_49 : i32 to index
      %get3A_50 = arith.constant 0 : index
      %get3A_51 = tpu.vector_load %arg10[%get3A, %get3A_50] {strides = array<i32>} : memref<250x80xi32, #tpu.memory_space<vmem>>, vector<16xi32>,
      %shift_right_logical3A = arith.constant 6 : i32
      %shift_right_logical3A_52 = vector.broadcast %shift_right_logical3A : i32 to vector<16xi32>
      %shift_right_logical3A_53 = arith.shrui %get3A_51, %shift_right_logical3A_52 : vector<16xi32>
      %and3A = arith.constant 63 : i32
      %and3A_54 = vector.broadcast %and3A : i32 to vector<16xi32>
      %and3A_55 = arith.andi %get3A_51, %and3A_54 : vector<16xi32>
      tpu.vector_store_idx %arg11[%shift_right_logical3A_53, %and3A_55], %broadcast_in_dim3A_19 {add = true} : memref<160x64xf32, #tpu.memory_space<vmem>>[vector<16xi32>, vector<16xi32>], vector<16xf32>,
      %get3A_56 = arith.index_cast %add3A_49 : i32 to index
      %get3A_57 = arith.constant 0 : index
      %get3A_58 = tpu.vector_load %arg9[%get3A_56, %get3A_57] {strides = array<i32>} : memref<250x80xi32, #tpu.memory_space<vmem>>, vector<16xi32>,
      %shift_left3A = arith.constant 16 : i32
      %shift_left3A_59 = vector.broadcast %shift_left3A : i32 to vector<16xi32>
      %shift_left3A_60 = arith.shli %get3A_58, %shift_left3A_59 : vector<16xi32>
      %or3A = arith.ori %shift_left3A_60, %get3A_51 : vector<16xi32>
      %swap3A = arith.index_cast %add3A_49 : i32 to index
      %swap3A_61 = arith.constant 0 : index
      %swap3A_62 = tpu.vector_load %arg10[%swap3A, %swap3A_61] {strides = array<i32>} : memref<250x80xi32, #tpu.memory_space<vmem>>, vector<16xi32>,
      tpu.vector_store %arg10[%swap3A, %swap3A_61], %or3A {strides = array<i32>} : memref<250x80xi32, #tpu.memory_space<vmem>>, vector<16xi32>,
      %get3A_63 = arith.index_cast %add3A_49 : i32 to index
      %get3A_64 = arith.constant 16 : index
      %get3A_65 = tpu.vector_load %arg10[%get3A_63, %get3A_64] {strides = array<i32>} : memref<250x80xi32, #tpu.memory_space<vmem>>, vector<16xi32>,
      %shift_right_logical3A_66 = arith.constant 6 : i32
      %shift_right_logical3A_67 = vector.broadcast %shift_right_logical3A_66 : i32 to vector<16xi32>
      %shift_right_logical3A_68 = arith.shrui %get3A_65, %shift_right_logical3A_67 : vector<16xi32>
      %and3A_69 = arith.constant 63 : i32
      %and3A_70 = vector.broadcast %and3A_69 : i32 to vector<16xi32>
      %and3A_71 = arith.andi %get3A_65, %and3A_70 : vector<16xi32>
      tpu.vector_store_idx %arg11[%shift_right_logical3A_68, %and3A_71], %broadcast_in_dim3A_19 {add = true} : memref<160x64xf32, #tpu.memory_space<vmem>>[vector<16xi32>, vector<16xi32>], vector<16xf32>,
      %get3A_72 = arith.index_cast %add3A_49 : i32 to index
      %get3A_73 = arith.constant 16 : index
      %get3A_74 = tpu.vector_load %arg9[%get3A_72, %get3A_73] {strides = array<i32>} : memref<250x80xi32, #tpu.memory_space<vmem>>, vector<16xi32>,
      %shift_left3A_75 = arith.constant 16 : i32
      %shift_left3A_76 = vector.broadcast %shift_left3A_75 : i32 to vector<16xi32>
      %shift_left3A_77 = arith.shli %get3A_74, %shift_left3A_76 : vector<16xi32>
      %or3A_78 = arith.ori %shift_left3A_77, %get3A_65 : vector<16xi32>
      %swap3A_79 = arith.index_cast %add3A_49 : i32 to index
      %swap3A_80 = arith.constant 16 : index
      %swap3A_81 = tpu.vector_load %arg10[%swap3A_79, %swap3A_80] {strides = array<i32>} : memref<250x80xi32, #tpu.memory_space<vmem>>, vector<16xi32>,
      tpu.vector_store %arg10[%swap3A_79, %swap3A_80], %or3A_78 {strides = array<i32>} : memref<250x80xi32, #tpu.memory_space<vmem>>, vector<16xi32>,
      %get3A_82 = arith.index_cast %add3A_49 : i32 to index
      %get3A_83 = arith.constant 32 : index
      %get3A_84 = tpu.vector_load %arg10[%get3A_82, %get3A_83] {strides = array<i32>} : memref<250x80xi32, #tpu.memory_space<vmem>>, vector<16xi32>,
      %shift_right_logical3A_85 = arith.constant 6 : i32
      %shift_right_logical3A_86 = vector.broadcast %shift_right_logical3A_85 : i32 to vector<16xi32>
      %shift_right_logical3A_87 = arith.shrui %get3A_84, %shift_right_logical3A_86 : vector<16xi32>
      %and3A_88 = arith.constant 63 : i32
      %and3A_89 = vector.broadcast %and3A_88 : i32 to vector<16xi32>
      %and3A_90 = arith.andi %get3A_84, %and3A_89 : vector<16xi32>
      tpu.vector_store_idx %arg11[%shift_right_logical3A_87, %and3A_90], %broadcast_in_dim3A_19 {add = true} : memref<160x64xf32, #tpu.memory_space<vmem>>[vector<16xi32>, vector<16xi32>], vector<16xf32>,
      %get3A_91 = arith.index_cast %add3A_49 : i32 to index
      %get3A_92 = arith.constant 32 : index
      %get3A_93 = tpu.vector_load %arg9[%get3A_91, %get3A_92] {strides = array<i32>} : memref<250x80xi32, #tpu.memory_space<vmem>>, vector<16xi32>,
      %shift_left3A_94 = arith.constant 16 : i32
      %shift_left3A_95 = vector.broadcast %shift_left3A_94 : i32 to vector<16xi32>
      %shift_left3A_96 = arith.shli %get3A_93, %shift_left3A_95 : vector<16xi32>
      %or3A_97 = arith.ori %shift_left3A_96, %get3A_84 : vector<16xi32>
      %swap3A_98 = arith.index_cast %add3A_49 : i32 to index
      %swap3A_99 = arith.constant 32 : index
      %swap3A_100 = tpu.vector_load %arg10[%swap3A_98, %swap3A_99] {strides = array<i32>} : memref<250x80xi32, #tpu.memory_space<vmem>>, vector<16xi32>,
      tpu.vector_store %arg10[%swap3A_98, %swap3A_99], %or3A_97 {strides = array<i32>} : memref<250x80xi32, #tpu.memory_space<vmem>>, vector<16xi32>,
      %get3A_101 = arith.index_cast %add3A_49 : i32 to index
      %get3A_102 = arith.constant 48 : index
      %get3A_103 = tpu.vector_load %arg10[%get3A_101, %get3A_102] {strides = array<i32>} : memref<250x80xi32, #tpu.memory_space<vmem>>, vector<16xi32>,
      %shift_right_logical3A_104 = arith.constant 6 : i32
      %shift_right_logical3A_105 = vector.broadcast %shift_right_logical3A_104 : i32 to vector<16xi32>
      %shift_right_logical3A_106 = arith.shrui %get3A_103, %shift_right_logical3A_105 : vector<16xi32>
      %and3A_107 = arith.constant 63 : i32
      %and3A_108 = vector.broadcast %and3A_107 : i32 to vector<16xi32>
      %and3A_109 = arith.andi %get3A_103, %and3A_108 : vector<16xi32>
      tpu.vector_store_idx %arg11[%shift_right_logical3A_106, %and3A_109], %broadcast_in_dim3A_19 {add = true} : memref<160x64xf32, #tpu.memory_space<vmem>>[vector<16xi32>, vector<16xi32>], vector<16xf32>,
      %get3A_110 = arith.index_cast %add3A_49 : i32 to index
      %get3A_111 = arith.constant 48 : index
      %get3A_112 = tpu.vector_load %arg9[%get3A_110, %get3A_111] {strides = array<i32>} : memref<250x80xi32, #tpu.memory_space<vmem>>, vector<16xi32>,
      %shift_left3A_113 = arith.constant 16 : i32
      %shift_left3A_114 = vector.broadcast %shift_left3A_113 : i32 to vector<16xi32>
      %shift_left3A_115 = arith.shli %get3A_112, %shift_left3A_114 : vector<16xi32>
      %or3A_116 = arith.ori %shift_left3A_115, %get3A_103 : vector<16xi32>
      %swap3A_117 = arith.index_cast %add3A_49 : i32 to index
      %swap3A_118 = arith.constant 48 : index
      %swap3A_119 = tpu.vector_load %arg10[%swap3A_117, %swap3A_118] {strides = array<i32>} : memref<250x80xi32, #tpu.memory_space<vmem>>, vector<16xi32>,
      tpu.vector_store %arg10[%swap3A_117, %swap3A_118], %or3A_116 {strides = array<i32>} : memref<250x80xi32, #tpu.memory_space<vmem>>, vector<16xi32>,
      %get3A_120 = arith.index_cast %add3A_49 : i32 to index
      %get3A_121 = arith.constant 64 : index
      %get3A_122 = tpu.vector_load %arg10[%get3A_120, %get3A_121] {strides = array<i32>} : memref<250x80xi32, #tpu.memory_space<vmem>>, vector<16xi32>,
      %shift_right_logical3A_123 = arith.constant 6 : i32
      %shift_right_logical3A_124 = vector.broadcast %shift_right_logical3A_123 : i32 to vector<16xi32>
      %shift_right_logical3A_125 = arith.shrui %get3A_122, %shift_right_logical3A_124 : vector<16xi32>
      %and3A_126 = arith.constant 63 : i32
      %and3A_127 = vector.broadcast %and3A_126 : i32 to vector<16xi32>
      %and3A_128 = arith.andi %get3A_122, %and3A_127 : vector<16xi32>
      tpu.vector_store_idx %arg11[%shift_right_logical3A_125, %and3A_128], %broadcast_in_dim3A_19 {add = true} : memref<160x64xf32, #tpu.memory_space<vmem>>[vector<16xi32>, vector<16xi32>], vector<16xf32>,
      %get3A_129 = arith.index_cast %add3A_49 : i32 to index
      %get3A_130 = arith.constant 64 : index
      %get3A_131 = tpu.vector_load %arg9[%get3A_129, %get3A_130] {strides = array<i32>} : memref<250x80xi32, #tpu.memory_space<vmem>>, vector<16xi32>,
      %shift_left3A_132 = arith.constant 16 : i32
      %shift_left3A_133 = vector.broadcast %shift_left3A_132 : i32 to vector<16xi32>
      %shift_left3A_134 = arith.shli %get3A_131, %shift_left3A_133 : vector<16xi32>
      %or3A_135 = arith.ori %shift_left3A_134, %get3A_122 : vector<16xi32>
      %swap3A_136 = arith.index_cast %add3A_49 : i32 to index
      %swap3A_137 = arith.constant 64 : index
      %swap3A_138 = tpu.vector_load %arg10[%swap3A_136, %swap3A_137] {strides = array<i32>} : memref<250x80xi32, #tpu.memory_space<vmem>>, vector<16xi32>,
      tpu.vector_store %arg10[%swap3A_136, %swap3A_137], %or3A_135 {strides = array<i32>} : memref<250x80xi32, #tpu.memory_space<vmem>>, vector<16xi32>,
    }
    %scan3A_24 = arith.constant 250 : i32
    %mul3A_25 = arith.constant 250 : i32
    %mul3A_26 = arith.muli %arg1, %mul3A_25 : i32
    "tpu.region"() ({
      %run_scoped3A_46 = tpu.sem_alloc : memref<!tpu.dma_semaphore, #tpu.memory_space<semaphore_mem>>
      %dma_start3A = arith.constant 0 : i32
      %dma_start3A_47 = tpu.memref_slice %arg8[%mul3A_26, %dma_start3A] : memref<4000x80xi32, #tpu.memory_space<hbm>> -> memref<250x80xi32, #tpu.memory_space<hbm>>
      %dma_start3A_48 = arith.constant 0 : i32
      %dma_start3A_49 = tpu.memref_slice %arg8[%mul3A_26, %dma_start3A_48] : memref<4000x80xi32, #tpu.memory_space<hbm>> -> memref<250x80xi32, #tpu.memory_space<hbm>>
      tpu.enqueue_dma source(%arg10 : memref<250x80xi32, #tpu.memory_space<vmem>>) target(%dma_start3A_49 : memref<250x80xi32, #tpu.memory_space<hbm>>) target_semaphore(%run_scoped3A_46 : memref<!tpu.dma_semaphore, #tpu.memory_space<semaphore_mem>>)
      %dma_wait3A = arith.constant 0 : i32
      %dma_wait3A_50 = tpu.memref_slice %arg8[%mul3A_26, %dma_wait3A] : memref<4000x80xi32, #tpu.memory_space<hbm>> -> memref<250x80xi32, #tpu.memory_space<hbm>>
      %dma_wait3A_51 = arith.constant 0 : i32
      %dma_wait3A_52 = tpu.memref_slice %arg8[%mul3A_26, %dma_wait3A_51] : memref<4000x80xi32, #tpu.memory_space<hbm>> -> memref<250x80xi32, #tpu.memory_space<hbm>>
      tpu.wait_dma2 semaphore(%run_scoped3A_46 : memref<!tpu.dma_semaphore, #tpu.memory_space<semaphore_mem>>) src(%arg10 : memref<250x80xi32, #tpu.memory_space<vmem>>) dst(%dma_wait3A_52 : memref<250x80xi32, #tpu.memory_space<hbm>>)
      tpu.yield
    }) : () -> ()
    %barrier3A = arith.constant 0 : index
    tpu.barrier barrier_id(%barrier3A)
    %run_scoped3A = arith.constant 0 : i32
    "tpu.region"() ({
      %run_scoped3A_46 = tpu.sem_alloc : memref<!tpu.dma_semaphore, #tpu.memory_space<semaphore_mem>>
      %dma_start3A = arith.constant 0 : i32
      %dma_start3A_47 = arith.constant 0 : i32
      %dma_start3A_48 = tpu.memref_slice %arg11[%dma_start3A, %dma_start3A_47] : memref<160x64xf32, #tpu.memory_space<vmem>> -> memref<80x64xf32, #tpu.memory_space<vmem>>
      %dma_start3A_49 = arith.constant 0 : i32
      %dma_start3A_50 = tpu.memref_slice %arg17[%run_scoped3A, %dma_start3A_49] : memref<2x80xi32, #tpu.memory_space<vmem>> -> memref<1x80xi32, #tpu.memory_space<vmem>>
      %dma_start3A_51 = tpu.memref_squeeze %dma_start3A_50 : memref<1x80xi32, #tpu.memory_space<vmem>> -> memref<80xi32, #tpu.memory_space<vmem>>
      %dma_start3A_52 = arith.constant 0 : i32
      %dma_start3A_53 = arith.constant 0 : i32
      %dma_start3A_54 = tpu.memref_slice %arg18[%dma_start3A_52, %dma_start3A_53] : memref<160x64xf32, #tpu.memory_space<vmem_shared>> -> memref<160x64xf32, #tpu.memory_space<vmem_shared>>
      tpu.enqueue_indirect_dma source(%dma_start3A_48 : memref<80x64xf32, #tpu.memory_space<vmem>>) target(%dma_start3A_54 : memref<160x64xf32, #tpu.memory_space<vmem_shared>>) offsets(%dma_start3A_51 : memref<80xi32, #tpu.memory_space<vmem>>) semaphore(%run_scoped3A_46 : memref<!tpu.dma_semaphore, #tpu.memory_space<semaphore_mem>>) {add = true}
      %dma_wait3A = arith.constant 0 : i32
      %dma_wait3A_55 = arith.constant 0 : i32
      %dma_wait3A_56 = tpu.memref_slice %arg11[%dma_wait3A, %dma_wait3A_55] : memref<160x64xf32, #tpu.memory_space<vmem>> -> memref<80x64xf32, #tpu.memory_space<vmem>>
      %dma_wait3A_57 = arith.constant 0 : i32
      %dma_wait3A_58 = tpu.memref_slice %arg17[%run_scoped3A, %dma_wait3A_57] : memref<2x80xi32, #tpu.memory_space<vmem>> -> memref<1x80xi32, #tpu.memory_space<vmem>>
      %dma_wait3A_59 = tpu.memref_squeeze %dma_wait3A_58 : memref<1x80xi32, #tpu.memory_space<vmem>> -> memref<80xi32, #tpu.memory_space<vmem>>
      %dma_wait3A_60 = arith.constant 0 : i32
      %dma_wait3A_61 = arith.constant 0 : i32
      %dma_wait3A_62 = tpu.memref_slice %arg18[%dma_wait3A_60, %dma_wait3A_61] : memref<160x64xf32, #tpu.memory_space<vmem_shared>> -> memref<160x64xf32, #tpu.memory_space<vmem_shared>>
      tpu.wait_indirect_dma semaphore(%run_scoped3A_46 : memref<!tpu.dma_semaphore, #tpu.memory_space<semaphore_mem>>) src(%dma_wait3A_56 : memref<80x64xf32, #tpu.memory_space<vmem>>) dst(%dma_wait3A_62 : memref<160x64xf32, #tpu.memory_space<vmem_shared>>)
      tpu.yield
    }) : () -> ()
    %run_scoped3A_27 = arith.constant 1 : i32
    "tpu.region"() ({
      %run_scoped3A_46 = tpu.sem_alloc : memref<!tpu.dma_semaphore, #tpu.memory_space<semaphore_mem>>
      %dma_start3A = arith.constant 80 : i32
      %dma_start3A_47 = arith.constant 0 : i32
      %dma_start3A_48 = tpu.memref_slice %arg11[%dma_start3A, %dma_start3A_47] : memref<160x64xf32, #tpu.memory_space<vmem>> -> memref<80x64xf32, #tpu.memory_space<vmem>>
      %dma_start3A_49 = arith.constant 0 : i32
      %dma_start3A_50 = tpu.memref_slice %arg17[%run_scoped3A_27, %dma_start3A_49] : memref<2x80xi32, #tpu.memory_space<vmem>> -> memref<1x80xi32, #tpu.memory_space<vmem>>
      %dma_start3A_51 = tpu.memref_squeeze %dma_start3A_50 : memref<1x80xi32, #tpu.memory_space<vmem>> -> memref<80xi32, #tpu.memory_space<vmem>>
      %dma_start3A_52 = arith.constant 0 : i32
      %dma_start3A_53 = arith.constant 0 : i32
      %dma_start3A_54 = tpu.memref_slice %arg18[%dma_start3A_52, %dma_start3A_53] : memref<160x64xf32, #tpu.memory_space<vmem_shared>> -> memref<160x64xf32, #tpu.memory_space<vmem_shared>>
      tpu.enqueue_indirect_dma source(%dma_start3A_48 : memref<80x64xf32, #tpu.memory_space<vmem>>) target(%dma_start3A_54 : memref<160x64xf32, #tpu.memory_space<vmem_shared>>) offsets(%dma_start3A_51 : memref<80xi32, #tpu.memory_space<vmem>>) semaphore(%run_scoped3A_46 : memref<!tpu.dma_semaphore, #tpu.memory_space<semaphore_mem>>) {add = true}
      %dma_wait3A = arith.constant 80 : i32
      %dma_wait3A_55 = arith.constant 0 : i32
      %dma_wait3A_56 = tpu.memref_slice %arg11[%dma_wait3A, %dma_wait3A_55] : memref<160x64xf32, #tpu.memory_space<vmem>> -> memref<80x64xf32, #tpu.memory_space<vmem>>
      %dma_wait3A_57 = arith.constant 0 : i32
      %dma_wait3A_58 = tpu.memref_slice %arg17[%run_scoped3A_27, %dma_wait3A_57] : memref<2x80xi32, #tpu.memory_space<vmem>> -> memref<1x80xi32, #tpu.memory_space<vmem>>
      %dma_wait3A_59 = tpu.memref_squeeze %dma_wait3A_58 : memref<1x80xi32, #tpu.memory_space<vmem>> -> memref<80xi32, #tpu.memory_space<vmem>>
      %dma_wait3A_60 = arith.constant 0 : i32
      %dma_wait3A_61 = arith.constant 0 : i32
      %dma_wait3A_62 = tpu.memref_slice %arg18[%dma_wait3A_60, %dma_wait3A_61] : memref<160x64xf32, #tpu.memory_space<vmem_shared>> -> memref<160x64xf32, #tpu.memory_space<vmem_shared>>
      tpu.wait_indirect_dma semaphore(%run_scoped3A_46 : memref<!tpu.dma_semaphore, #tpu.memory_space<semaphore_mem>>) src(%dma_wait3A_56 : memref<80x64xf32, #tpu.memory_space<vmem>>) dst(%dma_wait3A_62 : memref<160x64xf32, #tpu.memory_space<vmem_shared>>)
      tpu.yield
    }) : () -> ()
    %barrier3A_28 = arith.constant 0 : index
    tpu.barrier barrier_id(%barrier3A_28)
    %mul3A_29 = arith.constant 10 : i32
    %mul3A_30 = arith.muli %arg1, %mul3A_29 : i32
    "tpu.region"() ({
      %run_scoped3A_46 = tpu.sem_alloc : memref<!tpu.dma_semaphore, #tpu.memory_space<semaphore_mem>>
      %dma_start3A = arith.constant 0 : i32
      %dma_start3A_47 = arith.constant 0 : i32
      %dma_start3A_48 = tpu.memref_slice %arg11[%dma_start3A, %dma_start3A_47] : memref<160x64xf32, #tpu.memory_space<vmem>> -> memref<10x64xf32, #tpu.memory_space<vmem>>
      %dma_start3A_49 = arith.constant 0 : i32
      %dma_start3A_50 = tpu.memref_slice %arg18[%mul3A_30, %dma_start3A_49] : memref<160x64xf32, #tpu.memory_space<vmem_shared>> -> memref<10x64xf32, #tpu.memory_space<vmem_shared>>
      %dma_start3A_51 = arith.constant 0 : i32
      %dma_start3A_52 = arith.constant 0 : i32
      %dma_start3A_53 = tpu.memref_slice %arg11[%dma_start3A_51, %dma_start3A_52] : memref<160x64xf32, #tpu.memory_space<vmem>> -> memref<10x64xf32, #tpu.memory_space<vmem>>
      %dma_start3A_54 = arith.constant 0 : i32
      %dma_start3A_55 = tpu.memref_slice %arg18[%mul3A_30, %dma_start3A_54] : memref<160x64xf32, #tpu.memory_space<vmem_shared>> -> memref<10x64xf32, #tpu.memory_space<vmem_shared>>
      tpu.enqueue_dma source(%dma_start3A_55 : memref<10x64xf32, #tpu.memory_space<vmem_shared>>) target(%dma_start3A_53 : memref<10x64xf32, #tpu.memory_space<vmem>>) target_semaphore(%run_scoped3A_46 : memref<!tpu.dma_semaphore, #tpu.memory_space<semaphore_mem>>)
      %dma_wait3A = arith.constant 0 : i32
      %dma_wait3A_56 = arith.constant 0 : i32
      %dma_wait3A_57 = tpu.memref_slice %arg11[%dma_wait3A, %dma_wait3A_56] : memref<160x64xf32, #tpu.memory_space<vmem>> -> memref<10x64xf32, #tpu.memory_space<vmem>>
      %dma_wait3A_58 = arith.constant 0 : i32
      %dma_wait3A_59 = tpu.memref_slice %arg18[%mul3A_30, %dma_wait3A_58] : memref<160x64xf32, #tpu.memory_space<vmem_shared>> -> memref<10x64xf32, #tpu.memory_space<vmem_shared>>
      %dma_wait3A_60 = arith.constant 0 : i32
      %dma_wait3A_61 = arith.constant 0 : i32
      %dma_wait3A_62 = tpu.memref_slice %arg11[%dma_wait3A_60, %dma_wait3A_61] : memref<160x64xf32, #tpu.memory_space<vmem>> -> memref<10x64xf32, #tpu.memory_space<vmem>>
      %dma_wait3A_63 = arith.constant 0 : i32
      %dma_wait3A_64 = tpu.memref_slice %arg18[%mul3A_30, %dma_wait3A_63] : memref<160x64xf32, #tpu.memory_space<vmem_shared>> -> memref<10x64xf32, #tpu.memory_space<vmem_shared>>
      tpu.wait_dma2 semaphore(%run_scoped3A_46 : memref<!tpu.dma_semaphore, #tpu.memory_space<semaphore_mem>>) src(%dma_wait3A_64 : memref<10x64xf32, #tpu.memory_space<vmem_shared>>) dst(%dma_wait3A_62 : memref<10x64xf32, #tpu.memory_space<vmem>>)
      tpu.yield
    }) : () -> ()
    %scan3A_31 = arith.constant 0 : i32
    %scan3A_32 = arith.constant 40 : i32
    %scan3A_33 = arith.addi %scan3A_31, %scan3A_32 : i32
    %scan3A_34 = arith.constant 1 : i32
    scf.for %scan3A_46 = %scan3A_31 to %scan3A_33 step %scan3A_34  : i32 {
      %mul3A_47 = arith.constant 1 : i32
      %mul3A_48 = arith.muli %scan3A_46, %mul3A_47 : i32
      %add3A = arith.constant 0 : i32
      %add3A_49 = arith.addi %add3A, %mul3A_48 : i32
      %shift_right_logical3A = arith.constant 2 : i32
      %shift_right_logical3A_50 = arith.shrui %add3A_49, %shift_right_logical3A : i32
      %and3A = arith.constant 3 : i32
      %and3A_51 = arith.andi %add3A_49, %and3A : i32
      %mul3A_52 = arith.constant 16 : i32
      %mul3A_53 = arith.muli %and3A_51, %mul3A_52 : i32
      %get3A = arith.index_cast %shift_right_logical3A_50 : i32 to index
      %get3A_54 = arith.index_cast %mul3A_53 : i32 to index
      %get3A_55 = tpu.vector_load %arg11[%get3A, %get3A_54] {strides = array<i32>} : memref<160x64xf32, #tpu.memory_space<vmem>>, vector<16xf32>,
      %add3A_56 = arith.constant 1.000000e+00 : f32
      %add3A_57 = vector.broadcast %add3A_56 : f32 to vector<16xf32>
      %add3A_58 = arith.addf %get3A_55, %add3A_57 : vector<16xf32>
      %bitcast3A = vector.bitcast %add3A_58 : vector<16xf32> to vector<16xi32>
      %shift_right_logical3A_59 = arith.constant 1 : i32
      %shift_right_logical3A_60 = vector.broadcast %shift_right_logical3A_59 : i32 to vector<16xi32>
      %shift_right_logical3A_61 = arith.shrui %bitcast3A, %shift_right_logical3A_60 : vector<16xi32>
      %sub3A = arith.constant 1597463007 : i32
      %sub3A_62 = vector.broadcast %sub3A : i32 to vector<16xi32>
      %sub3A_63 = arith.subi %sub3A_62, %shift_right_logical3A_61 : vector<16xi32>
      %bitcast3A_64 = vector.bitcast %sub3A_63 : vector<16xi32> to vector<16xf32>
      %mul3A_65 = arith.constant 5.000000e-01 : f32
      %mul3A_66 = vector.broadcast %mul3A_65 : f32 to vector<16xf32>
      %mul3A_67 = arith.mulf %mul3A_66, %add3A_58 : vector<16xf32>
      %mul3A_68 = arith.mulf %mul3A_67, %bitcast3A_64 : vector<16xf32>
      %mul3A_69 = arith.mulf %mul3A_68, %bitcast3A_64 : vector<16xf32>
      %sub3A_70 = arith.constant 1.500000e+00 : f32
      %sub3A_71 = vector.broadcast %sub3A_70 : f32 to vector<16xf32>
      %sub3A_72 = arith.subf %sub3A_71, %mul3A_69 : vector<16xf32>
      %mul3A_73 = arith.mulf %bitcast3A_64, %sub3A_72 : vector<16xf32>
      %mul3A_74 = arith.constant 5.000000e-01 : f32
      %mul3A_75 = vector.broadcast %mul3A_74 : f32 to vector<16xf32>
      %mul3A_76 = arith.mulf %mul3A_75, %add3A_58 : vector<16xf32>
      %mul3A_77 = arith.mulf %mul3A_76, %mul3A_73 : vector<16xf32>
      %mul3A_78 = arith.mulf %mul3A_77, %mul3A_73 : vector<16xf32>
      %sub3A_79 = arith.constant 1.500000e+00 : f32
      %sub3A_80 = vector.broadcast %sub3A_79 : f32 to vector<16xf32>
      %sub3A_81 = arith.subf %sub3A_80, %mul3A_78 : vector<16xf32>
      %mul3A_82 = arith.mulf %mul3A_73, %sub3A_81 : vector<16xf32>
      %mul3A_83 = arith.constant 5.000000e-01 : f32
      %mul3A_84 = vector.broadcast %mul3A_83 : f32 to vector<16xf32>
      %mul3A_85 = arith.mulf %mul3A_84, %add3A_58 : vector<16xf32>
      %mul3A_86 = arith.mulf %mul3A_85, %mul3A_82 : vector<16xf32>
      %mul3A_87 = arith.mulf %mul3A_86, %mul3A_82 : vector<16xf32>
      %sub3A_88 = arith.constant 1.500000e+00 : f32
      %sub3A_89 = vector.broadcast %sub3A_88 : f32 to vector<16xf32>
      %sub3A_90 = arith.subf %sub3A_89, %mul3A_87 : vector<16xf32>
      %mul3A_91 = arith.mulf %mul3A_82, %sub3A_90 : vector<16xf32>
      %mul3A_92 = arith.constant 16 : i32
      %mul3A_93 = arith.muli %add3A_49, %mul3A_92 : i32
      %swap3A = arith.index_cast %mul3A_93 : i32 to index
      %swap3A_94 = tpu.vector_load %arg12[%swap3A] {strides = array<i32>} : memref<656xf32, #tpu.memory_space<vmem>>, vector<16xf32>,
      tpu.vector_store %arg12[%swap3A], %mul3A_91 {strides = array<i32>} : memref<656xf32, #tpu.memory_space<vmem>>, vector<16xf32>,
    }
    %scan3A_35 = arith.constant 40 : i32
    %scan3A_36 = arith.constant 0 : i32
    %scan3A_37 = arith.constant 10 : i32
    %scan3A_38 = arith.addi %scan3A_36, %scan3A_37 : i32
    %scan3A_39 = arith.constant 1 : i32
    scf.for %scan3A_46 = %scan3A_36 to %scan3A_38 step %scan3A_39  : i32 {
      %mul3A_47 = arith.constant 1 : i32
      %mul3A_48 = arith.muli %scan3A_46, %mul3A_47 : i32
      %add3A = arith.constant 0 : i32
      %add3A_49 = arith.addi %add3A, %mul3A_48 : i32
      %scan3A_50 = arith.constant 0 : i32
      %scan3A_51 = arith.constant 64 : i32
      %scan3A_52 = arith.addi %scan3A_50, %scan3A_51 : i32
      %scan3A_53 = arith.constant 1 : i32
      scf.for %scan3A_60 = %scan3A_50 to %scan3A_52 step %scan3A_53  : i32 {
        %mul3A_61 = arith.constant 1 : i32
        %mul3A_62 = arith.muli %scan3A_60, %mul3A_61 : i32
        %add3A_63 = arith.constant 0 : i32
        %add3A_64 = arith.addi %add3A_63, %mul3A_62 : i32
        %mul3A_65 = arith.constant 64 : i32
        %mul3A_66 = arith.muli %add3A_49, %mul3A_65 : i32
        %add3A_67 = arith.addi %mul3A_66, %add3A_64 : i32
        %get3A = arith.index_cast %add3A_67 : i32 to index
        %get3A_68 = tpu.vector_load %arg12[%get3A] {strides = array<i32>} : memref<656xf32, #tpu.memory_space<vmem>>, vector<16xf32>,
        %broadcast_in_dim3A_69 = arith.constant 1.000000e+00 : f32
        %broadcast_in_dim3A_70 = vector.broadcast %broadcast_in_dim3A_69 : f32 to vector<16xf32>
        %slice3A = vector.extract_strided_slice %get3A_68 {offsets = [0], sizes = [1], strides = [1]} : vector<16xf32> to vector<1xf32>
        %squeeze3A = vector.extract %slice3A[0] : f32 from vector<1xf32>
        %mul3A_71 = vector.broadcast %squeeze3A : f32 to vector<16xf32>
        %mul3A_72 = arith.mulf %broadcast_in_dim3A_70, %mul3A_71 : vector<16xf32>
        %swap3A = arith.index_cast %add3A_64 : i32 to index
        %swap3A_73 = arith.constant 0 : index
        %swap3A_74 = tpu.vector_load %arg13[%swap3A, %swap3A_73] {strides = array<i32>} : memref<64x16xf32, #tpu.memory_space<vmem>>, vector<16xf32>,
        tpu.vector_store %arg13[%swap3A, %swap3A_73], %mul3A_72 {strides = array<i32>} : memref<64x16xf32, #tpu.memory_space<vmem>>, vector<16xf32>,
      }
      %scan3A_54 = arith.constant 64 : i32
      %mul3A_55 = arith.constant 640 : i32
      %mul3A_56 = arith.muli %arg1, %mul3A_55 : i32
      %mul3A_57 = arith.constant 64 : i32
      %mul3A_58 = arith.muli %add3A_49, %mul3A_57 : i32
      %add3A_59 = arith.addi %mul3A_56, %mul3A_58 : i32
      "tpu.region"() ({
        %run_scoped3A_60 = tpu.sem_alloc : memref<!tpu.dma_semaphore, #tpu.memory_space<semaphore_mem>>
        %dma_start3A = arith.constant 0 : i32
        %dma_start3A_61 = tpu.memref_slice %arg7[%add3A_59, %dma_start3A] : memref<10240x16xf32, #tpu.memory_space<hbm>> -> memref<64x16xf32, #tpu.memory_space<hbm>>
        %dma_start3A_62 = arith.constant 0 : i32
        %dma_start3A_63 = tpu.memref_slice %arg7[%add3A_59, %dma_start3A_62] : memref<10240x16xf32, #tpu.memory_space<hbm>> -> memref<64x16xf32, #tpu.memory_space<hbm>>
        tpu.enqueue_dma source(%arg13 : memref<64x16xf32, #tpu.memory_space<vmem>>) target(%dma_start3A_63 : memref<64x16xf32, #tpu.memory_space<hbm>>) target_semaphore(%run_scoped3A_60 : memref<!tpu.dma_semaphore, #tpu.memory_space<semaphore_mem>>)
        %dma_wait3A = arith.constant 0 : i32
        %dma_wait3A_64 = tpu.memref_slice %arg7[%add3A_59, %dma_wait3A] : memref<10240x16xf32, #tpu.memory_space<hbm>> -> memref<64x16xf32, #tpu.memory_space<hbm>>
        %dma_wait3A_65 = arith.constant 0 : i32
        %dma_wait3A_66 = tpu.memref_slice %arg7[%add3A_59, %dma_wait3A_65] : memref<10240x16xf32, #tpu.memory_space<hbm>> -> memref<64x16xf32, #tpu.memory_space<hbm>>
        tpu.wait_dma2 semaphore(%run_scoped3A_60 : memref<!tpu.dma_semaphore, #tpu.memory_space<semaphore_mem>>) src(%arg13 : memref<64x16xf32, #tpu.memory_space<vmem>>) dst(%dma_wait3A_66 : memref<64x16xf32, #tpu.memory_space<hbm>>)
        tpu.yield
      }) : () -> ()
    }
    %scan3A_40 = arith.constant 10 : i32
    %scan3A_41 = arith.constant 0 : i32
    %scan3A_42 = arith.constant 5 : i32
    %scan3A_43 = arith.addi %scan3A_41, %scan3A_42 : i32
    %scan3A_44 = arith.constant 1 : i32
    scf.for %scan3A_46 = %scan3A_41 to %scan3A_43 step %scan3A_44  : i32 {
      %mul3A_47 = arith.constant 1 : i32
      %mul3A_48 = arith.muli %scan3A_46, %mul3A_47 : i32
      %add3A = arith.constant 0 : i32
      %add3A_49 = arith.addi %add3A, %mul3A_48 : i32
      %mul3A_50 = arith.constant 640 : i32
      %mul3A_51 = arith.muli %arg1, %mul3A_50 : i32
      %mul3A_52 = arith.constant 128 : i32
      %mul3A_53 = arith.muli %add3A_49, %mul3A_52 : i32
      %add3A_54 = arith.addi %mul3A_51, %mul3A_53 : i32
      %eq3A = arith.constant 0 : i32
      %eq3A_55 = arith.cmpi eq, %arg0, %eq3A : i32
      %convert_element_type3A = arith.extui %eq3A_55 : i1 to i32
      %cond3A = arith.constant 0 : i32
      %cond3A_56 = arith.cmpi ne, %convert_element_type3A, %cond3A : i32
      scf.if %cond3A_56 {
        "tpu.region"() ({
          %run_scoped3A_72 = tpu.sem_alloc : memref<!tpu.dma_semaphore, #tpu.memory_space<semaphore_mem>>
          %dma_start3A = arith.constant 0 : i32
          %dma_start3A_73 = tpu.memref_slice %arg2[%add3A_54, %dma_start3A] : memref<10240x128xf32, #tpu.memory_space<hbm>> -> memref<128x128xf32, #tpu.memory_space<hbm>>
          %dma_start3A_74 = arith.constant 0 : i32
          %dma_start3A_75 = tpu.memref_slice %arg2[%add3A_54, %dma_start3A_74] : memref<10240x128xf32, #tpu.memory_space<hbm>> -> memref<128x128xf32, #tpu.memory_space<hbm>>
          tpu.enqueue_dma source(%dma_start3A_75 : memref<128x128xf32, #tpu.memory_space<hbm>>) target(%arg14 : memref<128x128xf32, #tpu.memory_space<vmem>>) target_semaphore(%run_scoped3A_72 : memref<!tpu.dma_semaphore, #tpu.memory_space<semaphore_mem>>)
          %dma_wait3A = arith.constant 0 : i32
          %dma_wait3A_76 = tpu.memref_slice %arg2[%add3A_54, %dma_wait3A] : memref<10240x128xf32, #tpu.memory_space<hbm>> -> memref<128x128xf32, #tpu.memory_space<hbm>>
          %dma_wait3A_77 = arith.constant 0 : i32
          %dma_wait3A_78 = tpu.memref_slice %arg2[%add3A_54, %dma_wait3A_77] : memref<10240x128xf32, #tpu.memory_space<hbm>> -> memref<128x128xf32, #tpu.memory_space<hbm>>
          tpu.wait_dma2 semaphore(%run_scoped3A_72 : memref<!tpu.dma_semaphore, #tpu.memory_space<semaphore_mem>>) src(%dma_wait3A_78 : memref<128x128xf32, #tpu.memory_space<hbm>>) dst(%arg14 : memref<128x128xf32, #tpu.memory_space<vmem>>)
          tpu.yield
        }) : () -> ()
      } else {
      }
      %ne3A = arith.constant 0 : i32
      %ne3A_57 = arith.cmpi ne, %arg0, %ne3A : i32
      %convert_element_type3A_58 = arith.extui %ne3A_57 : i1 to i32
      %cond3A_59 = arith.constant 0 : i32
      %cond3A_60 = arith.cmpi ne, %convert_element_type3A_58, %cond3A_59 : i32
      scf.if %cond3A_60 {
        "tpu.region"() ({
          %run_scoped3A_72 = tpu.sem_alloc : memref<!tpu.dma_semaphore, #tpu.memory_space<semaphore_mem>>
          %dma_start3A = arith.constant 0 : i32
          %dma_start3A_73 = tpu.memref_slice %arg3[%add3A_54, %dma_start3A] : memref<10240x128xf32, #tpu.memory_space<hbm>> -> memref<128x128xf32, #tpu.memory_space<hbm>>
          %dma_start3A_74 = arith.constant 0 : i32
          %dma_start3A_75 = tpu.memref_slice %arg3[%add3A_54, %dma_start3A_74] : memref<10240x128xf32, #tpu.memory_space<hbm>> -> memref<128x128xf32, #tpu.memory_space<hbm>>
          tpu.enqueue_dma source(%dma_start3A_75 : memref<128x128xf32, #tpu.memory_space<hbm>>) target(%arg14 : memref<128x128xf32, #tpu.memory_space<vmem>>) target_semaphore(%run_scoped3A_72 : memref<!tpu.dma_semaphore, #tpu.memory_space<semaphore_mem>>)
          %dma_wait3A = arith.constant 0 : i32
          %dma_wait3A_76 = tpu.memref_slice %arg3[%add3A_54, %dma_wait3A] : memref<10240x128xf32, #tpu.memory_space<hbm>> -> memref<128x128xf32, #tpu.memory_space<hbm>>
          %dma_wait3A_77 = arith.constant 0 : i32
          %dma_wait3A_78 = tpu.memref_slice %arg3[%add3A_54, %dma_wait3A_77] : memref<10240x128xf32, #tpu.memory_space<hbm>> -> memref<128x128xf32, #tpu.memory_space<hbm>>
          tpu.wait_dma2 semaphore(%run_scoped3A_72 : memref<!tpu.dma_semaphore, #tpu.memory_space<semaphore_mem>>) src(%dma_wait3A_78 : memref<128x128xf32, #tpu.memory_space<hbm>>) dst(%arg14 : memref<128x128xf32, #tpu.memory_space<vmem>>)
          tpu.yield
        }) : () -> ()
      } else {
      }
      %scan3A_61 = arith.constant 0 : i32
      %scan3A_62 = arith.constant 128 : i32
      %scan3A_63 = arith.addi %scan3A_61, %scan3A_62 : i32
      %scan3A_64 = arith.constant 1 : i32
      scf.for %scan3A_72 = %scan3A_61 to %scan3A_63 step %scan3A_64  : i32 {
        %mul3A_73 = arith.constant 1 : i32
        %mul3A_74 = arith.muli %scan3A_72, %mul3A_73 : i32
        %add3A_75 = arith.constant 0 : i32
        %add3A_76 = arith.addi %add3A_75, %mul3A_74 : i32
        %mul3A_77 = arith.constant 128 : i32
        %mul3A_78 = arith.muli %add3A_49, %mul3A_77 : i32
        %add3A_79 = arith.addi %mul3A_78, %add3A_76 : i32
        %get3A = arith.index_cast %add3A_79 : i32 to index
        %get3A_80 = tpu.vector_load %arg12[%get3A] {strides = array<i32>} : memref<656xf32, #tpu.memory_space<vmem>>, vector<16xf32>,
        %slice3A = vector.extract_strided_slice %get3A_80 {offsets = [0], sizes = [1], strides = [1]} : vector<16xf32> to vector<1xf32>
        %squeeze3A = vector.extract %slice3A[0] : f32 from vector<1xf32>
        %get3A_81 = arith.index_cast %add3A_76 : i32 to index
        %get3A_82 = arith.constant 0 : index
        %get3A_83 = tpu.vector_load %arg14[%get3A_81, %get3A_82] {strides = array<i32>} : memref<128x128xf32, #tpu.memory_space<vmem>>, vector<16xf32>,
        %mul3A_84 = vector.broadcast %squeeze3A : f32 to vector<16xf32>
        %mul3A_85 = arith.mulf %get3A_83, %mul3A_84 : vector<16xf32>
        %swap3A = arith.index_cast %add3A_76 : i32 to index
        %swap3A_86 = arith.constant 0 : index
        %swap3A_87 = tpu.vector_load %arg15[%swap3A, %swap3A_86] {strides = array<i32>} : memref<128x64xf32, #tpu.memory_space<vmem>>, vector<16xf32>,
        tpu.vector_store %arg15[%swap3A, %swap3A_86], %mul3A_85 {strides = array<i32>} : memref<128x64xf32, #tpu.memory_space<vmem>>, vector<16xf32>,
        %get3A_88 = arith.index_cast %add3A_76 : i32 to index
        %get3A_89 = arith.constant 64 : index
        %get3A_90 = tpu.vector_load %arg14[%get3A_88, %get3A_89] {strides = array<i32>} : memref<128x128xf32, #tpu.memory_space<vmem>>, vector<16xf32>,
        %mul3A_91 = vector.broadcast %squeeze3A : f32 to vector<16xf32>
        %mul3A_92 = arith.mulf %get3A_90, %mul3A_91 : vector<16xf32>
        %swap3A_93 = arith.index_cast %add3A_76 : i32 to index
        %swap3A_94 = arith.constant 0 : index
        %swap3A_95 = tpu.vector_load %arg16[%swap3A_93, %swap3A_94] {strides = array<i32>} : memref<128x64xf32, #tpu.memory_space<vmem>>, vector<16xf32>,
        tpu.vector_store %arg16[%swap3A_93, %swap3A_94], %mul3A_92 {strides = array<i32>} : memref<128x64xf32, #tpu.memory_space<vmem>>, vector<16xf32>,
        %get3A_96 = arith.index_cast %add3A_76 : i32 to index
        %get3A_97 = arith.constant 16 : index
        %get3A_98 = tpu.vector_load %arg14[%get3A_96, %get3A_97] {strides = array<i32>} : memref<128x128xf32, #tpu.memory_space<vmem>>, vector<16xf32>,
        %mul3A_99 = vector.broadcast %squeeze3A : f32 to vector<16xf32>
        %mul3A_100 = arith.mulf %get3A_98, %mul3A_99 : vector<16xf32>
        %swap3A_101 = arith.index_cast %add3A_76 : i32 to index
        %swap3A_102 = arith.constant 16 : index
        %swap3A_103 = tpu.vector_load %arg15[%swap3A_101, %swap3A_102] {strides = array<i32>} : memref<128x64xf32, #tpu.memory_space<vmem>>, vector<16xf32>,
        tpu.vector_store %arg15[%swap3A_101, %swap3A_102], %mul3A_100 {strides = array<i32>} : memref<128x64xf32, #tpu.memory_space<vmem>>, vector<16xf32>,
        %get3A_104 = arith.index_cast %add3A_76 : i32 to index
        %get3A_105 = arith.constant 80 : index
        %get3A_106 = tpu.vector_load %arg14[%get3A_104, %get3A_105] {strides = array<i32>} : memref<128x128xf32, #tpu.memory_space<vmem>>, vector<16xf32>,
        %mul3A_107 = vector.broadcast %squeeze3A : f32 to vector<16xf32>
        %mul3A_108 = arith.mulf %get3A_106, %mul3A_107 : vector<16xf32>
        %swap3A_109 = arith.index_cast %add3A_76 : i32 to index
        %swap3A_110 = arith.constant 16 : index
        %swap3A_111 = tpu.vector_load %arg16[%swap3A_109, %swap3A_110] {strides = array<i32>} : memref<128x64xf32, #tpu.memory_space<vmem>>, vector<16xf32>,
        tpu.vector_store %arg16[%swap3A_109, %swap3A_110], %mul3A_108 {strides = array<i32>} : memref<128x64xf32, #tpu.memory_space<vmem>>, vector<16xf32>,
        %get3A_112 = arith.index_cast %add3A_76 : i32 to index
        %get3A_113 = arith.constant 32 : index
        %get3A_114 = tpu.vector_load %arg14[%get3A_112, %get3A_113] {strides = array<i32>} : memref<128x128xf32, #tpu.memory_space<vmem>>, vector<16xf32>,
        %mul3A_115 = vector.broadcast %squeeze3A : f32 to vector<16xf32>
        %mul3A_116 = arith.mulf %get3A_114, %mul3A_115 : vector<16xf32>
        %swap3A_117 = arith.index_cast %add3A_76 : i32 to index
        %swap3A_118 = arith.constant 32 : index
        %swap3A_119 = tpu.vector_load %arg15[%swap3A_117, %swap3A_118] {strides = array<i32>} : memref<128x64xf32, #tpu.memory_space<vmem>>, vector<16xf32>,
        tpu.vector_store %arg15[%swap3A_117, %swap3A_118], %mul3A_116 {strides = array<i32>} : memref<128x64xf32, #tpu.memory_space<vmem>>, vector<16xf32>,
        %get3A_120 = arith.index_cast %add3A_76 : i32 to index
        %get3A_121 = arith.constant 96 : index
        %get3A_122 = tpu.vector_load %arg14[%get3A_120, %get3A_121] {strides = array<i32>} : memref<128x128xf32, #tpu.memory_space<vmem>>, vector<16xf32>,
        %mul3A_123 = vector.broadcast %squeeze3A : f32 to vector<16xf32>
        %mul3A_124 = arith.mulf %get3A_122, %mul3A_123 : vector<16xf32>
        %swap3A_125 = arith.index_cast %add3A_76 : i32 to index
        %swap3A_126 = arith.constant 32 : index
        %swap3A_127 = tpu.vector_load %arg16[%swap3A_125, %swap3A_126] {strides = array<i32>} : memref<128x64xf32, #tpu.memory_space<vmem>>, vector<16xf32>,
        tpu.vector_store %arg16[%swap3A_125, %swap3A_126], %mul3A_124 {strides = array<i32>} : memref<128x64xf32, #tpu.memory_space<vmem>>, vector<16xf32>,
        %get3A_128 = arith.index_cast %add3A_76 : i32 to index
        %get3A_129 = arith.constant 48 : index
        %get3A_130 = tpu.vector_load %arg14[%get3A_128, %get3A_129] {strides = array<i32>} : memref<128x128xf32, #tpu.memory_space<vmem>>, vector<16xf32>,
        %mul3A_131 = vector.broadcast %squeeze3A : f32 to vector<16xf32>
        %mul3A_132 = arith.mulf %get3A_130, %mul3A_131 : vector<16xf32>
        %swap3A_133 = arith.index_cast %add3A_76 : i32 to index
        %swap3A_134 = arith.constant 48 : index
        %swap3A_135 = tpu.vector_load %arg15[%swap3A_133, %swap3A_134] {strides = array<i32>} : memref<128x64xf32, #tpu.memory_space<vmem>>, vector<16xf32>,
        tpu.vector_store %arg15[%swap3A_133, %swap3A_134], %mul3A_132 {strides = array<i32>} : memref<128x64xf32, #tpu.memory_space<vmem>>, vector<16xf32>,
        %get3A_136 = arith.index_cast %add3A_76 : i32 to index
        %get3A_137 = arith.constant 112 : index
        %get3A_138 = tpu.vector_load %arg14[%get3A_136, %get3A_137] {strides = array<i32>} : memref<128x128xf32, #tpu.memory_space<vmem>>, vector<16xf32>,
        %mul3A_139 = vector.broadcast %squeeze3A : f32 to vector<16xf32>
        %mul3A_140 = arith.mulf %get3A_138, %mul3A_139 : vector<16xf32>
        %swap3A_141 = arith.index_cast %add3A_76 : i32 to index
        %swap3A_142 = arith.constant 48 : index
        %swap3A_143 = tpu.vector_load %arg16[%swap3A_141, %swap3A_142] {strides = array<i32>} : memref<128x64xf32, #tpu.memory_space<vmem>>, vector<16xf32>,
        tpu.vector_store %arg16[%swap3A_141, %swap3A_142], %mul3A_140 {strides = array<i32>} : memref<128x64xf32, #tpu.memory_space<vmem>>, vector<16xf32>,
      }
      %scan3A_65 = arith.constant 128 : i32
      %mul3A_66 = arith.constant 2 : i32
      %mul3A_67 = arith.muli %mul3A_66, %arg0 : i32
      "tpu.region"() ({
        %run_scoped3A_72 = tpu.sem_alloc : memref<!tpu.dma_semaphore, #tpu.memory_space<semaphore_mem>>
        %dma_start3A = arith.constant 0 : i32
        %dma_start3A_73 = arith.constant 0 : i32
        %dma_start3A_74 = tpu.memref_slice %arg6[%mul3A_67, %dma_start3A, %dma_start3A_73] : memref<4x10240x64xf32, #tpu.memory_space<hbm>> -> memref<1x10240x64xf32, #tpu.memory_space<hbm>>
        %dma_start3A_75 = tpu.memref_squeeze %dma_start3A_74 : memref<1x10240x64xf32, #tpu.memory_space<hbm>> -> memref<10240x64xf32, #tpu.memory_space<hbm>>
        %dma_start3A_76 = arith.constant 0 : i32
        %dma_start3A_77 = tpu.memref_slice %dma_start3A_75[%add3A_54, %dma_start3A_76] : memref<10240x64xf32, #tpu.memory_space<hbm>> -> memref<128x64xf32, #tpu.memory_space<hbm>>
        %dma_start3A_78 = arith.constant 0 : i32
        %dma_start3A_79 = arith.constant 0 : i32
        %dma_start3A_80 = tpu.memref_slice %arg6[%mul3A_67, %dma_start3A_78, %dma_start3A_79] : memref<4x10240x64xf32, #tpu.memory_space<hbm>> -> memref<1x10240x64xf32, #tpu.memory_space<hbm>>
        %dma_start3A_81 = tpu.memref_squeeze %dma_start3A_80 : memref<1x10240x64xf32, #tpu.memory_space<hbm>> -> memref<10240x64xf32, #tpu.memory_space<hbm>>
        %dma_start3A_82 = arith.constant 0 : i32
        %dma_start3A_83 = tpu.memref_slice %dma_start3A_81[%add3A_54, %dma_start3A_82] : memref<10240x64xf32, #tpu.memory_space<hbm>> -> memref<128x64xf32, #tpu.memory_space<hbm>>
        tpu.enqueue_dma source(%arg15 : memref<128x64xf32, #tpu.memory_space<vmem>>) target(%dma_start3A_83 : memref<128x64xf32, #tpu.memory_space<hbm>>) target_semaphore(%run_scoped3A_72 : memref<!tpu.dma_semaphore, #tpu.memory_space<semaphore_mem>>)
        %dma_wait3A = arith.constant 0 : i32
        %dma_wait3A_84 = arith.constant 0 : i32
        %dma_wait3A_85 = tpu.memref_slice %arg6[%mul3A_67, %dma_wait3A, %dma_wait3A_84] : memref<4x10240x64xf32, #tpu.memory_space<hbm>> -> memref<1x10240x64xf32, #tpu.memory_space<hbm>>
        %dma_wait3A_86 = tpu.memref_squeeze %dma_wait3A_85 : memref<1x10240x64xf32, #tpu.memory_space<hbm>> -> memref<10240x64xf32, #tpu.memory_space<hbm>>
        %dma_wait3A_87 = arith.constant 0 : i32
        %dma_wait3A_88 = tpu.memref_slice %dma_wait3A_86[%add3A_54, %dma_wait3A_87] : memref<10240x64xf32, #tpu.memory_space<hbm>> -> memref<128x64xf32, #tpu.memory_space<hbm>>
        %dma_wait3A_89 = arith.constant 0 : i32
        %dma_wait3A_90 = arith.constant 0 : i32
        %dma_wait3A_91 = tpu.memref_slice %arg6[%mul3A_67, %dma_wait3A_89, %dma_wait3A_90] : memref<4x10240x64xf32, #tpu.memory_space<hbm>> -> memref<1x10240x64xf32, #tpu.memory_space<hbm>>
        %dma_wait3A_92 = tpu.memref_squeeze %dma_wait3A_91 : memref<1x10240x64xf32, #tpu.memory_space<hbm>> -> memref<10240x64xf32, #tpu.memory_space<hbm>>
        %dma_wait3A_93 = arith.constant 0 : i32
        %dma_wait3A_94 = tpu.memref_slice %dma_wait3A_92[%add3A_54, %dma_wait3A_93] : memref<10240x64xf32, #tpu.memory_space<hbm>> -> memref<128x64xf32, #tpu.memory_space<hbm>>
        tpu.wait_dma2 semaphore(%run_scoped3A_72 : memref<!tpu.dma_semaphore, #tpu.memory_space<semaphore_mem>>) src(%arg15 : memref<128x64xf32, #tpu.memory_space<vmem>>) dst(%dma_wait3A_94 : memref<128x64xf32, #tpu.memory_space<hbm>>)
        tpu.yield
      }) : () -> ()
      %mul3A_68 = arith.constant 2 : i32
      %mul3A_69 = arith.muli %mul3A_68, %arg0 : i32
      %add3A_70 = arith.constant 1 : i32
      %add3A_71 = arith.addi %mul3A_69, %add3A_70 : i32
      "tpu.region"() ({
        %run_scoped3A_72 = tpu.sem_alloc : memref<!tpu.dma_semaphore, #tpu.memory_space<semaphore_mem>>
        %dma_start3A = arith.constant 0 : i32
        %dma_start3A_73 = arith.constant 0 : i32
        %dma_start3A_74 = tpu.memref_slice %arg6[%add3A_71, %dma_start3A, %dma_start3A_73] : memref<4x10240x64xf32, #tpu.memory_space<hbm>> -> memref<1x10240x64xf32, #tpu.memory_space<hbm>>
        %dma_start3A_75 = tpu.memref_squeeze %dma_start3A_74 : memref<1x10240x64xf32, #tpu.memory_space<hbm>> -> memref<10240x64xf32, #tpu.memory_space<hbm>>
        %dma_start3A_76 = arith.constant 0 : i32
        %dma_start3A_77 = tpu.memref_slice %dma_start3A_75[%add3A_54, %dma_start3A_76] : memref<10240x64xf32, #tpu.memory_space<hbm>> -> memref<128x64xf32, #tpu.memory_space<hbm>>
        %dma_start3A_78 = arith.constant 0 : i32
        %dma_start3A_79 = arith.constant 0 : i32
        %dma_start3A_80 = tpu.memref_slice %arg6[%add3A_71, %dma_start3A_78, %dma_start3A_79] : memref<4x10240x64xf32, #tpu.memory_space<hbm>> -> memref<1x10240x64xf32, #tpu.memory_space<hbm>>
        %dma_start3A_81 = tpu.memref_squeeze %dma_start3A_80 : memref<1x10240x64xf32, #tpu.memory_space<hbm>> -> memref<10240x64xf32, #tpu.memory_space<hbm>>
        %dma_start3A_82 = arith.constant 0 : i32
        %dma_start3A_83 = tpu.memref_slice %dma_start3A_81[%add3A_54, %dma_start3A_82] : memref<10240x64xf32, #tpu.memory_space<hbm>> -> memref<128x64xf32, #tpu.memory_space<hbm>>
        tpu.enqueue_dma source(%arg16 : memref<128x64xf32, #tpu.memory_space<vmem>>) target(%dma_start3A_83 : memref<128x64xf32, #tpu.memory_space<hbm>>) target_semaphore(%run_scoped3A_72 : memref<!tpu.dma_semaphore, #tpu.memory_space<semaphore_mem>>)
        %dma_wait3A = arith.constant 0 : i32
        %dma_wait3A_84 = arith.constant 0 : i32
        %dma_wait3A_85 = tpu.memref_slice %arg6[%add3A_71, %dma_wait3A, %dma_wait3A_84] : memref<4x10240x64xf32, #tpu.memory_space<hbm>> -> memref<1x10240x64xf32, #tpu.memory_space<hbm>>
        %dma_wait3A_86 = tpu.memref_squeeze %dma_wait3A_85 : memref<1x10240x64xf32, #tpu.memory_space<hbm>> -> memref<10240x64xf32, #tpu.memory_space<hbm>>
        %dma_wait3A_87 = arith.constant 0 : i32
        %dma_wait3A_88 = tpu.memref_slice %dma_wait3A_86[%add3A_54, %dma_wait3A_87] : memref<10240x64xf32, #tpu.memory_space<hbm>> -> memref<128x64xf32, #tpu.memory_space<hbm>>
        %dma_wait3A_89 = arith.constant 0 : i32
        %dma_wait3A_90 = arith.constant 0 : i32
        %dma_wait3A_91 = tpu.memref_slice %arg6[%add3A_71, %dma_wait3A_89, %dma_wait3A_90] : memref<4x10240x64xf32, #tpu.memory_space<hbm>> -> memref<1x10240x64xf32, #tpu.memory_space<hbm>>
        %dma_wait3A_92 = tpu.memref_squeeze %dma_wait3A_91 : memref<1x10240x64xf32, #tpu.memory_space<hbm>> -> memref<10240x64xf32, #tpu.memory_space<hbm>>
        %dma_wait3A_93 = arith.constant 0 : i32
        %dma_wait3A_94 = tpu.memref_slice %dma_wait3A_92[%add3A_54, %dma_wait3A_93] : memref<10240x64xf32, #tpu.memory_space<hbm>> -> memref<128x64xf32, #tpu.memory_space<hbm>>
        tpu.wait_dma2 semaphore(%run_scoped3A_72 : memref<!tpu.dma_semaphore, #tpu.memory_space<semaphore_mem>>) src(%arg16 : memref<128x64xf32, #tpu.memory_space<vmem>>) dst(%dma_wait3A_94 : memref<128x64xf32, #tpu.memory_space<hbm>>)
        tpu.yield
      }) : () -> ()
    }
    %scan3A_45 = arith.constant 5 : i32
    return
  }
}

module attributes {stable_mosaic.version = 14 : i64} {
  func.func @body(%arg0: i32, %arg1: memref<4x1000x64xf32, #tpu.memory_space<vmem>>, %arg2: memref<1000x16xf32, #tpu.memory_space<vmem>>, %arg3: memref<1000x128xf32, #tpu.memory_space<vmem>>, %arg4: memref<256x512xf32, #tpu.memory_space<vmem>>, %arg5: memref<1x512xf32, #tpu.memory_space<vmem>>, %arg6: memref<1000x128xf32, #tpu.memory_space<vmem>>, %arg7: memref<1000x128xf32, #tpu.memory_space<vmem>>) attributes {dimension_semantics = [#tpu.dimension_semantics<arbitrary>], iteration_bounds = array<i64: 10>, scalar_prefetch = 0 : i64, scratch_operands = 0 : i64, tpu.core_type = #tpu.core_type<tc>, window_params = [{transform_indices = @transform_0, window_bounds = array<i64: 4, 1000, 64>}, {transform_indices = @transform_1, window_bounds = array<i64: 1000, 16>}, {transform_indices = @transform_2, window_bounds = array<i64: 1000, 128>}, {pipeline_mode = #tpu.pipeline_mode<synchronous>, transform_indices = @transform_3, window_bounds = array<i64: 256, 512>}, {pipeline_mode = #tpu.pipeline_mode<synchronous>, transform_indices = @transform_4, window_bounds = array<i64: 1, 512>}, {transform_indices = @transform_5, window_bounds = array<i64: 1000, 128>}, {transform_indices = @transform_6, window_bounds = array<i64: 1000, 128>}]} {
    %get3A = arith.constant 0 : index
    %get3A_0 = arith.constant 0 : index
    %get3A_1 = vector.load %arg2[%get3A, %get3A_0] : memref<1000x16xf32, #tpu.memory_space<vmem>>, vector<1000x1xf32>
    %get3A_2 = arith.constant 0 : index
    %get3A_3 = arith.constant 0 : index
    %get3A_4 = arith.constant 0 : index
    %get3A_5 = vector.load %arg1[%get3A_2, %get3A_3, %get3A_4] : memref<4x1000x64xf32, #tpu.memory_space<vmem>>, vector<1x1000x64xf32>
    %get3A_6 = vector.shape_cast %get3A_5 : vector<1x1000x64xf32> to vector<1000x64xf32>
    %get3A_7 = arith.constant 1 : index
    %get3A_8 = arith.constant 0 : index
    %get3A_9 = arith.constant 0 : index
    %get3A_10 = vector.load %arg1[%get3A_7, %get3A_8, %get3A_9] : memref<4x1000x64xf32, #tpu.memory_space<vmem>>, vector<1x1000x64xf32>
    %get3A_11 = vector.shape_cast %get3A_10 : vector<1x1000x64xf32> to vector<1000x64xf32>
    %get3A_12 = arith.constant 2 : index
    %get3A_13 = arith.constant 0 : index
    %get3A_14 = arith.constant 0 : index
    %get3A_15 = vector.load %arg1[%get3A_12, %get3A_13, %get3A_14] : memref<4x1000x64xf32, #tpu.memory_space<vmem>>, vector<1x1000x64xf32>
    %get3A_16 = vector.shape_cast %get3A_15 : vector<1x1000x64xf32> to vector<1000x64xf32>
    %get3A_17 = arith.constant 3 : index
    %get3A_18 = arith.constant 0 : index
    %get3A_19 = arith.constant 0 : index
    %get3A_20 = vector.load %arg1[%get3A_17, %get3A_18, %get3A_19] : memref<4x1000x64xf32, #tpu.memory_space<vmem>>, vector<1x1000x64xf32>
    %get3A_21 = vector.shape_cast %get3A_20 : vector<1x1000x64xf32> to vector<1000x64xf32>
    %concatenate3A = tpu.concatenate %get3A_6, %get3A_11, %get3A_16, %get3A_21 in 1 : vector<1000x64xf32>, vector<1000x64xf32>, vector<1000x64xf32>, vector<1000x64xf32> -> vector<1000x256xf32>
    %get3A_22 = arith.constant 0 : index
    %get3A_23 = arith.constant 0 : index
    %get3A_24 = vector.load %arg4[%get3A_22, %get3A_23] : memref<256x512xf32, #tpu.memory_space<vmem>>, vector<256x512xf32>
    %dot_general3A = arith.constant dense<0.000000e+00> : vector<1000x512xf32>
    %dot_general3A_25 = tpu.matmul %concatenate3A, %get3A_24, %dot_general3A {dimension_numbers = #tpu.dot_dimension_numbers<[1], [0], [0], [1], [0, 0, 1, 1], [], []>, transpose_lhs_hint = false} : vector<1000x256xf32>, vector<256x512xf32>, vector<1000x512xf32> -> vector<1000x512xf32>
    %mul3A = vector.broadcast %get3A_1 : vector<1000x1xf32> to vector<1000x512xf32>
    %mul3A_26 = arith.mulf %dot_general3A_25, %mul3A : vector<1000x512xf32>
    %get3A_27 = arith.constant 0 : index
    %get3A_28 = arith.constant 0 : index
    %get3A_29 = vector.load %arg5[%get3A_27, %get3A_28] : memref<1x512xf32, #tpu.memory_space<vmem>>, vector<1x512xf32>
    %add3A = vector.broadcast %get3A_29 : vector<1x512xf32> to vector<1000x512xf32>
    %add3A_30 = arith.addf %mul3A_26, %add3A : vector<1000x512xf32>
    %slice3A = vector.extract_strided_slice %add3A_30 {offsets = [0, 0], sizes = [1000, 128], strides = [1, 1]} : vector<1000x512xf32> to vector<1000x128xf32>
    %logistic3A = arith.negf %slice3A : vector<1000x128xf32>
    %logistic3A_31 = math.exp %logistic3A : vector<1000x128xf32>
    %logistic3A_32 = arith.constant 1.000000e+00 : f32
    %logistic3A_33 = vector.broadcast %logistic3A_32 : f32 to vector<1000x128xf32>
    %logistic3A_34 = arith.addf %logistic3A_33, %logistic3A_31 : vector<1000x128xf32>
    %logistic3A_35 = arith.divf %logistic3A_33, %logistic3A_34 : vector<1000x128xf32>
    %slice3A_36 = vector.extract_strided_slice %add3A_30 {offsets = [0, 128], sizes = [1000, 128], strides = [1, 1]} : vector<1000x512xf32> to vector<1000x128xf32>
    %logistic3A_37 = arith.negf %slice3A_36 : vector<1000x128xf32>
    %logistic3A_38 = math.exp %logistic3A_37 : vector<1000x128xf32>
    %logistic3A_39 = arith.constant 1.000000e+00 : f32
    %logistic3A_40 = vector.broadcast %logistic3A_39 : f32 to vector<1000x128xf32>
    %logistic3A_41 = arith.addf %logistic3A_40, %logistic3A_38 : vector<1000x128xf32>
    %logistic3A_42 = arith.divf %logistic3A_40, %logistic3A_41 : vector<1000x128xf32>
    %slice3A_43 = vector.extract_strided_slice %add3A_30 {offsets = [0, 256], sizes = [1000, 128], strides = [1, 1]} : vector<1000x512xf32> to vector<1000x128xf32>
    %logistic3A_44 = arith.negf %slice3A_43 : vector<1000x128xf32>
    %logistic3A_45 = math.exp %logistic3A_44 : vector<1000x128xf32>
    %logistic3A_46 = arith.constant 1.000000e+00 : f32
    %logistic3A_47 = vector.broadcast %logistic3A_46 : f32 to vector<1000x128xf32>
    %logistic3A_48 = arith.addf %logistic3A_47, %logistic3A_45 : vector<1000x128xf32>
    %logistic3A_49 = arith.divf %logistic3A_47, %logistic3A_48 : vector<1000x128xf32>
    %slice3A_50 = vector.extract_strided_slice %add3A_30 {offsets = [0, 384], sizes = [1000, 128], strides = [1, 1]} : vector<1000x512xf32> to vector<1000x128xf32>
    %tanh3A = math.tanh %slice3A_50 : vector<1000x128xf32>
    %get3A_51 = arith.constant 0 : index
    %get3A_52 = arith.constant 0 : index
    %get3A_53 = vector.load %arg3[%get3A_51, %get3A_52] : memref<1000x128xf32, #tpu.memory_space<vmem>>, vector<1000x128xf32>
    %mul3A_54 = arith.mulf %logistic3A_35, %get3A_53 : vector<1000x128xf32>
    %mul3A_55 = arith.mulf %logistic3A_42, %tanh3A : vector<1000x128xf32>
    %add3A_56 = arith.addf %mul3A_54, %mul3A_55 : vector<1000x128xf32>
    %tanh3A_57 = math.tanh %add3A_56 : vector<1000x128xf32>
    %mul3A_58 = arith.mulf %logistic3A_49, %tanh3A_57 : vector<1000x128xf32>
    %swap3A = arith.constant 0 : index
    %swap3A_59 = arith.constant 0 : index
    %swap3A_60 = vector.load %arg6[%swap3A, %swap3A_59] : memref<1000x128xf32, #tpu.memory_space<vmem>>, vector<1000x128xf32>
    tpu.vector_store %arg6[%swap3A, %swap3A_59], %mul3A_58 {strides = array<i32>} : memref<1000x128xf32, #tpu.memory_space<vmem>>, vector<1000x128xf32>,
    %swap3A_61 = arith.constant 0 : index
    %swap3A_62 = arith.constant 0 : index
    %swap3A_63 = vector.load %arg7[%swap3A_61, %swap3A_62] : memref<1000x128xf32, #tpu.memory_space<vmem>>, vector<1000x128xf32>
    tpu.vector_store %arg7[%swap3A_61, %swap3A_62], %add3A_56 {strides = array<i32>} : memref<1000x128xf32, #tpu.memory_space<vmem>>, vector<1000x128xf32>,
    return
  }
  func.func @transform_0(%arg0: i32) -> (i32, i32, i32) {
    %c0_i32 = arith.constant 0 : i32
    %c0_i32_0 = arith.constant 0 : i32
    %c0_i32_1 = arith.constant 0 : i32
    return %c0_i32, %arg0, %c0_i32_0 : i32, i32, i32
  }
  func.func @transform_1(%arg0: i32) -> (i32, i32) {
    %c0_i32 = arith.constant 0 : i32
    %c0_i32_0 = arith.constant 0 : i32
    return %arg0, %c0_i32 : i32, i32
  }
  func.func @transform_2(%arg0: i32) -> (i32, i32) {
    %c0_i32 = arith.constant 0 : i32
    %c0_i32_0 = arith.constant 0 : i32
    return %arg0, %c0_i32 : i32, i32
  }
  func.func @transform_3(%arg0: i32) -> (i32, i32) {
    %c0_i32 = arith.constant 0 : i32
    %c0_i32_0 = arith.constant 0 : i32
    %c0_i32_1 = arith.constant 0 : i32
    return %c0_i32, %c0_i32_0 : i32, i32
  }
  func.func @transform_4(%arg0: i32) -> (i32, i32) {
    %c0_i32 = arith.constant 0 : i32
    %c0_i32_0 = arith.constant 0 : i32
    %c0_i32_1 = arith.constant 0 : i32
    return %c0_i32, %c0_i32_0 : i32, i32
  }
  func.func @transform_5(%arg0: i32) -> (i32, i32) {
    %c0_i32 = arith.constant 0 : i32
    %c0_i32_0 = arith.constant 0 : i32
    return %arg0, %c0_i32 : i32, i32
  }
  func.func @transform_6(%arg0: i32) -> (i32, i32) {
    %c0_i32 = arith.constant 0 : i32
    %c0_i32_0 = arith.constant 0 : i32
    return %arg0, %c0_i32 : i32, i32
  }
}

</mosaic_0001>

<sc_bundles>
// kernel: kernel.5.cloned.1.call-start
scs
__scs_entry_jumppad:
0x0: {  	(pc) =	sbr.rel $0x88, $3  }
0x1: {  	(tag) =	ssettag $0x0;
	lr =	simm.s32 $0x1  }
0x2: {  	[smem:$0x3F9B] =	sst lr;
	_ =	strace $0xD0000000  }
0x3: {  	_ = 	snop  }
0x4: {  	_ = 	snop  }
0x5: {  	_ = 	snop  }
0x6: {  	_ = 	snop  }
0x7: {  	_ = 	snop  }
__scs_overlays_trampoline_lowered:
0x8: {  	[smem:$0x3FAA] =	sst s0  }
0x9: {  	[smem:$0x3FAB] =	sst s1  }
0xa: {  	[smem:$0x3FAC] =	sst s2  }
0xb: {  	[smem:$0x3FAD] =	sst s3  }
0xc: {  	[smem:$0x3FAE] =	sst s4  }
0xd: {  	[smem:$0x3FAF] =	sst s5  }
0xe: {  	[smem:$0x3FB0] =	sst s6  }
0xf: {  	[smem:$0x3FB1] =	sst s7  }
0x10: {  	[smem:$0x3FB2] =	sst s8  }
0x11: {  	[smem:$0x3FB3] =	sst s9;
	s0 =	simm.s32 @!p0 $0x0  }
0x12: {  	s1 =	sld [smem:$0x3F99];
	s0 =	simm.s32 @p0 $0x1  }
0x13: {  	[smem:$0x3FB4] =	sst s0;
	s0 =	simm.s32 @!p1 $0x0  }
0x14: {  	s2 =	sld [smem:$0x3F98];
	s0 =	simm.s32 @p1 $0x1  }
0x15: {  	[smem:$0x3FB5] =	sst s0;
	s0 =	simm.s32 @!p2 $0x0  }
0x16: {  	s3 =	sld [smem:$0x3FDB];
	s0 =	simm.s32 @p2 $0x1  }
0x17: {  	s4 =	simm.s32 $0x1BF5;
	[smem:$0x3FB7] =	sst s0  }
0x18: {  	s0 =	sld [smem:$0x3F9A];
	_ =	swait.ge [sflag:s4], $0x0  }
0x19: {  	s7 =	sld [smem:$0x3F9B]  }
0x1a: {  	s8 =	sadd.s32 $0xFFFFE003, lr  }
0x1b: {  	s9 =	sadd.s32 $0xFFFFFEF7, lr;
	s5 =	simm.s32 $0xFFFFFFFF;
	p2 =	slt.u32 s8, $0xFFFFF086  }
0x1c: {  	p1 =	slt.u32 s9, $0xF7A;
	s5 =	simm.s32 @!p2 $0x0  }
0x1d: {  	s5 =	simm.s32 @p1 $0x1;
	p0 =	seq.s32 s7, s2  }
0x1e: {  	s7 =	smul.u32 @!p0 $0xF7A, s2;
	p2 =	seq.s32 @!p0 s5, $0x0  }
0x1f: {  	s9 =	smul.u32 $0xF7A, s1;
	s8 =	simm.s32 @!p0 $0x1BF5;
	p2 =	por !p2, p0  }
0x20: {  	[sflag:s8] =	ssyncset.s32 @!p0 $0xFFFFF086;
	s6 =	sadd.s32 @!p0 s3, s7;
	s7 =	simm.s32 @!p0 $0x108  }
0x21: {  	s3 =	sadd.s32 s3, s9;
	s6 =	sadd.s32 @!p0 $0x88, s6;
	s7 =	simm.s32 @p2 $0x1082  }
0x22: {  	[simem:s7], [sflag:s8] =	dma.local @!p0 [hbm:s6], $0xF7A  }
0x23: {  	s9 =	sor.u32 $0xD0000000, s2;
	s6 =	simm.s32 $0x108;
	_ =	swait.ge @!p0 [sflag:s8], $0x0  }
0x24: {  	s3 =	sadd.s32 $0x88, s3;
	s6 =	simm.s32 @!p1 $0x1082;
	[sflag:s4] =	ssyncset.s32 $0xFFFFF086  }
0x25: {  	[simem:s6], [sflag:s4] =	dma.local [hbm:s3], $0xF7A  }
0x26: {  	[smem:$0x3F9B] =	sst s1;
	(tag) =	ssettag s2;
	_ =	strace s9  }
0x27: {  	s1 =	sld [smem:$0x3FAB]  }
0x28: {  	s2 =	sld [smem:$0x3FAC]  }
0x29: {  	s4 =	sld [smem:$0x3FAE]  }
0x2a: {  	p0 =	seq.s32 s5, $0x0;
	s5 =	sld [smem:$0x3FAF]  }
0x2b: {  	s6 =	sld [smem:$0x3FB0]  }
0x2c: {  	s7 =	sld [smem:$0x3FB1]  }
0x2d: {  	s3 =	simm.s32 $0x108;
	s8 =	sld [smem:$0x3FB2]  }
0x2e: {  	s3 =	simm.s32 @!p0 $0x1082;
	s9 =	sld [smem:$0x3FB3]  }
0x2f: {  	lr =	sadd.s32 s0, s3;
	s0 =	sld [smem:$0x3FAA]  }
0x30: {  	s3 =	sld [smem:$0x3FAD]  }
0x31: {  	[smem:$0x3FB6] =	sst s10  }
0x32: {  	s10 =	sld [smem:$0x3FB4];
	_ =	sdelay $0x3  }
0x33: {  	p0 =	seq.s32 s10, $0x1;
	s10 =	sld [smem:$0x3FB6];
	_ =	sdelay $0x3  }
0x34: {  	[smem:$0x3FB6] =	sst s10  }
0x35: {  	s10 =	sld [smem:$0x3FB5];
	_ =	sdelay $0x3  }
0x36: {  	p1 =	seq.s32 s10, $0x1;
	s10 =	sld [smem:$0x3FB6];
	_ =	sdelay $0x3  }
0x37: {  	[smem:$0x3FB6] =	sst s10  }
0x38: {  	s10 =	sld [smem:$0x3FB7]  }
0x39: {  	_ = 	snop;
	(pc) =	sbr.ind lr, $3  }
0x3a: {  	_ = 	snop  }
0x3b: {  	_ = 	snop  }
0x3c: {  	p2 =	seq.s32 s10, $0x1;
	s10 =	sld [smem:$0x3FB6]  }
0x3d: {  	_ =	shalt  }
0x3e: {  	_ =	shalt  }
0x3f: {  	_ =	shalt  }
0x40: {  	_ =	shalt  }
0x41: {  	_ =	shalt  }
0x42: {  	_ =	shalt  }
0x43: {  	_ =	shalt  }
0x44: {  	_ =	shalt  }
0x45: {  	_ =	shalt  }
0x46: {  	_ =	shalt  }
0x47: {  	_ =	shalt  }
0x48: {  	_ =	shalt  }
0x49: {  	_ =	shalt  }
0x4a: {  	_ =	shalt  }
0x4b: {  	_ =	shalt  }
0x4c: {  	_ =	shalt  }
0x4d: {  	_ =	shalt  }
0x4e: {  	_ =	shalt  }
0x4f: {  	_ =	shalt  }
0x50: {  	_ =	shalt  }
0x51: {  	_ =	shalt  }
0x52: {  	_ =	shalt  }
0x53: {  	_ =	shalt  }
0x54: {  	_ =	shalt  }
0x55: {  	_ =	shalt  }
0x56: {  	_ =	shalt  }
0x57: {  	_ =	shalt  }
0x58: {  	_ =	shalt  }
0x59: {  	_ =	shalt  }
0x5a: {  	_ =	shalt  }
0x5b: {  	_ =	shalt  }
0x5c: {  	_ =	shalt  }
0x5d: {  	_ =	shalt  }
0x5e: {  	_ =	shalt  }
0x5f: {  	_ =	shalt  }
0x60: {  	_ =	shalt  }
0x61: {  	_ =	shalt  }
0x62: {  	_ =	shalt  }
0x63: {  	_ =	shalt  }
0x64: {  	_ =	shalt  }
0x65: {  	_ =	shalt  }
0x66: {  	_ =	shalt  }
0x67: {  	_ =	shalt  }
0x68: {  	_ =	shalt  }
0x69: {  	_ =	shalt  }
0x6a: {  	_ =	shalt  }
0x6b: {  	_ =	shalt  }
0x6c: {  	_ =	shalt  }
0x6d: {  	_ =	shalt  }
0x6e: {  	_ =	shalt  }
0x6f: {  	_ =	shalt  }
0x70: {  	_ =	shalt  }
0x71: {  	_ =	shalt  }
0x72: {  	_ =	shalt  }
0x73: {  	_ =	shalt  }
0x74: {  	_ =	shalt  }
0x75: {  	_ =	shalt  }
0x76: {  	_ =	shalt  }
0x77: {  	_ =	shalt  }
0x78: {  	_ =	shalt  }
0x79: {  	_ =	shalt  }
0x7a: {  	_ =	shalt  }
0x7b: {  	_ =	shalt  }
0x7c: {  	_ =	shalt  }
0x7d: {  	_ =	shalt  }
0x7e: {  	_ =	shalt  }
0x7f: {  	_ =	shalt  }
0x80: {  	_ =	shalt  }
0x81: {  	_ =	shalt  }
0x82: {  	_ =	shalt  }
0x83: {  	_ =	shalt  }
0x84: {  	_ =	shalt  }
0x85: {  	_ =	shalt  }
0x86: {  	_ =	shalt  }
0x87: {  	_ =	shalt  }
.Lfunc_end0:
.L_simem_size_0:
called_computation_lowered:
.L_overlay_start_0:
0x88: {  	s2 =	sld [smem:$0x3FD9]  }
0x89: {  	s3 =	sld [smem:$0x3FFE];
	_ =	sdelay $0x1  }
0x8a: {  	s1 =	srdreg.scid  }
0x8b: {  	s0 =	sand.u32 $0x1, s1  }
0x8c: {  	s14 =	sshll.u32 s0, $0xA;
	s2 =	sadd.s32 s3, s2  }
0x8d: {  	s2 =	sadd.s32 s2, s14  }
0x8e: {  	[smem:$0x3FC2] =	sst s2  }
0x8f: {  	_ = 	snop  }
0x90: {  	s2 =	sld [smem:$0x3FD0];
	_ =	sdelay $0x2  }
0x91: {  	s15 =	simm.s32 $0xA;
	s4 =	simm.s32 $0x10  }
0x92: {  	[smem:s4], [sflag:s15] =	dma.local [hbm:s2], $0x1  }
0x93: {  	_ =	swait.eq [sflag:s15], $0x1  }
0x94: {  	[sflag:s15] =	ssyncset.done $0x0  }
0x95: {  	s16 =	sld [smem:$0x10];
	[sflag:s15] =	ssyncadd.s32 $0xFFFFFFFF  }
0x96: {  	s17 =	sld [smem:$0x11];
	(tm) =	ssettm $0x1  }
0x97: {  	s18 =	sld [smem:$0x3FFB];
	_ =	sdelay $0x3  }
0x98: {  	_ =	strace s18  }
0x99: {  	s4 =	sld [smem:$0x3FFC];
	_ =	sdelay $0x3  }
0x9a: {  	_ =	strace s4  }
0x9b: {  	s4 =	sld [smem:$0x3FFD];
	_ =	sdelay $0x3  }
0x9c: {  	_ =	strace s4  }
0x9d: {  	_ =	strace $0x8FFFFFFF  }
0x9e: {  	s19 =	sld [smem:$0x3FDB];
	_ =	sdelay $0x1  }
0x9f: {  	s5 =	simm.s32 $_scs_section_size  }
0xa0: {  	s6 =	simm.s32 $_size__tile_overlayer_lowered;
	s7 =	simm.s32 $_tile_overlayer_lowered  }
0xa1: {  	s22 =	simm.s32 $0x1BFF;
	s21 =	sshll.u32 s7, $0x1;
	s4 =	sadd.s32 s5, s19  }
0xa2: {  	s8 =	simm.s32 $0x0;
	s20 =	sshll.u32 s6, $0x1;
	s6 =	sadd.s32 s21, s4  }
0xa3: {  	[timem:s8], [sflag:s22] =	dma.local [hbm:s6], s20  }
0xa4: {  	_ =	swait.ge [sflag:s22], s20  }
0xa5: {  	s5 =	ssub.s32 $0x0, s20;
	[sflag:s22] =	ssyncset.done $0x0  }
0xa6: {  	[sflag:s22] =	ssyncadd.s32 s5;
	_ =	sdelay $0x1  }
0xa7: {  	s23 =	simm.s32 $0x1B8B  }
0xa8: {  	_ =	swait.ge [sflag:s23], $0x1  }
0xa9: {  	[sflag:s23] =	ssyncset.done $0x0  }
0xaa: {  	s25 =	simm.s32 $0x1B8E;
	s24 =	sld [smem:$0x3FFE];
	[sflag:s23] =	ssyncadd.s32 $0xFFFFFFFF  }
0xab: {  	s26 =	simm.s32 $execute0_lowered;
	[smem:$0x3FD2] =	sst s25  }
0xac: {  	s6 =	sshll.u32 s26, $0x1;
	_ =	strace $0x80000046;
	[dreg:$0x1] =	wrdreg $0xFFFFFFFF  }
0xad: {  	s28 =	simm.s32 $_size_execute0_lowered;
	s4 =	sadd.s32 s4, s6;
	[dreg:$0x0] =	wrdreg $0x0  }
0xae: {  	s6 =	sshll.u32 s28, $0x1;
	[dreg:$0x2] =	wrdreg s4  }
0xaf: {  	[dreg:$0x3] =	wrdreg s6  }
0xb0: {  	[dreg:$0x4] =	wrdreg $0xC0  }
0xb1: {  	_ =	task [dreg:s8], $0x5FFFF  }
0xb2: {  	[dreg:$0x1] =	wrdreg $0xFFFFFFFF  }
0xb3: {  	[dreg:$0x0] =	wrdreg $0x60  }
0xb4: {  	[dreg:$0x2] =	wrdreg s24  }
0xb5: {  	[dreg:$0x3] =	wrdreg s16  }
0xb6: {  	[dreg:$0x4] =	wrdreg s17  }
0xb7: {  	[dreg:$0x5] =	wrdreg $0x14B700  }
0xb8: {  	[dreg:$0x6] =	wrdreg $0x9  }
0xb9: {  	_ =	task.clear_ibuf [dreg:s8], $0x7FFFF;
	_ =	strace $0x90000046  }
0xba: {  	s29 =	simm.s32 $0x9;
	_ =	strace $0x80000048  }
0xbb: {  	_ =	swait.ge [sflag:s29], $0x1  }
0xbc: {  	[sflag:s29] =	ssyncadd.s32 $0xFFFFFFFF  }
0xbd: {  	_ =	strace $0x90000048  }
0xbe: {  	_ =	sfence  }
0xbf: {  	s30 =	sld [smem:$0x0];
	_ =	sdelay $0x2  }
0xc0: {  	s31 =	sshll.u32 s1, $0xD;
	s1 =	sshrl.u32 s1, $0x2  }
0xc1: {  	s3 =	sand.u32 $0x4000, s31;
	s1 =	sadd.s32 s1, s30  }
0xc2: {  	s0 =	sor.u32 s3, s0;
	s1 =	sshll.u32 s1, $0x11  }
0xc3: {  	s0 =	sor.u32 s1, s0  }
0xc4: {  	s0 =	sadd.s32 $0x8F2B, s0  }
0xc5: {  	[sflag:s0] =	ssyncadd.remote.s32 $0x1  }
0xc6: {  	_ =	sfence.sel $0xFFFF  }
0xc7: {  	[dreg:$0x0] =	wrdreg $0xFFFFFFFF;
	(pc) =	sbr.abs _section_cstart, $3  }
0xc8: {  	[dreg:$0x1] =	wrdreg $0xFFFFFFFF  }
0xc9: {  	_ =	task.clear_ibuf [dreg:s8], $0x2FFFF;
	_ =	strace $0x9FFFFFFF  }
0xca: {  	(tm) =	ssettm $0x7FFFFFFF  }
0xcb: {  	_ =	shalt  }
tec
execute0_lowered:
.L_overlay_start_1:
0x0: {  	(tag) =	ssettag $0x1  }
0x1: {  	s0 =	rddreg [dreg:$0x0]  }
0x2: {  	s2 =	rddreg [dreg:$0x1]  }
0x3: {  	s8 =	rddreg [dreg:$0x2]  }
0x4: {  	s1 =	rddreg [dreg:$0x3];
	s3 =	simm.s32 $0x0  }
0x5: {  	s15 =	stileid.u32;
	s4 =	srdreg.scid;
	s16 =	simm.s32 $0x4E20  }
0x6: {  	s17 =	simm.s32 $0x10AD0;
	s18 =	simm.s32 $0x9C40;
	s19 =	simm.s32 $0x50  }
0x7: {  	s22 =	simm.s32 $0xB040;
	s23 =	simm.s32 $0xC6D0;
	s9 =	smul.u32 $0x9C4, s15  }
0x8: {  	s24 =	simm.s32 $0xCAD0;
	s28 =	simm.s32 $0x0;
	s10 =	smul.u32 $0xA00, s15  }
0x9: {  	[smem:$0x7FF] =	sst s3;
	s11 =	sand.u32 $0x1, s4;
	s5 =	smul.u32 $0x2800, s15  }
0xa: {  	s12 =	sadd.s32 $0x56C00, s0;
	s4 =	sadd.s32 $0x51C00, s0;
	s26 =	smul.u32 $0x140000, s11  }
0xb: {  	_ =	strace $0x80000047;
	s6 =	ssub.s32 $0x2, s11;
	s29 =	smul.u32 $0x28000, s11  }
0xc: {  	p0 =	seq.s32 s11, $0x0;
	s13 =	sadd.s32 s9, s0;
	s7 =	sshrl.u32 s6, $0x1  }
0xd: {  	s8 =	sadd.s32 s8, s9;
	s25 =	sshrl.u32 s10, $0x2;
	s14 =	ssub.s32 s6, s7  }
0xe: {  	s6 =	sadd.s32 s2, s9;
	s7 =	smul.u32 $0x280, s15;
	s9 =	sadd.s32 s25, s1  }
0xf: {  	v0 =	vlaneseq.u32;
	v1 =	vimm.f32 $0.0e+00;
	v11 =	vimm.f32 $1.000000000e+00;
	s10 =	sadd.s32 $0xA6C00, s13;
	s30 =	sshrl.u32 s26, $0x3;
	s15 =	simm.s32 $0x29C00  }
0x10: {  	v2 =	vor.u32 $0x10, v0;
	v3 =	vor.u32 $0x20, v0;
	v4 =	vor.u32 $0x30, v0;
	s11 =	sadd.s32 s12, s29;
	s25 =	simm.s32 $0x12AD0;
	s26 =	simm.s32 $0x0  }
0x11: {  	v5 =	vor.u32 $0x40, v0;
	v6 =	vor.u32 $0x50, v0;
	v7 =	vor.u32 $0x60, v0;
	s31 =	sadd.s32 s12, s30;
	s15 =	simm.s32 @!p0 $0x1C00;
	s13 =	smax.u32 s14, $0x1  }
0x12: {  	v8 =	vor.u32 $0x70, v0;
	v9 =	vor.u32 $0x80, v0;
	v10 =	vor.u32 $0x90, v0;
	s12 =	sadd.s32 $0x14000, s31;
	s14 =	sadd.s32 s15, s0;
	s15 =	simm.s32 $0x1  }
.LBB2_1:
0x13: {  	[tilespmem:s3], [sflag:$0x1] =	stream.linear.gather [hbm4b:s6+s3], $0x4E20, $0x38;
	[tilespmem:$0x14DF0] =	vst v63  }
0x14: {  	_ =	swait.ge [sflag:s15], $0x4E20  }
0x15: {  	[sflag:s15] =	ssyncset.done $0x0  }
0x16: {  	[sflag:s15] =	ssyncadd.s32 $0xFFFFB1E0  }
0x17: {  	[tilespmem:s16], [sflag:$0x1] =	stream.linear.gather [hbm4b:s8+s3], $0x4E20, $0x38;
	[tilespmem:$0x14DF0] =	vst v63  }
0x18: {  	_ =	swait.ge [sflag:s15], $0x4E20  }
0x19: {  	[sflag:s15] =	ssyncset.done $0x0  }
0x1a: {  	s2 =	simm.s32 $0x100;
	s0 =	simm.s32 $0x0;
	[sflag:s15] =	ssyncadd.s32 $0xFFFFB1E0  }
.LBB2_2:
0x1b: {  	p0 =	sne.s32 s2, $0x9F00;
	[tilespmem:s0+$0x9C70] =	vst v1;
	s20 =	smov.u32 s2;
	s2 =	sadd.s32 $0x100, s2  }
.Ltmp0:
0x1c: {  	[tilespmem:s0+$0x9C60] =	vst v1;
	(pc) =	sbr.rel @p0 .LBB2_2-.Ltmp0, $3  }
0x1d: {  	[tilespmem:s0+$0x9C40] =	vst v1  }
0x1e: {  	[tilespmem:s0+$0x9C50] =	vst v1;
	_ =	sdelay $0x1  }
0x1f: {  	s0 =	sshra.s32 s20, $0x2  }
0x20: {  	[tilespmem:s0+$0x9C70] =	vst v1  }
0x21: {  	[tilespmem:s0+$0x9C60] =	vst v1  }
0x22: {  	[tilespmem:s0+$0x9C40] =	vst v1  }
0x23: {  	[tilespmem:s0+$0x9C50] =	vst v1  }
0x24: {  	[tilespmem:$0x14AD0] =	vst v0  }
0x25: {  	[tilespmem:$0x14AE0] =	vst v2  }
0x26: {  	[tilespmem:$0x14AF0] =	vst v3  }
0x27: {  	[tilespmem:$0x14B00] =	vst v4  }
0x28: {  	[tilespmem:$0x14B10] =	vst v5  }
0x29: {  	[tilespmem:$0x14B20] =	vst v6  }
0x2a: {  	[tilespmem:$0x14B30] =	vst v7  }
0x2b: {  	[tilespmem:$0x14B40] =	vst v8  }
0x2c: {  	[tilespmem:$0x14B50] =	vst v9  }
0x2d: {  	[tilespmem:$0x14B60] =	vst v10  }
0x2e: {  	[tilespmem:$0x10AD0] =	vst v1  }
0x2f: {  	[tilespmem:$0x10AE0] =	vst v1  }
0x30: {  	[tilespmem:$0x10AF0] =	vst v1  }
0x31: {  	[tilespmem:$0x10B00] =	vst v1  }
0x32: {  	[tilespmem:$0x10B10] =	vst v1  }
0x33: {  	[tilespmem:$0x10B20] =	vst v1  }
0x34: {  	[tilespmem:$0x10B30] =	vst v1  }
0x35: {  	[tilespmem:$0x10B40] =	vst v1  }
0x36: {  	[tilespmem:$0x10B50] =	vst v1  }
0x37: {  	[tilespmem:$0x10B60] =	vst v1  }
0x38: {  	[tilespmem:$0x10B70] =	vst v1  }
0x39: {  	[tilespmem:$0x10B80] =	vst v1  }
0x3a: {  	[tilespmem:$0x10B90] =	vst v1  }
0x3b: {  	[tilespmem:$0x10BA0] =	vst v1  }
0x3c: {  	[tilespmem:$0x10BB0] =	vst v1  }
0x3d: {  	[tilespmem:$0x10BC0] =	vst v1  }
0x3e: {  	[tilespmem:$0x10BD0] =	vst v1  }
0x3f: {  	[tilespmem:$0x10BE0] =	vst v1  }
0x40: {  	[tilespmem:$0x10BF0] =	vst v1  }
0x41: {  	[tilespmem:$0x10C00] =	vst v1  }
0x42: {  	[tilespmem:$0x10C10] =	vst v1  }
0x43: {  	[tilespmem:$0x10C20] =	vst v1  }
0x44: {  	[tilespmem:$0x10C30] =	vst v1  }
0x45: {  	[tilespmem:$0x10C40] =	vst v1  }
0x46: {  	[tilespmem:$0x10C50] =	vst v1  }
0x47: {  	[tilespmem:$0x10C60] =	vst v1  }
0x48: {  	[tilespmem:$0x10C70] =	vst v1  }
0x49: {  	[tilespmem:$0x10C80] =	vst v1  }
0x4a: {  	[tilespmem:$0x10C90] =	vst v1  }
0x4b: {  	[tilespmem:$0x10CA0] =	vst v1  }
0x4c: {  	[tilespmem:$0x10CB0] =	vst v1  }
0x4d: {  	[tilespmem:$0x10CC0] =	vst v1  }
0x4e: {  	[tilespmem:$0x10CD0] =	vst v1  }
0x4f: {  	[tilespmem:$0x10CE0] =	vst v1  }
0x50: {  	[tilespmem:$0x10CF0] =	vst v1  }
0x51: {  	[tilespmem:$0x10D00] =	vst v1  }
0x52: {  	[tilespmem:$0x10D10] =	vst v1  }
0x53: {  	[tilespmem:$0x10D20] =	vst v1  }
0x54: {  	[tilespmem:$0x10D30] =	vst v1  }
0x55: {  	[tilespmem:$0x10D40] =	vst v1  }
0x56: {  	[spmem:s9] =	stream.linear.scatter [tilespmem:s17], [sflag:$0x1], $0x280, $0x38;
	[tilespmem:$0x14DF0] =	vst v63  }
0x57: {  	_ =	swait.ge [sflag:s15], $0x280  }
0x58: {  	[sflag:s15] =	ssyncset.done $0x0  }
0x59: {  	s0 =	simm.s32 $0x0;
	[sflag:s15] =	ssyncadd.s32 $0xFFFFFD80  }
0x5a: {  	v12 =	vld [tilespmem:s0+$0x4E20];
	_ =	sdelay $0x7  }
0x5b: {  	[tilespmem:v12+s18+$0x0] =	vst.idx.add.f32.msk $0xffff, v11  }
0x5c: {  	v13 =	vld [tilespmem:s0+$0x0]  }
0x5d: {  	v14 =	vld [tilespmem:s0+$0x4E30];
	_ =	sdelay $0x4  }
0x5e: {  	v13 =	vshll.u32 v13, $0x10  }
0x5f: {  	v12 =	vor.u32 v12, v13  }
0x60: {  	[tilespmem:s0+$0x4E20] =	vst v12  }
0x61: {  	[tilespmem:v14+s18+$0x0] =	vst.idx.add.f32.msk $0xffff, v11  }
0x62: {  	v12 =	vld [tilespmem:s0+$0x10]  }
0x63: {  	v13 =	vld [tilespmem:s0+$0x4E40];
	_ =	sdelay $0x4  }
0x64: {  	v12 =	vshll.u32 v12, $0x10  }
0x65: {  	v12 =	vor.u32 v14, v12  }
0x66: {  	[tilespmem:s0+$0x4E30] =	vst v12  }
0x67: {  	[tilespmem:v13+s18+$0x0] =	vst.idx.add.f32.msk $0xffff, v11  }
0x68: {  	v12 =	vld [tilespmem:s0+$0x20]  }
0x69: {  	v14 =	vld [tilespmem:s0+$0x4E50];
	_ =	sdelay $0x4  }
0x6a: {  	v12 =	vshll.u32 v12, $0x10  }
0x6b: {  	v12 =	vor.u32 v13, v12  }
0x6c: {  	[tilespmem:s0+$0x4E40] =	vst v12  }
0x6d: {  	[tilespmem:v14+s18+$0x0] =	vst.idx.add.f32.msk $0xffff, v11  }
0x6e: {  	v13 =	vld [tilespmem:s0+$0x30]  }
0x6f: {  	v12 =	vld [tilespmem:s0+$0x4E60];
	_ =	sdelay $0x4  }
0x70: {  	v13 =	vshll.u32 v13, $0x10  }
0x71: {  	v13 =	vor.u32 v14, v13  }
0x72: {  	[tilespmem:s0+$0x4E50] =	vst v13  }
0x73: {  	[tilespmem:v12+s18+$0x0] =	vst.idx.add.f32.msk $0xffff, v11  }
0x74: {  	s21 =	simm.s32 $0x50;
	v14 =	vld [tilespmem:s0+$0x40]  }
0x75: {  	s2 =	simm.s32 $0x280;
	v13 =	vld [tilespmem:s21+$0x4E20]  }
.LBB2_4:
0x76: {  	_ = 	snop  }
0x77: {  	p0 =	sne.s32 s2, $0x13740;
	s20 =	smov.u32 s2;
	s2 =	sadd.s32 $0x140, s2  }
0x78: {  	_ = 	snop  }
0x79: {  	v14 =	vshll.u32 v14, $0x10  }
0x7a: {  	v12 =	vor.u32 v12, v14  }
0x7b: {  	[tilespmem:s0+$0x4E60] =	vst v12;
	s0 =	smov.u32 s21;
	_ =	sdelay $0x1  }
0x7c: {  	[tilespmem:v13+s18+$0x0] =	vst.idx.add.f32.msk $0xffff, v11  }
0x7d: {  	v12 =	vld [tilespmem:s0+$0x0]  }
0x7e: {  	v14 =	vld [tilespmem:s0+$0x4E30];
	_ =	sdelay $0x3  }
0x7f: {  	v12 =	vshll.u32 v12, $0x10  }
0x80: {  	v12 =	vor.u32 v13, v12  }
0x81: {  	[tilespmem:s0+$0x4E20] =	vst v12;
	_ =	sdelay $0x1  }
0x82: {  	[tilespmem:v14+s18+$0x0] =	vst.idx.add.f32.msk $0xffff, v11  }
0x83: {  	v12 =	vld [tilespmem:s0+$0x10]  }
0x84: {  	v13 =	vld [tilespmem:s0+$0x4E40];
	_ =	sdelay $0x3  }
0x85: {  	v12 =	vshll.u32 v12, $0x10  }
0x86: {  	v12 =	vor.u32 v14, v12  }
0x87: {  	[tilespmem:s0+$0x4E30] =	vst v12;
	_ =	sdelay $0x1  }
0x88: {  	[tilespmem:v13+s18+$0x0] =	vst.idx.add.f32.msk $0xffff, v11  }
0x89: {  	v12 =	vld [tilespmem:s0+$0x20]  }
0x8a: {  	v14 =	vld [tilespmem:s0+$0x4E50];
	_ =	sdelay $0x3  }
0x8b: {  	v12 =	vshll.u32 v12, $0x10  }
0x8c: {  	v12 =	vor.u32 v13, v12  }
0x8d: {  	[tilespmem:s0+$0x4E40] =	vst v12;
	_ =	sdelay $0x1  }
0x8e: {  	[tilespmem:v14+s18+$0x0] =	vst.idx.add.f32.msk $0xffff, v11  }
0x8f: {  	v13 =	vld [tilespmem:s0+$0x30]  }
0x90: {  	v12 =	vld [tilespmem:s0+$0x4E60];
	_ =	sdelay $0x3  }
0x91: {  	v13 =	vshll.u32 v13, $0x10  }
0x92: {  	v13 =	vor.u32 v14, v13  }
.Ltmp1:
0x93: {  	[tilespmem:s0+$0x4E50] =	vst v13;
	(pc) =	sbr.rel @p0 .LBB2_4-.Ltmp1, $4  }
0x94: {  	_ = 	snop  }
0x95: {  	[tilespmem:v12+s18+$0x0] =	vst.idx.add.f32.msk $0xffff, v11  }
0x96: {  	s21 =	sshra.s32 s20, $0x2;
	v14 =	vld [tilespmem:s0+$0x40]  }
0x97: {  	v13 =	vld [tilespmem:s21+$0x4E20]  }
0x98: {  	_ =	sdelay $0x4  }
0x99: {  	v14 =	vshll.u32 v14, $0x10  }
0x9a: {  	v12 =	vor.u32 v12, v14  }
0x9b: {  	[tilespmem:s0+$0x4E60] =	vst v12  }
0x9c: {  	[tilespmem:v13+s18+$0x0] =	vst.idx.add.f32.msk $0xffff, v11  }
0x9d: {  	v12 =	vld [tilespmem:s21+$0x0]  }
0x9e: {  	v53 =	vld [tilespmem:s21+$0x4E30];
	_ =	sdelay $0x4  }
0x9f: {  	v12 =	vshll.u32 v12, $0x10  }
0xa0: {  	v12 =	vor.u32 v13, v12  }
0xa1: {  	[tilespmem:s21+$0x4E20] =	vst v12  }
0xa2: {  	[tilespmem:v53+s18+$0x0] =	vst.idx.add.f32.msk $0xffff, v11  }
0xa3: {  	v54 =	vld [tilespmem:s21+$0x10]  }
0xa4: {  	v55 =	vld [tilespmem:s21+$0x4E40];
	_ =	sdelay $0x4  }
0xa5: {  	v12 =	vshll.u32 v54, $0x10  }
0xa6: {  	v12 =	vor.u32 v53, v12  }
0xa7: {  	[tilespmem:s21+$0x4E30] =	vst v12  }
0xa8: {  	[tilespmem:v55+s18+$0x0] =	vst.idx.add.f32.msk $0xffff, v11  }
0xa9: {  	v56 =	vld [tilespmem:s21+$0x20]  }
0xaa: {  	v57 =	vld [tilespmem:s21+$0x4E50];
	_ =	sdelay $0x4  }
0xab: {  	v12 =	vshll.u32 v56, $0x10  }
0xac: {  	v12 =	vor.u32 v55, v12  }
0xad: {  	[tilespmem:s21+$0x4E40] =	vst v12  }
0xae: {  	[tilespmem:v57+s18+$0x0] =	vst.idx.add.f32.msk $0xffff, v11  }
0xaf: {  	v58 =	vld [tilespmem:s21+$0x30]  }
0xb0: {  	v59 =	vld [tilespmem:s21+$0x4E60];
	_ =	sdelay $0x4  }
0xb1: {  	v12 =	vshll.u32 v58, $0x10  }
0xb2: {  	v12 =	vor.u32 v57, v12  }
0xb3: {  	[tilespmem:s21+$0x4E50] =	vst v12  }
0xb4: {  	[tilespmem:v59+s18+$0x0] =	vst.idx.add.f32.msk $0xffff, v11  }
0xb5: {  	v60 =	vld [tilespmem:s21+$0x40];
	_ =	sdelay $0x4  }
0xb6: {  	v12 =	vshll.u32 v60, $0x10  }
0xb7: {  	v12 =	vor.u32 v59, v12  }
0xb8: {  	s29 =	simm.s32 $0x0;
	[tilespmem:s21+$0x4E60] =	vst v12  }
0xb9: {  	[hbm4b:s10+s29] =	stream.linear.scatter [tilespmem:s16], [sflag:$0x1], $0x4E20, $0x38;
	[tilespmem:$0x14DF0] =	vst v63  }
0xba: {  	_ =	swait.ge [sflag:s15], $0x4E20  }
0xbb: {  	[sflag:s15] =	ssyncset.done $0x0  }
0xbc: {  	[sflag:s15] =	ssyncadd.s32 $0xFFFFB1E0  }
0xbd: {  	s2 =	simm.s32 $0x14AD0;
	[bflag:$0x0] =	sbarrier.arrive $0xFFFF  }
0xbe: {  	[spmem:s1] =	stream.indirect.scatter.add.f32 [tilespmem:s18], [sflag:$0x1], $0x40, s2, s19, $0xb8;
	[tilespmem:$0x14DF0] =	vst v63  }
0xbf: {  	_ =	swait.ge [sflag:s15], $0x1400  }
0xc0: {  	[sflag:s15] =	ssyncset.done $0x0  }
0xc1: {  	s20 =	simm.s32 $0x14B20;
	[sflag:s15] =	ssyncadd.s32 $0xFFFFEC00  }
0xc2: {  	[spmem:s1] =	stream.indirect.scatter.add.f32 [tilespmem:s22], [sflag:$0x1], $0x40, s20, s19, $0xb8;
	[tilespmem:$0x14DF0] =	vst v63  }
0xc3: {  	_ =	swait.ge [sflag:s15], $0x1400  }
0xc4: {  	[sflag:s15] =	ssyncset.done $0x0  }
0xc5: {  	[sflag:s15] =	ssyncadd.s32 $0xFFFFEC00  }
0xc6: {  	[bflag:$0x0] =	sbarrier.arrive $0xFFFF  }
0xc7: {  	[tilespmem:s18], [sflag:$0x1] =	stream.linear.gather [spmem:s9], $0x280, $0x38;
	[tilespmem:$0x14DF0] =	vst v63  }
0xc8: {  	_ =	swait.ge [sflag:s15], $0x280  }
0xc9: {  	[sflag:s15] =	ssyncset.done $0x0  }
0xca: {  	s21 =	sand.u32 $0x3F0, s29;
	[sflag:s15] =	ssyncadd.s32 $0xFFFFFD80  }
0xcb: {  	v61 =	vld [tilespmem:s21+$0x9C40];
	_ =	sdelay $0x4  }
0xcc: {  	v12 =	vadd.f32 $1.000000000e+00, v61;
	_ =	sdelay $0x1  }
0xcd: {  	v62 =	vshrl.u32 v12, $0x1;
	v12 =	vmul.f32 $5.000000000e-01, v12  }
0xce: {  	v13 =	vsub.s32 $0x5F3759DF, v62  }
0xcf: {  	v63 =	vmul.f32 v13, v12;
	_ =	sdelay $0x1  }
0xd0: {  	v14 =	vmul.f32 v13, v63;
	_ =	sdelay $0x1  }
0xd1: {  	v14 =	vsub.f32 $1.500000000e+00, v14;
	_ =	sdelay $0x1  }
0xd2: {  	v13 =	vmul.f32 v13, v14;
	_ =	sdelay $0x1  }
0xd3: {  	v14 =	vmul.f32 v13, v12;
	_ =	sdelay $0x1  }
0xd4: {  	v14 =	vmul.f32 v14, v13;
	_ =	sdelay $0x1  }
0xd5: {  	v14 =	vsub.f32 $1.500000000e+00, v14;
	_ =	sdelay $0x1  }
0xd6: {  	v13 =	vmul.f32 v14, v13;
	_ =	sdelay $0x1  }
0xd7: {  	v12 =	vmul.f32 v13, v12;
	_ =	sdelay $0x1  }
0xd8: {  	v12 =	vmul.f32 v12, v13;
	_ =	sdelay $0x1  }
0xd9: {  	v12 =	vsub.f32 $1.500000000e+00, v12;
	_ =	sdelay $0x1  }
0xda: {  	v12 =	vmul.f32 v12, v13  }
0xdb: {  	s30 =	simm.s32 $0xC440;
	s31 =	simm.s32 $0x10  }
0xdc: {  	s0 =	simm.s32 $0xC440;
	s2 =	simm.s32 $0x20;
	s20 =	sand.u32 $0x3F0, s31;
	[tilespmem:s30+$0x0] =	vst v12  }
.LBB2_6:
0xdd: {  	p0 =	sne.s32 s2, $0x270;
	v12 =	vld [tilespmem:s20+$0x9C40];
	_ =	sdelay $0x4  }
0xde: {  	v12 =	vadd.f32 $1.000000000e+00, v12;
	_ =	sdelay $0x1  }
0xdf: {  	v13 =	vshrl.u32 v12, $0x1;
	v12 =	vmul.f32 $5.000000000e-01, v12  }
0xe0: {  	v13 =	vsub.s32 $0x5F3759DF, v13  }
0xe1: {  	v14 =	vmul.f32 v13, v12;
	_ =	sdelay $0x1  }
0xe2: {  	v14 =	vmul.f32 v13, v14;
	_ =	sdelay $0x1  }
0xe3: {  	v14 =	vsub.f32 $1.500000000e+00, v14;
	_ =	sdelay $0x1  }
0xe4: {  	v13 =	vmul.f32 v13, v14;
	_ =	sdelay $0x1  }
0xe5: {  	v14 =	vmul.f32 v13, v12;
	_ =	sdelay $0x1  }
0xe6: {  	v14 =	vmul.f32 v14, v13;
	_ =	sdelay $0x1  }
0xe7: {  	v14 =	vsub.f32 $1.500000000e+00, v14;
	_ =	sdelay $0x1  }
0xe8: {  	v13 =	vmul.f32 v14, v13;
	_ =	sdelay $0x1  }
0xe9: {  	v12 =	vmul.f32 v13, v12;
	_ =	sdelay $0x1  }
0xea: {  	v12 =	vmul.f32 v12, v13;
	_ =	sdelay $0x1  }
.Ltmp2:
0xeb: {  	v12 =	vsub.f32 $1.500000000e+00, v12;
	(pc) =	sbr.rel @p0 .LBB2_6-.Ltmp2, $4  }
0xec: {  	_ = 	snop  }
0xed: {  	v12 =	vmul.f32 v12, v13  }
0xee: {  	s0 =	sadd.s32 $0x10, s0  }
0xef: {  	s20 =	sand.u32 $0x3F0, s2;
	s2 =	sadd.s32 $0x10, s2;
	[tilespmem:s0+$0x0] =	vst v12  }
0xf0: {  	v12 =	vld [tilespmem:s20+$0x9C40];
	_ =	sdelay $0x4  }
0xf1: {  	v12 =	vadd.f32 $1.000000000e+00, v12;
	_ =	sdelay $0x1  }
0xf2: {  	v13 =	vshrl.u32 v12, $0x1;
	v12 =	vmul.f32 $5.000000000e-01, v12  }
0xf3: {  	v13 =	vsub.s32 $0x5F3759DF, v13  }
0xf4: {  	v14 =	vmul.f32 v13, v12;
	_ =	sdelay $0x1  }
0xf5: {  	v14 =	vmul.f32 v13, v14;
	_ =	sdelay $0x1  }
0xf6: {  	v14 =	vsub.f32 $1.500000000e+00, v14;
	_ =	sdelay $0x1  }
0xf7: {  	v13 =	vmul.f32 v13, v14;
	_ =	sdelay $0x1  }
0xf8: {  	v14 =	vmul.f32 v13, v12;
	_ =	sdelay $0x1  }
0xf9: {  	v14 =	vmul.f32 v14, v13;
	_ =	sdelay $0x1  }
0xfa: {  	v14 =	vsub.f32 $1.500000000e+00, v14;
	_ =	sdelay $0x1  }
0xfb: {  	v13 =	vmul.f32 v14, v13;
	_ =	sdelay $0x1  }
0xfc: {  	v12 =	vmul.f32 v13, v12;
	_ =	sdelay $0x1  }
0xfd: {  	v12 =	vmul.f32 v12, v13;
	_ =	sdelay $0x1  }
0xfe: {  	v12 =	vsub.f32 $1.500000000e+00, v12;
	_ =	sdelay $0x1  }
0xff: {  	v12 =	vmul.f32 v12, v13  }
0x100: {  	s0 =	sadd.s32 $0x10, s0  }
0x101: {  	[tilespmem:s0+$0x0] =	vst v12  }
.LBB2_8:
0x102: {  	s2 =	sadd.s32 $0x0, s30  }
0x103: {  	v12 =	vld.msk [tilespmem:s2+$0x0 ss:$0x0], $0xffff;
	_ =	sdelay $0x3  }
0x104: {  	s0 =	simm.s32 $0xC6D0;
	s20 =	simm.s32 $0x1;
	s2 =	simm.s32 $0x8  }
.LBB2_9:
0x105: {  	p0 =	sne.s32 s2, $0xFC;
	s20 =	sadd.s32 s20, s30;
	[tilespmem:s0+$0x0] =	vst v12  }
0x106: {  	v12 =	vld.msk [tilespmem:s20+$0x0 ss:$0x0], $0xffff  }
.Ltmp3:
0x107: {  	(pc) =	sbr.rel @p0 .LBB2_9-.Ltmp3, $2  }
0x108: {  	_ =	sdelay $0x2  }
0x109: {  	s0 =	sadd.s32 $0x10, s0;
	s20 =	sshra.s32 s2, $0x2;
	s2 =	sadd.s32 $0x4, s2  }
0x10a: {  	s2 =	sadd.s32 s20, s30;
	[tilespmem:s0+$0x0] =	vst v12  }
0x10b: {  	v12 =	vld.msk [tilespmem:s2+$0x0 ss:$0x0], $0xffff;
	_ =	sdelay $0x1  }
0x10c: {  	s20 =	sshll.u32 s29, $0xA  }
0x10d: {  	s29 =	sadd.s32 $0x1, s29;
	s2 =	sadd.s32 s5, s20  }
0x10e: {  	s21 =	sadd.s32 $0x10, s0;
	p0 =	sne.s32 s29, $0xA;
	s2 =	sshrl.u32 s2, $0x3  }
.Ltmp4:
0x10f: {  	s31 =	sadd.s32 s4, s2;
	[tilespmem:s21+$0x0] =	vst v12;
	(pc) =	sbr.rel @p0 .LBB2_8-.Ltmp4, $4  }
0x110: {  	[hbm4b:s31+s28] =	stream.linear.scatter [tilespmem:s23], [sflag:$0x1], $0x400, $0x38;
	[tilespmem:$0x14DF0] =	vst v63  }
0x111: {  	_ =	swait.ge [sflag:s15], $0x400  }
0x112: {  	[sflag:s15] =	ssyncset.done $0x0  }
0x113: {  	s30 =	sadd.s32 $0x40, s30;
	[sflag:s15] =	ssyncadd.s32 $0xFFFFFC00  }
0x114: {  	s21 =	simm.s32 $0xC440;
	s30 =	simm.s32 $0x0  }
.LBB2_12:
0x115: {  	s0 =	sshll.u32 s30, $0x7  }
0x116: {  	s31 =	sadd.s32 s7, s0  }
0x117: {  	s0 =	sshll.u32 s31, $0x4  }
0x118: {  	s0 =	sadd.s32 s14, s0  }
0x119: {  	[tilespmem:s24], [sflag:$0x1] =	stream.linear.gather [hbm4b:s0+s28], $0x4000, $0x38;
	[tilespmem:$0x14DF0] =	vst v63  }
0x11a: {  	_ =	swait.ge [sflag:s15], $0x4000  }
0x11b: {  	[sflag:s15] =	ssyncset.done $0x0  }
0x11c: {  	[sflag:s15] =	ssyncadd.s32 $0xFFFFC000  }
0x11d: {  	s0 =	simm.s32 $0xCB10;
	v12 =	vld.msk [tilespmem:s21+$0x0 ss:$0x0], $0xffff  }
0x11e: {  	v13 =	vld [tilespmem:s0+$0xFFFFFFC0];
	_ =	sdelay $0x4  }
0x11f: {  	v13 =	vmul.f32 v12, v13  }
0x120: {  	s2 =	simm.s32 $0x0  }
0x121: {  	[tilespmem:s2+$0x10AD0] =	vst v13  }
0x122: {  	v13 =	vld [tilespmem:s0+$0x0];
	_ =	sdelay $0x4  }
0x123: {  	v13 =	vmul.f32 v13, v12;
	_ =	sdelay $0x1  }
0x124: {  	[tilespmem:s2+$0x12AD0] =	vst v13  }
0x125: {  	v13 =	vld [tilespmem:s0+$0xFFFFFFD0];
	_ =	sdelay $0x4  }
0x126: {  	v13 =	vmul.f32 v13, v12;
	_ =	sdelay $0x1  }
0x127: {  	[tilespmem:s2+$0x10AE0] =	vst v13  }
0x128: {  	v13 =	vld [tilespmem:s0+$0x10];
	_ =	sdelay $0x4  }
0x129: {  	v13 =	vmul.f32 v13, v12;
	_ =	sdelay $0x1  }
0x12a: {  	[tilespmem:s2+$0x12AE0] =	vst v13  }
0x12b: {  	v13 =	vld [tilespmem:s0+$0xFFFFFFE0];
	_ =	sdelay $0x4  }
0x12c: {  	v13 =	vmul.f32 v13, v12;
	_ =	sdelay $0x1  }
0x12d: {  	[tilespmem:s2+$0x10AF0] =	vst v13  }
0x12e: {  	v13 =	vld [tilespmem:s0+$0x20];
	_ =	sdelay $0x4  }
0x12f: {  	v13 =	vmul.f32 v13, v12;
	_ =	sdelay $0x1  }
0x130: {  	[tilespmem:s2+$0x12AF0] =	vst v13  }
0x131: {  	v13 =	vld [tilespmem:s0+$0xFFFFFFF0];
	_ =	sdelay $0x4  }
0x132: {  	v13 =	vmul.f32 v13, v12;
	_ =	sdelay $0x1  }
0x133: {  	[tilespmem:s2+$0x10B00] =	vst v13  }
0x134: {  	v13 =	vld [tilespmem:s0+$0x30];
	_ =	sdelay $0x4  }
0x135: {  	s20 =	simm.s32 $0x100;
	s29 =	smov.u32 s21;
	v12 =	vmul.f32 v13, v12  }
.LBB2_13:
0x136: {  	_ = 	snop  }
0x137: {  	p0 =	sne.s32 s20, $0x7F00;
	s0 =	sadd.s32 $0x80, s0;
	s29 =	sadd.s32 $0x1, s29;
	[tilespmem:s2+$0x12B00] =	vst v12  }
0x138: {  	s2 =	smov.u32 s20;
	s20 =	sadd.s32 $0x100, s20;
	v12 =	vld.msk [tilespmem:s29+$0x0 ss:$0x0], $0xffff  }
0x139: {  	v13 =	vld [tilespmem:s0+$0xFFFFFFC0];
	_ =	sdelay $0x4  }
0x13a: {  	v13 =	vmul.f32 v12, v13  }
0x13b: {  	s2 =	sshra.s32 s2, $0x2  }
0x13c: {  	[tilespmem:s2+$0x10AD0] =	vst v13  }
0x13d: {  	v13 =	vld [tilespmem:s0+$0x0];
	_ =	sdelay $0x4  }
0x13e: {  	v13 =	vmul.f32 v13, v12;
	_ =	sdelay $0x1  }
0x13f: {  	[tilespmem:s2+$0x12AD0] =	vst v13  }
0x140: {  	v13 =	vld [tilespmem:s0+$0xFFFFFFD0];
	_ =	sdelay $0x4  }
0x141: {  	v13 =	vmul.f32 v13, v12;
	_ =	sdelay $0x1  }
0x142: {  	[tilespmem:s2+$0x10AE0] =	vst v13  }
0x143: {  	v13 =	vld [tilespmem:s0+$0x10];
	_ =	sdelay $0x4  }
0x144: {  	v13 =	vmul.f32 v13, v12;
	_ =	sdelay $0x1  }
0x145: {  	[tilespmem:s2+$0x12AE0] =	vst v13  }
0x146: {  	v13 =	vld [tilespmem:s0+$0xFFFFFFE0];
	_ =	sdelay $0x4  }
0x147: {  	v13 =	vmul.f32 v13, v12;
	_ =	sdelay $0x1  }
0x148: {  	[tilespmem:s2+$0x10AF0] =	vst v13  }
0x149: {  	v13 =	vld [tilespmem:s0+$0x20];
	_ =	sdelay $0x4  }
0x14a: {  	v13 =	vmul.f32 v13, v12;
	_ =	sdelay $0x1  }
0x14b: {  	[tilespmem:s2+$0x12AF0] =	vst v13  }
0x14c: {  	v13 =	vld [tilespmem:s0+$0xFFFFFFF0];
	_ =	sdelay $0x4  }
0x14d: {  	v13 =	vmul.f32 v13, v12;
	_ =	sdelay $0x1  }
0x14e: {  	[tilespmem:s2+$0x10B00] =	vst v13  }
0x14f: {  	v13 =	vld [tilespmem:s0+$0x30]  }
.Ltmp5:
0x150: {  	(pc) =	sbr.rel @p0 .LBB2_13-.Ltmp5, $2  }
0x151: {  	_ =	sdelay $0x2  }
0x152: {  	v12 =	vmul.f32 v13, v12  }
0x153: {  	s0 =	sshll.u32 s31, $0x3  }
0x154: {  	[tilespmem:s2+$0x12B00] =	vst v12;
	s31 =	sadd.s32 s0, s11  }
0x155: {  	[hbm4b:s31+s3] =	stream.linear.scatter [tilespmem:s17], [sflag:$0x1], $0x2000, $0x38;
	[tilespmem:$0x14DF0] =	vst v63  }
0x156: {  	s30 =	sadd.s32 $0x1, s30;
	_ =	swait.ge [sflag:s15], $0x2000  }
0x157: {  	p0 =	sne.s32 s30, $0x5;
	[sflag:s15] =	ssyncset.done $0x0  }
.Ltmp6:
0x158: {  	s0 =	sadd.s32 s0, s12;
	[sflag:s15] =	ssyncadd.s32 $0xFFFFE000;
	(pc) =	sbr.rel @p0 .LBB2_12-.Ltmp6, $4  }
0x159: {  	[hbm4b:s0+s3] =	stream.linear.scatter [tilespmem:s25], [sflag:$0x1], $0x2000, $0x38;
	[tilespmem:$0x14DF0] =	vst v63  }
0x15a: {  	_ =	swait.ge [sflag:s15], $0x2000  }
0x15b: {  	[sflag:s15] =	ssyncset.done $0x0  }
0x15c: {  	s21 =	sadd.s32 $0x80, s21;
	[sflag:s15] =	ssyncadd.s32 $0xFFFFE000  }
0x15d: {  	s26 =	sadd.s32 $0x1, s26  }
0x15e: {  	p0 =	sne.s32 s26, s13  }
.Ltmp7:
0x15f: {  	_ = 	snop;
	(pc) =	sbr.rel @p0 .LBB2_1-.Ltmp7, $1  }
0x160: {  	_ =	sdelay $0x3  }
0x161: {  	_ =	sfence.sel $0x180000  }
0x162: {  	[bflag:$0x0] =	sbarrier.arrive $0xFFFF  }
0x163: {  	_ =	strace $0x90000047  }
0x164: {  	s0 =	stileid.u32;
	[bflag:$0x2] =	sbarrier.arrive $0xFFFF  }
0x165: {  	p0 =	sne.s32 s0, $0x0;
	s0 =	rddreg [dreg:$0x4]  }
0x166: {  	s0 =	sadd.s32 @!p0 $0x100000, s0  }
0x167: {  	[sflag:s0] =	ssyncadd.tile.s32 @!p0 $0x1;
	_ =	shalt  }
.Lfunc_end2:
_tile_overlayer_lowered:
.L_overlay_start_2:
0x168: {  	(tag) =	ssettag $0x2  }
0x169: {  	s0 =	rddreg [dreg:$0x0];
	s2 =	stileid.u32  }
0x16a: {  	s1 =	rddreg [dreg:$0x1];
	p0 =	sne.s32 s2, $0x0  }
0x16b: {  	s3 =	rddreg [dreg:$0x2];
	[bflag:$0x3] =	sbarrier.arrive $0xFFFF;
	s2 =	simm.s32 @!p0 $0x1C01  }
0x16c: {  	[timem:s3], [sflag:s2] =	dma.local @!p0 [hbm:s0], s1  }
0x16d: {  	s0 =	simm.s32 @!p0 $0x1  }
0x16e: {  	_ =	swait.ge @!p0 [sflag:s0], s1  }
0x16f: {  	s1 =	ssub.s32 @!p0 $0x0, s1;
	[sflag:s0] =	ssyncset.done @!p0 $0x0  }
0x170: {  	[sflag:s0] =	ssyncadd.s32 @!p0 s1  }
0x171: {  	[bflag:$0x3] =	sbarrier.arrive $0xFFFF  }
0x172: {  	_ =	shalt  }

// kernel: kernel.8.cloned.1.call-start
scs
__scs_entry_jumppad:
0x0: {  	(pc) =	sbr.rel $0x88, $3  }
0x1: {  	(tag) =	ssettag $0x0;
	lr =	simm.s32 $0x1  }
0x2: {  	[smem:$0x3F9B] =	sst lr;
	_ =	strace $0xD0000000  }
0x3: {  	_ = 	snop  }
0x4: {  	_ = 	snop  }
0x5: {  	_ = 	snop  }
0x6: {  	_ = 	snop  }
0x7: {  	_ = 	snop  }
__scs_overlays_trampoline_lowered:
0x8: {  	[smem:$0x3FAA] =	sst s0  }
0x9: {  	[smem:$0x3FAB] =	sst s1  }
0xa: {  	[smem:$0x3FAC] =	sst s2  }
0xb: {  	[smem:$0x3FAD] =	sst s3  }
0xc: {  	[smem:$0x3FAE] =	sst s4  }
0xd: {  	[smem:$0x3FAF] =	sst s5  }
0xe: {  	[smem:$0x3FB0] =	sst s6  }
0xf: {  	[smem:$0x3FB1] =	sst s7  }
0x10: {  	[smem:$0x3FB2] =	sst s8  }
0x11: {  	[smem:$0x3FB3] =	sst s9;
	s0 =	simm.s32 @!p0 $0x0  }
0x12: {  	s1 =	sld [smem:$0x3F99];
	s0 =	simm.s32 @p0 $0x1  }
0x13: {  	[smem:$0x3FB4] =	sst s0;
	s0 =	simm.s32 @!p1 $0x0  }
0x14: {  	s2 =	sld [smem:$0x3F98];
	s0 =	simm.s32 @p1 $0x1  }
0x15: {  	[smem:$0x3FB5] =	sst s0;
	s0 =	simm.s32 @!p2 $0x0  }
0x16: {  	s3 =	sld [smem:$0x3FDB];
	s0 =	simm.s32 @p2 $0x1  }
0x17: {  	s4 =	simm.s32 $0x1BF5;
	[smem:$0x3FB7] =	sst s0  }
0x18: {  	s0 =	sld [smem:$0x3F9A];
	_ =	swait.ge [sflag:s4], $0x0  }
0x19: {  	s7 =	sld [smem:$0x3F9B]  }
0x1a: {  	s8 =	sadd.s32 $0xFFFFE003, lr  }
0x1b: {  	s9 =	sadd.s32 $0xFFFFFEF7, lr;
	s5 =	simm.s32 $0xFFFFFFFF;
	p2 =	slt.u32 s8, $0xFFFFF086  }
0x1c: {  	p1 =	slt.u32 s9, $0xF7A;
	s5 =	simm.s32 @!p2 $0x0  }
0x1d: {  	s5 =	simm.s32 @p1 $0x1;
	p0 =	seq.s32 s7, s2  }
0x1e: {  	s7 =	smul.u32 @!p0 $0xF7A, s2;
	p2 =	seq.s32 @!p0 s5, $0x0  }
0x1f: {  	s9 =	smul.u32 $0xF7A, s1;
	s8 =	simm.s32 @!p0 $0x1BF5;
	p2 =	por !p2, p0  }
0x20: {  	[sflag:s8] =	ssyncset.s32 @!p0 $0xFFFFF086;
	s6 =	sadd.s32 @!p0 s3, s7;
	s7 =	simm.s32 @!p0 $0x108  }
0x21: {  	s3 =	sadd.s32 s3, s9;
	s6 =	sadd.s32 @!p0 $0x88, s6;
	s7 =	simm.s32 @p2 $0x1082  }
0x22: {  	[simem:s7], [sflag:s8] =	dma.local @!p0 [hbm:s6], $0xF7A  }
0x23: {  	s9 =	sor.u32 $0xD0000000, s2;
	s6 =	simm.s32 $0x108;
	_ =	swait.ge @!p0 [sflag:s8], $0x0  }
0x24: {  	s3 =	sadd.s32 $0x88, s3;
	s6 =	simm.s32 @!p1 $0x1082;
	[sflag:s4] =	ssyncset.s32 $0xFFFFF086  }
0x25: {  	[simem:s6], [sflag:s4] =	dma.local [hbm:s3], $0xF7A  }
0x26: {  	[smem:$0x3F9B] =	sst s1;
	(tag) =	ssettag s2;
	_ =	strace s9  }
0x27: {  	s1 =	sld [smem:$0x3FAB]  }
0x28: {  	s2 =	sld [smem:$0x3FAC]  }
0x29: {  	s4 =	sld [smem:$0x3FAE]  }
0x2a: {  	p0 =	seq.s32 s5, $0x0;
	s5 =	sld [smem:$0x3FAF]  }
0x2b: {  	s6 =	sld [smem:$0x3FB0]  }
0x2c: {  	s7 =	sld [smem:$0x3FB1]  }
0x2d: {  	s3 =	simm.s32 $0x108;
	s8 =	sld [smem:$0x3FB2]  }
0x2e: {  	s3 =	simm.s32 @!p0 $0x1082;
	s9 =	sld [smem:$0x3FB3]  }
0x2f: {  	lr =	sadd.s32 s0, s3;
	s0 =	sld [smem:$0x3FAA]  }
0x30: {  	s3 =	sld [smem:$0x3FAD]  }
0x31: {  	[smem:$0x3FB6] =	sst s10  }
0x32: {  	s10 =	sld [smem:$0x3FB4];
	_ =	sdelay $0x3  }
0x33: {  	p0 =	seq.s32 s10, $0x1;
	s10 =	sld [smem:$0x3FB6];
	_ =	sdelay $0x3  }
0x34: {  	[smem:$0x3FB6] =	sst s10  }
0x35: {  	s10 =	sld [smem:$0x3FB5];
	_ =	sdelay $0x3  }
0x36: {  	p1 =	seq.s32 s10, $0x1;
	s10 =	sld [smem:$0x3FB6];
	_ =	sdelay $0x3  }
0x37: {  	[smem:$0x3FB6] =	sst s10  }
0x38: {  	s10 =	sld [smem:$0x3FB7]  }
0x39: {  	_ = 	snop;
	(pc) =	sbr.ind lr, $3  }
0x3a: {  	_ = 	snop  }
0x3b: {  	_ = 	snop  }
0x3c: {  	p2 =	seq.s32 s10, $0x1;
	s10 =	sld [smem:$0x3FB6]  }
0x3d: {  	_ =	shalt  }
0x3e: {  	_ =	shalt  }
0x3f: {  	_ =	shalt  }
0x40: {  	_ =	shalt  }
0x41: {  	_ =	shalt  }
0x42: {  	_ =	shalt  }
0x43: {  	_ =	shalt  }
0x44: {  	_ =	shalt  }
0x45: {  	_ =	shalt  }
0x46: {  	_ =	shalt  }
0x47: {  	_ =	shalt  }
0x48: {  	_ =	shalt  }
0x49: {  	_ =	shalt  }
0x4a: {  	_ =	shalt  }
0x4b: {  	_ =	shalt  }
0x4c: {  	_ =	shalt  }
0x4d: {  	_ =	shalt  }
0x4e: {  	_ =	shalt  }
0x4f: {  	_ =	shalt  }
0x50: {  	_ =	shalt  }
0x51: {  	_ =	shalt  }
0x52: {  	_ =	shalt  }
0x53: {  	_ =	shalt  }
0x54: {  	_ =	shalt  }
0x55: {  	_ =	shalt  }
0x56: {  	_ =	shalt  }
0x57: {  	_ =	shalt  }
0x58: {  	_ =	shalt  }
0x59: {  	_ =	shalt  }
0x5a: {  	_ =	shalt  }
0x5b: {  	_ =	shalt  }
0x5c: {  	_ =	shalt  }
0x5d: {  	_ =	shalt  }
0x5e: {  	_ =	shalt  }
0x5f: {  	_ =	shalt  }
0x60: {  	_ =	shalt  }
0x61: {  	_ =	shalt  }
0x62: {  	_ =	shalt  }
0x63: {  	_ =	shalt  }
0x64: {  	_ =	shalt  }
0x65: {  	_ =	shalt  }
0x66: {  	_ =	shalt  }
0x67: {  	_ =	shalt  }
0x68: {  	_ =	shalt  }
0x69: {  	_ =	shalt  }
0x6a: {  	_ =	shalt  }
0x6b: {  	_ =	shalt  }
0x6c: {  	_ =	shalt  }
0x6d: {  	_ =	shalt  }
0x6e: {  	_ =	shalt  }
0x6f: {  	_ =	shalt  }
0x70: {  	_ =	shalt  }
0x71: {  	_ =	shalt  }
0x72: {  	_ =	shalt  }
0x73: {  	_ =	shalt  }
0x74: {  	_ =	shalt  }
0x75: {  	_ =	shalt  }
0x76: {  	_ =	shalt  }
0x77: {  	_ =	shalt  }
0x78: {  	_ =	shalt  }
0x79: {  	_ =	shalt  }
0x7a: {  	_ =	shalt  }
0x7b: {  	_ =	shalt  }
0x7c: {  	_ =	shalt  }
0x7d: {  	_ =	shalt  }
0x7e: {  	_ =	shalt  }
0x7f: {  	_ =	shalt  }
0x80: {  	_ =	shalt  }
0x81: {  	_ =	shalt  }
0x82: {  	_ =	shalt  }
0x83: {  	_ =	shalt  }
0x84: {  	_ =	shalt  }
0x85: {  	_ =	shalt  }
0x86: {  	_ =	shalt  }
0x87: {  	_ =	shalt  }
.Lfunc_end0:
.L_simem_size_0:
called_computation.1_lowered:
.L_overlay_start_0:
0x88: {  	s2 =	sld [smem:$0x3FD9]  }
0x89: {  	s3 =	sld [smem:$0x3FFE];
	_ =	sdelay $0x1  }
0x8a: {  	s1 =	srdreg.scid  }
0x8b: {  	s0 =	sand.u32 $0x1, s1  }
0x8c: {  	s16 =	sshll.u32 s0, $0xA;
	s2 =	sadd.s32 s3, s2  }
0x8d: {  	s2 =	sadd.s32 s2, s16  }
0x8e: {  	[smem:$0x3FC2] =	sst s2  }
0x8f: {  	_ = 	snop  }
0x90: {  	(tm) =	ssettm $0x1  }
0x91: {  	s17 =	sld [smem:$0x3FFB];
	_ =	sdelay $0x3  }
0x92: {  	_ =	strace s17  }
0x93: {  	s2 =	sld [smem:$0x3FFC];
	_ =	sdelay $0x3  }
0x94: {  	_ =	strace s2  }
0x95: {  	s2 =	sld [smem:$0x3FFD];
	_ =	sdelay $0x3  }
0x96: {  	_ =	strace s2  }
0x97: {  	_ =	strace $0x8FFFFFFF  }
0x98: {  	s18 =	sld [smem:$0x3FDB];
	_ =	sdelay $0x1  }
0x99: {  	s19 =	simm.s32 $_scs_section_size  }
0x9a: {  	s4 =	simm.s32 $_size__tile_overlayer_lowered;
	s5 =	simm.s32 $_tile_overlayer_lowered  }
0x9b: {  	s22 =	simm.s32 $0x1BFF;
	s21 =	sshll.u32 s5, $0x1;
	s2 =	sadd.s32 s19, s18  }
0x9c: {  	s6 =	simm.s32 $0x0;
	s20 =	sshll.u32 s4, $0x1;
	s4 =	sadd.s32 s21, s2  }
0x9d: {  	[timem:s6], [sflag:s22] =	dma.local [hbm:s4], s20  }
0x9e: {  	_ =	swait.ge [sflag:s22], s20  }
0x9f: {  	s3 =	ssub.s32 $0x0, s20;
	[sflag:s22] =	ssyncset.done $0x0  }
0xa0: {  	[sflag:s22] =	ssyncadd.s32 s3;
	_ =	sdelay $0x1  }
0xa1: {  	s23 =	simm.s32 $0x1B8B  }
0xa2: {  	_ =	swait.ge [sflag:s23], $0x1  }
0xa3: {  	[sflag:s23] =	ssyncset.done $0x0  }
0xa4: {  	s25 =	simm.s32 $0x1B8E;
	s24 =	sld [smem:$0x3FFE];
	[sflag:s23] =	ssyncadd.s32 $0xFFFFFFFF  }
0xa5: {  	s26 =	simm.s32 $execute0_lowered;
	[smem:$0x3FD2] =	sst s25  }
0xa6: {  	s4 =	sshll.u32 s26, $0x1;
	_ =	strace $0x80000049;
	[dreg:$0x1] =	wrdreg $0xFFFFFFFF  }
0xa7: {  	s28 =	simm.s32 $_size_execute0_lowered;
	s2 =	sadd.s32 s2, s4;
	[dreg:$0x0] =	wrdreg $0x0  }
0xa8: {  	s4 =	sshll.u32 s28, $0x1;
	[dreg:$0x2] =	wrdreg s2  }
0xa9: {  	[dreg:$0x3] =	wrdreg s4  }
0xaa: {  	[dreg:$0x4] =	wrdreg $0xC0  }
0xab: {  	_ =	task [dreg:s6], $0x5FFFF  }
0xac: {  	[dreg:$0x1] =	wrdreg $0xFFFFFFFF  }
0xad: {  	[dreg:$0x0] =	wrdreg $0x60  }
0xae: {  	[dreg:$0x2] =	wrdreg s24  }
0xaf: {  	[dreg:$0x3] =	wrdreg $0x11C600  }
0xb0: {  	[dreg:$0x4] =	wrdreg $0x9  }
0xb1: {  	_ =	task.clear_ibuf [dreg:s6], $0x5FFFF;
	_ =	strace $0x90000049  }
0xb2: {  	s29 =	simm.s32 $0x9;
	_ =	strace $0x8000004B  }
0xb3: {  	_ =	swait.ge [sflag:s29], $0x1  }
0xb4: {  	[sflag:s29] =	ssyncadd.s32 $0xFFFFFFFF  }
0xb5: {  	_ =	strace $0x9000004B  }
0xb6: {  	_ =	sfence  }
0xb7: {  	s30 =	sld [smem:$0x0];
	_ =	sdelay $0x2  }
0xb8: {  	s31 =	sshll.u32 s1, $0xD;
	s1 =	sshrl.u32 s1, $0x2  }
0xb9: {  	s3 =	sand.u32 $0x4000, s31;
	s1 =	sadd.s32 s1, s30  }
0xba: {  	s0 =	sor.u32 s3, s0;
	s1 =	sshll.u32 s1, $0x11  }
0xbb: {  	s0 =	sor.u32 s1, s0  }
0xbc: {  	s0 =	sadd.s32 $0x8F2B, s0  }
0xbd: {  	[sflag:s0] =	ssyncadd.remote.s32 $0x1  }
0xbe: {  	_ =	sfence.sel $0xFFFF  }
0xbf: {  	[dreg:$0x0] =	wrdreg $0xFFFFFFFF;
	(pc) =	sbr.abs _section_cstart, $3  }
0xc0: {  	[dreg:$0x1] =	wrdreg $0xFFFFFFFF  }
0xc1: {  	_ =	task.clear_ibuf [dreg:s6], $0x2FFFF;
	_ =	strace $0x9FFFFFFF  }
0xc2: {  	(tm) =	ssettm $0x7FFFFFFF  }
0xc3: {  	_ =	shalt  }
tec
execute0_lowered:
.L_overlay_start_1:
0x0: {  	(tag) =	ssettag $0x1  }
0x1: {  	s0 =	rddreg [dreg:$0x0]  }
0x2: {  	s1 =	rddreg [dreg:$0x1]  }
0x3: {  	s3 =	simm.s32 $0x0;
	s2 =	srdreg.scid;
	s7 =	stileid.u32  }
0x4: {  	s13 =	simm.s32 $0x50;
	s15 =	simm.s32 $0x5460;
	s17 =	simm.s32 $0x6860  }
0x5: {  	s19 =	simm.s32 $0x7C60;
	s21 =	simm.s32 $0x9060;
	s23 =	simm.s32 $0xA460  }
0x6: {  	s9 =	simm.s32 $0xE060;
	s8 =	simm.s32 $0x10860;
	s11 =	simm.s32 $0x3  }
0x7: {  	s12 =	simm.s32 $0x2;
	s22 =	simm.s32 $0x4;
	s10 =	simm.s32 $0x51E0  }
0x8: {  	s14 =	simm.s32 $0x5230;
	s16 =	simm.s32 $0x5280;
	s18 =	simm.s32 $0x4FB0  }
0x9: {  	s20 =	simm.s32 $0x5000;
	[smem:$0x7FF] =	sst s3;
	s24 =	smul.u32 $0x9C4, s7  }
0xa: {  	s2 =	sand.u32 $0x1, s2;
	s5 =	sadd.s32 $0x56C00, s0;
	s6 =	smul.u32 $0xA000, s7  }
0xb: {  	s30 =	sshll.u32 s7, $0x6;
	s7 =	simm.s32 $0x5190;
	_ =	strace $0x8000004A  }
0xc: {  	s4 =	ssub.s32 $0x2, s2;
	[dreg:$0x3] =	wrdreg s5;
	s2 =	sshll.u32 s2, $0x1  }
0xd: {  	s5 =	simm.s32 $0xF460;
	s25 =	sshrl.u32 s4, $0x1;
	s3 =	sadd.s32 s24, s0  }
0xe: {  	s0 =	sadd.s32 $0x1C00, s0;
	s29 =	sadd.s32 s6, s1;
	[dreg:$0x6] =	wrdreg s2  }
0xf: {  	s28 =	sshrl.u32 s6, $0x3;
	s24 =	simm.s32 $0x1;
	[dreg:$0x4] =	wrdreg s0  }
0x10: {  	s2 =	simm.s32 $0x0;
	s3 =	sadd.s32 $0xA6C00, s3;
	[dreg:$0x7] =	wrdreg s28  }
0x11: {  	s26 =	ssub.s32 s4, s25;
	s31 =	sshrl.u32 s29, $0x3;
	[dreg:$0x5] =	wrdreg s3  }
0x12: {  	s6 =	simm.s32 $0x4F60;
	s0 =	smax.u32 s26, $0x1;
	[dreg:$0xa] =	wrdreg s31  }
0x13: {  	s4 =	simm.s32 $0x5140;
	[dreg:$0x8] =	wrdreg s0;
	s0 =	sor.u32 $0x1C05, s30  }
0x14: {  	s3 =	simm.s32 $0xCC60;
	[dreg:$0x9] =	wrdreg s0;
	s0 =	simm.s32 $0xB860  }
.LBB2_1:
0x15: {  	[dreg:$0xb] =	wrdreg s2  }
0x16: {  	s25 =	simm.s32 $0x0;
	s26 =	rddreg [dreg:$0x5];
	s29 =	simm.s32 $0x5  }
0x17: {  	[tilespmem:s25], [sflag:$0x5] =	stream.linear.gather [hbm4b:s26+s25], $0x4E20, $0x38;
	[tilespmem:$0x1BC60] =	vst v63  }
0x18: {  	_ =	swait.ge [sflag:s29], $0x4E20  }
0x19: {  	p1 =	por $0x1, $0x1;
	[sflag:s29] =	ssyncset.done $0x0;
	s30 =	rddreg [dreg:$0x9]  }
0x1a: {  	s26 =	simm.s32 $0x0;
	s31 =	rddreg [dreg:$0xa];
	[sflag:s29] =	ssyncadd.s32 $0xFFFFB1E0  }
.LBB2_2:
0x1b: {  	s25 =	rddreg [dreg:$0x6]  }
0x1c: {  	s25 =	sor.u32 s25, s26  }
0x1d: {  	s2 =	smul.u32 $0x14000, s25  }
0x1e: {  	s26 =	rddreg [dreg:$0x3]  }
0x1f: {  	s25 =	sadd.s32 s26, s2  }
0x20: {  	[dreg:$0xc] =	wrdreg s2;
	s28 =	sadd.s32 s28, s25  }
0x21: {  	[spmem:s31], [sflag:s30] =	dma.local [hbm:s28], $0x1400  }
0x22: {  	_ =	swait.ge [sflag:s29], $0x1400  }
0x23: {  	[sflag:s29] =	ssyncset.done $0x0  }
0x24: {  	[sflag:s29] =	ssyncadd.s32 $0xFFFFEC00  }
0x25: {  	[bflag:$0x0] =	sbarrier.arrive $0xFFFF  }
0x26: {  	v0 =	vld [tilespmem:$0x0];
	_ =	sdelay $0x1  }
0x27: {  	v1 =	vld [tilespmem:$0x10];
	_ =	sdelay $0x1  }
0x28: {  	v2 =	vld [tilespmem:$0x20]  }
0x29: {  	v3 =	vshrl.u32 v0, $0x10  }
0x2a: {  	v58 =	vld [tilespmem:$0x30];
	v0 =	vand.u32 $0xFFFF, v0;
	[tilespmem:$0x4E20] =	vst v3  }
0x2b: {  	v59 =	vshrl.u32 v1, $0x10;
	[tilespmem:$0x5140] =	vst v0  }
0x2c: {  	v61 =	vld [tilespmem:$0x40];
	v60 =	vand.u32 $0xFFFF, v1;
	[tilespmem:$0x4E30] =	vst v59  }
0x2d: {  	v62 =	vshrl.u32 v2, $0x10;
	[tilespmem:$0x5150] =	vst v60  }
0x2e: {  	v63 =	vand.u32 $0xFFFF, v2;
	[tilespmem:$0x4E40] =	vst v62  }
0x2f: {  	v4 =	vshrl.u32 v58, $0x10;
	[tilespmem:$0x5160] =	vst v63  }
0x30: {  	v5 =	vand.u32 $0xFFFF, v58;
	[tilespmem:$0x4E50] =	vst v4  }
0x31: {  	v6 =	vshrl.u32 v61, $0x10;
	[tilespmem:$0x5170] =	vst v5  }
0x32: {  	v7 =	vand.u32 $0xFFFF, v61;
	[tilespmem:$0x4E60] =	vst v6  }
0x33: {  	s29 =	simm.s32 $0x4E20;
	[tilespmem:$0x5180] =	vst v7  }
0x34: {  	[tilespmem:s15], [sflag:$0x1] =	stream.indirect.gather [hbm4b:s25+s13], $0x40, s29, s13, $0xb8;
	[tilespmem:$0x1BC60] =	vst v63  }
0x35: {  	v8 =	vld [tilespmem:$0x50];
	_ =	sdelay $0x1  }
0x36: {  	v9 =	vld [tilespmem:$0x60];
	_ =	sdelay $0x1  }
0x37: {  	v10 =	vld [tilespmem:$0x70]  }
0x38: {  	v11 =	vshrl.u32 v8, $0x10  }
0x39: {  	v12 =	vld [tilespmem:$0x80];
	v0 =	vand.u32 $0xFFFF, v8;
	[tilespmem:$0x4E70] =	vst v11  }
0x3a: {  	v13 =	vshrl.u32 v9, $0x10;
	[tilespmem:$0x5190] =	vst v0  }
0x3b: {  	v15 =	vld [tilespmem:$0x90];
	v14 =	vand.u32 $0xFFFF, v9;
	[tilespmem:$0x4E80] =	vst v13  }
0x3c: {  	v16 =	vshrl.u32 v10, $0x10;
	[tilespmem:$0x51A0] =	vst v14  }
0x3d: {  	v17 =	vand.u32 $0xFFFF, v10;
	[tilespmem:$0x4E90] =	vst v16  }
0x3e: {  	v18 =	vshrl.u32 v12, $0x10;
	[tilespmem:$0x51B0] =	vst v17  }
0x3f: {  	v19 =	vand.u32 $0xFFFF, v12;
	[tilespmem:$0x4EA0] =	vst v18  }
0x40: {  	v20 =	vshrl.u32 v15, $0x10;
	[tilespmem:$0x51C0] =	vst v19  }
0x41: {  	v21 =	vand.u32 $0xFFFF, v15;
	[tilespmem:$0x4EB0] =	vst v20  }
0x42: {  	s30 =	simm.s32 $0x4E70;
	[tilespmem:$0x51D0] =	vst v21  }
0x43: {  	[tilespmem:s17], [sflag:$0x1] =	stream.indirect.gather [hbm4b:s25+s13], $0x40, s30, s13, $0xb8;
	[tilespmem:$0x1BC60] =	vst v63  }
0x44: {  	v22 =	vld [tilespmem:$0xA0];
	_ =	sdelay $0x1  }
0x45: {  	v23 =	vld [tilespmem:$0xB0];
	_ =	sdelay $0x1  }
0x46: {  	v24 =	vld [tilespmem:$0xC0]  }
0x47: {  	v25 =	vshrl.u32 v22, $0x10  }
0x48: {  	v26 =	vld [tilespmem:$0xD0];
	v0 =	vand.u32 $0xFFFF, v22;
	[tilespmem:$0x4EC0] =	vst v25  }
0x49: {  	v27 =	vshrl.u32 v23, $0x10;
	[tilespmem:$0x51E0] =	vst v0  }
0x4a: {  	v29 =	vld [tilespmem:$0xE0];
	v28 =	vand.u32 $0xFFFF, v23;
	[tilespmem:$0x4ED0] =	vst v27  }
0x4b: {  	v30 =	vshrl.u32 v24, $0x10;
	[tilespmem:$0x51F0] =	vst v28  }
0x4c: {  	v31 =	vand.u32 $0xFFFF, v24;
	[tilespmem:$0x4EE0] =	vst v30  }
0x4d: {  	v32 =	vshrl.u32 v26, $0x10;
	[tilespmem:$0x5200] =	vst v31  }
0x4e: {  	v33 =	vand.u32 $0xFFFF, v26;
	[tilespmem:$0x4EF0] =	vst v32  }
0x4f: {  	v34 =	vshrl.u32 v29, $0x10;
	[tilespmem:$0x5210] =	vst v33  }
0x50: {  	v35 =	vand.u32 $0xFFFF, v29;
	[tilespmem:$0x4F00] =	vst v34  }
0x51: {  	s31 =	simm.s32 $0x4EC0;
	[tilespmem:$0x5220] =	vst v35  }
0x52: {  	[tilespmem:s19], [sflag:$0x1] =	stream.indirect.gather [hbm4b:s25+s13], $0x40, s31, s13, $0xb8;
	[tilespmem:$0x1BC60] =	vst v63  }
0x53: {  	v36 =	vld [tilespmem:$0xF0];
	_ =	sdelay $0x1  }
0x54: {  	v37 =	vld [tilespmem:$0x100];
	_ =	sdelay $0x1  }
0x55: {  	v38 =	vld [tilespmem:$0x110]  }
0x56: {  	v39 =	vshrl.u32 v36, $0x10  }
0x57: {  	v40 =	vld [tilespmem:$0x120];
	v0 =	vand.u32 $0xFFFF, v36;
	[tilespmem:$0x4F10] =	vst v39  }
0x58: {  	v41 =	vshrl.u32 v37, $0x10;
	[tilespmem:$0x5230] =	vst v0  }
0x59: {  	v43 =	vld [tilespmem:$0x130];
	v42 =	vand.u32 $0xFFFF, v37;
	[tilespmem:$0x4F20] =	vst v41  }
0x5a: {  	v44 =	vshrl.u32 v38, $0x10;
	[tilespmem:$0x5240] =	vst v42  }
0x5b: {  	v45 =	vand.u32 $0xFFFF, v38;
	[tilespmem:$0x4F30] =	vst v44  }
0x5c: {  	v46 =	vshrl.u32 v40, $0x10;
	[tilespmem:$0x5250] =	vst v45  }
0x5d: {  	v47 =	vand.u32 $0xFFFF, v40;
	[tilespmem:$0x4F40] =	vst v46  }
0x5e: {  	v48 =	vshrl.u32 v43, $0x10;
	[tilespmem:$0x5260] =	vst v47  }
0x5f: {  	v49 =	vand.u32 $0xFFFF, v43;
	[tilespmem:$0x4F50] =	vst v48  }
0x60: {  	s2 =	simm.s32 $0x4F10;
	[tilespmem:$0x5270] =	vst v49  }
0x61: {  	[tilespmem:s21], [sflag:$0x1] =	stream.indirect.gather [hbm4b:s25+s13], $0x40, s2, s13, $0xb8;
	[tilespmem:$0x1BC60] =	vst v63  }
0x62: {  	v50 =	vld [tilespmem:$0x140];
	_ =	sdelay $0x1  }
0x63: {  	v51 =	vld [tilespmem:$0x150];
	_ =	sdelay $0x1  }
0x64: {  	v52 =	vld [tilespmem:$0x160]  }
0x65: {  	v53 =	vshrl.u32 v50, $0x10  }
0x66: {  	v54 =	vld [tilespmem:$0x170];
	v0 =	vand.u32 $0xFFFF, v50;
	[tilespmem:$0x4F60] =	vst v53  }
0x67: {  	v55 =	vshrl.u32 v51, $0x10;
	[tilespmem:$0x5280] =	vst v0  }
0x68: {  	v57 =	vld [tilespmem:$0x180];
	v56 =	vand.u32 $0xFFFF, v51;
	[tilespmem:$0x4F70] =	vst v55  }
0x69: {  	v58 =	vshrl.u32 v52, $0x10;
	[tilespmem:$0x5290] =	vst v56  }
0x6a: {  	v59 =	vand.u32 $0xFFFF, v52;
	[tilespmem:$0x4F80] =	vst v58  }
0x6b: {  	v60 =	vshrl.u32 v54, $0x10;
	[tilespmem:$0x52A0] =	vst v59  }
0x6c: {  	v61 =	vand.u32 $0xFFFF, v54;
	[tilespmem:$0x4F90] =	vst v60  }
0x6d: {  	v62 =	vshrl.u32 v57, $0x10;
	[tilespmem:$0x52B0] =	vst v61  }
0x6e: {  	v63 =	vand.u32 $0xFFFF, v57;
	[tilespmem:$0x4FA0] =	vst v62  }
0x6f: {  	p0 =	por p1, p1;
	s26 =	simm.s32 $0x1280;
	[tilespmem:$0x52C0] =	vst v63  }
0x70: {  	[tilespmem:s23], [sflag:$0x1] =	stream.indirect.gather [hbm4b:s25+s13], $0x40, s6, s13, $0xb8;
	[tilespmem:$0x1BC60] =	vst v63  }
.LBB2_3:
0x71: {  	_ =	swait.ge [sflag:s24], $0x1400  }
0x72: {  	[sflag:s24] =	ssyncset.done $0x0  }
0x73: {  	[sflag:s24] =	ssyncadd.s32 $0xFFFFEC00  }
0x74: {  	_ =	swait.ge [sflag:s24], $0x1400  }
0x75: {  	[sflag:s24] =	ssyncset.done $0x0  }
0x76: {  	[sflag:s24] =	ssyncadd.s32 $0xFFFFEC00  }
0x77: {  	_ =	swait.ge [sflag:s24], $0x1400  }
0x78: {  	[sflag:s24] =	ssyncset.done $0x0  }
0x79: {  	[sflag:s24] =	ssyncadd.s32 $0xFFFFEC00  }
0x7a: {  	_ =	swait.ge [sflag:s24], $0x1400  }
0x7b: {  	[sflag:s24] =	ssyncset.done $0x0  }
0x7c: {  	[sflag:s24] =	ssyncadd.s32 $0xFFFFEC00  }
0x7d: {  	_ =	swait.ge [sflag:s24], $0x1400  }
0x7e: {  	[sflag:s24] =	ssyncset.done $0x0  }
0x7f: {  	[sflag:s24] =	ssyncadd.s32 $0xFFFFEC00  }
0x80: {  	[spmem:s1] =	stream.indirect.scatter.add.f32 [tilespmem:s15], [sflag:$0x3], $0x40, s4, s13, $0xb8;
	[tilespmem:$0x1BC60] =	vst v63  }
0x81: {  	_ = 	snop  }
0x82: {  	[spmem:s1] =	stream.indirect.scatter.add.f32 [tilespmem:s17], [sflag:$0x3], $0x40, s7, s13, $0xb8;
	[tilespmem:$0x1BC60] =	vst v63  }
0x83: {  	_ = 	snop  }
0x84: {  	[spmem:s1] =	stream.indirect.scatter.add.f32 [tilespmem:s19], [sflag:$0x3], $0x40, s10, s13, $0xb8;
	[tilespmem:$0x1BC60] =	vst v63  }
0x85: {  	_ = 	snop  }
0x86: {  	[spmem:s1] =	stream.indirect.scatter.add.f32 [tilespmem:s21], [sflag:$0x3], $0x40, s14, s13, $0xb8;
	[tilespmem:$0x1BC60] =	vst v63  }
0x87: {  	s28 =	sshra.s32 s26, $0x2  }
0x88: {  	[spmem:s1] =	stream.indirect.scatter.add.f32 [tilespmem:s23], [sflag:$0x3], $0x40, s16, s13, $0xb8;
	[tilespmem:$0x1BC60] =	vst v63  }
0x89: {  	v0 =	vld [tilespmem:s28+$0xFFFFFCF0];
	_ =	sdelay $0x4  }
0x8a: {  	v1 =	vshrl.u32 v0, $0x10  }
0x8b: {  	v0 =	vand.u32 $0xFFFF, v0;
	[tilespmem:$0x4FB0] =	vst v1  }
0x8c: {  	[tilespmem:$0x52D0] =	vst v0  }
0x8d: {  	v0 =	vld [tilespmem:s28+$0xFFFFFD00];
	_ =	sdelay $0x4  }
0x8e: {  	v14 =	vshrl.u32 v0, $0x10  }
0x8f: {  	v0 =	vand.u32 $0xFFFF, v0;
	[tilespmem:$0x4FC0] =	vst v14  }
0x90: {  	[tilespmem:$0x52E0] =	vst v0  }
0x91: {  	v0 =	vld [tilespmem:s28+$0xFFFFFD10];
	_ =	sdelay $0x4  }
0x92: {  	v15 =	vshrl.u32 v0, $0x10  }
0x93: {  	v0 =	vand.u32 $0xFFFF, v0;
	[tilespmem:$0x4FD0] =	vst v15  }
0x94: {  	[tilespmem:$0x52F0] =	vst v0  }
0x95: {  	v0 =	vld [tilespmem:s28+$0xFFFFFD20];
	_ =	sdelay $0x4  }
0x96: {  	v16 =	vshrl.u32 v0, $0x10  }
0x97: {  	v0 =	vand.u32 $0xFFFF, v0;
	[tilespmem:$0x4FE0] =	vst v16  }
0x98: {  	[tilespmem:$0x5300] =	vst v0  }
0x99: {  	v0 =	vld [tilespmem:s28+$0xFFFFFD30];
	_ =	sdelay $0x4  }
0x9a: {  	v17 =	vshrl.u32 v0, $0x10  }
0x9b: {  	v0 =	vand.u32 $0xFFFF, v0;
	[tilespmem:$0x4FF0] =	vst v17  }
0x9c: {  	[tilespmem:$0x5310] =	vst v0  }
0x9d: {  	[tilespmem:s0], [sflag:$0x2] =	stream.indirect.gather [hbm4b:s25+s13], $0x40, s18, s13, $0xb8;
	[tilespmem:$0x1BC60] =	vst v63  }
0x9e: {  	v0 =	vld [tilespmem:s28+$0xFFFFFD40];
	_ =	sdelay $0x4  }
0x9f: {  	v18 =	vshrl.u32 v0, $0x10  }
0xa0: {  	v0 =	vand.u32 $0xFFFF, v0;
	[tilespmem:$0x5000] =	vst v18  }
0xa1: {  	[tilespmem:$0x5320] =	vst v0  }
0xa2: {  	v0 =	vld [tilespmem:s28+$0xFFFFFD50];
	_ =	sdelay $0x4  }
0xa3: {  	v19 =	vshrl.u32 v0, $0x10  }
0xa4: {  	v0 =	vand.u32 $0xFFFF, v0;
	[tilespmem:$0x5010] =	vst v19  }
0xa5: {  	[tilespmem:$0x5330] =	vst v0  }
0xa6: {  	v0 =	vld [tilespmem:s28+$0xFFFFFD60];
	_ =	sdelay $0x4  }
0xa7: {  	v20 =	vshrl.u32 v0, $0x10  }
0xa8: {  	v0 =	vand.u32 $0xFFFF, v0;
	[tilespmem:$0x5020] =	vst v20  }
0xa9: {  	[tilespmem:$0x5340] =	vst v0  }
0xaa: {  	v0 =	vld [tilespmem:s28+$0xFFFFFD70];
	_ =	sdelay $0x4  }
0xab: {  	v21 =	vshrl.u32 v0, $0x10  }
0xac: {  	v0 =	vand.u32 $0xFFFF, v0;
	[tilespmem:$0x5030] =	vst v21  }
0xad: {  	[tilespmem:$0x5350] =	vst v0  }
0xae: {  	v0 =	vld [tilespmem:s28+$0xFFFFFD80];
	_ =	sdelay $0x4  }
0xaf: {  	v22 =	vshrl.u32 v0, $0x10  }
0xb0: {  	v0 =	vand.u32 $0xFFFF, v0;
	[tilespmem:$0x5040] =	vst v22  }
0xb1: {  	[tilespmem:$0x5360] =	vst v0  }
0xb2: {  	[tilespmem:s3], [sflag:$0x2] =	stream.indirect.gather [hbm4b:s25+s13], $0x40, s20, s13, $0xb8;
	[tilespmem:$0x1BC60] =	vst v63  }
0xb3: {  	v0 =	vld [tilespmem:s28+$0xFFFFFD90];
	_ =	sdelay $0x4  }
0xb4: {  	v23 =	vshrl.u32 v0, $0x10  }
0xb5: {  	v0 =	vand.u32 $0xFFFF, v0;
	[tilespmem:$0x5050] =	vst v23  }
0xb6: {  	[tilespmem:$0x5370] =	vst v0  }
0xb7: {  	v0 =	vld [tilespmem:s28+$0xFFFFFDA0];
	_ =	sdelay $0x4  }
0xb8: {  	v24 =	vshrl.u32 v0, $0x10  }
0xb9: {  	v0 =	vand.u32 $0xFFFF, v0;
	[tilespmem:$0x5060] =	vst v24  }
0xba: {  	[tilespmem:$0x5380] =	vst v0  }
0xbb: {  	v0 =	vld [tilespmem:s28+$0xFFFFFDB0];
	_ =	sdelay $0x4  }
0xbc: {  	v25 =	vshrl.u32 v0, $0x10  }
0xbd: {  	v0 =	vand.u32 $0xFFFF, v0;
	[tilespmem:$0x5070] =	vst v25  }
0xbe: {  	[tilespmem:$0x5390] =	vst v0  }
0xbf: {  	v0 =	vld [tilespmem:s28+$0xFFFFFDC0];
	_ =	sdelay $0x4  }
0xc0: {  	v26 =	vshrl.u32 v0, $0x10  }
0xc1: {  	v0 =	vand.u32 $0xFFFF, v0;
	[tilespmem:$0x5080] =	vst v26  }
0xc2: {  	[tilespmem:$0x53A0] =	vst v0  }
0xc3: {  	v0 =	vld [tilespmem:s28+$0xFFFFFDD0];
	_ =	sdelay $0x4  }
0xc4: {  	v27 =	vshrl.u32 v0, $0x10  }
0xc5: {  	v0 =	vand.u32 $0xFFFF, v0;
	[tilespmem:$0x5090] =	vst v27  }
0xc6: {  	s29 =	simm.s32 $0x5050;
	[tilespmem:$0x53B0] =	vst v0  }
0xc7: {  	[tilespmem:s9], [sflag:$0x2] =	stream.indirect.gather [hbm4b:s25+s13], $0x40, s29, s13, $0xb8;
	[tilespmem:$0x1BC60] =	vst v63  }
0xc8: {  	v0 =	vld [tilespmem:s28+$0xFFFFFDE0];
	_ =	sdelay $0x4  }
0xc9: {  	v28 =	vshrl.u32 v0, $0x10  }
0xca: {  	v0 =	vand.u32 $0xFFFF, v0;
	[tilespmem:$0x50A0] =	vst v28  }
0xcb: {  	[tilespmem:$0x53C0] =	vst v0  }
0xcc: {  	v0 =	vld [tilespmem:s28+$0xFFFFFDF0];
	_ =	sdelay $0x4  }
0xcd: {  	v29 =	vshrl.u32 v0, $0x10  }
0xce: {  	v0 =	vand.u32 $0xFFFF, v0;
	[tilespmem:$0x50B0] =	vst v29  }
0xcf: {  	[tilespmem:$0x53D0] =	vst v0  }
0xd0: {  	v0 =	vld [tilespmem:s28+$0xFFFFFE00];
	_ =	sdelay $0x4  }
0xd1: {  	v30 =	vshrl.u32 v0, $0x10  }
0xd2: {  	v0 =	vand.u32 $0xFFFF, v0;
	[tilespmem:$0x50C0] =	vst v30  }
0xd3: {  	[tilespmem:$0x53E0] =	vst v0  }
0xd4: {  	v0 =	vld [tilespmem:s28+$0xFFFFFE10];
	_ =	sdelay $0x4  }
0xd5: {  	v31 =	vshrl.u32 v0, $0x10  }
0xd6: {  	v0 =	vand.u32 $0xFFFF, v0;
	[tilespmem:$0x50D0] =	vst v31  }
0xd7: {  	[tilespmem:$0x53F0] =	vst v0  }
0xd8: {  	v0 =	vld [tilespmem:s28+$0xFFFFFE20];
	_ =	sdelay $0x4  }
0xd9: {  	v32 =	vshrl.u32 v0, $0x10  }
0xda: {  	v0 =	vand.u32 $0xFFFF, v0;
	[tilespmem:$0x50E0] =	vst v32  }
0xdb: {  	s29 =	simm.s32 $0x50A0;
	[tilespmem:$0x5400] =	vst v0  }
0xdc: {  	[tilespmem:s5], [sflag:$0x2] =	stream.indirect.gather [hbm4b:s25+s13], $0x40, s29, s13, $0xb8;
	[tilespmem:$0x1BC60] =	vst v63  }
0xdd: {  	v0 =	vld [tilespmem:s28+$0xFFFFFE30];
	_ =	sdelay $0x4  }
0xde: {  	v33 =	vshrl.u32 v0, $0x10  }
0xdf: {  	v0 =	vand.u32 $0xFFFF, v0;
	[tilespmem:$0x50F0] =	vst v33  }
0xe0: {  	[tilespmem:$0x5410] =	vst v0  }
0xe1: {  	v0 =	vld [tilespmem:s28+$0xFFFFFE40];
	_ =	sdelay $0x4  }
0xe2: {  	v34 =	vshrl.u32 v0, $0x10  }
0xe3: {  	v0 =	vand.u32 $0xFFFF, v0;
	[tilespmem:$0x5100] =	vst v34  }
0xe4: {  	[tilespmem:$0x5420] =	vst v0  }
0xe5: {  	v0 =	vld [tilespmem:s28+$0xFFFFFE50];
	_ =	sdelay $0x4  }
0xe6: {  	v35 =	vshrl.u32 v0, $0x10  }
0xe7: {  	v0 =	vand.u32 $0xFFFF, v0;
	[tilespmem:$0x5110] =	vst v35  }
0xe8: {  	[tilespmem:$0x5430] =	vst v0  }
0xe9: {  	v0 =	vld [tilespmem:s28+$0xFFFFFE60];
	_ =	sdelay $0x4  }
0xea: {  	v36 =	vshrl.u32 v0, $0x10  }
0xeb: {  	v0 =	vand.u32 $0xFFFF, v0;
	[tilespmem:$0x5120] =	vst v36  }
0xec: {  	[tilespmem:$0x5440] =	vst v0  }
0xed: {  	v0 =	vld [tilespmem:s28+$0xFFFFFE70];
	_ =	sdelay $0x4  }
0xee: {  	v37 =	vshrl.u32 v0, $0x10  }
0xef: {  	v0 =	vand.u32 $0xFFFF, v0;
	[tilespmem:$0x5130] =	vst v37  }
0xf0: {  	s29 =	simm.s32 $0x50F0;
	[tilespmem:$0x5450] =	vst v0  }
0xf1: {  	[tilespmem:s8], [sflag:$0x2] =	stream.indirect.gather [hbm4b:s25+s13], $0x40, s29, s13, $0xb8;
	[tilespmem:$0x1BC60] =	vst v63  }
0xf2: {  	_ =	swait.ge [sflag:s11], $0x1400  }
0xf3: {  	[sflag:s11] =	ssyncset.done $0x0  }
0xf4: {  	[sflag:s11] =	ssyncadd.s32 $0xFFFFEC00  }
0xf5: {  	_ =	swait.ge [sflag:s11], $0x1400  }
0xf6: {  	[sflag:s11] =	ssyncset.done $0x0  }
0xf7: {  	[sflag:s11] =	ssyncadd.s32 $0xFFFFEC00  }
0xf8: {  	_ =	swait.ge [sflag:s11], $0x1400  }
0xf9: {  	[sflag:s11] =	ssyncset.done $0x0  }
0xfa: {  	[sflag:s11] =	ssyncadd.s32 $0xFFFFEC00  }
0xfb: {  	_ =	swait.ge [sflag:s11], $0x1400  }
0xfc: {  	[sflag:s11] =	ssyncset.done $0x0  }
0xfd: {  	[sflag:s11] =	ssyncadd.s32 $0xFFFFEC00  }
0xfe: {  	_ =	swait.ge [sflag:s11], $0x1400  }
0xff: {  	[sflag:s11] =	ssyncset.done $0x0  }
0x100: {  	[sflag:s11] =	ssyncadd.s32 $0xFFFFEC00  }
0x101: {  	_ =	swait.ge [sflag:s12], $0x1400  }
0x102: {  	[sflag:s12] =	ssyncset.done $0x0  }
0x103: {  	[sflag:s12] =	ssyncadd.s32 $0xFFFFEC00  }
0x104: {  	_ =	swait.ge [sflag:s12], $0x1400  }
0x105: {  	[sflag:s12] =	ssyncset.done $0x0  }
0x106: {  	[sflag:s12] =	ssyncadd.s32 $0xFFFFEC00  }
0x107: {  	_ =	swait.ge [sflag:s12], $0x1400  }
0x108: {  	[sflag:s12] =	ssyncset.done $0x0  }
0x109: {  	[sflag:s12] =	ssyncadd.s32 $0xFFFFEC00  }
0x10a: {  	_ =	swait.ge [sflag:s12], $0x1400  }
0x10b: {  	[sflag:s12] =	ssyncset.done $0x0  }
0x10c: {  	[sflag:s12] =	ssyncadd.s32 $0xFFFFEC00  }
0x10d: {  	_ =	swait.ge [sflag:s12], $0x1400  }
0x10e: {  	[sflag:s12] =	ssyncset.done $0x0  }
0x10f: {  	s29 =	simm.s32 $0x52D0;
	[sflag:s12] =	ssyncadd.s32 $0xFFFFEC00  }
0x110: {  	[spmem:s1] =	stream.indirect.scatter.add.f32 [tilespmem:s0], [sflag:$0x4], $0x40, s29, s13, $0xb8;
	[tilespmem:$0x1BC60] =	vst v63  }
0x111: {  	s29 =	simm.s32 $0x5320  }
0x112: {  	[spmem:s1] =	stream.indirect.scatter.add.f32 [tilespmem:s3], [sflag:$0x4], $0x40, s29, s13, $0xb8;
	[tilespmem:$0x1BC60] =	vst v63  }
0x113: {  	s29 =	simm.s32 $0x5370  }
0x114: {  	[spmem:s1] =	stream.indirect.scatter.add.f32 [tilespmem:s9], [sflag:$0x4], $0x40, s29, s13, $0xb8;
	[tilespmem:$0x1BC60] =	vst v63  }
0x115: {  	s29 =	simm.s32 $0x53C0  }
0x116: {  	[spmem:s1] =	stream.indirect.scatter.add.f32 [tilespmem:s5], [sflag:$0x4], $0x40, s29, s13, $0xb8;
	[tilespmem:$0x1BC60] =	vst v63  }
0x117: {  	s29 =	simm.s32 $0x5410  }
0x118: {  	[spmem:s1] =	stream.indirect.scatter.add.f32 [tilespmem:s8], [sflag:$0x4], $0x40, s29, s13, $0xb8;
	[tilespmem:$0x1BC60] =	vst v63  }
0x119: {  	v38 =	vld [tilespmem:s28+$0xFFFFFE80];
	_ =	sdelay $0x4  }
0x11a: {  	v39 =	vshrl.u32 v38, $0x10  }
0x11b: {  	v0 =	vand.u32 $0xFFFF, v38;
	[tilespmem:$0x4E20] =	vst v39  }
0x11c: {  	[tilespmem:$0x5140] =	vst v0  }
0x11d: {  	v0 =	vld [tilespmem:s28+$0xFFFFFE90];
	_ =	sdelay $0x4  }
0x11e: {  	v40 =	vshrl.u32 v0, $0x10  }
0x11f: {  	v0 =	vand.u32 $0xFFFF, v0;
	[tilespmem:$0x4E30] =	vst v40  }
0x120: {  	[tilespmem:$0x5150] =	vst v0  }
0x121: {  	v0 =	vld [tilespmem:s28+$0xFFFFFEA0];
	_ =	sdelay $0x4  }
0x122: {  	v41 =	vshrl.u32 v0, $0x10  }
0x123: {  	v0 =	vand.u32 $0xFFFF, v0;
	[tilespmem:$0x4E40] =	vst v41  }
0x124: {  	[tilespmem:$0x5160] =	vst v0  }
0x125: {  	v0 =	vld [tilespmem:s28+$0xFFFFFEB0];
	_ =	sdelay $0x4  }
0x126: {  	v42 =	vshrl.u32 v0, $0x10  }
0x127: {  	v0 =	vand.u32 $0xFFFF, v0;
	[tilespmem:$0x4E50] =	vst v42  }
0x128: {  	[tilespmem:$0x5170] =	vst v0  }
0x129: {  	v0 =	vld [tilespmem:s28+$0xFFFFFEC0];
	_ =	sdelay $0x4  }
0x12a: {  	v43 =	vshrl.u32 v0, $0x10  }
0x12b: {  	v0 =	vand.u32 $0xFFFF, v0;
	[tilespmem:$0x4E60] =	vst v43  }
0x12c: {  	s29 =	simm.s32 $0x4E20;
	[tilespmem:$0x5180] =	vst v0  }
0x12d: {  	[tilespmem:s15], [sflag:$0x1] =	stream.indirect.gather [hbm4b:s25+s13], $0x40, s29, s13, $0xb8;
	[tilespmem:$0x1BC60] =	vst v63  }
0x12e: {  	v0 =	vld [tilespmem:s28+$0xFFFFFED0];
	_ =	sdelay $0x4  }
0x12f: {  	v44 =	vshrl.u32 v0, $0x10  }
0x130: {  	v0 =	vand.u32 $0xFFFF, v0;
	[tilespmem:$0x4E70] =	vst v44  }
0x131: {  	[tilespmem:$0x5190] =	vst v0  }
0x132: {  	v0 =	vld [tilespmem:s28+$0xFFFFFEE0];
	_ =	sdelay $0x4  }
0x133: {  	v45 =	vshrl.u32 v0, $0x10  }
0x134: {  	v0 =	vand.u32 $0xFFFF, v0;
	[tilespmem:$0x4E80] =	vst v45  }
0x135: {  	[tilespmem:$0x51A0] =	vst v0  }
0x136: {  	v0 =	vld [tilespmem:s28+$0xFFFFFEF0];
	_ =	sdelay $0x4  }
0x137: {  	v46 =	vshrl.u32 v0, $0x10  }
0x138: {  	v0 =	vand.u32 $0xFFFF, v0;
	[tilespmem:$0x4E90] =	vst v46  }
0x139: {  	[tilespmem:$0x51B0] =	vst v0  }
0x13a: {  	v0 =	vld [tilespmem:s28+$0xFFFFFF00];
	_ =	sdelay $0x4  }
0x13b: {  	v47 =	vshrl.u32 v0, $0x10  }
0x13c: {  	v0 =	vand.u32 $0xFFFF, v0;
	[tilespmem:$0x4EA0] =	vst v47  }
0x13d: {  	[tilespmem:$0x51C0] =	vst v0  }
0x13e: {  	v0 =	vld [tilespmem:s28+$0xFFFFFF10];
	_ =	sdelay $0x4  }
0x13f: {  	v48 =	vshrl.u32 v0, $0x10  }
0x140: {  	v0 =	vand.u32 $0xFFFF, v0;
	[tilespmem:$0x4EB0] =	vst v48  }
0x141: {  	[tilespmem:$0x51D0] =	vst v0  }
0x142: {  	[tilespmem:s17], [sflag:$0x1] =	stream.indirect.gather [hbm4b:s25+s13], $0x40, s30, s13, $0xb8;
	[tilespmem:$0x1BC60] =	vst v63  }
0x143: {  	v0 =	vld [tilespmem:s28+$0xFFFFFF20];
	_ =	sdelay $0x4  }
0x144: {  	v49 =	vshrl.u32 v0, $0x10  }
0x145: {  	v0 =	vand.u32 $0xFFFF, v0;
	[tilespmem:$0x4EC0] =	vst v49  }
0x146: {  	[tilespmem:$0x51E0] =	vst v0  }
0x147: {  	v0 =	vld [tilespmem:s28+$0xFFFFFF30];
	_ =	sdelay $0x4  }
0x148: {  	v50 =	vshrl.u32 v0, $0x10  }
0x149: {  	v0 =	vand.u32 $0xFFFF, v0;
	[tilespmem:$0x4ED0] =	vst v50  }
0x14a: {  	[tilespmem:$0x51F0] =	vst v0  }
0x14b: {  	v0 =	vld [tilespmem:s28+$0xFFFFFF40];
	_ =	sdelay $0x4  }
0x14c: {  	v51 =	vshrl.u32 v0, $0x10  }
0x14d: {  	v0 =	vand.u32 $0xFFFF, v0;
	[tilespmem:$0x4EE0] =	vst v51  }
0x14e: {  	[tilespmem:$0x5200] =	vst v0  }
0x14f: {  	v0 =	vld [tilespmem:s28+$0xFFFFFF50];
	_ =	sdelay $0x4  }
0x150: {  	v52 =	vshrl.u32 v0, $0x10  }
0x151: {  	v0 =	vand.u32 $0xFFFF, v0;
	[tilespmem:$0x4EF0] =	vst v52  }
0x152: {  	[tilespmem:$0x5210] =	vst v0  }
0x153: {  	v0 =	vld [tilespmem:s28+$0xFFFFFF60];
	_ =	sdelay $0x4  }
0x154: {  	v53 =	vshrl.u32 v0, $0x10  }
0x155: {  	v0 =	vand.u32 $0xFFFF, v0;
	[tilespmem:$0x4F00] =	vst v53  }
0x156: {  	[tilespmem:$0x5220] =	vst v0  }
0x157: {  	[tilespmem:s19], [sflag:$0x1] =	stream.indirect.gather [hbm4b:s25+s13], $0x40, s31, s13, $0xb8;
	[tilespmem:$0x1BC60] =	vst v63  }
0x158: {  	v0 =	vld [tilespmem:s28+$0xFFFFFF70];
	_ =	sdelay $0x4  }
0x159: {  	v54 =	vshrl.u32 v0, $0x10  }
0x15a: {  	v0 =	vand.u32 $0xFFFF, v0;
	[tilespmem:$0x4F10] =	vst v54  }
0x15b: {  	[tilespmem:$0x5230] =	vst v0  }
0x15c: {  	v0 =	vld [tilespmem:s28+$0xFFFFFF80];
	_ =	sdelay $0x4  }
0x15d: {  	v55 =	vshrl.u32 v0, $0x10  }
0x15e: {  	v0 =	vand.u32 $0xFFFF, v0;
	[tilespmem:$0x4F20] =	vst v55  }
0x15f: {  	[tilespmem:$0x5240] =	vst v0  }
0x160: {  	v0 =	vld [tilespmem:s28+$0xFFFFFF90];
	_ =	sdelay $0x4  }
0x161: {  	v56 =	vshrl.u32 v0, $0x10  }
0x162: {  	v0 =	vand.u32 $0xFFFF, v0;
	[tilespmem:$0x4F30] =	vst v56  }
0x163: {  	[tilespmem:$0x5250] =	vst v0  }
0x164: {  	v0 =	vld [tilespmem:s28+$0xFFFFFFA0];
	_ =	sdelay $0x4  }
0x165: {  	v57 =	vshrl.u32 v0, $0x10  }
0x166: {  	v0 =	vand.u32 $0xFFFF, v0;
	[tilespmem:$0x4F40] =	vst v57  }
0x167: {  	[tilespmem:$0x5260] =	vst v0  }
0x168: {  	v0 =	vld [tilespmem:s28+$0xFFFFFFB0];
	_ =	sdelay $0x4  }
0x169: {  	v58 =	vshrl.u32 v0, $0x10  }
0x16a: {  	v0 =	vand.u32 $0xFFFF, v0;
	[tilespmem:$0x4F50] =	vst v58  }
0x16b: {  	[tilespmem:$0x5270] =	vst v0  }
0x16c: {  	[tilespmem:s21], [sflag:$0x1] =	stream.indirect.gather [hbm4b:s25+s13], $0x40, s2, s13, $0xb8;
	[tilespmem:$0x1BC60] =	vst v63  }
0x16d: {  	v0 =	vld [tilespmem:s28+$0xFFFFFFC0];
	_ =	sdelay $0x4  }
0x16e: {  	v59 =	vshrl.u32 v0, $0x10  }
0x16f: {  	v0 =	vand.u32 $0xFFFF, v0;
	[tilespmem:$0x4F60] =	vst v59  }
0x170: {  	[tilespmem:$0x5280] =	vst v0  }
0x171: {  	v0 =	vld [tilespmem:s28+$0xFFFFFFD0];
	_ =	sdelay $0x4  }
0x172: {  	v60 =	vshrl.u32 v0, $0x10  }
0x173: {  	v0 =	vand.u32 $0xFFFF, v0;
	[tilespmem:$0x4F70] =	vst v60  }
0x174: {  	[tilespmem:$0x5290] =	vst v0  }
0x175: {  	v0 =	vld [tilespmem:s28+$0xFFFFFFE0];
	_ =	sdelay $0x4  }
0x176: {  	v61 =	vshrl.u32 v0, $0x10  }
0x177: {  	v0 =	vand.u32 $0xFFFF, v0;
	[tilespmem:$0x4F80] =	vst v61  }
0x178: {  	[tilespmem:$0x52A0] =	vst v0  }
0x179: {  	v0 =	vld [tilespmem:s28+$0xFFFFFFF0];
	_ =	sdelay $0x4  }
0x17a: {  	v62 =	vshrl.u32 v0, $0x10  }
0x17b: {  	v0 =	vand.u32 $0xFFFF, v0;
	[tilespmem:$0x4F90] =	vst v62  }
0x17c: {  	[tilespmem:$0x52B0] =	vst v0  }
0x17d: {  	v0 =	vld [tilespmem:s28+$0x0];
	_ =	sdelay $0x4  }
0x17e: {  	v63 =	vshrl.u32 v0, $0x10  }
0x17f: {  	v0 =	vand.u32 $0xFFFF, v0;
	[tilespmem:$0x4FA0] =	vst v63  }
0x180: {  	[tilespmem:$0x52C0] =	vst v0  }
0x181: {  	[tilespmem:s23], [sflag:$0x1] =	stream.indirect.gather [hbm4b:s25+s13], $0x40, s6, s13, $0xb8;
	[tilespmem:$0x1BC60] =	vst v63  }
0x182: {  	_ =	swait.ge [sflag:s22], $0x1400  }
0x183: {  	[sflag:s22] =	ssyncset.done $0x0  }
0x184: {  	[sflag:s22] =	ssyncadd.s32 $0xFFFFEC00  }
0x185: {  	_ =	swait.ge [sflag:s22], $0x1400  }
0x186: {  	[sflag:s22] =	ssyncset.done $0x0  }
0x187: {  	[sflag:s22] =	ssyncadd.s32 $0xFFFFEC00  }
0x188: {  	_ =	swait.ge [sflag:s22], $0x1400  }
0x189: {  	[sflag:s22] =	ssyncset.done $0x0  }
0x18a: {  	[sflag:s22] =	ssyncadd.s32 $0xFFFFEC00  }
0x18b: {  	p1 =	sne.s32 s26, $0x13200;
	_ =	swait.ge [sflag:s22], $0x1400  }
.Ltmp0:
0x18c: {  	[sflag:s22] =	ssyncset.done $0x0;
	(pc) =	sbr.rel @p1 .LBB2_3-.Ltmp0, $4  }
0x18d: {  	[sflag:s22] =	ssyncadd.s32 $0xFFFFEC00  }
0x18e: {  	_ =	swait.ge [sflag:s22], $0x1400  }
0x18f: {  	[sflag:s22] =	ssyncset.done $0x0  }
0x190: {  	s26 =	sadd.s32 $0xC80, s26;
	[sflag:s22] =	ssyncadd.s32 $0xFFFFEC00  }
0x191: {  	s26 =	simm.s32 $0x1  }
0x192: {  	_ =	swait.ge [sflag:s26], $0x1400  }
0x193: {  	[sflag:s26] =	ssyncset.done $0x0  }
0x194: {  	[sflag:s26] =	ssyncadd.s32 $0xFFFFEC00  }
0x195: {  	_ =	swait.ge [sflag:s26], $0x1400  }
0x196: {  	[sflag:s26] =	ssyncset.done $0x0  }
0x197: {  	[sflag:s26] =	ssyncadd.s32 $0xFFFFEC00  }
0x198: {  	_ =	swait.ge [sflag:s26], $0x1400  }
0x199: {  	[sflag:s26] =	ssyncset.done $0x0  }
0x19a: {  	[sflag:s26] =	ssyncadd.s32 $0xFFFFEC00  }
0x19b: {  	_ =	swait.ge [sflag:s26], $0x1400  }
0x19c: {  	[sflag:s26] =	ssyncset.done $0x0  }
0x19d: {  	[sflag:s26] =	ssyncadd.s32 $0xFFFFEC00  }
0x19e: {  	_ =	swait.ge [sflag:s26], $0x1400  }
0x19f: {  	[sflag:s26] =	ssyncset.done $0x0  }
0x1a0: {  	[sflag:s26] =	ssyncadd.s32 $0xFFFFEC00  }
0x1a1: {  	[spmem:s1] =	stream.indirect.scatter.add.f32 [tilespmem:s15], [sflag:$0x3], $0x40, s4, s13, $0xb8;
	[tilespmem:$0x1BC60] =	vst v63  }
0x1a2: {  	_ = 	snop  }
0x1a3: {  	[spmem:s1] =	stream.indirect.scatter.add.f32 [tilespmem:s17], [sflag:$0x3], $0x40, s7, s13, $0xb8;
	[tilespmem:$0x1BC60] =	vst v63  }
0x1a4: {  	_ = 	snop  }
0x1a5: {  	[spmem:s1] =	stream.indirect.scatter.add.f32 [tilespmem:s19], [sflag:$0x3], $0x40, s10, s13, $0xb8;
	[tilespmem:$0x1BC60] =	vst v63  }
0x1a6: {  	_ = 	snop  }
0x1a7: {  	[spmem:s1] =	stream.indirect.scatter.add.f32 [tilespmem:s21], [sflag:$0x3], $0x40, s14, s13, $0xb8;
	[tilespmem:$0x1BC60] =	vst v63  }
0x1a8: {  	_ = 	snop  }
0x1a9: {  	[spmem:s1] =	stream.indirect.scatter.add.f32 [tilespmem:s23], [sflag:$0x3], $0x40, s16, s13, $0xb8;
	[tilespmem:$0x1BC60] =	vst v63  }
0x1aa: {  	v0 =	vld [tilespmem:$0x4C90];
	_ =	sdelay $0x1  }
0x1ab: {  	v1 =	vld [tilespmem:$0x4CA0];
	_ =	sdelay $0x1  }
0x1ac: {  	v2 =	vld [tilespmem:$0x4CB0]  }
0x1ad: {  	v3 =	vshrl.u32 v0, $0x10  }
0x1ae: {  	v58 =	vld [tilespmem:$0x4CC0];
	v0 =	vand.u32 $0xFFFF, v0;
	[tilespmem:$0x4FB0] =	vst v3  }
0x1af: {  	v59 =	vshrl.u32 v1, $0x10;
	[tilespmem:$0x52D0] =	vst v0  }
0x1b0: {  	v61 =	vld [tilespmem:$0x4CD0];
	v60 =	vand.u32 $0xFFFF, v1;
	[tilespmem:$0x4FC0] =	vst v59  }
0x1b1: {  	v62 =	vshrl.u32 v2, $0x10;
	[tilespmem:$0x52E0] =	vst v60  }
0x1b2: {  	v63 =	vand.u32 $0xFFFF, v2;
	[tilespmem:$0x4FD0] =	vst v62  }
0x1b3: {  	v4 =	vshrl.u32 v58, $0x10;
	[tilespmem:$0x52F0] =	vst v63  }
0x1b4: {  	v5 =	vand.u32 $0xFFFF, v58;
	[tilespmem:$0x4FE0] =	vst v4  }
0x1b5: {  	v6 =	vshrl.u32 v61, $0x10;
	[tilespmem:$0x5300] =	vst v5  }
0x1b6: {  	v7 =	vand.u32 $0xFFFF, v61;
	[tilespmem:$0x4FF0] =	vst v6  }
0x1b7: {  	[tilespmem:$0x5310] =	vst v7  }
0x1b8: {  	[tilespmem:s0], [sflag:$0x2] =	stream.indirect.gather [hbm4b:s25+s13], $0x40, s18, s13, $0xb8;
	[tilespmem:$0x1BC60] =	vst v63  }
0x1b9: {  	v8 =	vld [tilespmem:$0x4CE0];
	_ =	sdelay $0x1  }
0x1ba: {  	v9 =	vld [tilespmem:$0x4CF0];
	_ =	sdelay $0x1  }
0x1bb: {  	v10 =	vld [tilespmem:$0x4D00]  }
0x1bc: {  	v11 =	vshrl.u32 v8, $0x10  }
0x1bd: {  	v12 =	vld [tilespmem:$0x4D10];
	v0 =	vand.u32 $0xFFFF, v8;
	[tilespmem:$0x5000] =	vst v11  }
0x1be: {  	v13 =	vshrl.u32 v9, $0x10;
	[tilespmem:$0x5320] =	vst v0  }
0x1bf: {  	v15 =	vld [tilespmem:$0x4D20];
	v14 =	vand.u32 $0xFFFF, v9;
	[tilespmem:$0x5010] =	vst v13  }
0x1c0: {  	v16 =	vshrl.u32 v10, $0x10;
	[tilespmem:$0x5330] =	vst v14  }
0x1c1: {  	v17 =	vand.u32 $0xFFFF, v10;
	[tilespmem:$0x5020] =	vst v16  }
0x1c2: {  	v18 =	vshrl.u32 v12, $0x10;
	[tilespmem:$0x5340] =	vst v17  }
0x1c3: {  	v19 =	vand.u32 $0xFFFF, v12;
	[tilespmem:$0x5030] =	vst v18  }
0x1c4: {  	v20 =	vshrl.u32 v15, $0x10;
	[tilespmem:$0x5350] =	vst v19  }
0x1c5: {  	v21 =	vand.u32 $0xFFFF, v15;
	[tilespmem:$0x5040] =	vst v20  }
0x1c6: {  	[tilespmem:$0x5360] =	vst v21  }
0x1c7: {  	[tilespmem:s3], [sflag:$0x2] =	stream.indirect.gather [hbm4b:s25+s13], $0x40, s20, s13, $0xb8;
	[tilespmem:$0x1BC60] =	vst v63  }
0x1c8: {  	v22 =	vld [tilespmem:$0x4D30];
	_ =	sdelay $0x1  }
0x1c9: {  	v23 =	vld [tilespmem:$0x4D40];
	_ =	sdelay $0x1  }
0x1ca: {  	v24 =	vld [tilespmem:$0x4D50]  }
0x1cb: {  	v25 =	vshrl.u32 v22, $0x10  }
0x1cc: {  	v26 =	vld [tilespmem:$0x4D60];
	v0 =	vand.u32 $0xFFFF, v22;
	[tilespmem:$0x5050] =	vst v25  }
0x1cd: {  	v27 =	vshrl.u32 v23, $0x10;
	[tilespmem:$0x5370] =	vst v0  }
0x1ce: {  	v29 =	vld [tilespmem:$0x4D70];
	v28 =	vand.u32 $0xFFFF, v23;
	[tilespmem:$0x5060] =	vst v27  }
0x1cf: {  	v30 =	vshrl.u32 v24, $0x10;
	[tilespmem:$0x5380] =	vst v28  }
0x1d0: {  	v31 =	vand.u32 $0xFFFF, v24;
	[tilespmem:$0x5070] =	vst v30  }
0x1d1: {  	v32 =	vshrl.u32 v26, $0x10;
	[tilespmem:$0x5390] =	vst v31  }
0x1d2: {  	v33 =	vand.u32 $0xFFFF, v26;
	[tilespmem:$0x5080] =	vst v32  }
0x1d3: {  	v34 =	vshrl.u32 v29, $0x10;
	[tilespmem:$0x53A0] =	vst v33  }
0x1d4: {  	v35 =	vand.u32 $0xFFFF, v29;
	[tilespmem:$0x5090] =	vst v34  }
0x1d5: {  	s2 =	simm.s32 $0x5050;
	[tilespmem:$0x53B0] =	vst v35  }
0x1d6: {  	[tilespmem:s9], [sflag:$0x2] =	stream.indirect.gather [hbm4b:s25+s13], $0x40, s2, s13, $0xb8;
	[tilespmem:$0x1BC60] =	vst v63  }
0x1d7: {  	v36 =	vld [tilespmem:$0x4D80];
	_ =	sdelay $0x1  }
0x1d8: {  	v37 =	vld [tilespmem:$0x4D90];
	_ =	sdelay $0x1  }
0x1d9: {  	v38 =	vld [tilespmem:$0x4DA0]  }
0x1da: {  	v39 =	vshrl.u32 v36, $0x10  }
0x1db: {  	v40 =	vld [tilespmem:$0x4DB0];
	v0 =	vand.u32 $0xFFFF, v36;
	[tilespmem:$0x50A0] =	vst v39  }
0x1dc: {  	v41 =	vshrl.u32 v37, $0x10;
	[tilespmem:$0x53C0] =	vst v0  }
0x1dd: {  	v43 =	vld [tilespmem:$0x4DC0];
	v42 =	vand.u32 $0xFFFF, v37;
	[tilespmem:$0x50B0] =	vst v41  }
0x1de: {  	v44 =	vshrl.u32 v38, $0x10;
	[tilespmem:$0x53D0] =	vst v42  }
0x1df: {  	v45 =	vand.u32 $0xFFFF, v38;
	[tilespmem:$0x50C0] =	vst v44  }
0x1e0: {  	v46 =	vshrl.u32 v40, $0x10;
	[tilespmem:$0x53E0] =	vst v45  }
0x1e1: {  	v47 =	vand.u32 $0xFFFF, v40;
	[tilespmem:$0x50D0] =	vst v46  }
0x1e2: {  	v48 =	vshrl.u32 v43, $0x10;
	[tilespmem:$0x53F0] =	vst v47  }
0x1e3: {  	v49 =	vand.u32 $0xFFFF, v43;
	[tilespmem:$0x50E0] =	vst v48  }
0x1e4: {  	s2 =	simm.s32 $0x50A0;
	[tilespmem:$0x5400] =	vst v49  }
0x1e5: {  	[tilespmem:s5], [sflag:$0x2] =	stream.indirect.gather [hbm4b:s25+s13], $0x40, s2, s13, $0xb8;
	[tilespmem:$0x1BC60] =	vst v63  }
0x1e6: {  	v50 =	vld [tilespmem:$0x4DD0];
	_ =	sdelay $0x1  }
0x1e7: {  	v51 =	vld [tilespmem:$0x4DE0];
	_ =	sdelay $0x1  }
0x1e8: {  	v52 =	vld [tilespmem:$0x4DF0]  }
0x1e9: {  	v53 =	vshrl.u32 v50, $0x10  }
0x1ea: {  	v54 =	vld [tilespmem:$0x4E00];
	v0 =	vand.u32 $0xFFFF, v50;
	[tilespmem:$0x50F0] =	vst v53  }
0x1eb: {  	v55 =	vshrl.u32 v51, $0x10;
	[tilespmem:$0x5410] =	vst v0  }
0x1ec: {  	v57 =	vld [tilespmem:$0x4E10];
	v56 =	vand.u32 $0xFFFF, v51;
	[tilespmem:$0x5100] =	vst v55  }
0x1ed: {  	v58 =	vshrl.u32 v52, $0x10;
	[tilespmem:$0x5420] =	vst v56  }
0x1ee: {  	v59 =	vand.u32 $0xFFFF, v52;
	[tilespmem:$0x5110] =	vst v58  }
0x1ef: {  	v60 =	vshrl.u32 v54, $0x10;
	[tilespmem:$0x5430] =	vst v59  }
0x1f0: {  	v61 =	vand.u32 $0xFFFF, v54;
	[tilespmem:$0x5120] =	vst v60  }
0x1f1: {  	v62 =	vshrl.u32 v57, $0x10;
	[tilespmem:$0x5440] =	vst v61  }
0x1f2: {  	v63 =	vand.u32 $0xFFFF, v57;
	[tilespmem:$0x5130] =	vst v62  }
0x1f3: {  	s2 =	simm.s32 $0x50F0;
	[tilespmem:$0x5450] =	vst v63  }
0x1f4: {  	[tilespmem:s8], [sflag:$0x2] =	stream.indirect.gather [hbm4b:s25+s13], $0x40, s2, s13, $0xb8;
	[tilespmem:$0x1BC60] =	vst v63  }
0x1f5: {  	_ =	swait.ge [sflag:s11], $0x1400  }
0x1f6: {  	[sflag:s11] =	ssyncset.done $0x0  }
0x1f7: {  	[sflag:s11] =	ssyncadd.s32 $0xFFFFEC00  }
0x1f8: {  	_ =	swait.ge [sflag:s11], $0x1400  }
0x1f9: {  	[sflag:s11] =	ssyncset.done $0x0  }
0x1fa: {  	[sflag:s11] =	ssyncadd.s32 $0xFFFFEC00  }
0x1fb: {  	_ =	swait.ge [sflag:s11], $0x1400  }
0x1fc: {  	[sflag:s11] =	ssyncset.done $0x0  }
0x1fd: {  	[sflag:s11] =	ssyncadd.s32 $0xFFFFEC00  }
0x1fe: {  	_ =	swait.ge [sflag:s11], $0x1400  }
0x1ff: {  	[sflag:s11] =	ssyncset.done $0x0  }
0x200: {  	[sflag:s11] =	ssyncadd.s32 $0xFFFFEC00  }
0x201: {  	_ =	swait.ge [sflag:s11], $0x1400  }
0x202: {  	[sflag:s11] =	ssyncset.done $0x0  }
0x203: {  	[sflag:s11] =	ssyncadd.s32 $0xFFFFEC00  }
0x204: {  	_ =	swait.ge [sflag:s12], $0x1400  }
0x205: {  	[sflag:s12] =	ssyncset.done $0x0  }
0x206: {  	[sflag:s12] =	ssyncadd.s32 $0xFFFFEC00  }
0x207: {  	_ =	swait.ge [sflag:s12], $0x1400  }
0x208: {  	[sflag:s12] =	ssyncset.done $0x0  }
0x209: {  	[sflag:s12] =	ssyncadd.s32 $0xFFFFEC00  }
0x20a: {  	_ =	swait.ge [sflag:s12], $0x1400  }
0x20b: {  	[sflag:s12] =	ssyncset.done $0x0  }
0x20c: {  	[sflag:s12] =	ssyncadd.s32 $0xFFFFEC00  }
0x20d: {  	_ =	swait.ge [sflag:s12], $0x1400  }
0x20e: {  	[sflag:s12] =	ssyncset.done $0x0  }
0x20f: {  	[sflag:s12] =	ssyncadd.s32 $0xFFFFEC00  }
0x210: {  	_ =	swait.ge [sflag:s12], $0x1400  }
0x211: {  	[sflag:s12] =	ssyncset.done $0x0  }
0x212: {  	s25 =	simm.s32 $0x52D0;
	[sflag:s12] =	ssyncadd.s32 $0xFFFFEC00  }
0x213: {  	[spmem:s1] =	stream.indirect.scatter.add.f32 [tilespmem:s0], [sflag:$0x4], $0x40, s25, s13, $0xb8;
	[tilespmem:$0x1BC60] =	vst v63  }
0x214: {  	s25 =	simm.s32 $0x5320  }
0x215: {  	[spmem:s1] =	stream.indirect.scatter.add.f32 [tilespmem:s3], [sflag:$0x4], $0x40, s25, s13, $0xb8;
	[tilespmem:$0x1BC60] =	vst v63  }
0x216: {  	s25 =	simm.s32 $0x5370  }
0x217: {  	[spmem:s1] =	stream.indirect.scatter.add.f32 [tilespmem:s9], [sflag:$0x4], $0x40, s25, s13, $0xb8;
	[tilespmem:$0x1BC60] =	vst v63  }
0x218: {  	s25 =	simm.s32 $0x53C0  }
0x219: {  	[spmem:s1] =	stream.indirect.scatter.add.f32 [tilespmem:s5], [sflag:$0x4], $0x40, s25, s13, $0xb8;
	[tilespmem:$0x1BC60] =	vst v63  }
0x21a: {  	s25 =	simm.s32 $0x5410  }
0x21b: {  	[spmem:s1] =	stream.indirect.scatter.add.f32 [tilespmem:s8], [sflag:$0x4], $0x40, s25, s13, $0xb8;
	[tilespmem:$0x1BC60] =	vst v63  }
0x21c: {  	_ =	swait.ge [sflag:s22], $0x1400  }
0x21d: {  	[sflag:s22] =	ssyncset.done $0x0  }
0x21e: {  	[sflag:s22] =	ssyncadd.s32 $0xFFFFEC00  }
0x21f: {  	_ =	swait.ge [sflag:s22], $0x1400  }
0x220: {  	[sflag:s22] =	ssyncset.done $0x0  }
0x221: {  	[sflag:s22] =	ssyncadd.s32 $0xFFFFEC00  }
0x222: {  	_ =	swait.ge [sflag:s22], $0x1400  }
0x223: {  	[sflag:s22] =	ssyncset.done $0x0  }
0x224: {  	[sflag:s22] =	ssyncadd.s32 $0xFFFFEC00  }
0x225: {  	_ =	swait.ge [sflag:s22], $0x1400  }
0x226: {  	[sflag:s22] =	ssyncset.done $0x0  }
0x227: {  	[sflag:s22] =	ssyncadd.s32 $0xFFFFEC00  }
0x228: {  	_ =	swait.ge [sflag:s22], $0x1400  }
0x229: {  	[sflag:s22] =	ssyncset.done $0x0  }
0x22a: {  	s25 =	rddreg [dreg:$0x4];
	[sflag:s22] =	ssyncadd.s32 $0xFFFFEC00  }
0x22b: {  	s2 =	rddreg [dreg:$0xc];
	[bflag:$0x0] =	sbarrier.arrive $0xFFFF  }
0x22c: {  	s28 =	rddreg [dreg:$0x7]  }
0x22d: {  	s29 =	simm.s32 $0x5;
	s25 =	sadd.s32 s25, s2;
	s30 =	rddreg [dreg:$0x9]  }
.Ltmp1:
0x22e: {  	s31 =	rddreg [dreg:$0xa];
	s25 =	sadd.s32 s28, s25;
	(pc) =	sbr.rel @p0 .LBB2_2-.Ltmp1, $4  }
0x22f: {  	[hbm:s25], [sflag:s30] =	dma.local [spmem:s31], $0x1400  }
0x230: {  	_ =	swait.ge [sflag:s29], $0x1400  }
0x231: {  	[sflag:s29] =	ssyncset.done $0x0  }
0x232: {  	p1 =	por $0x0, $0x0;
	[sflag:s29] =	ssyncadd.s32 $0xFFFFEC00  }
0x233: {  	s2 =	rddreg [dreg:$0xb]  }
0x234: {  	s25 =	rddreg [dreg:$0x8];
	s2 =	sadd.s32 $0x1, s2  }
0x235: {  	p0 =	sne.s32 s2, s25  }
.Ltmp2:
0x236: {  	_ = 	snop;
	(pc) =	sbr.rel @p0 .LBB2_1-.Ltmp2, $1  }
0x237: {  	_ =	sdelay $0x3  }
0x238: {  	_ =	sfence.sel $0x180000  }
0x239: {  	[bflag:$0x0] =	sbarrier.arrive $0xFFFF  }
0x23a: {  	_ =	strace $0x9000004A  }
0x23b: {  	s0 =	stileid.u32;
	[bflag:$0x2] =	sbarrier.arrive $0xFFFF  }
0x23c: {  	p0 =	sne.s32 s0, $0x0;
	s0 =	rddreg [dreg:$0x2]  }
0x23d: {  	s0 =	sadd.s32 @!p0 $0x100000, s0  }
0x23e: {  	[sflag:s0] =	ssyncadd.tile.s32 @!p0 $0x1;
	_ =	shalt  }
.Lfunc_end2:
_tile_overlayer_lowered:
.L_overlay_start_2:
0x23f: {  	(tag) =	ssettag $0x2  }
0x240: {  	s0 =	rddreg [dreg:$0x0];
	s2 =	stileid.u32  }
0x241: {  	s1 =	rddreg [dreg:$0x1];
	p0 =	sne.s32 s2, $0x0  }
0x242: {  	s3 =	rddreg [dreg:$0x2];
	[bflag:$0x3] =	sbarrier.arrive $0xFFFF;
	s2 =	simm.s32 @!p0 $0x1C05  }
0x243: {  	[timem:s3], [sflag:s2] =	dma.local @!p0 [hbm:s0], s1  }
0x244: {  	s0 =	simm.s32 @!p0 $0x5  }
0x245: {  	_ =	swait.ge @!p0 [sflag:s0], s1  }
0x246: {  	s1 =	ssub.s32 @!p0 $0x0, s1;
	[sflag:s0] =	ssyncset.done @!p0 $0x0  }
0x247: {  	[sflag:s0] =	ssyncadd.s32 @!p0 s1  }
0x248: {  	[bflag:$0x3] =	sbarrier.arrive $0xFFFF  }
0x249: {  	_ =	shalt  }

</sc_bundles>
